<compile_context>
chip_gen: v7x
topology: tpu7x:2x2x1
jax: 0.10.2.dev20260603
libtpu: 0.0.44.dev20260713+nightly
codegen_flags: <defaults>
</compile_context>

<pallas_src>
import functools

import jax
import jax.numpy as jnp
from jax import lax
from jax.experimental import pallas as pl
from jax.experimental.pallas import tpu as pltpu
from jax.experimental.pallas import tpu_sc as plsc

B, T, N = 8, 64, 20000
CHUNK = 5120
NJ = CHUNK // 16
GSTRIDE = 4960
LN2 = 0.6931472
SQRT2 = 1.4142135


def _log(x):
    bits = plsc.bitcast(x, jnp.int32)
    e = (bits >> 23) - 127
    mbits = (bits & 0x007FFFFF) | 0x3F800000
    m = plsc.bitcast(mbits, jnp.float32)
    big = m > SQRT2
    m = jnp.where(big, m * 0.5, m)
    e = jnp.where(big, e + 1, e)
    s = (m - 1.0) / (m + 1.0)
    s2 = s * s
    p = s * (2.0 + s2 * (0.66666667 + s2 * (0.4 + s2 * 0.2857143)))
    return e.astype(jnp.float32) * LN2 + p


def _body(pcx_hbm, pcy_hbm, pw_hbm, ph_hbm, bx1_hbm, by1_hbm, bx2_hbm, by2_hbm,
          labels_hbm, loc_hbm, lab_hbm,
          p_cx, p_cy, p_w, p_h, p_x1, p_y1, p_x2, p_y2, p_area,
          bx1, by1, bx2, by2, barea, blab,
          mval, midx, tbv, tbj, tred_v, tred_g, mg_v, mg_g, bp,
          lgx, lgy, lgw, lgh, lab_out, sh_v, sh_g):
    cid = lax.axis_index("c")
    sid = lax.axis_index("s")
    b = cid * 4 + sid // 4
    g = sid % 4
    base = g * GSTRIDE
    iota = lax.iota(jnp.int32, 16)

    pltpu.sync_copy(pcx_hbm.at[pl.ds(base, CHUNK)], p_cx)
    pltpu.sync_copy(pcy_hbm.at[pl.ds(base, CHUNK)], p_cy)
    pltpu.sync_copy(pw_hbm.at[pl.ds(base, CHUNK)], p_w)
    pltpu.sync_copy(ph_hbm.at[pl.ds(base, CHUNK)], p_h)
    bsl = pl.ds(b * T, T)
    pltpu.sync_copy(bx1_hbm.at[bsl], bx1.at[pl.ds(0, T)])
    pltpu.sync_copy(by1_hbm.at[bsl], by1.at[pl.ds(0, T)])
    pltpu.sync_copy(bx2_hbm.at[bsl], bx2.at[pl.ds(0, T)])
    pltpu.sync_copy(by2_hbm.at[bsl], by2.at[pl.ds(0, T)])
    pltpu.sync_copy(labels_hbm.at[bsl], blab)

    @plsc.parallel_loop(0, NJ, unroll=4)
    def _derive(j):
        sl = pl.ds(j * 16, 16)
        cx, cy, w, h = p_cx[sl], p_cy[sl], p_w[sl], p_h[sl]
        x1 = cx - w / 2.0
        y1 = cy - h / 2.0
        x2 = cx + w / 2.0
        y2 = cy + h / 2.0
        p_x1[sl] = x1
        p_y1[sl] = y1
        p_x2[sl] = x2
        p_y2[sl] = y2
        p_area[sl] = (x2 - x1) * (y2 - y1)

    def tinit(k, _):
        sl = pl.ds(k * 16, 16)
        x1, y1, x2, y2 = bx1[sl], by1[sl], bx2[sl], by2[sl]
        barea[sl] = (x2 - x1) * (y2 - y1)
        return 0

    lax.fori_loop(0, 4, tinit, 0)

    neg1 = jnp.full((16,), -1.0, jnp.float32)
    zero_i = jnp.full((16,), 0, jnp.int32)

    def tbinit(k, _):
        sl = pl.ds(k * 16, 16)
        tbv[sl] = neg1
        tbj[sl] = zero_i
        return 0

    lax.fori_loop(0, T, tbinit, 0)

    @plsc.parallel_loop(0, NJ, unroll=4)
    def _minit(j):
        sl = pl.ds(j * 16, 16)
        mval[sl] = neg1
        midx[sl] = zero_i

    def tloop(tp, _):
        t0 = tp * 2
        s0 = pl.ds(t0, 16)
        s1 = pl.ds(t0 + 1, 16)
        a0x1 = jnp.full((16,), bx1[s0][0], jnp.float32)
        a0y1 = jnp.full((16,), by1[s0][0], jnp.float32)
        a0x2 = jnp.full((16,), bx2[s0][0], jnp.float32)
        a0y2 = jnp.full((16,), by2[s0][0], jnp.float32)
        a0ar = jnp.full((16,), barea[s0][0], jnp.float32)
        a1x1 = jnp.full((16,), bx1[s1][0], jnp.float32)
        a1y1 = jnp.full((16,), by1[s1][0], jnp.float32)
        a1x2 = jnp.full((16,), bx2[s1][0], jnp.float32)
        a1y2 = jnp.full((16,), by2[s1][0], jnp.float32)
        a1ar = jnp.full((16,), barea[s1][0], jnp.float32)
        tvec0 = jnp.full((16,), t0, jnp.int32)
        tvec1 = jnp.full((16,), t0 + 1, jnp.int32)

        @plsc.parallel_loop(0, NJ, unroll=4,
                            carry=(neg1, zero_i, neg1, zero_i))
        def jloop(j, carry):
            tv0, tg0, tv1, tg1 = carry
            sl = pl.ds(j * 16, 16)
            px1, py1, px2, py2, pa = p_x1[sl], p_y1[sl], p_x2[sl], p_y2[sl], p_area[sl]
            wx0 = jnp.minimum(px2, a0x2) - jnp.maximum(px1, a0x1)
            wy0 = jnp.minimum(py2, a0y2) - jnp.maximum(py1, a0y1)
            inter0 = jnp.maximum(wx0, 0.0) * jnp.maximum(wy0, 0.0)
            iou0 = inter0 / (((a0ar + pa) - inter0) + 1e-12)
            wx1 = jnp.minimum(px2, a1x2) - jnp.maximum(px1, a1x1)
            wy1 = jnp.minimum(py2, a1y2) - jnp.maximum(py1, a1y1)
            inter1 = jnp.maximum(wx1, 0.0) * jnp.maximum(wy1, 0.0)
            iou1 = inter1 / (((a1ar + pa) - inter1) + 1e-12)
            bv = mval[sl]
            bi = midx[sl]
            c0 = iou0 > bv
            bv = jnp.where(c0, iou0, bv)
            bi = jnp.where(c0, tvec0, bi)
            c1 = iou1 > bv
            mval[sl] = jnp.where(c1, iou1, bv)
            midx[sl] = jnp.where(c1, tvec1, bi)
            jv = jnp.full((16,), j, jnp.int32)
            take0 = iou0 > tv0
            tv0 = jnp.where(take0, iou0, tv0)
            tg0 = jnp.where(take0, jv, tg0)
            take1 = iou1 > tv1
            tv1 = jnp.where(take1, iou1, tv1)
            tg1 = jnp.where(take1, jv, tg1)
            return tv0, tg0, tv1, tg1

        tv0, tg0, tv1, tg1 = jloop
        tbv[pl.ds(t0 * 16, 16)] = tv0
        tbj[pl.ds(t0 * 16, 16)] = tg0
        tbv[pl.ds((t0 + 1) * 16, 16)] = tv1
        tbj[pl.ds((t0 + 1) * 16, 16)] = tg1
        return 0

    lax.fori_loop(0, T // 2, tloop, 0)

    for tgrp in range(4):
        cur_v = neg1
        cur_g = zero_i
        tvec = jnp.full((16,), tgrp * 16, jnp.int32) + iota
        for l in range(16):
            idx = tvec * 16 + l
            v_l = plsc.load_gather(tbv, [idx])
            j_l = plsc.load_gather(tbj, [idx])
            g_l = base + (j_l * 16 + l)
            take = (v_l > cur_v) | ((v_l == cur_v) & (g_l < cur_g))
            cur_v = jnp.where(take, v_l, cur_v)
            cur_g = jnp.where(take, g_l, cur_g)
        osl = pl.ds(tgrp * 16, 16)
        tred_v[osl] = cur_v
        tred_g[osl] = cur_g

    pltpu.sync_copy(tred_v, sh_v.at[pl.ds(sid * T, T)])
    pltpu.sync_copy(tred_g, sh_g.at[pl.ds(sid * T, T)])
    plsc.subcore_barrier()
    grp0 = (sid // 4) * 4
    pltpu.sync_copy(sh_v.at[pl.ds(grp0 * T, 4 * T)], mg_v)
    pltpu.sync_copy(sh_g.at[pl.ds(grp0 * T, 4 * T)], mg_g)
    for tt in range(4):
        cur_v = neg1
        cur_g = zero_i
        for gg in range(4):
            sl = pl.ds(gg * T + tt * 16, 16)
            v = mg_v[sl]
            gi = mg_g[sl]
            take = (v > cur_v) | ((v == cur_v) & (gi < cur_g))
            cur_v = jnp.where(take, v, cur_v)
            cur_g = jnp.where(take, gi, cur_g)
        bp[pl.ds(tt * 16, 16)] = cur_g

    lane0 = iota == 0

    def force(t, _):
        lp = bp[pl.ds(t, 16)][0] - base

        @pl.when((lp >= 0) & (lp < CHUNK))
        def _():
            li = jnp.full((16,), lp, jnp.int32)
            plsc.store_scatter(midx, [li], jnp.full((16,), t, jnp.int32), mask=lane0)
            plsc.store_scatter(mval, [li], jnp.full((16,), 2.0, jnp.float32), mask=lane0)

        return 0

    lax.fori_loop(0, T, force, 0)

    @plsc.parallel_loop(0, NJ, unroll=4)
    def _encode(j):
        sl = pl.ds(j * 16, 16)
        m = midx[sl]
        v = mval[sl]
        lab = plsc.load_gather(blab, [m])
        lab_out[sl] = jnp.where(v < 0.5, jnp.full((16,), 0, jnp.int32), lab)
        m_x1 = plsc.load_gather(bx1, [m])
        m_y1 = plsc.load_gather(by1, [m])
        m_x2 = plsc.load_gather(bx2, [m])
        m_y2 = plsc.load_gather(by2, [m])
        cx, cy, w, h = p_cx[sl], p_cy[sl], p_w[sl], p_h[sl]
        g_cx = ((m_x1 + m_x2) / 2.0 - cx) / (0.1 * w)
        g_cy = ((m_y1 + m_y2) / 2.0 - cy) / (0.1 * h)
        g_w = _log(jnp.maximum((m_x2 - m_x1) / w, 1e-8)) / 0.2
        g_h = _log(jnp.maximum((m_y2 - m_y1) / h, 1e-8)) / 0.2
        lgx[sl] = g_cx
        lgy[sl] = g_cy
        lgw[sl] = g_w
        lgh[sl] = g_h

    pltpu.sync_copy(lgx, loc_hbm.at[pl.ds((b * 4 + 0) * N + base, CHUNK)])
    pltpu.sync_copy(lgy, loc_hbm.at[pl.ds((b * 4 + 1) * N + base, CHUNK)])
    pltpu.sync_copy(lgw, loc_hbm.at[pl.ds((b * 4 + 2) * N + base, CHUNK)])
    pltpu.sync_copy(lgh, loc_hbm.at[pl.ds((b * 4 + 3) * N + base, CHUNK)])
    pltpu.sync_copy(lab_out, lab_hbm.at[pl.ds(b * N + base, CHUNK)])


@jax.jit
def kernel(priors_xywha, gt_boxes, gt_labels):
    pcx, pcy, pw, ph = [jnp.reshape(priors_xywha[:, i], (N,)) for i in range(4)]
    b1, b2, b3, b4 = [jnp.reshape(gt_boxes[:, :, i], (B * T,)) for i in range(4)]
    labels = jnp.reshape(gt_labels.astype(jnp.int32), (B * T,))

    k = functools.partial(
        pl.kernel,
        out_type=(
            jax.ShapeDtypeStruct((B * N * 4,), jnp.float32),
            jax.ShapeDtypeStruct((B * N,), jnp.int32),
        ),
        mesh=plsc.VectorSubcoreMesh(core_axis_name="c", subcore_axis_name="s"),
        compiler_params=pltpu.CompilerParams(needs_layout_passes=False),
        scratch_types=(
            [pltpu.VMEM((CHUNK,), jnp.float32) for _ in range(9)]
            + [pltpu.VMEM((T + 16,), jnp.float32) for _ in range(5)]
            + [pltpu.VMEM((T,), jnp.int32)]
            + [pltpu.VMEM((CHUNK,), jnp.float32),
               pltpu.VMEM((CHUNK,), jnp.int32),
               pltpu.VMEM((T * 16,), jnp.float32),
               pltpu.VMEM((T * 16,), jnp.int32),
               pltpu.VMEM((T,), jnp.float32),
               pltpu.VMEM((T,), jnp.int32),
               pltpu.VMEM((4 * T,), jnp.float32),
               pltpu.VMEM((4 * T,), jnp.int32),
               pltpu.VMEM((T + 16,), jnp.int32),
               pltpu.VMEM((CHUNK,), jnp.float32),
               pltpu.VMEM((CHUNK,), jnp.float32),
               pltpu.VMEM((CHUNK,), jnp.float32),
               pltpu.VMEM((CHUNK,), jnp.float32),
               pltpu.VMEM((CHUNK,), jnp.int32),
               pltpu.VMEM_SHARED((16 * T,), jnp.float32),
               pltpu.VMEM_SHARED((16 * T,), jnp.int32)]
        ),
    )(_body)
    loc_flat, lab_flat = k(pcx, pcy, pw, ph, b1, b2, b3, b4, labels)
    loc = loc_flat.reshape(B, 4, N).transpose(0, 2, 1)
    return loc, lab_flat.reshape(B, N)

# --- scband reference (transcript-rebuilt; emitter-appended) ---
"""Pipeline reference for scband-prior-matcher-7593502179923 (READ-ONLY COPY).

The authoritative reference and input builder live on the scoring server;
editing this copy changes nothing except your own understanding.
"""

import jax, jax.numpy as jnp
import numpy as np

VARIANCES = (0.1, 0.2)
IOU_THRESHOLD = 0.5
NUM_CLASSES = 21
B, T, N = 8, 64, 20000


def xywha_to_xyxy(b):
    return jnp.concatenate([b[:, :2] - b[:, 2:4] / 2.0, b[:, :2] + b[:, 2:4] / 2.0], axis=-1)


def box_iou(a, b):
    # a: [T,4] xyxy, b: [N,4] xyxy -> [T,N]
    area_a = (a[:, 2] - a[:, 0]) * (a[:, 3] - a[:, 1])
    area_b = (b[:, 2] - b[:, 0]) * (b[:, 3] - b[:, 1])
    lt = jnp.maximum(a[:, None, :2], b[None, :, :2])
    rb = jnp.minimum(a[:, None, 2:], b[None, :, 2:])
    wh = jnp.clip(rb - lt, 0.0, None)
    inter = wh[..., 0] * wh[..., 1]
    return inter / (area_a[:, None] + area_b[None, :] - inter + 1e-12)


def encode(matched_xyxy, priors_xywh):
    # SSD BoxCoder.encode with variances
    m_cxcy = (matched_xyxy[:, :2] + matched_xyxy[:, 2:]) / 2.0
    m_wh = matched_xyxy[:, 2:] - matched_xyxy[:, :2]
    g_cxcy = (m_cxcy - priors_xywh[:, :2]) / (VARIANCES[0] * priors_xywh[:, 2:4])
    g_wh = jnp.log(jnp.clip(m_wh / priors_xywh[:, 2:4], 1e-8, None)) / VARIANCES[1]
    return jnp.concatenate([g_cxcy, g_wh], axis=1)


def setup_inputs(seed: int = 0):
    key = jax.random.key(seed)
    k1, k2, k3, k4, k5 = jax.random.split(key, 5)
    cxcy = jax.random.uniform(k1, (N, 2), minval=0.0, maxval=1.0)
    wh = jax.random.uniform(k2, (N, 2), minval=0.02, maxval=0.5)
    priors_xywha = jnp.concatenate([cxcy, wh], axis=1).astype(jnp.float32)
    g_cxcy = jax.random.uniform(k3, (B, T, 2), minval=0.1, maxval=0.9)
    g_wh = jax.random.uniform(k4, (B, T, 2), minval=0.05, maxval=0.4)
    gt_boxes = jnp.concatenate([g_cxcy - g_wh / 2.0, g_cxcy + g_wh / 2.0], axis=-1).astype(jnp.float32)
    gt_labels = jax.random.randint(k5, (B, T), 1, NUM_CLASSES)
    return {"priors_xywha": priors_xywha, "gt_boxes": gt_boxes, "gt_labels": gt_labels}


def reference(priors_xywha, gt_boxes, gt_labels):
    # Training path of PriorMatcher.forward: assign_targets_to_priors + box_coder.encode
    priors_xyxy = xywha_to_xyxy(priors_xywha)

    def assign_one(boxes, labels):
        mqm = box_iou(boxes, priors_xyxy)  # [T, N]
        matched_vals = jnp.max(mqm, axis=0)        # [N]
        matches = jnp.argmax(mqm, axis=0)          # [N]
        best_prior_per_target = jnp.argmax(mqm, axis=1)  # [T]
        # force each target to keep its best prior
        matches = matches.at[best_prior_per_target].set(jnp.arange(boxes.shape[0]))
        matched_vals = matched_vals.at[best_prior_per_target].set(2.0)
        lab = labels[matches]
        lab = jnp.where(matched_vals < IOU_THRESHOLD, 0, lab)
        bx = boxes[matches]
        loc = encode(bx, priors_xywha)
        return loc, lab

    gt_locations, out_labels = jax.vmap(assign_one)(gt_boxes, gt_labels)
    return gt_locations, out_labels

if __name__ == "__main__":
    import jax
    _d = setup_inputs()
    print(jax.jit(kernel)(*tuple(_d.values())))

</pallas_src>

<mosaic_0001>
#map = affine_map<(d0, d1) -> (0)>
module attributes {stable_mosaic.version = 14 : i64} {
  func.func @_body(%arg0: i32, %arg1: i32, %arg2: memref<20000xf32, #tpu.memory_space<hbm>>, %arg3: memref<20000xf32, #tpu.memory_space<hbm>>, %arg4: memref<20000xf32, #tpu.memory_space<hbm>>, %arg5: memref<20000xf32, #tpu.memory_space<hbm>>, %arg6: memref<512xf32, #tpu.memory_space<hbm>>, %arg7: memref<512xf32, #tpu.memory_space<hbm>>, %arg8: memref<512xf32, #tpu.memory_space<hbm>>, %arg9: memref<512xf32, #tpu.memory_space<hbm>>, %arg10: memref<512xi32, #tpu.memory_space<hbm>>, %arg11: memref<640000xf32, #tpu.memory_space<hbm>>, %arg12: memref<160000xi32, #tpu.memory_space<hbm>>, %arg13: memref<5120xf32, #tpu.memory_space<vmem>>, %arg14: memref<5120xf32, #tpu.memory_space<vmem>>, %arg15: memref<5120xf32, #tpu.memory_space<vmem>>, %arg16: memref<5120xf32, #tpu.memory_space<vmem>>, %arg17: memref<5120xf32, #tpu.memory_space<vmem>>, %arg18: memref<5120xf32, #tpu.memory_space<vmem>>, %arg19: memref<5120xf32, #tpu.memory_space<vmem>>, %arg20: memref<5120xf32, #tpu.memory_space<vmem>>, %arg21: memref<5120xf32, #tpu.memory_space<vmem>>, %arg22: memref<80xf32, #tpu.memory_space<vmem>>, %arg23: memref<80xf32, #tpu.memory_space<vmem>>, %arg24: memref<80xf32, #tpu.memory_space<vmem>>, %arg25: memref<80xf32, #tpu.memory_space<vmem>>, %arg26: memref<80xf32, #tpu.memory_space<vmem>>, %arg27: memref<64xi32, #tpu.memory_space<vmem>>, %arg28: memref<5120xf32, #tpu.memory_space<vmem>>, %arg29: memref<5120xi32, #tpu.memory_space<vmem>>, %arg30: memref<1024xf32, #tpu.memory_space<vmem>>, %arg31: memref<1024xi32, #tpu.memory_space<vmem>>, %arg32: memref<64xf32, #tpu.memory_space<vmem>>, %arg33: memref<64xi32, #tpu.memory_space<vmem>>, %arg34: memref<256xf32, #tpu.memory_space<vmem>>, %arg35: memref<256xi32, #tpu.memory_space<vmem>>, %arg36: memref<80xi32, #tpu.memory_space<vmem>>, %arg37: memref<5120xf32, #tpu.memory_space<vmem>>, %arg38: memref<5120xf32, #tpu.memory_space<vmem>>, %arg39: memref<5120xf32, #tpu.memory_space<vmem>>, %arg40: memref<5120xf32, #tpu.memory_space<vmem>>, %arg41: memref<5120xi32, #tpu.memory_space<vmem>>, %arg42: memref<1024xf32, #tpu.memory_space<vmem_shared>>, %arg43: memref<1024xi32, #tpu.memory_space<vmem_shared>>) attributes {dimension_semantics = [#tpu.dimension_semantics<core_parallel>, #tpu.dimension_semantics<subcore_parallel>], iteration_bounds = array<i64: 2, 16>, scalar_prefetch = 0 : i64, scratch_operands = 31 : i64, tpu.core_type = #tpu.core_type<sc_vector_subcore>, window_params = [{transform_indices = #map}, {transform_indices = #map}, {transform_indices = #map}, {transform_indices = #map}, {transform_indices = #map}, {transform_indices = #map}, {transform_indices = #map}, {transform_indices = #map}, {transform_indices = #map}, {transform_indices = #map}, {transform_indices = #map}]} {
    %mul3A = arith.constant 4 : i32
    %mul3A_0 = arith.muli %arg0, %mul3A : i32
    %jit3A = arith.constant 4 : i32
    %div3A = arith.divsi %arg1, %jit3A : i32
    %sign3A = arith.constant 0 : i32
    %sign3A_1 = arith.cmpi sgt, %arg1, %sign3A : i32
    %sign3A_2 = arith.extui %sign3A_1 : i1 to i32
    %sign3A_3 = arith.constant 0 : i32
    %sign3A_4 = arith.cmpi slt, %arg1, %sign3A_3 : i32
    %sign3A_5 = arith.extui %sign3A_4 : i1 to i32
    %sign3A_6 = arith.subi %sign3A_2, %sign3A_5 : i32
    %sign3A_7 = arith.constant 0 : i32
    %sign3A_8 = arith.cmpi sgt, %jit3A, %sign3A_7 : i32
    %sign3A_9 = arith.extui %sign3A_8 : i1 to i32
    %sign3A_10 = arith.constant 0 : i32
    %sign3A_11 = arith.cmpi slt, %jit3A, %sign3A_10 : i32
    %sign3A_12 = arith.extui %sign3A_11 : i1 to i32
    %sign3A_13 = arith.subi %sign3A_9, %sign3A_12 : i32
    %ne3A = arith.cmpi ne, %sign3A_6, %sign3A_13 : i32
    %rem3A = arith.remsi %arg1, %jit3A : i32
    %ne3A_14 = arith.constant 0 : i32
    %ne3A_15 = arith.cmpi ne, %rem3A, %ne3A_14 : i32
    %and3A = arith.andi %ne3A, %ne3A_15 : i1
    %sub3A = arith.constant 1 : i32
    %sub3A_16 = arith.subi %div3A, %sub3A : i32
    %select_n3A = arith.select %and3A, %sub3A_16, %div3A : i32
    %add3A = arith.addi %mul3A_0, %select_n3A : i32
    %jit3A_17 = arith.constant 4 : i32
    %eq3A = arith.constant 0 : i32
    %eq3A_18 = arith.cmpi eq, %jit3A_17, %eq3A : i32
    %jit3A_19 = arith.constant 1 : i32
    %select_n3A_20 = arith.select %eq3A_18, %jit3A_19, %jit3A_17 : i32
    %rem3A_21 = arith.remsi %arg1, %select_n3A_20 : i32
    %ne3A_22 = arith.constant 0 : i32
    %ne3A_23 = arith.cmpi ne, %rem3A_21, %ne3A_22 : i32
    %lt3A = arith.constant 0 : i32
    %lt3A_24 = arith.cmpi slt, %rem3A_21, %lt3A : i32
    %lt3A_25 = arith.constant 0 : i32
    %lt3A_26 = arith.cmpi slt, %select_n3A_20, %lt3A_25 : i32
    %ne3A_27 = arith.xori %lt3A_24, %lt3A_26 : i1
    %and3A_28 = arith.andi %ne3A_27, %ne3A_23 : i1
    %add3A_29 = arith.addi %rem3A_21, %select_n3A_20 : i32
    %select_n3A_30 = arith.select %and3A_28, %add3A_29, %rem3A_21 : i32
    %mul3A_31 = arith.constant 4960 : i32
    %mul3A_32 = arith.muli %select_n3A_30, %mul3A_31 : i32
    %iota3A = tpu.iota {dimensions = array<i32: 0>} : vector<16xi32>
    "tpu.region"() ({
      %run_scoped3A = tpu.sem_alloc : memref<!tpu.dma_semaphore, #tpu.memory_space<semaphore_mem>>
      %dma_start3A = tpu.memref_slice %arg2[%mul3A_32] : memref<20000xf32, #tpu.memory_space<hbm>> -> memref<5120xf32, #tpu.memory_space<hbm>>
      %dma_start3A_1820 = tpu.memref_slice %arg2[%mul3A_32] : memref<20000xf32, #tpu.memory_space<hbm>> -> memref<5120xf32, #tpu.memory_space<hbm>>
      tpu.enqueue_dma source(%dma_start3A_1820 : memref<5120xf32, #tpu.memory_space<hbm>>) target(%arg13 : memref<5120xf32, #tpu.memory_space<vmem>>) target_semaphore(%run_scoped3A : memref<!tpu.dma_semaphore, #tpu.memory_space<semaphore_mem>>)
      %dma_wait3A = tpu.memref_slice %arg2[%mul3A_32] : memref<20000xf32, #tpu.memory_space<hbm>> -> memref<5120xf32, #tpu.memory_space<hbm>>
      %dma_wait3A_1821 = tpu.memref_slice %arg2[%mul3A_32] : memref<20000xf32, #tpu.memory_space<hbm>> -> memref<5120xf32, #tpu.memory_space<hbm>>
      tpu.wait_dma2 semaphore(%run_scoped3A : memref<!tpu.dma_semaphore, #tpu.memory_space<semaphore_mem>>) src(%dma_wait3A_1821 : memref<5120xf32, #tpu.memory_space<hbm>>) dst(%arg13 : memref<5120xf32, #tpu.memory_space<vmem>>)
      tpu.yield
    }) : () -> ()
    "tpu.region"() ({
      %run_scoped3A = tpu.sem_alloc : memref<!tpu.dma_semaphore, #tpu.memory_space<semaphore_mem>>
      %dma_start3A = tpu.memref_slice %arg3[%mul3A_32] : memref<20000xf32, #tpu.memory_space<hbm>> -> memref<5120xf32, #tpu.memory_space<hbm>>
      %dma_start3A_1820 = tpu.memref_slice %arg3[%mul3A_32] : memref<20000xf32, #tpu.memory_space<hbm>> -> memref<5120xf32, #tpu.memory_space<hbm>>
      tpu.enqueue_dma source(%dma_start3A_1820 : memref<5120xf32, #tpu.memory_space<hbm>>) target(%arg14 : memref<5120xf32, #tpu.memory_space<vmem>>) target_semaphore(%run_scoped3A : memref<!tpu.dma_semaphore, #tpu.memory_space<semaphore_mem>>)
      %dma_wait3A = tpu.memref_slice %arg3[%mul3A_32] : memref<20000xf32, #tpu.memory_space<hbm>> -> memref<5120xf32, #tpu.memory_space<hbm>>
      %dma_wait3A_1821 = tpu.memref_slice %arg3[%mul3A_32] : memref<20000xf32, #tpu.memory_space<hbm>> -> memref<5120xf32, #tpu.memory_space<hbm>>
      tpu.wait_dma2 semaphore(%run_scoped3A : memref<!tpu.dma_semaphore, #tpu.memory_space<semaphore_mem>>) src(%dma_wait3A_1821 : memref<5120xf32, #tpu.memory_space<hbm>>) dst(%arg14 : memref<5120xf32, #tpu.memory_space<vmem>>)
      tpu.yield
    }) : () -> ()
    "tpu.region"() ({
      %run_scoped3A = tpu.sem_alloc : memref<!tpu.dma_semaphore, #tpu.memory_space<semaphore_mem>>
      %dma_start3A = tpu.memref_slice %arg4[%mul3A_32] : memref<20000xf32, #tpu.memory_space<hbm>> -> memref<5120xf32, #tpu.memory_space<hbm>>
      %dma_start3A_1820 = tpu.memref_slice %arg4[%mul3A_32] : memref<20000xf32, #tpu.memory_space<hbm>> -> memref<5120xf32, #tpu.memory_space<hbm>>
      tpu.enqueue_dma source(%dma_start3A_1820 : memref<5120xf32, #tpu.memory_space<hbm>>) target(%arg15 : memref<5120xf32, #tpu.memory_space<vmem>>) target_semaphore(%run_scoped3A : memref<!tpu.dma_semaphore, #tpu.memory_space<semaphore_mem>>)
      %dma_wait3A = tpu.memref_slice %arg4[%mul3A_32] : memref<20000xf32, #tpu.memory_space<hbm>> -> memref<5120xf32, #tpu.memory_space<hbm>>
      %dma_wait3A_1821 = tpu.memref_slice %arg4[%mul3A_32] : memref<20000xf32, #tpu.memory_space<hbm>> -> memref<5120xf32, #tpu.memory_space<hbm>>
      tpu.wait_dma2 semaphore(%run_scoped3A : memref<!tpu.dma_semaphore, #tpu.memory_space<semaphore_mem>>) src(%dma_wait3A_1821 : memref<5120xf32, #tpu.memory_space<hbm>>) dst(%arg15 : memref<5120xf32, #tpu.memory_space<vmem>>)
      tpu.yield
    }) : () -> ()
    "tpu.region"() ({
      %run_scoped3A = tpu.sem_alloc : memref<!tpu.dma_semaphore, #tpu.memory_space<semaphore_mem>>
      %dma_start3A = tpu.memref_slice %arg5[%mul3A_32] : memref<20000xf32, #tpu.memory_space<hbm>> -> memref<5120xf32, #tpu.memory_space<hbm>>
      %dma_start3A_1820 = tpu.memref_slice %arg5[%mul3A_32] : memref<20000xf32, #tpu.memory_space<hbm>> -> memref<5120xf32, #tpu.memory_space<hbm>>
      tpu.enqueue_dma source(%dma_start3A_1820 : memref<5120xf32, #tpu.memory_space<hbm>>) target(%arg16 : memref<5120xf32, #tpu.memory_space<vmem>>) target_semaphore(%run_scoped3A : memref<!tpu.dma_semaphore, #tpu.memory_space<semaphore_mem>>)
      %dma_wait3A = tpu.memref_slice %arg5[%mul3A_32] : memref<20000xf32, #tpu.memory_space<hbm>> -> memref<5120xf32, #tpu.memory_space<hbm>>
      %dma_wait3A_1821 = tpu.memref_slice %arg5[%mul3A_32] : memref<20000xf32, #tpu.memory_space<hbm>> -> memref<5120xf32, #tpu.memory_space<hbm>>
      tpu.wait_dma2 semaphore(%run_scoped3A : memref<!tpu.dma_semaphore, #tpu.memory_space<semaphore_mem>>) src(%dma_wait3A_1821 : memref<5120xf32, #tpu.memory_space<hbm>>) dst(%arg16 : memref<5120xf32, #tpu.memory_space<vmem>>)
      tpu.yield
    }) : () -> ()
    %mul3A_33 = arith.constant 64 : i32
    %mul3A_34 = arith.muli %add3A, %mul3A_33 : i32
    "tpu.region"() ({
      %run_scoped3A = tpu.sem_alloc : memref<!tpu.dma_semaphore, #tpu.memory_space<semaphore_mem>>
      %dma_start3A = arith.constant 0 : i32
      %dma_start3A_1820 = tpu.memref_slice %arg22[%dma_start3A] : memref<80xf32, #tpu.memory_space<vmem>> -> memref<64xf32, #tpu.memory_space<vmem>>
      %dma_start3A_1821 = tpu.memref_slice %arg6[%mul3A_34] : memref<512xf32, #tpu.memory_space<hbm>> -> memref<64xf32, #tpu.memory_space<hbm>>
      %dma_start3A_1822 = arith.constant 0 : i32
      %dma_start3A_1823 = tpu.memref_slice %arg22[%dma_start3A_1822] : memref<80xf32, #tpu.memory_space<vmem>> -> memref<64xf32, #tpu.memory_space<vmem>>
      %dma_start3A_1824 = tpu.memref_slice %arg6[%mul3A_34] : memref<512xf32, #tpu.memory_space<hbm>> -> memref<64xf32, #tpu.memory_space<hbm>>
      tpu.enqueue_dma source(%dma_start3A_1824 : memref<64xf32, #tpu.memory_space<hbm>>) target(%dma_start3A_1823 : memref<64xf32, #tpu.memory_space<vmem>>) target_semaphore(%run_scoped3A : memref<!tpu.dma_semaphore, #tpu.memory_space<semaphore_mem>>)
      %dma_wait3A = arith.constant 0 : i32
      %dma_wait3A_1825 = tpu.memref_slice %arg22[%dma_wait3A] : memref<80xf32, #tpu.memory_space<vmem>> -> memref<64xf32, #tpu.memory_space<vmem>>
      %dma_wait3A_1826 = tpu.memref_slice %arg6[%mul3A_34] : memref<512xf32, #tpu.memory_space<hbm>> -> memref<64xf32, #tpu.memory_space<hbm>>
      %dma_wait3A_1827 = arith.constant 0 : i32
      %dma_wait3A_1828 = tpu.memref_slice %arg22[%dma_wait3A_1827] : memref<80xf32, #tpu.memory_space<vmem>> -> memref<64xf32, #tpu.memory_space<vmem>>
      %dma_wait3A_1829 = tpu.memref_slice %arg6[%mul3A_34] : memref<512xf32, #tpu.memory_space<hbm>> -> memref<64xf32, #tpu.memory_space<hbm>>
      tpu.wait_dma2 semaphore(%run_scoped3A : memref<!tpu.dma_semaphore, #tpu.memory_space<semaphore_mem>>) src(%dma_wait3A_1829 : memref<64xf32, #tpu.memory_space<hbm>>) dst(%dma_wait3A_1828 : memref<64xf32, #tpu.memory_space<vmem>>)
      tpu.yield
    }) : () -> ()
    "tpu.region"() ({
      %run_scoped3A = tpu.sem_alloc : memref<!tpu.dma_semaphore, #tpu.memory_space<semaphore_mem>>
      %dma_start3A = arith.constant 0 : i32
      %dma_start3A_1820 = tpu.memref_slice %arg23[%dma_start3A] : memref<80xf32, #tpu.memory_space<vmem>> -> memref<64xf32, #tpu.memory_space<vmem>>
      %dma_start3A_1821 = tpu.memref_slice %arg7[%mul3A_34] : memref<512xf32, #tpu.memory_space<hbm>> -> memref<64xf32, #tpu.memory_space<hbm>>
      %dma_start3A_1822 = arith.constant 0 : i32
      %dma_start3A_1823 = tpu.memref_slice %arg23[%dma_start3A_1822] : memref<80xf32, #tpu.memory_space<vmem>> -> memref<64xf32, #tpu.memory_space<vmem>>
      %dma_start3A_1824 = tpu.memref_slice %arg7[%mul3A_34] : memref<512xf32, #tpu.memory_space<hbm>> -> memref<64xf32, #tpu.memory_space<hbm>>
      tpu.enqueue_dma source(%dma_start3A_1824 : memref<64xf32, #tpu.memory_space<hbm>>) target(%dma_start3A_1823 : memref<64xf32, #tpu.memory_space<vmem>>) target_semaphore(%run_scoped3A : memref<!tpu.dma_semaphore, #tpu.memory_space<semaphore_mem>>)
      %dma_wait3A = arith.constant 0 : i32
      %dma_wait3A_1825 = tpu.memref_slice %arg23[%dma_wait3A] : memref<80xf32, #tpu.memory_space<vmem>> -> memref<64xf32, #tpu.memory_space<vmem>>
      %dma_wait3A_1826 = tpu.memref_slice %arg7[%mul3A_34] : memref<512xf32, #tpu.memory_space<hbm>> -> memref<64xf32, #tpu.memory_space<hbm>>
      %dma_wait3A_1827 = arith.constant 0 : i32
      %dma_wait3A_1828 = tpu.memref_slice %arg23[%dma_wait3A_1827] : memref<80xf32, #tpu.memory_space<vmem>> -> memref<64xf32, #tpu.memory_space<vmem>>
      %dma_wait3A_1829 = tpu.memref_slice %arg7[%mul3A_34] : memref<512xf32, #tpu.memory_space<hbm>> -> memref<64xf32, #tpu.memory_space<hbm>>
      tpu.wait_dma2 semaphore(%run_scoped3A : memref<!tpu.dma_semaphore, #tpu.memory_space<semaphore_mem>>) src(%dma_wait3A_1829 : memref<64xf32, #tpu.memory_space<hbm>>) dst(%dma_wait3A_1828 : memref<64xf32, #tpu.memory_space<vmem>>)
      tpu.yield
    }) : () -> ()
    "tpu.region"() ({
      %run_scoped3A = tpu.sem_alloc : memref<!tpu.dma_semaphore, #tpu.memory_space<semaphore_mem>>
      %dma_start3A = arith.constant 0 : i32
      %dma_start3A_1820 = tpu.memref_slice %arg24[%dma_start3A] : memref<80xf32, #tpu.memory_space<vmem>> -> memref<64xf32, #tpu.memory_space<vmem>>
      %dma_start3A_1821 = tpu.memref_slice %arg8[%mul3A_34] : memref<512xf32, #tpu.memory_space<hbm>> -> memref<64xf32, #tpu.memory_space<hbm>>
      %dma_start3A_1822 = arith.constant 0 : i32
      %dma_start3A_1823 = tpu.memref_slice %arg24[%dma_start3A_1822] : memref<80xf32, #tpu.memory_space<vmem>> -> memref<64xf32, #tpu.memory_space<vmem>>
      %dma_start3A_1824 = tpu.memref_slice %arg8[%mul3A_34] : memref<512xf32, #tpu.memory_space<hbm>> -> memref<64xf32, #tpu.memory_space<hbm>>
      tpu.enqueue_dma source(%dma_start3A_1824 : memref<64xf32, #tpu.memory_space<hbm>>) target(%dma_start3A_1823 : memref<64xf32, #tpu.memory_space<vmem>>) target_semaphore(%run_scoped3A : memref<!tpu.dma_semaphore, #tpu.memory_space<semaphore_mem>>)
      %dma_wait3A = arith.constant 0 : i32
      %dma_wait3A_1825 = tpu.memref_slice %arg24[%dma_wait3A] : memref<80xf32, #tpu.memory_space<vmem>> -> memref<64xf32, #tpu.memory_space<vmem>>
      %dma_wait3A_1826 = tpu.memref_slice %arg8[%mul3A_34] : memref<512xf32, #tpu.memory_space<hbm>> -> memref<64xf32, #tpu.memory_space<hbm>>
      %dma_wait3A_1827 = arith.constant 0 : i32
      %dma_wait3A_1828 = tpu.memref_slice %arg24[%dma_wait3A_1827] : memref<80xf32, #tpu.memory_space<vmem>> -> memref<64xf32, #tpu.memory_space<vmem>>
      %dma_wait3A_1829 = tpu.memref_slice %arg8[%mul3A_34] : memref<512xf32, #tpu.memory_space<hbm>> -> memref<64xf32, #tpu.memory_space<hbm>>
      tpu.wait_dma2 semaphore(%run_scoped3A : memref<!tpu.dma_semaphore, #tpu.memory_space<semaphore_mem>>) src(%dma_wait3A_1829 : memref<64xf32, #tpu.memory_space<hbm>>) dst(%dma_wait3A_1828 : memref<64xf32, #tpu.memory_space<vmem>>)
      tpu.yield
    }) : () -> ()
    "tpu.region"() ({
      %run_scoped3A = tpu.sem_alloc : memref<!tpu.dma_semaphore, #tpu.memory_space<semaphore_mem>>
      %dma_start3A = arith.constant 0 : i32
      %dma_start3A_1820 = tpu.memref_slice %arg25[%dma_start3A] : memref<80xf32, #tpu.memory_space<vmem>> -> memref<64xf32, #tpu.memory_space<vmem>>
      %dma_start3A_1821 = tpu.memref_slice %arg9[%mul3A_34] : memref<512xf32, #tpu.memory_space<hbm>> -> memref<64xf32, #tpu.memory_space<hbm>>
      %dma_start3A_1822 = arith.constant 0 : i32
      %dma_start3A_1823 = tpu.memref_slice %arg25[%dma_start3A_1822] : memref<80xf32, #tpu.memory_space<vmem>> -> memref<64xf32, #tpu.memory_space<vmem>>
      %dma_start3A_1824 = tpu.memref_slice %arg9[%mul3A_34] : memref<512xf32, #tpu.memory_space<hbm>> -> memref<64xf32, #tpu.memory_space<hbm>>
      tpu.enqueue_dma source(%dma_start3A_1824 : memref<64xf32, #tpu.memory_space<hbm>>) target(%dma_start3A_1823 : memref<64xf32, #tpu.memory_space<vmem>>) target_semaphore(%run_scoped3A : memref<!tpu.dma_semaphore, #tpu.memory_space<semaphore_mem>>)
      %dma_wait3A = arith.constant 0 : i32
      %dma_wait3A_1825 = tpu.memref_slice %arg25[%dma_wait3A] : memref<80xf32, #tpu.memory_space<vmem>> -> memref<64xf32, #tpu.memory_space<vmem>>
      %dma_wait3A_1826 = tpu.memref_slice %arg9[%mul3A_34] : memref<512xf32, #tpu.memory_space<hbm>> -> memref<64xf32, #tpu.memory_space<hbm>>
      %dma_wait3A_1827 = arith.constant 0 : i32
      %dma_wait3A_1828 = tpu.memref_slice %arg25[%dma_wait3A_1827] : memref<80xf32, #tpu.memory_space<vmem>> -> memref<64xf32, #tpu.memory_space<vmem>>
      %dma_wait3A_1829 = tpu.memref_slice %arg9[%mul3A_34] : memref<512xf32, #tpu.memory_space<hbm>> -> memref<64xf32, #tpu.memory_space<hbm>>
      tpu.wait_dma2 semaphore(%run_scoped3A : memref<!tpu.dma_semaphore, #tpu.memory_space<semaphore_mem>>) src(%dma_wait3A_1829 : memref<64xf32, #tpu.memory_space<hbm>>) dst(%dma_wait3A_1828 : memref<64xf32, #tpu.memory_space<vmem>>)
      tpu.yield
    }) : () -> ()
    "tpu.region"() ({
      %run_scoped3A = tpu.sem_alloc : memref<!tpu.dma_semaphore, #tpu.memory_space<semaphore_mem>>
      %dma_start3A = tpu.memref_slice %arg10[%mul3A_34] : memref<512xi32, #tpu.memory_space<hbm>> -> memref<64xi32, #tpu.memory_space<hbm>>
      %dma_start3A_1820 = tpu.memref_slice %arg10[%mul3A_34] : memref<512xi32, #tpu.memory_space<hbm>> -> memref<64xi32, #tpu.memory_space<hbm>>
      tpu.enqueue_dma source(%dma_start3A_1820 : memref<64xi32, #tpu.memory_space<hbm>>) target(%arg27 : memref<64xi32, #tpu.memory_space<vmem>>) target_semaphore(%run_scoped3A : memref<!tpu.dma_semaphore, #tpu.memory_space<semaphore_mem>>)
      %dma_wait3A = tpu.memref_slice %arg10[%mul3A_34] : memref<512xi32, #tpu.memory_space<hbm>> -> memref<64xi32, #tpu.memory_space<hbm>>
      %dma_wait3A_1821 = tpu.memref_slice %arg10[%mul3A_34] : memref<512xi32, #tpu.memory_space<hbm>> -> memref<64xi32, #tpu.memory_space<hbm>>
      tpu.wait_dma2 semaphore(%run_scoped3A : memref<!tpu.dma_semaphore, #tpu.memory_space<semaphore_mem>>) src(%dma_wait3A_1821 : memref<64xi32, #tpu.memory_space<hbm>>) dst(%arg27 : memref<64xi32, #tpu.memory_space<vmem>>)
      tpu.yield
    }) : () -> ()
    %parallel_loop3A = arith.constant 0 : i32
    %parallel_loop3A_35 = arith.constant 320 : i32
    %parallel_loop3A_36 = arith.constant 1 : i32
    scf.for %parallel_loop3A_1820 = %parallel_loop3A to %parallel_loop3A_35 step %parallel_loop3A_36  : i32 {
      %parallel_loop3A_1821 = arith.constant 16 : i32
      %parallel_loop3A_1822 = arith.muli %parallel_loop3A_1820, %parallel_loop3A_1821 : i32
      %parallel_loop3A_1823 = arith.index_cast %parallel_loop3A_1822 : i32 to index
      %parallel_loop3A_1824 = tpu.vector_load %arg13[%parallel_loop3A_1823] {strides = array<i32>} : memref<5120xf32, #tpu.memory_space<vmem>>, vector<16xf32>,
      %parallel_loop3A_1825 = arith.index_cast %parallel_loop3A_1822 : i32 to index
      %parallel_loop3A_1826 = tpu.vector_load %arg14[%parallel_loop3A_1825] {strides = array<i32>} : memref<5120xf32, #tpu.memory_space<vmem>>, vector<16xf32>,
      %parallel_loop3A_1827 = arith.index_cast %parallel_loop3A_1822 : i32 to index
      %parallel_loop3A_1828 = tpu.vector_load %arg15[%parallel_loop3A_1827] {strides = array<i32>} : memref<5120xf32, #tpu.memory_space<vmem>>, vector<16xf32>,
      %parallel_loop3A_1829 = arith.index_cast %parallel_loop3A_1822 : i32 to index
      %parallel_loop3A_1830 = tpu.vector_load %arg16[%parallel_loop3A_1829] {strides = array<i32>} : memref<5120xf32, #tpu.memory_space<vmem>>, vector<16xf32>,
      %parallel_loop3A_1831 = arith.constant 2.000000e+00 : f32
      %parallel_loop3A_1832 = vector.broadcast %parallel_loop3A_1831 : f32 to vector<16xf32>
      %parallel_loop3A_1833 = arith.divf %parallel_loop3A_1828, %parallel_loop3A_1832 : vector<16xf32>
      %parallel_loop3A_1834 = arith.subf %parallel_loop3A_1824, %parallel_loop3A_1833 : vector<16xf32>
      %parallel_loop3A_1835 = arith.constant 2.000000e+00 : f32
      %parallel_loop3A_1836 = vector.broadcast %parallel_loop3A_1835 : f32 to vector<16xf32>
      %parallel_loop3A_1837 = arith.divf %parallel_loop3A_1830, %parallel_loop3A_1836 : vector<16xf32>
      %parallel_loop3A_1838 = arith.subf %parallel_loop3A_1826, %parallel_loop3A_1837 : vector<16xf32>
      %parallel_loop3A_1839 = arith.constant 2.000000e+00 : f32
      %parallel_loop3A_1840 = vector.broadcast %parallel_loop3A_1839 : f32 to vector<16xf32>
      %parallel_loop3A_1841 = arith.divf %parallel_loop3A_1828, %parallel_loop3A_1840 : vector<16xf32>
      %parallel_loop3A_1842 = arith.addf %parallel_loop3A_1824, %parallel_loop3A_1841 : vector<16xf32>
      %parallel_loop3A_1843 = arith.constant 2.000000e+00 : f32
      %parallel_loop3A_1844 = vector.broadcast %parallel_loop3A_1843 : f32 to vector<16xf32>
      %parallel_loop3A_1845 = arith.divf %parallel_loop3A_1830, %parallel_loop3A_1844 : vector<16xf32>
      %parallel_loop3A_1846 = arith.addf %parallel_loop3A_1826, %parallel_loop3A_1845 : vector<16xf32>
      %parallel_loop3A_1847 = arith.index_cast %parallel_loop3A_1822 : i32 to index
      %parallel_loop3A_1848 = tpu.vector_load %arg17[%parallel_loop3A_1847] {strides = array<i32>} : memref<5120xf32, #tpu.memory_space<vmem>>, vector<16xf32>,
      tpu.vector_store %arg17[%parallel_loop3A_1847], %parallel_loop3A_1834 {strides = array<i32>} : memref<5120xf32, #tpu.memory_space<vmem>>, vector<16xf32>,
      %parallel_loop3A_1849 = arith.index_cast %parallel_loop3A_1822 : i32 to index
      %parallel_loop3A_1850 = tpu.vector_load %arg18[%parallel_loop3A_1849] {strides = array<i32>} : memref<5120xf32, #tpu.memory_space<vmem>>, vector<16xf32>,
      tpu.vector_store %arg18[%parallel_loop3A_1849], %parallel_loop3A_1838 {strides = array<i32>} : memref<5120xf32, #tpu.memory_space<vmem>>, vector<16xf32>,
      %parallel_loop3A_1851 = arith.index_cast %parallel_loop3A_1822 : i32 to index
      %parallel_loop3A_1852 = tpu.vector_load %arg19[%parallel_loop3A_1851] {strides = array<i32>} : memref<5120xf32, #tpu.memory_space<vmem>>, vector<16xf32>,
      tpu.vector_store %arg19[%parallel_loop3A_1851], %parallel_loop3A_1842 {strides = array<i32>} : memref<5120xf32, #tpu.memory_space<vmem>>, vector<16xf32>,
      %parallel_loop3A_1853 = arith.index_cast %parallel_loop3A_1822 : i32 to index
      %parallel_loop3A_1854 = tpu.vector_load %arg20[%parallel_loop3A_1853] {strides = array<i32>} : memref<5120xf32, #tpu.memory_space<vmem>>, vector<16xf32>,
      tpu.vector_store %arg20[%parallel_loop3A_1853], %parallel_loop3A_1846 {strides = array<i32>} : memref<5120xf32, #tpu.memory_space<vmem>>, vector<16xf32>,
      %parallel_loop3A_1855 = arith.subf %parallel_loop3A_1842, %parallel_loop3A_1834 : vector<16xf32>
      %parallel_loop3A_1856 = arith.subf %parallel_loop3A_1846, %parallel_loop3A_1838 : vector<16xf32>
      %parallel_loop3A_1857 = arith.mulf %parallel_loop3A_1855, %parallel_loop3A_1856 : vector<16xf32>
      %parallel_loop3A_1858 = arith.index_cast %parallel_loop3A_1822 : i32 to index
      %parallel_loop3A_1859 = tpu.vector_load %arg21[%parallel_loop3A_1858] {strides = array<i32>} : memref<5120xf32, #tpu.memory_space<vmem>>, vector<16xf32>,
      tpu.vector_store %arg21[%parallel_loop3A_1858], %parallel_loop3A_1857 {strides = array<i32>} : memref<5120xf32, #tpu.memory_space<vmem>>, vector<16xf32>,
    } {sc.loop_unroll_factor = 4 : i64, sc.parallel_access}
    %scan3A = arith.constant 0 : i32
    %scan3A_37 = arith.constant 0 : i32
    %scan3A_38 = arith.constant 4 : i32
    %scan3A_39 = arith.addi %scan3A_37, %scan3A_38 : i32
    %scan3A_40 = arith.constant 1 : i32
    %scan3A_41 = scf.for %scan3A_1820 = %scan3A_37 to %scan3A_39 step %scan3A_40 iter_args(%scan3A_1821 = %scan3A) -> (i32)  : i32 {
      %mul3A_1822 = arith.constant 16 : i32
      %mul3A_1823 = arith.muli %scan3A_1820, %mul3A_1822 : i32
      %get3A_1824 = arith.index_cast %mul3A_1823 : i32 to index
      %get3A_1825 = tpu.vector_load %arg22[%get3A_1824] {strides = array<i32>} : memref<80xf32, #tpu.memory_space<vmem>>, vector<16xf32>,
      %get3A_1826 = arith.index_cast %mul3A_1823 : i32 to index
      %get3A_1827 = tpu.vector_load %arg23[%get3A_1826] {strides = array<i32>} : memref<80xf32, #tpu.memory_space<vmem>>, vector<16xf32>,
      %get3A_1828 = arith.index_cast %mul3A_1823 : i32 to index
      %get3A_1829 = tpu.vector_load %arg24[%get3A_1828] {strides = array<i32>} : memref<80xf32, #tpu.memory_space<vmem>>, vector<16xf32>,
      %get3A_1830 = arith.index_cast %mul3A_1823 : i32 to index
      %get3A_1831 = tpu.vector_load %arg25[%get3A_1830] {strides = array<i32>} : memref<80xf32, #tpu.memory_space<vmem>>, vector<16xf32>,
      %sub3A_1832 = arith.subf %get3A_1829, %get3A_1825 : vector<16xf32>
      %sub3A_1833 = arith.subf %get3A_1831, %get3A_1827 : vector<16xf32>
      %mul3A_1834 = arith.mulf %sub3A_1832, %sub3A_1833 : vector<16xf32>
      %swap3A_1835 = arith.index_cast %mul3A_1823 : i32 to index
      %swap3A_1836 = tpu.vector_load %arg26[%swap3A_1835] {strides = array<i32>} : memref<80xf32, #tpu.memory_space<vmem>>, vector<16xf32>,
      tpu.vector_store %arg26[%swap3A_1835], %mul3A_1834 {strides = array<i32>} : memref<80xf32, #tpu.memory_space<vmem>>, vector<16xf32>,
      %scan3A_1837 = arith.constant 0 : i32
      scf.yield %scan3A_1837 : i32
    }
    %scan3A_42 = arith.constant 4 : i32
    %broadcast_in_dim3A = arith.constant -1.000000e+00 : f32
    %broadcast_in_dim3A_43 = vector.broadcast %broadcast_in_dim3A : f32 to vector<16xf32>
    %broadcast_in_dim3A_44 = arith.constant 0 : i32
    %broadcast_in_dim3A_45 = vector.broadcast %broadcast_in_dim3A_44 : i32 to vector<16xi32>
    %scan3A_46 = arith.constant 0 : i32
    %scan3A_47 = arith.constant 0 : i32
    %scan3A_48 = arith.constant 64 : i32
    %scan3A_49 = arith.addi %scan3A_47, %scan3A_48 : i32
    %scan3A_50 = arith.constant 1 : i32
    %scan3A_51 = scf.for %scan3A_1820 = %scan3A_47 to %scan3A_49 step %scan3A_50 iter_args(%scan3A_1821 = %scan3A_46) -> (i32)  : i32 {
      %mul3A_1822 = arith.constant 16 : i32
      %mul3A_1823 = arith.muli %scan3A_1820, %mul3A_1822 : i32
      %swap3A_1824 = arith.index_cast %mul3A_1823 : i32 to index
      %swap3A_1825 = tpu.vector_load %arg30[%swap3A_1824] {strides = array<i32>} : memref<1024xf32, #tpu.memory_space<vmem>>, vector<16xf32>,
      tpu.vector_store %arg30[%swap3A_1824], %broadcast_in_dim3A_43 {strides = array<i32>} : memref<1024xf32, #tpu.memory_space<vmem>>, vector<16xf32>,
      %swap3A_1826 = arith.index_cast %mul3A_1823 : i32 to index
      %swap3A_1827 = tpu.vector_load %arg31[%swap3A_1826] {strides = array<i32>} : memref<1024xi32, #tpu.memory_space<vmem>>, vector<16xi32>,
      tpu.vector_store %arg31[%swap3A_1826], %broadcast_in_dim3A_45 {strides = array<i32>} : memref<1024xi32, #tpu.memory_space<vmem>>, vector<16xi32>,
      %scan3A_1828 = arith.constant 0 : i32
      scf.yield %scan3A_1828 : i32
    }
    %scan3A_52 = arith.constant 64 : i32
    %parallel_loop3A_53 = arith.constant 0 : i32
    %parallel_loop3A_54 = arith.constant 320 : i32
    %parallel_loop3A_55 = arith.constant 1 : i32
    scf.for %parallel_loop3A_1820 = %parallel_loop3A_53 to %parallel_loop3A_54 step %parallel_loop3A_55  : i32 {
      %parallel_loop3A_1821 = arith.constant 16 : i32
      %parallel_loop3A_1822 = arith.muli %parallel_loop3A_1820, %parallel_loop3A_1821 : i32
      %parallel_loop3A_1823 = arith.index_cast %parallel_loop3A_1822 : i32 to index
      %parallel_loop3A_1824 = tpu.vector_load %arg28[%parallel_loop3A_1823] {strides = array<i32>} : memref<5120xf32, #tpu.memory_space<vmem>>, vector<16xf32>,
      tpu.vector_store %arg28[%parallel_loop3A_1823], %broadcast_in_dim3A_43 {strides = array<i32>} : memref<5120xf32, #tpu.memory_space<vmem>>, vector<16xf32>,
      %parallel_loop3A_1825 = arith.index_cast %parallel_loop3A_1822 : i32 to index
      %parallel_loop3A_1826 = tpu.vector_load %arg29[%parallel_loop3A_1825] {strides = array<i32>} : memref<5120xi32, #tpu.memory_space<vmem>>, vector<16xi32>,
      tpu.vector_store %arg29[%parallel_loop3A_1825], %broadcast_in_dim3A_45 {strides = array<i32>} : memref<5120xi32, #tpu.memory_space<vmem>>, vector<16xi32>,
    } {sc.loop_unroll_factor = 4 : i64, sc.parallel_access}
    %scan3A_56 = arith.constant 0 : i32
    %scan3A_57 = arith.constant 0 : i32
    %scan3A_58 = arith.constant 32 : i32
    %scan3A_59 = arith.addi %scan3A_57, %scan3A_58 : i32
    %scan3A_60 = arith.constant 1 : i32
    %scan3A_61 = scf.for %scan3A_1820 = %scan3A_57 to %scan3A_59 step %scan3A_60 iter_args(%scan3A_1821 = %scan3A_56) -> (i32)  : i32 {
      %mul3A_1822 = arith.constant 2 : i32
      %mul3A_1823 = arith.muli %scan3A_1820, %mul3A_1822 : i32
      %add3A_1824 = arith.constant 1 : i32
      %add3A_1825 = arith.addi %mul3A_1823, %add3A_1824 : i32
      %get3A_1826 = arith.index_cast %mul3A_1823 : i32 to index
      %get3A_1827 = tpu.vector_load %arg22[%get3A_1826] {strides = array<i32>} : memref<80xf32, #tpu.memory_space<vmem>>, vector<16xf32>,
      %slice3A = vector.extract_strided_slice %get3A_1827 {offsets = [0], sizes = [1], strides = [1]} : vector<16xf32> to vector<1xf32>
      %squeeze3A = vector.extract %slice3A[0] : f32 from vector<1xf32>
      %broadcast_in_dim3A_1828 = vector.broadcast %squeeze3A : f32 to vector<16xf32>
      %get3A_1829 = arith.index_cast %mul3A_1823 : i32 to index
      %get3A_1830 = tpu.vector_load %arg23[%get3A_1829] {strides = array<i32>} : memref<80xf32, #tpu.memory_space<vmem>>, vector<16xf32>,
      %slice3A_1831 = vector.extract_strided_slice %get3A_1830 {offsets = [0], sizes = [1], strides = [1]} : vector<16xf32> to vector<1xf32>
      %squeeze3A_1832 = vector.extract %slice3A_1831[0] : f32 from vector<1xf32>
      %broadcast_in_dim3A_1833 = vector.broadcast %squeeze3A_1832 : f32 to vector<16xf32>
      %get3A_1834 = arith.index_cast %mul3A_1823 : i32 to index
      %get3A_1835 = tpu.vector_load %arg24[%get3A_1834] {strides = array<i32>} : memref<80xf32, #tpu.memory_space<vmem>>, vector<16xf32>,
      %slice3A_1836 = vector.extract_strided_slice %get3A_1835 {offsets = [0], sizes = [1], strides = [1]} : vector<16xf32> to vector<1xf32>
      %squeeze3A_1837 = vector.extract %slice3A_1836[0] : f32 from vector<1xf32>
      %broadcast_in_dim3A_1838 = vector.broadcast %squeeze3A_1837 : f32 to vector<16xf32>
      %get3A_1839 = arith.index_cast %mul3A_1823 : i32 to index
      %get3A_1840 = tpu.vector_load %arg25[%get3A_1839] {strides = array<i32>} : memref<80xf32, #tpu.memory_space<vmem>>, vector<16xf32>,
      %slice3A_1841 = vector.extract_strided_slice %get3A_1840 {offsets = [0], sizes = [1], strides = [1]} : vector<16xf32> to vector<1xf32>
      %squeeze3A_1842 = vector.extract %slice3A_1841[0] : f32 from vector<1xf32>
      %broadcast_in_dim3A_1843 = vector.broadcast %squeeze3A_1842 : f32 to vector<16xf32>
      %get3A_1844 = arith.index_cast %mul3A_1823 : i32 to index
      %get3A_1845 = tpu.vector_load %arg26[%get3A_1844] {strides = array<i32>} : memref<80xf32, #tpu.memory_space<vmem>>, vector<16xf32>,
      %slice3A_1846 = vector.extract_strided_slice %get3A_1845 {offsets = [0], sizes = [1], strides = [1]} : vector<16xf32> to vector<1xf32>
      %squeeze3A_1847 = vector.extract %slice3A_1846[0] : f32 from vector<1xf32>
      %broadcast_in_dim3A_1848 = vector.broadcast %squeeze3A_1847 : f32 to vector<16xf32>
      %get3A_1849 = arith.index_cast %add3A_1825 : i32 to index
      %get3A_1850 = tpu.vector_load %arg22[%get3A_1849] {strides = array<i32>} : memref<80xf32, #tpu.memory_space<vmem>>, vector<16xf32>,
      %slice3A_1851 = vector.extract_strided_slice %get3A_1850 {offsets = [0], sizes = [1], strides = [1]} : vector<16xf32> to vector<1xf32>
      %squeeze3A_1852 = vector.extract %slice3A_1851[0] : f32 from vector<1xf32>
      %broadcast_in_dim3A_1853 = vector.broadcast %squeeze3A_1852 : f32 to vector<16xf32>
      %get3A_1854 = arith.index_cast %add3A_1825 : i32 to index
      %get3A_1855 = tpu.vector_load %arg23[%get3A_1854] {strides = array<i32>} : memref<80xf32, #tpu.memory_space<vmem>>, vector<16xf32>,
      %slice3A_1856 = vector.extract_strided_slice %get3A_1855 {offsets = [0], sizes = [1], strides = [1]} : vector<16xf32> to vector<1xf32>
      %squeeze3A_1857 = vector.extract %slice3A_1856[0] : f32 from vector<1xf32>
      %broadcast_in_dim3A_1858 = vector.broadcast %squeeze3A_1857 : f32 to vector<16xf32>
      %get3A_1859 = arith.index_cast %add3A_1825 : i32 to index
      %get3A_1860 = tpu.vector_load %arg24[%get3A_1859] {strides = array<i32>} : memref<80xf32, #tpu.memory_space<vmem>>, vector<16xf32>,
      %slice3A_1861 = vector.extract_strided_slice %get3A_1860 {offsets = [0], sizes = [1], strides = [1]} : vector<16xf32> to vector<1xf32>
      %squeeze3A_1862 = vector.extract %slice3A_1861[0] : f32 from vector<1xf32>
      %broadcast_in_dim3A_1863 = vector.broadcast %squeeze3A_1862 : f32 to vector<16xf32>
      %get3A_1864 = arith.index_cast %add3A_1825 : i32 to index
      %get3A_1865 = tpu.vector_load %arg25[%get3A_1864] {strides = array<i32>} : memref<80xf32, #tpu.memory_space<vmem>>, vector<16xf32>,
      %slice3A_1866 = vector.extract_strided_slice %get3A_1865 {offsets = [0], sizes = [1], strides = [1]} : vector<16xf32> to vector<1xf32>
      %squeeze3A_1867 = vector.extract %slice3A_1866[0] : f32 from vector<1xf32>
      %broadcast_in_dim3A_1868 = vector.broadcast %squeeze3A_1867 : f32 to vector<16xf32>
      %get3A_1869 = arith.index_cast %add3A_1825 : i32 to index
      %get3A_1870 = tpu.vector_load %arg26[%get3A_1869] {strides = array<i32>} : memref<80xf32, #tpu.memory_space<vmem>>, vector<16xf32>,
      %slice3A_1871 = vector.extract_strided_slice %get3A_1870 {offsets = [0], sizes = [1], strides = [1]} : vector<16xf32> to vector<1xf32>
      %squeeze3A_1872 = vector.extract %slice3A_1871[0] : f32 from vector<1xf32>
      %broadcast_in_dim3A_1873 = vector.broadcast %squeeze3A_1872 : f32 to vector<16xf32>
      %broadcast_in_dim3A_1874 = vector.broadcast %mul3A_1823 : i32 to vector<16xi32>
      %add3A_1875 = arith.constant 1 : i32
      %add3A_1876 = arith.addi %mul3A_1823, %add3A_1875 : i32
      %broadcast_in_dim3A_1877 = vector.broadcast %add3A_1876 : i32 to vector<16xi32>
      %parallel_loop3A_1878 = arith.constant 0 : i32
      %parallel_loop3A_1879 = arith.constant 320 : i32
      %parallel_loop3A_1880 = arith.constant 1 : i32
      %parallel_loop3A_1881:4 = scf.for %parallel_loop3A_1903 = %parallel_loop3A_1878 to %parallel_loop3A_1879 step %parallel_loop3A_1880 iter_args(%parallel_loop3A_1904 = %broadcast_in_dim3A_43, %parallel_loop3A_1905 = %broadcast_in_dim3A_45, %parallel_loop3A_1906 = %broadcast_in_dim3A_43, %parallel_loop3A_1907 = %broadcast_in_dim3A_45) -> (vector<16xf32>, vector<16xi32>, vector<16xf32>, vector<16xi32>)  : i32 {
        %parallel_loop3A_1908 = arith.constant 16 : i32
        %parallel_loop3A_1909 = arith.muli %parallel_loop3A_1903, %parallel_loop3A_1908 : i32
        %parallel_loop3A_1910 = arith.index_cast %parallel_loop3A_1909 : i32 to index
        %parallel_loop3A_1911 = tpu.vector_load %arg17[%parallel_loop3A_1910] {strides = array<i32>} : memref<5120xf32, #tpu.memory_space<vmem>>, vector<16xf32>,
        %parallel_loop3A_1912 = arith.index_cast %parallel_loop3A_1909 : i32 to index
        %parallel_loop3A_1913 = tpu.vector_load %arg18[%parallel_loop3A_1912] {strides = array<i32>} : memref<5120xf32, #tpu.memory_space<vmem>>, vector<16xf32>,
        %parallel_loop3A_1914 = arith.index_cast %parallel_loop3A_1909 : i32 to index
        %parallel_loop3A_1915 = tpu.vector_load %arg19[%parallel_loop3A_1914] {strides = array<i32>} : memref<5120xf32, #tpu.memory_space<vmem>>, vector<16xf32>,
        %parallel_loop3A_1916 = arith.index_cast %parallel_loop3A_1909 : i32 to index
        %parallel_loop3A_1917 = tpu.vector_load %arg20[%parallel_loop3A_1916] {strides = array<i32>} : memref<5120xf32, #tpu.memory_space<vmem>>, vector<16xf32>,
        %parallel_loop3A_1918 = arith.index_cast %parallel_loop3A_1909 : i32 to index
        %parallel_loop3A_1919 = tpu.vector_load %arg21[%parallel_loop3A_1918] {strides = array<i32>} : memref<5120xf32, #tpu.memory_space<vmem>>, vector<16xf32>,
        %parallel_loop3A_1920 = arith.minimumf %parallel_loop3A_1915, %broadcast_in_dim3A_1838 : vector<16xf32>
        %parallel_loop3A_1921 = arith.maximumf %parallel_loop3A_1911, %broadcast_in_dim3A_1828 : vector<16xf32>
        %parallel_loop3A_1922 = arith.subf %parallel_loop3A_1920, %parallel_loop3A_1921 : vector<16xf32>
        %parallel_loop3A_1923 = arith.minimumf %parallel_loop3A_1917, %broadcast_in_dim3A_1843 : vector<16xf32>
        %parallel_loop3A_1924 = arith.maximumf %parallel_loop3A_1913, %broadcast_in_dim3A_1833 : vector<16xf32>
        %parallel_loop3A_1925 = arith.subf %parallel_loop3A_1923, %parallel_loop3A_1924 : vector<16xf32>
        %parallel_loop3A_1926 = arith.constant 0.000000e+00 : f32
        %parallel_loop3A_1927 = vector.broadcast %parallel_loop3A_1926 : f32 to vector<16xf32>
        %parallel_loop3A_1928 = arith.maximumf %parallel_loop3A_1922, %parallel_loop3A_1927 : vector<16xf32>
        %parallel_loop3A_1929 = arith.constant 0.000000e+00 : f32
        %parallel_loop3A_1930 = vector.broadcast %parallel_loop3A_1929 : f32 to vector<16xf32>
        %parallel_loop3A_1931 = arith.maximumf %parallel_loop3A_1925, %parallel_loop3A_1930 : vector<16xf32>
        %parallel_loop3A_1932 = arith.mulf %parallel_loop3A_1928, %parallel_loop3A_1931 : vector<16xf32>
        %parallel_loop3A_1933 = arith.addf %broadcast_in_dim3A_1848, %parallel_loop3A_1919 : vector<16xf32>
        %parallel_loop3A_1934 = arith.subf %parallel_loop3A_1933, %parallel_loop3A_1932 : vector<16xf32>
        %parallel_loop3A_1935 = arith.constant 9.99999996E-13 : f32
        %parallel_loop3A_1936 = vector.broadcast %parallel_loop3A_1935 : f32 to vector<16xf32>
        %parallel_loop3A_1937 = arith.addf %parallel_loop3A_1934, %parallel_loop3A_1936 : vector<16xf32>
        %parallel_loop3A_1938 = arith.divf %parallel_loop3A_1932, %parallel_loop3A_1937 : vector<16xf32>
        %parallel_loop3A_1939 = arith.minimumf %parallel_loop3A_1915, %broadcast_in_dim3A_1863 : vector<16xf32>
        %parallel_loop3A_1940 = arith.maximumf %parallel_loop3A_1911, %broadcast_in_dim3A_1853 : vector<16xf32>
        %parallel_loop3A_1941 = arith.subf %parallel_loop3A_1939, %parallel_loop3A_1940 : vector<16xf32>
        %parallel_loop3A_1942 = arith.minimumf %parallel_loop3A_1917, %broadcast_in_dim3A_1868 : vector<16xf32>
        %parallel_loop3A_1943 = arith.maximumf %parallel_loop3A_1913, %broadcast_in_dim3A_1858 : vector<16xf32>
        %parallel_loop3A_1944 = arith.subf %parallel_loop3A_1942, %parallel_loop3A_1943 : vector<16xf32>
        %parallel_loop3A_1945 = arith.constant 0.000000e+00 : f32
        %parallel_loop3A_1946 = vector.broadcast %parallel_loop3A_1945 : f32 to vector<16xf32>
        %parallel_loop3A_1947 = arith.maximumf %parallel_loop3A_1941, %parallel_loop3A_1946 : vector<16xf32>
        %parallel_loop3A_1948 = arith.constant 0.000000e+00 : f32
        %parallel_loop3A_1949 = vector.broadcast %parallel_loop3A_1948 : f32 to vector<16xf32>
        %parallel_loop3A_1950 = arith.maximumf %parallel_loop3A_1944, %parallel_loop3A_1949 : vector<16xf32>
        %parallel_loop3A_1951 = arith.mulf %parallel_loop3A_1947, %parallel_loop3A_1950 : vector<16xf32>
        %parallel_loop3A_1952 = arith.addf %broadcast_in_dim3A_1873, %parallel_loop3A_1919 : vector<16xf32>
        %parallel_loop3A_1953 = arith.subf %parallel_loop3A_1952, %parallel_loop3A_1951 : vector<16xf32>
        %parallel_loop3A_1954 = arith.constant 9.99999996E-13 : f32
        %parallel_loop3A_1955 = vector.broadcast %parallel_loop3A_1954 : f32 to vector<16xf32>
        %parallel_loop3A_1956 = arith.addf %parallel_loop3A_1953, %parallel_loop3A_1955 : vector<16xf32>
        %parallel_loop3A_1957 = arith.divf %parallel_loop3A_1951, %parallel_loop3A_1956 : vector<16xf32>
        %parallel_loop3A_1958 = arith.index_cast %parallel_loop3A_1909 : i32 to index
        %parallel_loop3A_1959 = tpu.vector_load %arg28[%parallel_loop3A_1958] {strides = array<i32>} : memref<5120xf32, #tpu.memory_space<vmem>>, vector<16xf32>,
        %parallel_loop3A_1960 = arith.index_cast %parallel_loop3A_1909 : i32 to index
        %parallel_loop3A_1961 = tpu.vector_load %arg29[%parallel_loop3A_1960] {strides = array<i32>} : memref<5120xi32, #tpu.memory_space<vmem>>, vector<16xi32>,
        %parallel_loop3A_1962 = arith.cmpf ogt, %parallel_loop3A_1938, %parallel_loop3A_1959 : vector<16xf32>
        %parallel_loop3A_1963 = arith.select %parallel_loop3A_1962, %parallel_loop3A_1938, %parallel_loop3A_1959 : vector<16xi1>, vector<16xf32>
        %parallel_loop3A_1964 = arith.select %parallel_loop3A_1962, %broadcast_in_dim3A_1874, %parallel_loop3A_1961 : vector<16xi1>, vector<16xi32>
        %parallel_loop3A_1965 = arith.cmpf ogt, %parallel_loop3A_1957, %parallel_loop3A_1963 : vector<16xf32>
        %parallel_loop3A_1966 = arith.select %parallel_loop3A_1965, %parallel_loop3A_1957, %parallel_loop3A_1963 : vector<16xi1>, vector<16xf32>
        %parallel_loop3A_1967 = arith.index_cast %parallel_loop3A_1909 : i32 to index
        %parallel_loop3A_1968 = tpu.vector_load %arg28[%parallel_loop3A_1967] {strides = array<i32>} : memref<5120xf32, #tpu.memory_space<vmem>>, vector<16xf32>,
        tpu.vector_store %arg28[%parallel_loop3A_1967], %parallel_loop3A_1966 {strides = array<i32>} : memref<5120xf32, #tpu.memory_space<vmem>>, vector<16xf32>,
        %parallel_loop3A_1969 = arith.select %parallel_loop3A_1965, %broadcast_in_dim3A_1877, %parallel_loop3A_1964 : vector<16xi1>, vector<16xi32>
        %parallel_loop3A_1970 = arith.index_cast %parallel_loop3A_1909 : i32 to index
        %parallel_loop3A_1971 = tpu.vector_load %arg29[%parallel_loop3A_1970] {strides = array<i32>} : memref<5120xi32, #tpu.memory_space<vmem>>, vector<16xi32>,
        tpu.vector_store %arg29[%parallel_loop3A_1970], %parallel_loop3A_1969 {strides = array<i32>} : memref<5120xi32, #tpu.memory_space<vmem>>, vector<16xi32>,
        %parallel_loop3A_1972 = vector.broadcast %parallel_loop3A_1903 : i32 to vector<16xi32>
        %parallel_loop3A_1973 = arith.cmpf ogt, %parallel_loop3A_1938, %parallel_loop3A_1904 : vector<16xf32>
        %parallel_loop3A_1974 = arith.select %parallel_loop3A_1973, %parallel_loop3A_1938, %parallel_loop3A_1904 : vector<16xi1>, vector<16xf32>
        %parallel_loop3A_1975 = arith.select %parallel_loop3A_1973, %parallel_loop3A_1972, %parallel_loop3A_1905 : vector<16xi1>, vector<16xi32>
        %parallel_loop3A_1976 = arith.cmpf ogt, %parallel_loop3A_1957, %parallel_loop3A_1906 : vector<16xf32>
        %parallel_loop3A_1977 = arith.select %parallel_loop3A_1976, %parallel_loop3A_1957, %parallel_loop3A_1906 : vector<16xi1>, vector<16xf32>
        %parallel_loop3A_1978 = arith.select %parallel_loop3A_1976, %parallel_loop3A_1972, %parallel_loop3A_1907 : vector<16xi1>, vector<16xi32>
        scf.yield %parallel_loop3A_1974, %parallel_loop3A_1975, %parallel_loop3A_1977, %parallel_loop3A_1978 : vector<16xf32>, vector<16xi32>, vector<16xf32>, vector<16xi32>
      } {sc.loop_unroll_factor = 4 : i64, sc.parallel_access}
      %mul3A_1882 = arith.constant 16 : i32
      %mul3A_1883 = arith.muli %mul3A_1823, %mul3A_1882 : i32
      %swap3A_1884 = arith.index_cast %mul3A_1883 : i32 to index
      %swap3A_1885 = tpu.vector_load %arg30[%swap3A_1884] {strides = array<i32>} : memref<1024xf32, #tpu.memory_space<vmem>>, vector<16xf32>,
      tpu.vector_store %arg30[%swap3A_1884], %parallel_loop3A_1881#0 {strides = array<i32>} : memref<1024xf32, #tpu.memory_space<vmem>>, vector<16xf32>,
      %mul3A_1886 = arith.constant 16 : i32
      %mul3A_1887 = arith.muli %mul3A_1823, %mul3A_1886 : i32
      %swap3A_1888 = arith.index_cast %mul3A_1887 : i32 to index
      %swap3A_1889 = tpu.vector_load %arg31[%swap3A_1888] {strides = array<i32>} : memref<1024xi32, #tpu.memory_space<vmem>>, vector<16xi32>,
      tpu.vector_store %arg31[%swap3A_1888], %parallel_loop3A_1881#1 {strides = array<i32>} : memref<1024xi32, #tpu.memory_space<vmem>>, vector<16xi32>,
      %add3A_1890 = arith.constant 1 : i32
      %add3A_1891 = arith.addi %mul3A_1823, %add3A_1890 : i32
      %mul3A_1892 = arith.constant 16 : i32
      %mul3A_1893 = arith.muli %add3A_1891, %mul3A_1892 : i32
      %swap3A_1894 = arith.index_cast %mul3A_1893 : i32 to index
      %swap3A_1895 = tpu.vector_load %arg30[%swap3A_1894] {strides = array<i32>} : memref<1024xf32, #tpu.memory_space<vmem>>, vector<16xf32>,
      tpu.vector_store %arg30[%swap3A_1894], %parallel_loop3A_1881#2 {strides = array<i32>} : memref<1024xf32, #tpu.memory_space<vmem>>, vector<16xf32>,
      %add3A_1896 = arith.constant 1 : i32
      %add3A_1897 = arith.addi %mul3A_1823, %add3A_1896 : i32
      %mul3A_1898 = arith.constant 16 : i32
      %mul3A_1899 = arith.muli %add3A_1897, %mul3A_1898 : i32
      %swap3A_1900 = arith.index_cast %mul3A_1899 : i32 to index
      %swap3A_1901 = tpu.vector_load %arg31[%swap3A_1900] {strides = array<i32>} : memref<1024xi32, #tpu.memory_space<vmem>>, vector<16xi32>,
      tpu.vector_store %arg31[%swap3A_1900], %parallel_loop3A_1881#3 {strides = array<i32>} : memref<1024xi32, #tpu.memory_space<vmem>>, vector<16xi32>,
      %scan3A_1902 = arith.constant 0 : i32
      scf.yield %scan3A_1902 : i32
    }
    %scan3A_62 = arith.constant 32 : i32
    %broadcast_in_dim3A_63 = arith.constant 0 : i32
    %broadcast_in_dim3A_64 = vector.broadcast %broadcast_in_dim3A_63 : i32 to vector<16xi32>
    %add3A_65 = arith.addi %broadcast_in_dim3A_64, %iota3A : vector<16xi32>
    %mul3A_66 = arith.constant 16 : i32
    %mul3A_67 = vector.broadcast %mul3A_66 : i32 to vector<16xi32>
    %mul3A_68 = arith.muli %add3A_65, %mul3A_67 : vector<16xi32>
    %add3A_69 = arith.constant 0 : i32
    %add3A_70 = vector.broadcast %add3A_69 : i32 to vector<16xi32>
    %add3A_71 = arith.addi %mul3A_68, %add3A_70 : vector<16xi32>
    %gather3A = tpu.vector_load_idx %arg30[%add3A_71] : memref<1024xf32, #tpu.memory_space<vmem>>[vector<16xi32>], vector<16xf32>,
    %gather3A_72 = tpu.vector_load_idx %arg31[%add3A_71] : memref<1024xi32, #tpu.memory_space<vmem>>[vector<16xi32>], vector<16xi32>,
    %mul3A_73 = arith.constant 16 : i32
    %mul3A_74 = vector.broadcast %mul3A_73 : i32 to vector<16xi32>
    %mul3A_75 = arith.muli %gather3A_72, %mul3A_74 : vector<16xi32>
    %add3A_76 = arith.constant 0 : i32
    %add3A_77 = vector.broadcast %add3A_76 : i32 to vector<16xi32>
    %add3A_78 = arith.addi %mul3A_75, %add3A_77 : vector<16xi32>
    %add3A_79 = vector.broadcast %mul3A_32 : i32 to vector<16xi32>
    %add3A_80 = arith.addi %add3A_79, %add3A_78 : vector<16xi32>
    %gt3A = arith.cmpf ogt, %gather3A, %broadcast_in_dim3A_43 : vector<16xf32>
    %eq3A_81 = arith.cmpf oeq, %gather3A, %broadcast_in_dim3A_43 : vector<16xf32>
    %lt3A_82 = arith.cmpi slt, %add3A_80, %broadcast_in_dim3A_45 : vector<16xi32>
    %and3A_83 = arith.andi %eq3A_81, %lt3A_82 : vector<16xi1>
    %or3A = arith.ori %gt3A, %and3A_83 : vector<16xi1>
    %select_n3A_84 = arith.select %or3A, %gather3A, %broadcast_in_dim3A_43 : vector<16xi1>, vector<16xf32>
    %select_n3A_85 = arith.select %or3A, %add3A_80, %broadcast_in_dim3A_45 : vector<16xi1>, vector<16xi32>
    %mul3A_86 = arith.constant 16 : i32
    %mul3A_87 = vector.broadcast %mul3A_86 : i32 to vector<16xi32>
    %mul3A_88 = arith.muli %add3A_65, %mul3A_87 : vector<16xi32>
    %add3A_89 = arith.constant 1 : i32
    %add3A_90 = vector.broadcast %add3A_89 : i32 to vector<16xi32>
    %add3A_91 = arith.addi %mul3A_88, %add3A_90 : vector<16xi32>
    %gather3A_92 = tpu.vector_load_idx %arg30[%add3A_91] : memref<1024xf32, #tpu.memory_space<vmem>>[vector<16xi32>], vector<16xf32>,
    %gather3A_93 = tpu.vector_load_idx %arg31[%add3A_91] : memref<1024xi32, #tpu.memory_space<vmem>>[vector<16xi32>], vector<16xi32>,
    %mul3A_94 = arith.constant 16 : i32
    %mul3A_95 = vector.broadcast %mul3A_94 : i32 to vector<16xi32>
    %mul3A_96 = arith.muli %gather3A_93, %mul3A_95 : vector<16xi32>
    %add3A_97 = arith.constant 1 : i32
    %add3A_98 = vector.broadcast %add3A_97 : i32 to vector<16xi32>
    %add3A_99 = arith.addi %mul3A_96, %add3A_98 : vector<16xi32>
    %add3A_100 = vector.broadcast %mul3A_32 : i32 to vector<16xi32>
    %add3A_101 = arith.addi %add3A_100, %add3A_99 : vector<16xi32>
    %gt3A_102 = arith.cmpf ogt, %gather3A_92, %select_n3A_84 : vector<16xf32>
    %eq3A_103 = arith.cmpf oeq, %gather3A_92, %select_n3A_84 : vector<16xf32>
    %lt3A_104 = arith.cmpi slt, %add3A_101, %select_n3A_85 : vector<16xi32>
    %and3A_105 = arith.andi %eq3A_103, %lt3A_104 : vector<16xi1>
    %or3A_106 = arith.ori %gt3A_102, %and3A_105 : vector<16xi1>
    %select_n3A_107 = arith.select %or3A_106, %gather3A_92, %select_n3A_84 : vector<16xi1>, vector<16xf32>
    %select_n3A_108 = arith.select %or3A_106, %add3A_101, %select_n3A_85 : vector<16xi1>, vector<16xi32>
    %mul3A_109 = arith.constant 16 : i32
    %mul3A_110 = vector.broadcast %mul3A_109 : i32 to vector<16xi32>
    %mul3A_111 = arith.muli %add3A_65, %mul3A_110 : vector<16xi32>
    %add3A_112 = arith.constant 2 : i32
    %add3A_113 = vector.broadcast %add3A_112 : i32 to vector<16xi32>
    %add3A_114 = arith.addi %mul3A_111, %add3A_113 : vector<16xi32>
    %gather3A_115 = tpu.vector_load_idx %arg30[%add3A_114] : memref<1024xf32, #tpu.memory_space<vmem>>[vector<16xi32>], vector<16xf32>,
    %gather3A_116 = tpu.vector_load_idx %arg31[%add3A_114] : memref<1024xi32, #tpu.memory_space<vmem>>[vector<16xi32>], vector<16xi32>,
    %mul3A_117 = arith.constant 16 : i32
    %mul3A_118 = vector.broadcast %mul3A_117 : i32 to vector<16xi32>
    %mul3A_119 = arith.muli %gather3A_116, %mul3A_118 : vector<16xi32>
    %add3A_120 = arith.constant 2 : i32
    %add3A_121 = vector.broadcast %add3A_120 : i32 to vector<16xi32>
    %add3A_122 = arith.addi %mul3A_119, %add3A_121 : vector<16xi32>
    %add3A_123 = vector.broadcast %mul3A_32 : i32 to vector<16xi32>
    %add3A_124 = arith.addi %add3A_123, %add3A_122 : vector<16xi32>
    %gt3A_125 = arith.cmpf ogt, %gather3A_115, %select_n3A_107 : vector<16xf32>
    %eq3A_126 = arith.cmpf oeq, %gather3A_115, %select_n3A_107 : vector<16xf32>
    %lt3A_127 = arith.cmpi slt, %add3A_124, %select_n3A_108 : vector<16xi32>
    %and3A_128 = arith.andi %eq3A_126, %lt3A_127 : vector<16xi1>
    %or3A_129 = arith.ori %gt3A_125, %and3A_128 : vector<16xi1>
    %select_n3A_130 = arith.select %or3A_129, %gather3A_115, %select_n3A_107 : vector<16xi1>, vector<16xf32>
    %select_n3A_131 = arith.select %or3A_129, %add3A_124, %select_n3A_108 : vector<16xi1>, vector<16xi32>
    %mul3A_132 = arith.constant 16 : i32
    %mul3A_133 = vector.broadcast %mul3A_132 : i32 to vector<16xi32>
    %mul3A_134 = arith.muli %add3A_65, %mul3A_133 : vector<16xi32>
    %add3A_135 = arith.constant 3 : i32
    %add3A_136 = vector.broadcast %add3A_135 : i32 to vector<16xi32>
    %add3A_137 = arith.addi %mul3A_134, %add3A_136 : vector<16xi32>
    %gather3A_138 = tpu.vector_load_idx %arg30[%add3A_137] : memref<1024xf32, #tpu.memory_space<vmem>>[vector<16xi32>], vector<16xf32>,
    %gather3A_139 = tpu.vector_load_idx %arg31[%add3A_137] : memref<1024xi32, #tpu.memory_space<vmem>>[vector<16xi32>], vector<16xi32>,
    %mul3A_140 = arith.constant 16 : i32
    %mul3A_141 = vector.broadcast %mul3A_140 : i32 to vector<16xi32>
    %mul3A_142 = arith.muli %gather3A_139, %mul3A_141 : vector<16xi32>
    %add3A_143 = arith.constant 3 : i32
    %add3A_144 = vector.broadcast %add3A_143 : i32 to vector<16xi32>
    %add3A_145 = arith.addi %mul3A_142, %add3A_144 : vector<16xi32>
    %add3A_146 = vector.broadcast %mul3A_32 : i32 to vector<16xi32>
    %add3A_147 = arith.addi %add3A_146, %add3A_145 : vector<16xi32>
    %gt3A_148 = arith.cmpf ogt, %gather3A_138, %select_n3A_130 : vector<16xf32>
    %eq3A_149 = arith.cmpf oeq, %gather3A_138, %select_n3A_130 : vector<16xf32>
    %lt3A_150 = arith.cmpi slt, %add3A_147, %select_n3A_131 : vector<16xi32>
    %and3A_151 = arith.andi %eq3A_149, %lt3A_150 : vector<16xi1>
    %or3A_152 = arith.ori %gt3A_148, %and3A_151 : vector<16xi1>
    %select_n3A_153 = arith.select %or3A_152, %gather3A_138, %select_n3A_130 : vector<16xi1>, vector<16xf32>
    %select_n3A_154 = arith.select %or3A_152, %add3A_147, %select_n3A_131 : vector<16xi1>, vector<16xi32>
    %mul3A_155 = arith.constant 16 : i32
    %mul3A_156 = vector.broadcast %mul3A_155 : i32 to vector<16xi32>
    %mul3A_157 = arith.muli %add3A_65, %mul3A_156 : vector<16xi32>
    %add3A_158 = arith.constant 4 : i32
    %add3A_159 = vector.broadcast %add3A_158 : i32 to vector<16xi32>
    %add3A_160 = arith.addi %mul3A_157, %add3A_159 : vector<16xi32>
    %gather3A_161 = tpu.vector_load_idx %arg30[%add3A_160] : memref<1024xf32, #tpu.memory_space<vmem>>[vector<16xi32>], vector<16xf32>,
    %gather3A_162 = tpu.vector_load_idx %arg31[%add3A_160] : memref<1024xi32, #tpu.memory_space<vmem>>[vector<16xi32>], vector<16xi32>,
    %mul3A_163 = arith.constant 16 : i32
    %mul3A_164 = vector.broadcast %mul3A_163 : i32 to vector<16xi32>
    %mul3A_165 = arith.muli %gather3A_162, %mul3A_164 : vector<16xi32>
    %add3A_166 = arith.constant 4 : i32
    %add3A_167 = vector.broadcast %add3A_166 : i32 to vector<16xi32>
    %add3A_168 = arith.addi %mul3A_165, %add3A_167 : vector<16xi32>
    %add3A_169 = vector.broadcast %mul3A_32 : i32 to vector<16xi32>
    %add3A_170 = arith.addi %add3A_169, %add3A_168 : vector<16xi32>
    %gt3A_171 = arith.cmpf ogt, %gather3A_161, %select_n3A_153 : vector<16xf32>
    %eq3A_172 = arith.cmpf oeq, %gather3A_161, %select_n3A_153 : vector<16xf32>
    %lt3A_173 = arith.cmpi slt, %add3A_170, %select_n3A_154 : vector<16xi32>
    %and3A_174 = arith.andi %eq3A_172, %lt3A_173 : vector<16xi1>
    %or3A_175 = arith.ori %gt3A_171, %and3A_174 : vector<16xi1>
    %select_n3A_176 = arith.select %or3A_175, %gather3A_161, %select_n3A_153 : vector<16xi1>, vector<16xf32>
    %select_n3A_177 = arith.select %or3A_175, %add3A_170, %select_n3A_154 : vector<16xi1>, vector<16xi32>
    %mul3A_178 = arith.constant 16 : i32
    %mul3A_179 = vector.broadcast %mul3A_178 : i32 to vector<16xi32>
    %mul3A_180 = arith.muli %add3A_65, %mul3A_179 : vector<16xi32>
    %add3A_181 = arith.constant 5 : i32
    %add3A_182 = vector.broadcast %add3A_181 : i32 to vector<16xi32>
    %add3A_183 = arith.addi %mul3A_180, %add3A_182 : vector<16xi32>
    %gather3A_184 = tpu.vector_load_idx %arg30[%add3A_183] : memref<1024xf32, #tpu.memory_space<vmem>>[vector<16xi32>], vector<16xf32>,
    %gather3A_185 = tpu.vector_load_idx %arg31[%add3A_183] : memref<1024xi32, #tpu.memory_space<vmem>>[vector<16xi32>], vector<16xi32>,
    %mul3A_186 = arith.constant 16 : i32
    %mul3A_187 = vector.broadcast %mul3A_186 : i32 to vector<16xi32>
    %mul3A_188 = arith.muli %gather3A_185, %mul3A_187 : vector<16xi32>
    %add3A_189 = arith.constant 5 : i32
    %add3A_190 = vector.broadcast %add3A_189 : i32 to vector<16xi32>
    %add3A_191 = arith.addi %mul3A_188, %add3A_190 : vector<16xi32>
    %add3A_192 = vector.broadcast %mul3A_32 : i32 to vector<16xi32>
    %add3A_193 = arith.addi %add3A_192, %add3A_191 : vector<16xi32>
    %gt3A_194 = arith.cmpf ogt, %gather3A_184, %select_n3A_176 : vector<16xf32>
    %eq3A_195 = arith.cmpf oeq, %gather3A_184, %select_n3A_176 : vector<16xf32>
    %lt3A_196 = arith.cmpi slt, %add3A_193, %select_n3A_177 : vector<16xi32>
    %and3A_197 = arith.andi %eq3A_195, %lt3A_196 : vector<16xi1>
    %or3A_198 = arith.ori %gt3A_194, %and3A_197 : vector<16xi1>
    %select_n3A_199 = arith.select %or3A_198, %gather3A_184, %select_n3A_176 : vector<16xi1>, vector<16xf32>
    %select_n3A_200 = arith.select %or3A_198, %add3A_193, %select_n3A_177 : vector<16xi1>, vector<16xi32>
    %mul3A_201 = arith.constant 16 : i32
    %mul3A_202 = vector.broadcast %mul3A_201 : i32 to vector<16xi32>
    %mul3A_203 = arith.muli %add3A_65, %mul3A_202 : vector<16xi32>
    %add3A_204 = arith.constant 6 : i32
    %add3A_205 = vector.broadcast %add3A_204 : i32 to vector<16xi32>
    %add3A_206 = arith.addi %mul3A_203, %add3A_205 : vector<16xi32>
    %gather3A_207 = tpu.vector_load_idx %arg30[%add3A_206] : memref<1024xf32, #tpu.memory_space<vmem>>[vector<16xi32>], vector<16xf32>,
    %gather3A_208 = tpu.vector_load_idx %arg31[%add3A_206] : memref<1024xi32, #tpu.memory_space<vmem>>[vector<16xi32>], vector<16xi32>,
    %mul3A_209 = arith.constant 16 : i32
    %mul3A_210 = vector.broadcast %mul3A_209 : i32 to vector<16xi32>
    %mul3A_211 = arith.muli %gather3A_208, %mul3A_210 : vector<16xi32>
    %add3A_212 = arith.constant 6 : i32
    %add3A_213 = vector.broadcast %add3A_212 : i32 to vector<16xi32>
    %add3A_214 = arith.addi %mul3A_211, %add3A_213 : vector<16xi32>
    %add3A_215 = vector.broadcast %mul3A_32 : i32 to vector<16xi32>
    %add3A_216 = arith.addi %add3A_215, %add3A_214 : vector<16xi32>
    %gt3A_217 = arith.cmpf ogt, %gather3A_207, %select_n3A_199 : vector<16xf32>
    %eq3A_218 = arith.cmpf oeq, %gather3A_207, %select_n3A_199 : vector<16xf32>
    %lt3A_219 = arith.cmpi slt, %add3A_216, %select_n3A_200 : vector<16xi32>
    %and3A_220 = arith.andi %eq3A_218, %lt3A_219 : vector<16xi1>
    %or3A_221 = arith.ori %gt3A_217, %and3A_220 : vector<16xi1>
    %select_n3A_222 = arith.select %or3A_221, %gather3A_207, %select_n3A_199 : vector<16xi1>, vector<16xf32>
    %select_n3A_223 = arith.select %or3A_221, %add3A_216, %select_n3A_200 : vector<16xi1>, vector<16xi32>
    %mul3A_224 = arith.constant 16 : i32
    %mul3A_225 = vector.broadcast %mul3A_224 : i32 to vector<16xi32>
    %mul3A_226 = arith.muli %add3A_65, %mul3A_225 : vector<16xi32>
    %add3A_227 = arith.constant 7 : i32
    %add3A_228 = vector.broadcast %add3A_227 : i32 to vector<16xi32>
    %add3A_229 = arith.addi %mul3A_226, %add3A_228 : vector<16xi32>
    %gather3A_230 = tpu.vector_load_idx %arg30[%add3A_229] : memref<1024xf32, #tpu.memory_space<vmem>>[vector<16xi32>], vector<16xf32>,
    %gather3A_231 = tpu.vector_load_idx %arg31[%add3A_229] : memref<1024xi32, #tpu.memory_space<vmem>>[vector<16xi32>], vector<16xi32>,
    %mul3A_232 = arith.constant 16 : i32
    %mul3A_233 = vector.broadcast %mul3A_232 : i32 to vector<16xi32>
    %mul3A_234 = arith.muli %gather3A_231, %mul3A_233 : vector<16xi32>
    %add3A_235 = arith.constant 7 : i32
    %add3A_236 = vector.broadcast %add3A_235 : i32 to vector<16xi32>
    %add3A_237 = arith.addi %mul3A_234, %add3A_236 : vector<16xi32>
    %add3A_238 = vector.broadcast %mul3A_32 : i32 to vector<16xi32>
    %add3A_239 = arith.addi %add3A_238, %add3A_237 : vector<16xi32>
    %gt3A_240 = arith.cmpf ogt, %gather3A_230, %select_n3A_222 : vector<16xf32>
    %eq3A_241 = arith.cmpf oeq, %gather3A_230, %select_n3A_222 : vector<16xf32>
    %lt3A_242 = arith.cmpi slt, %add3A_239, %select_n3A_223 : vector<16xi32>
    %and3A_243 = arith.andi %eq3A_241, %lt3A_242 : vector<16xi1>
    %or3A_244 = arith.ori %gt3A_240, %and3A_243 : vector<16xi1>
    %select_n3A_245 = arith.select %or3A_244, %gather3A_230, %select_n3A_222 : vector<16xi1>, vector<16xf32>
    %select_n3A_246 = arith.select %or3A_244, %add3A_239, %select_n3A_223 : vector<16xi1>, vector<16xi32>
    %mul3A_247 = arith.constant 16 : i32
    %mul3A_248 = vector.broadcast %mul3A_247 : i32 to vector<16xi32>
    %mul3A_249 = arith.muli %add3A_65, %mul3A_248 : vector<16xi32>
    %add3A_250 = arith.constant 8 : i32
    %add3A_251 = vector.broadcast %add3A_250 : i32 to vector<16xi32>
    %add3A_252 = arith.addi %mul3A_249, %add3A_251 : vector<16xi32>
    %gather3A_253 = tpu.vector_load_idx %arg30[%add3A_252] : memref<1024xf32, #tpu.memory_space<vmem>>[vector<16xi32>], vector<16xf32>,
    %gather3A_254 = tpu.vector_load_idx %arg31[%add3A_252] : memref<1024xi32, #tpu.memory_space<vmem>>[vector<16xi32>], vector<16xi32>,
    %mul3A_255 = arith.constant 16 : i32
    %mul3A_256 = vector.broadcast %mul3A_255 : i32 to vector<16xi32>
    %mul3A_257 = arith.muli %gather3A_254, %mul3A_256 : vector<16xi32>
    %add3A_258 = arith.constant 8 : i32
    %add3A_259 = vector.broadcast %add3A_258 : i32 to vector<16xi32>
    %add3A_260 = arith.addi %mul3A_257, %add3A_259 : vector<16xi32>
    %add3A_261 = vector.broadcast %mul3A_32 : i32 to vector<16xi32>
    %add3A_262 = arith.addi %add3A_261, %add3A_260 : vector<16xi32>
    %gt3A_263 = arith.cmpf ogt, %gather3A_253, %select_n3A_245 : vector<16xf32>
    %eq3A_264 = arith.cmpf oeq, %gather3A_253, %select_n3A_245 : vector<16xf32>
    %lt3A_265 = arith.cmpi slt, %add3A_262, %select_n3A_246 : vector<16xi32>
    %and3A_266 = arith.andi %eq3A_264, %lt3A_265 : vector<16xi1>
    %or3A_267 = arith.ori %gt3A_263, %and3A_266 : vector<16xi1>
    %select_n3A_268 = arith.select %or3A_267, %gather3A_253, %select_n3A_245 : vector<16xi1>, vector<16xf32>
    %select_n3A_269 = arith.select %or3A_267, %add3A_262, %select_n3A_246 : vector<16xi1>, vector<16xi32>
    %mul3A_270 = arith.constant 16 : i32
    %mul3A_271 = vector.broadcast %mul3A_270 : i32 to vector<16xi32>
    %mul3A_272 = arith.muli %add3A_65, %mul3A_271 : vector<16xi32>
    %add3A_273 = arith.constant 9 : i32
    %add3A_274 = vector.broadcast %add3A_273 : i32 to vector<16xi32>
    %add3A_275 = arith.addi %mul3A_272, %add3A_274 : vector<16xi32>
    %gather3A_276 = tpu.vector_load_idx %arg30[%add3A_275] : memref<1024xf32, #tpu.memory_space<vmem>>[vector<16xi32>], vector<16xf32>,
    %gather3A_277 = tpu.vector_load_idx %arg31[%add3A_275] : memref<1024xi32, #tpu.memory_space<vmem>>[vector<16xi32>], vector<16xi32>,
    %mul3A_278 = arith.constant 16 : i32
    %mul3A_279 = vector.broadcast %mul3A_278 : i32 to vector<16xi32>
    %mul3A_280 = arith.muli %gather3A_277, %mul3A_279 : vector<16xi32>
    %add3A_281 = arith.constant 9 : i32
    %add3A_282 = vector.broadcast %add3A_281 : i32 to vector<16xi32>
    %add3A_283 = arith.addi %mul3A_280, %add3A_282 : vector<16xi32>
    %add3A_284 = vector.broadcast %mul3A_32 : i32 to vector<16xi32>
    %add3A_285 = arith.addi %add3A_284, %add3A_283 : vector<16xi32>
    %gt3A_286 = arith.cmpf ogt, %gather3A_276, %select_n3A_268 : vector<16xf32>
    %eq3A_287 = arith.cmpf oeq, %gather3A_276, %select_n3A_268 : vector<16xf32>
    %lt3A_288 = arith.cmpi slt, %add3A_285, %select_n3A_269 : vector<16xi32>
    %and3A_289 = arith.andi %eq3A_287, %lt3A_288 : vector<16xi1>
    %or3A_290 = arith.ori %gt3A_286, %and3A_289 : vector<16xi1>
    %select_n3A_291 = arith.select %or3A_290, %gather3A_276, %select_n3A_268 : vector<16xi1>, vector<16xf32>
    %select_n3A_292 = arith.select %or3A_290, %add3A_285, %select_n3A_269 : vector<16xi1>, vector<16xi32>
    %mul3A_293 = arith.constant 16 : i32
    %mul3A_294 = vector.broadcast %mul3A_293 : i32 to vector<16xi32>
    %mul3A_295 = arith.muli %add3A_65, %mul3A_294 : vector<16xi32>
    %add3A_296 = arith.constant 10 : i32
    %add3A_297 = vector.broadcast %add3A_296 : i32 to vector<16xi32>
    %add3A_298 = arith.addi %mul3A_295, %add3A_297 : vector<16xi32>
    %gather3A_299 = tpu.vector_load_idx %arg30[%add3A_298] : memref<1024xf32, #tpu.memory_space<vmem>>[vector<16xi32>], vector<16xf32>,
    %gather3A_300 = tpu.vector_load_idx %arg31[%add3A_298] : memref<1024xi32, #tpu.memory_space<vmem>>[vector<16xi32>], vector<16xi32>,
    %mul3A_301 = arith.constant 16 : i32
    %mul3A_302 = vector.broadcast %mul3A_301 : i32 to vector<16xi32>
    %mul3A_303 = arith.muli %gather3A_300, %mul3A_302 : vector<16xi32>
    %add3A_304 = arith.constant 10 : i32
    %add3A_305 = vector.broadcast %add3A_304 : i32 to vector<16xi32>
    %add3A_306 = arith.addi %mul3A_303, %add3A_305 : vector<16xi32>
    %add3A_307 = vector.broadcast %mul3A_32 : i32 to vector<16xi32>
    %add3A_308 = arith.addi %add3A_307, %add3A_306 : vector<16xi32>
    %gt3A_309 = arith.cmpf ogt, %gather3A_299, %select_n3A_291 : vector<16xf32>
    %eq3A_310 = arith.cmpf oeq, %gather3A_299, %select_n3A_291 : vector<16xf32>
    %lt3A_311 = arith.cmpi slt, %add3A_308, %select_n3A_292 : vector<16xi32>
    %and3A_312 = arith.andi %eq3A_310, %lt3A_311 : vector<16xi1>
    %or3A_313 = arith.ori %gt3A_309, %and3A_312 : vector<16xi1>
    %select_n3A_314 = arith.select %or3A_313, %gather3A_299, %select_n3A_291 : vector<16xi1>, vector<16xf32>
    %select_n3A_315 = arith.select %or3A_313, %add3A_308, %select_n3A_292 : vector<16xi1>, vector<16xi32>
    %mul3A_316 = arith.constant 16 : i32
    %mul3A_317 = vector.broadcast %mul3A_316 : i32 to vector<16xi32>
    %mul3A_318 = arith.muli %add3A_65, %mul3A_317 : vector<16xi32>
    %add3A_319 = arith.constant 11 : i32
    %add3A_320 = vector.broadcast %add3A_319 : i32 to vector<16xi32>
    %add3A_321 = arith.addi %mul3A_318, %add3A_320 : vector<16xi32>
    %gather3A_322 = tpu.vector_load_idx %arg30[%add3A_321] : memref<1024xf32, #tpu.memory_space<vmem>>[vector<16xi32>], vector<16xf32>,
    %gather3A_323 = tpu.vector_load_idx %arg31[%add3A_321] : memref<1024xi32, #tpu.memory_space<vmem>>[vector<16xi32>], vector<16xi32>,
    %mul3A_324 = arith.constant 16 : i32
    %mul3A_325 = vector.broadcast %mul3A_324 : i32 to vector<16xi32>
    %mul3A_326 = arith.muli %gather3A_323, %mul3A_325 : vector<16xi32>
    %add3A_327 = arith.constant 11 : i32
    %add3A_328 = vector.broadcast %add3A_327 : i32 to vector<16xi32>
    %add3A_329 = arith.addi %mul3A_326, %add3A_328 : vector<16xi32>
    %add3A_330 = vector.broadcast %mul3A_32 : i32 to vector<16xi32>
    %add3A_331 = arith.addi %add3A_330, %add3A_329 : vector<16xi32>
    %gt3A_332 = arith.cmpf ogt, %gather3A_322, %select_n3A_314 : vector<16xf32>
    %eq3A_333 = arith.cmpf oeq, %gather3A_322, %select_n3A_314 : vector<16xf32>
    %lt3A_334 = arith.cmpi slt, %add3A_331, %select_n3A_315 : vector<16xi32>
    %and3A_335 = arith.andi %eq3A_333, %lt3A_334 : vector<16xi1>
    %or3A_336 = arith.ori %gt3A_332, %and3A_335 : vector<16xi1>
    %select_n3A_337 = arith.select %or3A_336, %gather3A_322, %select_n3A_314 : vector<16xi1>, vector<16xf32>
    %select_n3A_338 = arith.select %or3A_336, %add3A_331, %select_n3A_315 : vector<16xi1>, vector<16xi32>
    %mul3A_339 = arith.constant 16 : i32
    %mul3A_340 = vector.broadcast %mul3A_339 : i32 to vector<16xi32>
    %mul3A_341 = arith.muli %add3A_65, %mul3A_340 : vector<16xi32>
    %add3A_342 = arith.constant 12 : i32
    %add3A_343 = vector.broadcast %add3A_342 : i32 to vector<16xi32>
    %add3A_344 = arith.addi %mul3A_341, %add3A_343 : vector<16xi32>
    %gather3A_345 = tpu.vector_load_idx %arg30[%add3A_344] : memref<1024xf32, #tpu.memory_space<vmem>>[vector<16xi32>], vector<16xf32>,
    %gather3A_346 = tpu.vector_load_idx %arg31[%add3A_344] : memref<1024xi32, #tpu.memory_space<vmem>>[vector<16xi32>], vector<16xi32>,
    %mul3A_347 = arith.constant 16 : i32
    %mul3A_348 = vector.broadcast %mul3A_347 : i32 to vector<16xi32>
    %mul3A_349 = arith.muli %gather3A_346, %mul3A_348 : vector<16xi32>
    %add3A_350 = arith.constant 12 : i32
    %add3A_351 = vector.broadcast %add3A_350 : i32 to vector<16xi32>
    %add3A_352 = arith.addi %mul3A_349, %add3A_351 : vector<16xi32>
    %add3A_353 = vector.broadcast %mul3A_32 : i32 to vector<16xi32>
    %add3A_354 = arith.addi %add3A_353, %add3A_352 : vector<16xi32>
    %gt3A_355 = arith.cmpf ogt, %gather3A_345, %select_n3A_337 : vector<16xf32>
    %eq3A_356 = arith.cmpf oeq, %gather3A_345, %select_n3A_337 : vector<16xf32>
    %lt3A_357 = arith.cmpi slt, %add3A_354, %select_n3A_338 : vector<16xi32>
    %and3A_358 = arith.andi %eq3A_356, %lt3A_357 : vector<16xi1>
    %or3A_359 = arith.ori %gt3A_355, %and3A_358 : vector<16xi1>
    %select_n3A_360 = arith.select %or3A_359, %gather3A_345, %select_n3A_337 : vector<16xi1>, vector<16xf32>
    %select_n3A_361 = arith.select %or3A_359, %add3A_354, %select_n3A_338 : vector<16xi1>, vector<16xi32>
    %mul3A_362 = arith.constant 16 : i32
    %mul3A_363 = vector.broadcast %mul3A_362 : i32 to vector<16xi32>
    %mul3A_364 = arith.muli %add3A_65, %mul3A_363 : vector<16xi32>
    %add3A_365 = arith.constant 13 : i32
    %add3A_366 = vector.broadcast %add3A_365 : i32 to vector<16xi32>
    %add3A_367 = arith.addi %mul3A_364, %add3A_366 : vector<16xi32>
    %gather3A_368 = tpu.vector_load_idx %arg30[%add3A_367] : memref<1024xf32, #tpu.memory_space<vmem>>[vector<16xi32>], vector<16xf32>,
    %gather3A_369 = tpu.vector_load_idx %arg31[%add3A_367] : memref<1024xi32, #tpu.memory_space<vmem>>[vector<16xi32>], vector<16xi32>,
    %mul3A_370 = arith.constant 16 : i32
    %mul3A_371 = vector.broadcast %mul3A_370 : i32 to vector<16xi32>
    %mul3A_372 = arith.muli %gather3A_369, %mul3A_371 : vector<16xi32>
    %add3A_373 = arith.constant 13 : i32
    %add3A_374 = vector.broadcast %add3A_373 : i32 to vector<16xi32>
    %add3A_375 = arith.addi %mul3A_372, %add3A_374 : vector<16xi32>
    %add3A_376 = vector.broadcast %mul3A_32 : i32 to vector<16xi32>
    %add3A_377 = arith.addi %add3A_376, %add3A_375 : vector<16xi32>
    %gt3A_378 = arith.cmpf ogt, %gather3A_368, %select_n3A_360 : vector<16xf32>
    %eq3A_379 = arith.cmpf oeq, %gather3A_368, %select_n3A_360 : vector<16xf32>
    %lt3A_380 = arith.cmpi slt, %add3A_377, %select_n3A_361 : vector<16xi32>
    %and3A_381 = arith.andi %eq3A_379, %lt3A_380 : vector<16xi1>
    %or3A_382 = arith.ori %gt3A_378, %and3A_381 : vector<16xi1>
    %select_n3A_383 = arith.select %or3A_382, %gather3A_368, %select_n3A_360 : vector<16xi1>, vector<16xf32>
    %select_n3A_384 = arith.select %or3A_382, %add3A_377, %select_n3A_361 : vector<16xi1>, vector<16xi32>
    %mul3A_385 = arith.constant 16 : i32
    %mul3A_386 = vector.broadcast %mul3A_385 : i32 to vector<16xi32>
    %mul3A_387 = arith.muli %add3A_65, %mul3A_386 : vector<16xi32>
    %add3A_388 = arith.constant 14 : i32
    %add3A_389 = vector.broadcast %add3A_388 : i32 to vector<16xi32>
    %add3A_390 = arith.addi %mul3A_387, %add3A_389 : vector<16xi32>
    %gather3A_391 = tpu.vector_load_idx %arg30[%add3A_390] : memref<1024xf32, #tpu.memory_space<vmem>>[vector<16xi32>], vector<16xf32>,
    %gather3A_392 = tpu.vector_load_idx %arg31[%add3A_390] : memref<1024xi32, #tpu.memory_space<vmem>>[vector<16xi32>], vector<16xi32>,
    %mul3A_393 = arith.constant 16 : i32
    %mul3A_394 = vector.broadcast %mul3A_393 : i32 to vector<16xi32>
    %mul3A_395 = arith.muli %gather3A_392, %mul3A_394 : vector<16xi32>
    %add3A_396 = arith.constant 14 : i32
    %add3A_397 = vector.broadcast %add3A_396 : i32 to vector<16xi32>
    %add3A_398 = arith.addi %mul3A_395, %add3A_397 : vector<16xi32>
    %add3A_399 = vector.broadcast %mul3A_32 : i32 to vector<16xi32>
    %add3A_400 = arith.addi %add3A_399, %add3A_398 : vector<16xi32>
    %gt3A_401 = arith.cmpf ogt, %gather3A_391, %select_n3A_383 : vector<16xf32>
    %eq3A_402 = arith.cmpf oeq, %gather3A_391, %select_n3A_383 : vector<16xf32>
    %lt3A_403 = arith.cmpi slt, %add3A_400, %select_n3A_384 : vector<16xi32>
    %and3A_404 = arith.andi %eq3A_402, %lt3A_403 : vector<16xi1>
    %or3A_405 = arith.ori %gt3A_401, %and3A_404 : vector<16xi1>
    %select_n3A_406 = arith.select %or3A_405, %gather3A_391, %select_n3A_383 : vector<16xi1>, vector<16xf32>
    %select_n3A_407 = arith.select %or3A_405, %add3A_400, %select_n3A_384 : vector<16xi1>, vector<16xi32>
    %mul3A_408 = arith.constant 16 : i32
    %mul3A_409 = vector.broadcast %mul3A_408 : i32 to vector<16xi32>
    %mul3A_410 = arith.muli %add3A_65, %mul3A_409 : vector<16xi32>
    %add3A_411 = arith.constant 15 : i32
    %add3A_412 = vector.broadcast %add3A_411 : i32 to vector<16xi32>
    %add3A_413 = arith.addi %mul3A_410, %add3A_412 : vector<16xi32>
    %gather3A_414 = tpu.vector_load_idx %arg30[%add3A_413] : memref<1024xf32, #tpu.memory_space<vmem>>[vector<16xi32>], vector<16xf32>,
    %gather3A_415 = tpu.vector_load_idx %arg31[%add3A_413] : memref<1024xi32, #tpu.memory_space<vmem>>[vector<16xi32>], vector<16xi32>,
    %mul3A_416 = arith.constant 16 : i32
    %mul3A_417 = vector.broadcast %mul3A_416 : i32 to vector<16xi32>
    %mul3A_418 = arith.muli %gather3A_415, %mul3A_417 : vector<16xi32>
    %add3A_419 = arith.constant 15 : i32
    %add3A_420 = vector.broadcast %add3A_419 : i32 to vector<16xi32>
    %add3A_421 = arith.addi %mul3A_418, %add3A_420 : vector<16xi32>
    %add3A_422 = vector.broadcast %mul3A_32 : i32 to vector<16xi32>
    %add3A_423 = arith.addi %add3A_422, %add3A_421 : vector<16xi32>
    %gt3A_424 = arith.cmpf ogt, %gather3A_414, %select_n3A_406 : vector<16xf32>
    %eq3A_425 = arith.cmpf oeq, %gather3A_414, %select_n3A_406 : vector<16xf32>
    %lt3A_426 = arith.cmpi slt, %add3A_423, %select_n3A_407 : vector<16xi32>
    %and3A_427 = arith.andi %eq3A_425, %lt3A_426 : vector<16xi1>
    %or3A_428 = arith.ori %gt3A_424, %and3A_427 : vector<16xi1>
    %select_n3A_429 = arith.select %or3A_428, %gather3A_414, %select_n3A_406 : vector<16xi1>, vector<16xf32>
    %select_n3A_430 = arith.select %or3A_428, %add3A_423, %select_n3A_407 : vector<16xi1>, vector<16xi32>
    %swap3A = arith.constant 0 : index
    %swap3A_431 = tpu.vector_load %arg32[%swap3A] {strides = array<i32>} : memref<64xf32, #tpu.memory_space<vmem>>, vector<16xf32>,
    tpu.vector_store %arg32[%swap3A], %select_n3A_429 {strides = array<i32>} : memref<64xf32, #tpu.memory_space<vmem>>, vector<16xf32>,
    %swap3A_432 = arith.constant 0 : index
    %swap3A_433 = tpu.vector_load %arg33[%swap3A_432] {strides = array<i32>} : memref<64xi32, #tpu.memory_space<vmem>>, vector<16xi32>,
    tpu.vector_store %arg33[%swap3A_432], %select_n3A_430 {strides = array<i32>} : memref<64xi32, #tpu.memory_space<vmem>>, vector<16xi32>,
    %broadcast_in_dim3A_434 = arith.constant 16 : i32
    %broadcast_in_dim3A_435 = vector.broadcast %broadcast_in_dim3A_434 : i32 to vector<16xi32>
    %add3A_436 = arith.addi %broadcast_in_dim3A_435, %iota3A : vector<16xi32>
    %mul3A_437 = arith.constant 16 : i32
    %mul3A_438 = vector.broadcast %mul3A_437 : i32 to vector<16xi32>
    %mul3A_439 = arith.muli %add3A_436, %mul3A_438 : vector<16xi32>
    %add3A_440 = arith.constant 0 : i32
    %add3A_441 = vector.broadcast %add3A_440 : i32 to vector<16xi32>
    %add3A_442 = arith.addi %mul3A_439, %add3A_441 : vector<16xi32>
    %gather3A_443 = tpu.vector_load_idx %arg30[%add3A_442] : memref<1024xf32, #tpu.memory_space<vmem>>[vector<16xi32>], vector<16xf32>,
    %gather3A_444 = tpu.vector_load_idx %arg31[%add3A_442] : memref<1024xi32, #tpu.memory_space<vmem>>[vector<16xi32>], vector<16xi32>,
    %mul3A_445 = arith.constant 16 : i32
    %mul3A_446 = vector.broadcast %mul3A_445 : i32 to vector<16xi32>
    %mul3A_447 = arith.muli %gather3A_444, %mul3A_446 : vector<16xi32>
    %add3A_448 = arith.constant 0 : i32
    %add3A_449 = vector.broadcast %add3A_448 : i32 to vector<16xi32>
    %add3A_450 = arith.addi %mul3A_447, %add3A_449 : vector<16xi32>
    %add3A_451 = vector.broadcast %mul3A_32 : i32 to vector<16xi32>
    %add3A_452 = arith.addi %add3A_451, %add3A_450 : vector<16xi32>
    %gt3A_453 = arith.cmpf ogt, %gather3A_443, %broadcast_in_dim3A_43 : vector<16xf32>
    %eq3A_454 = arith.cmpf oeq, %gather3A_443, %broadcast_in_dim3A_43 : vector<16xf32>
    %lt3A_455 = arith.cmpi slt, %add3A_452, %broadcast_in_dim3A_45 : vector<16xi32>
    %and3A_456 = arith.andi %eq3A_454, %lt3A_455 : vector<16xi1>
    %or3A_457 = arith.ori %gt3A_453, %and3A_456 : vector<16xi1>
    %select_n3A_458 = arith.select %or3A_457, %gather3A_443, %broadcast_in_dim3A_43 : vector<16xi1>, vector<16xf32>
    %select_n3A_459 = arith.select %or3A_457, %add3A_452, %broadcast_in_dim3A_45 : vector<16xi1>, vector<16xi32>
    %mul3A_460 = arith.constant 16 : i32
    %mul3A_461 = vector.broadcast %mul3A_460 : i32 to vector<16xi32>
    %mul3A_462 = arith.muli %add3A_436, %mul3A_461 : vector<16xi32>
    %add3A_463 = arith.constant 1 : i32
    %add3A_464 = vector.broadcast %add3A_463 : i32 to vector<16xi32>
    %add3A_465 = arith.addi %mul3A_462, %add3A_464 : vector<16xi32>
    %gather3A_466 = tpu.vector_load_idx %arg30[%add3A_465] : memref<1024xf32, #tpu.memory_space<vmem>>[vector<16xi32>], vector<16xf32>,
    %gather3A_467 = tpu.vector_load_idx %arg31[%add3A_465] : memref<1024xi32, #tpu.memory_space<vmem>>[vector<16xi32>], vector<16xi32>,
    %mul3A_468 = arith.constant 16 : i32
    %mul3A_469 = vector.broadcast %mul3A_468 : i32 to vector<16xi32>
    %mul3A_470 = arith.muli %gather3A_467, %mul3A_469 : vector<16xi32>
    %add3A_471 = arith.constant 1 : i32
    %add3A_472 = vector.broadcast %add3A_471 : i32 to vector<16xi32>
    %add3A_473 = arith.addi %mul3A_470, %add3A_472 : vector<16xi32>
    %add3A_474 = vector.broadcast %mul3A_32 : i32 to vector<16xi32>
    %add3A_475 = arith.addi %add3A_474, %add3A_473 : vector<16xi32>
    %gt3A_476 = arith.cmpf ogt, %gather3A_466, %select_n3A_458 : vector<16xf32>
    %eq3A_477 = arith.cmpf oeq, %gather3A_466, %select_n3A_458 : vector<16xf32>
    %lt3A_478 = arith.cmpi slt, %add3A_475, %select_n3A_459 : vector<16xi32>
    %and3A_479 = arith.andi %eq3A_477, %lt3A_478 : vector<16xi1>
    %or3A_480 = arith.ori %gt3A_476, %and3A_479 : vector<16xi1>
    %select_n3A_481 = arith.select %or3A_480, %gather3A_466, %select_n3A_458 : vector<16xi1>, vector<16xf32>
    %select_n3A_482 = arith.select %or3A_480, %add3A_475, %select_n3A_459 : vector<16xi1>, vector<16xi32>
    %mul3A_483 = arith.constant 16 : i32
    %mul3A_484 = vector.broadcast %mul3A_483 : i32 to vector<16xi32>
    %mul3A_485 = arith.muli %add3A_436, %mul3A_484 : vector<16xi32>
    %add3A_486 = arith.constant 2 : i32
    %add3A_487 = vector.broadcast %add3A_486 : i32 to vector<16xi32>
    %add3A_488 = arith.addi %mul3A_485, %add3A_487 : vector<16xi32>
    %gather3A_489 = tpu.vector_load_idx %arg30[%add3A_488] : memref<1024xf32, #tpu.memory_space<vmem>>[vector<16xi32>], vector<16xf32>,
    %gather3A_490 = tpu.vector_load_idx %arg31[%add3A_488] : memref<1024xi32, #tpu.memory_space<vmem>>[vector<16xi32>], vector<16xi32>,
    %mul3A_491 = arith.constant 16 : i32
    %mul3A_492 = vector.broadcast %mul3A_491 : i32 to vector<16xi32>
    %mul3A_493 = arith.muli %gather3A_490, %mul3A_492 : vector<16xi32>
    %add3A_494 = arith.constant 2 : i32
    %add3A_495 = vector.broadcast %add3A_494 : i32 to vector<16xi32>
    %add3A_496 = arith.addi %mul3A_493, %add3A_495 : vector<16xi32>
    %add3A_497 = vector.broadcast %mul3A_32 : i32 to vector<16xi32>
    %add3A_498 = arith.addi %add3A_497, %add3A_496 : vector<16xi32>
    %gt3A_499 = arith.cmpf ogt, %gather3A_489, %select_n3A_481 : vector<16xf32>
    %eq3A_500 = arith.cmpf oeq, %gather3A_489, %select_n3A_481 : vector<16xf32>
    %lt3A_501 = arith.cmpi slt, %add3A_498, %select_n3A_482 : vector<16xi32>
    %and3A_502 = arith.andi %eq3A_500, %lt3A_501 : vector<16xi1>
    %or3A_503 = arith.ori %gt3A_499, %and3A_502 : vector<16xi1>
    %select_n3A_504 = arith.select %or3A_503, %gather3A_489, %select_n3A_481 : vector<16xi1>, vector<16xf32>
    %select_n3A_505 = arith.select %or3A_503, %add3A_498, %select_n3A_482 : vector<16xi1>, vector<16xi32>
    %mul3A_506 = arith.constant 16 : i32
    %mul3A_507 = vector.broadcast %mul3A_506 : i32 to vector<16xi32>
    %mul3A_508 = arith.muli %add3A_436, %mul3A_507 : vector<16xi32>
    %add3A_509 = arith.constant 3 : i32
    %add3A_510 = vector.broadcast %add3A_509 : i32 to vector<16xi32>
    %add3A_511 = arith.addi %mul3A_508, %add3A_510 : vector<16xi32>
    %gather3A_512 = tpu.vector_load_idx %arg30[%add3A_511] : memref<1024xf32, #tpu.memory_space<vmem>>[vector<16xi32>], vector<16xf32>,
    %gather3A_513 = tpu.vector_load_idx %arg31[%add3A_511] : memref<1024xi32, #tpu.memory_space<vmem>>[vector<16xi32>], vector<16xi32>,
    %mul3A_514 = arith.constant 16 : i32
    %mul3A_515 = vector.broadcast %mul3A_514 : i32 to vector<16xi32>
    %mul3A_516 = arith.muli %gather3A_513, %mul3A_515 : vector<16xi32>
    %add3A_517 = arith.constant 3 : i32
    %add3A_518 = vector.broadcast %add3A_517 : i32 to vector<16xi32>
    %add3A_519 = arith.addi %mul3A_516, %add3A_518 : vector<16xi32>
    %add3A_520 = vector.broadcast %mul3A_32 : i32 to vector<16xi32>
    %add3A_521 = arith.addi %add3A_520, %add3A_519 : vector<16xi32>
    %gt3A_522 = arith.cmpf ogt, %gather3A_512, %select_n3A_504 : vector<16xf32>
    %eq3A_523 = arith.cmpf oeq, %gather3A_512, %select_n3A_504 : vector<16xf32>
    %lt3A_524 = arith.cmpi slt, %add3A_521, %select_n3A_505 : vector<16xi32>
    %and3A_525 = arith.andi %eq3A_523, %lt3A_524 : vector<16xi1>
    %or3A_526 = arith.ori %gt3A_522, %and3A_525 : vector<16xi1>
    %select_n3A_527 = arith.select %or3A_526, %gather3A_512, %select_n3A_504 : vector<16xi1>, vector<16xf32>
    %select_n3A_528 = arith.select %or3A_526, %add3A_521, %select_n3A_505 : vector<16xi1>, vector<16xi32>
    %mul3A_529 = arith.constant 16 : i32
    %mul3A_530 = vector.broadcast %mul3A_529 : i32 to vector<16xi32>
    %mul3A_531 = arith.muli %add3A_436, %mul3A_530 : vector<16xi32>
    %add3A_532 = arith.constant 4 : i32
    %add3A_533 = vector.broadcast %add3A_532 : i32 to vector<16xi32>
    %add3A_534 = arith.addi %mul3A_531, %add3A_533 : vector<16xi32>
    %gather3A_535 = tpu.vector_load_idx %arg30[%add3A_534] : memref<1024xf32, #tpu.memory_space<vmem>>[vector<16xi32>], vector<16xf32>,
    %gather3A_536 = tpu.vector_load_idx %arg31[%add3A_534] : memref<1024xi32, #tpu.memory_space<vmem>>[vector<16xi32>], vector<16xi32>,
    %mul3A_537 = arith.constant 16 : i32
    %mul3A_538 = vector.broadcast %mul3A_537 : i32 to vector<16xi32>
    %mul3A_539 = arith.muli %gather3A_536, %mul3A_538 : vector<16xi32>
    %add3A_540 = arith.constant 4 : i32
    %add3A_541 = vector.broadcast %add3A_540 : i32 to vector<16xi32>
    %add3A_542 = arith.addi %mul3A_539, %add3A_541 : vector<16xi32>
    %add3A_543 = vector.broadcast %mul3A_32 : i32 to vector<16xi32>
    %add3A_544 = arith.addi %add3A_543, %add3A_542 : vector<16xi32>
    %gt3A_545 = arith.cmpf ogt, %gather3A_535, %select_n3A_527 : vector<16xf32>
    %eq3A_546 = arith.cmpf oeq, %gather3A_535, %select_n3A_527 : vector<16xf32>
    %lt3A_547 = arith.cmpi slt, %add3A_544, %select_n3A_528 : vector<16xi32>
    %and3A_548 = arith.andi %eq3A_546, %lt3A_547 : vector<16xi1>
    %or3A_549 = arith.ori %gt3A_545, %and3A_548 : vector<16xi1>
    %select_n3A_550 = arith.select %or3A_549, %gather3A_535, %select_n3A_527 : vector<16xi1>, vector<16xf32>
    %select_n3A_551 = arith.select %or3A_549, %add3A_544, %select_n3A_528 : vector<16xi1>, vector<16xi32>
    %mul3A_552 = arith.constant 16 : i32
    %mul3A_553 = vector.broadcast %mul3A_552 : i32 to vector<16xi32>
    %mul3A_554 = arith.muli %add3A_436, %mul3A_553 : vector<16xi32>
    %add3A_555 = arith.constant 5 : i32
    %add3A_556 = vector.broadcast %add3A_555 : i32 to vector<16xi32>
    %add3A_557 = arith.addi %mul3A_554, %add3A_556 : vector<16xi32>
    %gather3A_558 = tpu.vector_load_idx %arg30[%add3A_557] : memref<1024xf32, #tpu.memory_space<vmem>>[vector<16xi32>], vector<16xf32>,
    %gather3A_559 = tpu.vector_load_idx %arg31[%add3A_557] : memref<1024xi32, #tpu.memory_space<vmem>>[vector<16xi32>], vector<16xi32>,
    %mul3A_560 = arith.constant 16 : i32
    %mul3A_561 = vector.broadcast %mul3A_560 : i32 to vector<16xi32>
    %mul3A_562 = arith.muli %gather3A_559, %mul3A_561 : vector<16xi32>
    %add3A_563 = arith.constant 5 : i32
    %add3A_564 = vector.broadcast %add3A_563 : i32 to vector<16xi32>
    %add3A_565 = arith.addi %mul3A_562, %add3A_564 : vector<16xi32>
    %add3A_566 = vector.broadcast %mul3A_32 : i32 to vector<16xi32>
    %add3A_567 = arith.addi %add3A_566, %add3A_565 : vector<16xi32>
    %gt3A_568 = arith.cmpf ogt, %gather3A_558, %select_n3A_550 : vector<16xf32>
    %eq3A_569 = arith.cmpf oeq, %gather3A_558, %select_n3A_550 : vector<16xf32>
    %lt3A_570 = arith.cmpi slt, %add3A_567, %select_n3A_551 : vector<16xi32>
    %and3A_571 = arith.andi %eq3A_569, %lt3A_570 : vector<16xi1>
    %or3A_572 = arith.ori %gt3A_568, %and3A_571 : vector<16xi1>
    %select_n3A_573 = arith.select %or3A_572, %gather3A_558, %select_n3A_550 : vector<16xi1>, vector<16xf32>
    %select_n3A_574 = arith.select %or3A_572, %add3A_567, %select_n3A_551 : vector<16xi1>, vector<16xi32>
    %mul3A_575 = arith.constant 16 : i32
    %mul3A_576 = vector.broadcast %mul3A_575 : i32 to vector<16xi32>
    %mul3A_577 = arith.muli %add3A_436, %mul3A_576 : vector<16xi32>
    %add3A_578 = arith.constant 6 : i32
    %add3A_579 = vector.broadcast %add3A_578 : i32 to vector<16xi32>
    %add3A_580 = arith.addi %mul3A_577, %add3A_579 : vector<16xi32>
    %gather3A_581 = tpu.vector_load_idx %arg30[%add3A_580] : memref<1024xf32, #tpu.memory_space<vmem>>[vector<16xi32>], vector<16xf32>,
    %gather3A_582 = tpu.vector_load_idx %arg31[%add3A_580] : memref<1024xi32, #tpu.memory_space<vmem>>[vector<16xi32>], vector<16xi32>,
    %mul3A_583 = arith.constant 16 : i32
    %mul3A_584 = vector.broadcast %mul3A_583 : i32 to vector<16xi32>
    %mul3A_585 = arith.muli %gather3A_582, %mul3A_584 : vector<16xi32>
    %add3A_586 = arith.constant 6 : i32
    %add3A_587 = vector.broadcast %add3A_586 : i32 to vector<16xi32>
    %add3A_588 = arith.addi %mul3A_585, %add3A_587 : vector<16xi32>
    %add3A_589 = vector.broadcast %mul3A_32 : i32 to vector<16xi32>
    %add3A_590 = arith.addi %add3A_589, %add3A_588 : vector<16xi32>
    %gt3A_591 = arith.cmpf ogt, %gather3A_581, %select_n3A_573 : vector<16xf32>
    %eq3A_592 = arith.cmpf oeq, %gather3A_581, %select_n3A_573 : vector<16xf32>
    %lt3A_593 = arith.cmpi slt, %add3A_590, %select_n3A_574 : vector<16xi32>
    %and3A_594 = arith.andi %eq3A_592, %lt3A_593 : vector<16xi1>
    %or3A_595 = arith.ori %gt3A_591, %and3A_594 : vector<16xi1>
    %select_n3A_596 = arith.select %or3A_595, %gather3A_581, %select_n3A_573 : vector<16xi1>, vector<16xf32>
    %select_n3A_597 = arith.select %or3A_595, %add3A_590, %select_n3A_574 : vector<16xi1>, vector<16xi32>
    %mul3A_598 = arith.constant 16 : i32
    %mul3A_599 = vector.broadcast %mul3A_598 : i32 to vector<16xi32>
    %mul3A_600 = arith.muli %add3A_436, %mul3A_599 : vector<16xi32>
    %add3A_601 = arith.constant 7 : i32
    %add3A_602 = vector.broadcast %add3A_601 : i32 to vector<16xi32>
    %add3A_603 = arith.addi %mul3A_600, %add3A_602 : vector<16xi32>
    %gather3A_604 = tpu.vector_load_idx %arg30[%add3A_603] : memref<1024xf32, #tpu.memory_space<vmem>>[vector<16xi32>], vector<16xf32>,
    %gather3A_605 = tpu.vector_load_idx %arg31[%add3A_603] : memref<1024xi32, #tpu.memory_space<vmem>>[vector<16xi32>], vector<16xi32>,
    %mul3A_606 = arith.constant 16 : i32
    %mul3A_607 = vector.broadcast %mul3A_606 : i32 to vector<16xi32>
    %mul3A_608 = arith.muli %gather3A_605, %mul3A_607 : vector<16xi32>
    %add3A_609 = arith.constant 7 : i32
    %add3A_610 = vector.broadcast %add3A_609 : i32 to vector<16xi32>
    %add3A_611 = arith.addi %mul3A_608, %add3A_610 : vector<16xi32>
    %add3A_612 = vector.broadcast %mul3A_32 : i32 to vector<16xi32>
    %add3A_613 = arith.addi %add3A_612, %add3A_611 : vector<16xi32>
    %gt3A_614 = arith.cmpf ogt, %gather3A_604, %select_n3A_596 : vector<16xf32>
    %eq3A_615 = arith.cmpf oeq, %gather3A_604, %select_n3A_596 : vector<16xf32>
    %lt3A_616 = arith.cmpi slt, %add3A_613, %select_n3A_597 : vector<16xi32>
    %and3A_617 = arith.andi %eq3A_615, %lt3A_616 : vector<16xi1>
    %or3A_618 = arith.ori %gt3A_614, %and3A_617 : vector<16xi1>
    %select_n3A_619 = arith.select %or3A_618, %gather3A_604, %select_n3A_596 : vector<16xi1>, vector<16xf32>
    %select_n3A_620 = arith.select %or3A_618, %add3A_613, %select_n3A_597 : vector<16xi1>, vector<16xi32>
    %mul3A_621 = arith.constant 16 : i32
    %mul3A_622 = vector.broadcast %mul3A_621 : i32 to vector<16xi32>
    %mul3A_623 = arith.muli %add3A_436, %mul3A_622 : vector<16xi32>
    %add3A_624 = arith.constant 8 : i32
    %add3A_625 = vector.broadcast %add3A_624 : i32 to vector<16xi32>
    %add3A_626 = arith.addi %mul3A_623, %add3A_625 : vector<16xi32>
    %gather3A_627 = tpu.vector_load_idx %arg30[%add3A_626] : memref<1024xf32, #tpu.memory_space<vmem>>[vector<16xi32>], vector<16xf32>,
    %gather3A_628 = tpu.vector_load_idx %arg31[%add3A_626] : memref<1024xi32, #tpu.memory_space<vmem>>[vector<16xi32>], vector<16xi32>,
    %mul3A_629 = arith.constant 16 : i32
    %mul3A_630 = vector.broadcast %mul3A_629 : i32 to vector<16xi32>
    %mul3A_631 = arith.muli %gather3A_628, %mul3A_630 : vector<16xi32>
    %add3A_632 = arith.constant 8 : i32
    %add3A_633 = vector.broadcast %add3A_632 : i32 to vector<16xi32>
    %add3A_634 = arith.addi %mul3A_631, %add3A_633 : vector<16xi32>
    %add3A_635 = vector.broadcast %mul3A_32 : i32 to vector<16xi32>
    %add3A_636 = arith.addi %add3A_635, %add3A_634 : vector<16xi32>
    %gt3A_637 = arith.cmpf ogt, %gather3A_627, %select_n3A_619 : vector<16xf32>
    %eq3A_638 = arith.cmpf oeq, %gather3A_627, %select_n3A_619 : vector<16xf32>
    %lt3A_639 = arith.cmpi slt, %add3A_636, %select_n3A_620 : vector<16xi32>
    %and3A_640 = arith.andi %eq3A_638, %lt3A_639 : vector<16xi1>
    %or3A_641 = arith.ori %gt3A_637, %and3A_640 : vector<16xi1>
    %select_n3A_642 = arith.select %or3A_641, %gather3A_627, %select_n3A_619 : vector<16xi1>, vector<16xf32>
    %select_n3A_643 = arith.select %or3A_641, %add3A_636, %select_n3A_620 : vector<16xi1>, vector<16xi32>
    %mul3A_644 = arith.constant 16 : i32
    %mul3A_645 = vector.broadcast %mul3A_644 : i32 to vector<16xi32>
    %mul3A_646 = arith.muli %add3A_436, %mul3A_645 : vector<16xi32>
    %add3A_647 = arith.constant 9 : i32
    %add3A_648 = vector.broadcast %add3A_647 : i32 to vector<16xi32>
    %add3A_649 = arith.addi %mul3A_646, %add3A_648 : vector<16xi32>
    %gather3A_650 = tpu.vector_load_idx %arg30[%add3A_649] : memref<1024xf32, #tpu.memory_space<vmem>>[vector<16xi32>], vector<16xf32>,
    %gather3A_651 = tpu.vector_load_idx %arg31[%add3A_649] : memref<1024xi32, #tpu.memory_space<vmem>>[vector<16xi32>], vector<16xi32>,
    %mul3A_652 = arith.constant 16 : i32
    %mul3A_653 = vector.broadcast %mul3A_652 : i32 to vector<16xi32>
    %mul3A_654 = arith.muli %gather3A_651, %mul3A_653 : vector<16xi32>
    %add3A_655 = arith.constant 9 : i32
    %add3A_656 = vector.broadcast %add3A_655 : i32 to vector<16xi32>
    %add3A_657 = arith.addi %mul3A_654, %add3A_656 : vector<16xi32>
    %add3A_658 = vector.broadcast %mul3A_32 : i32 to vector<16xi32>
    %add3A_659 = arith.addi %add3A_658, %add3A_657 : vector<16xi32>
    %gt3A_660 = arith.cmpf ogt, %gather3A_650, %select_n3A_642 : vector<16xf32>
    %eq3A_661 = arith.cmpf oeq, %gather3A_650, %select_n3A_642 : vector<16xf32>
    %lt3A_662 = arith.cmpi slt, %add3A_659, %select_n3A_643 : vector<16xi32>
    %and3A_663 = arith.andi %eq3A_661, %lt3A_662 : vector<16xi1>
    %or3A_664 = arith.ori %gt3A_660, %and3A_663 : vector<16xi1>
    %select_n3A_665 = arith.select %or3A_664, %gather3A_650, %select_n3A_642 : vector<16xi1>, vector<16xf32>
    %select_n3A_666 = arith.select %or3A_664, %add3A_659, %select_n3A_643 : vector<16xi1>, vector<16xi32>
    %mul3A_667 = arith.constant 16 : i32
    %mul3A_668 = vector.broadcast %mul3A_667 : i32 to vector<16xi32>
    %mul3A_669 = arith.muli %add3A_436, %mul3A_668 : vector<16xi32>
    %add3A_670 = arith.constant 10 : i32
    %add3A_671 = vector.broadcast %add3A_670 : i32 to vector<16xi32>
    %add3A_672 = arith.addi %mul3A_669, %add3A_671 : vector<16xi32>
    %gather3A_673 = tpu.vector_load_idx %arg30[%add3A_672] : memref<1024xf32, #tpu.memory_space<vmem>>[vector<16xi32>], vector<16xf32>,
    %gather3A_674 = tpu.vector_load_idx %arg31[%add3A_672] : memref<1024xi32, #tpu.memory_space<vmem>>[vector<16xi32>], vector<16xi32>,
    %mul3A_675 = arith.constant 16 : i32
    %mul3A_676 = vector.broadcast %mul3A_675 : i32 to vector<16xi32>
    %mul3A_677 = arith.muli %gather3A_674, %mul3A_676 : vector<16xi32>
    %add3A_678 = arith.constant 10 : i32
    %add3A_679 = vector.broadcast %add3A_678 : i32 to vector<16xi32>
    %add3A_680 = arith.addi %mul3A_677, %add3A_679 : vector<16xi32>
    %add3A_681 = vector.broadcast %mul3A_32 : i32 to vector<16xi32>
    %add3A_682 = arith.addi %add3A_681, %add3A_680 : vector<16xi32>
    %gt3A_683 = arith.cmpf ogt, %gather3A_673, %select_n3A_665 : vector<16xf32>
    %eq3A_684 = arith.cmpf oeq, %gather3A_673, %select_n3A_665 : vector<16xf32>
    %lt3A_685 = arith.cmpi slt, %add3A_682, %select_n3A_666 : vector<16xi32>
    %and3A_686 = arith.andi %eq3A_684, %lt3A_685 : vector<16xi1>
    %or3A_687 = arith.ori %gt3A_683, %and3A_686 : vector<16xi1>
    %select_n3A_688 = arith.select %or3A_687, %gather3A_673, %select_n3A_665 : vector<16xi1>, vector<16xf32>
    %select_n3A_689 = arith.select %or3A_687, %add3A_682, %select_n3A_666 : vector<16xi1>, vector<16xi32>
    %mul3A_690 = arith.constant 16 : i32
    %mul3A_691 = vector.broadcast %mul3A_690 : i32 to vector<16xi32>
    %mul3A_692 = arith.muli %add3A_436, %mul3A_691 : vector<16xi32>
    %add3A_693 = arith.constant 11 : i32
    %add3A_694 = vector.broadcast %add3A_693 : i32 to vector<16xi32>
    %add3A_695 = arith.addi %mul3A_692, %add3A_694 : vector<16xi32>
    %gather3A_696 = tpu.vector_load_idx %arg30[%add3A_695] : memref<1024xf32, #tpu.memory_space<vmem>>[vector<16xi32>], vector<16xf32>,
    %gather3A_697 = tpu.vector_load_idx %arg31[%add3A_695] : memref<1024xi32, #tpu.memory_space<vmem>>[vector<16xi32>], vector<16xi32>,
    %mul3A_698 = arith.constant 16 : i32
    %mul3A_699 = vector.broadcast %mul3A_698 : i32 to vector<16xi32>
    %mul3A_700 = arith.muli %gather3A_697, %mul3A_699 : vector<16xi32>
    %add3A_701 = arith.constant 11 : i32
    %add3A_702 = vector.broadcast %add3A_701 : i32 to vector<16xi32>
    %add3A_703 = arith.addi %mul3A_700, %add3A_702 : vector<16xi32>
    %add3A_704 = vector.broadcast %mul3A_32 : i32 to vector<16xi32>
    %add3A_705 = arith.addi %add3A_704, %add3A_703 : vector<16xi32>
    %gt3A_706 = arith.cmpf ogt, %gather3A_696, %select_n3A_688 : vector<16xf32>
    %eq3A_707 = arith.cmpf oeq, %gather3A_696, %select_n3A_688 : vector<16xf32>
    %lt3A_708 = arith.cmpi slt, %add3A_705, %select_n3A_689 : vector<16xi32>
    %and3A_709 = arith.andi %eq3A_707, %lt3A_708 : vector<16xi1>
    %or3A_710 = arith.ori %gt3A_706, %and3A_709 : vector<16xi1>
    %select_n3A_711 = arith.select %or3A_710, %gather3A_696, %select_n3A_688 : vector<16xi1>, vector<16xf32>
    %select_n3A_712 = arith.select %or3A_710, %add3A_705, %select_n3A_689 : vector<16xi1>, vector<16xi32>
    %mul3A_713 = arith.constant 16 : i32
    %mul3A_714 = vector.broadcast %mul3A_713 : i32 to vector<16xi32>
    %mul3A_715 = arith.muli %add3A_436, %mul3A_714 : vector<16xi32>
    %add3A_716 = arith.constant 12 : i32
    %add3A_717 = vector.broadcast %add3A_716 : i32 to vector<16xi32>
    %add3A_718 = arith.addi %mul3A_715, %add3A_717 : vector<16xi32>
    %gather3A_719 = tpu.vector_load_idx %arg30[%add3A_718] : memref<1024xf32, #tpu.memory_space<vmem>>[vector<16xi32>], vector<16xf32>,
    %gather3A_720 = tpu.vector_load_idx %arg31[%add3A_718] : memref<1024xi32, #tpu.memory_space<vmem>>[vector<16xi32>], vector<16xi32>,
    %mul3A_721 = arith.constant 16 : i32
    %mul3A_722 = vector.broadcast %mul3A_721 : i32 to vector<16xi32>
    %mul3A_723 = arith.muli %gather3A_720, %mul3A_722 : vector<16xi32>
    %add3A_724 = arith.constant 12 : i32
    %add3A_725 = vector.broadcast %add3A_724 : i32 to vector<16xi32>
    %add3A_726 = arith.addi %mul3A_723, %add3A_725 : vector<16xi32>
    %add3A_727 = vector.broadcast %mul3A_32 : i32 to vector<16xi32>
    %add3A_728 = arith.addi %add3A_727, %add3A_726 : vector<16xi32>
    %gt3A_729 = arith.cmpf ogt, %gather3A_719, %select_n3A_711 : vector<16xf32>
    %eq3A_730 = arith.cmpf oeq, %gather3A_719, %select_n3A_711 : vector<16xf32>
    %lt3A_731 = arith.cmpi slt, %add3A_728, %select_n3A_712 : vector<16xi32>
    %and3A_732 = arith.andi %eq3A_730, %lt3A_731 : vector<16xi1>
    %or3A_733 = arith.ori %gt3A_729, %and3A_732 : vector<16xi1>
    %select_n3A_734 = arith.select %or3A_733, %gather3A_719, %select_n3A_711 : vector<16xi1>, vector<16xf32>
    %select_n3A_735 = arith.select %or3A_733, %add3A_728, %select_n3A_712 : vector<16xi1>, vector<16xi32>
    %mul3A_736 = arith.constant 16 : i32
    %mul3A_737 = vector.broadcast %mul3A_736 : i32 to vector<16xi32>
    %mul3A_738 = arith.muli %add3A_436, %mul3A_737 : vector<16xi32>
    %add3A_739 = arith.constant 13 : i32
    %add3A_740 = vector.broadcast %add3A_739 : i32 to vector<16xi32>
    %add3A_741 = arith.addi %mul3A_738, %add3A_740 : vector<16xi32>
    %gather3A_742 = tpu.vector_load_idx %arg30[%add3A_741] : memref<1024xf32, #tpu.memory_space<vmem>>[vector<16xi32>], vector<16xf32>,
    %gather3A_743 = tpu.vector_load_idx %arg31[%add3A_741] : memref<1024xi32, #tpu.memory_space<vmem>>[vector<16xi32>], vector<16xi32>,
    %mul3A_744 = arith.constant 16 : i32
    %mul3A_745 = vector.broadcast %mul3A_744 : i32 to vector<16xi32>
    %mul3A_746 = arith.muli %gather3A_743, %mul3A_745 : vector<16xi32>
    %add3A_747 = arith.constant 13 : i32
    %add3A_748 = vector.broadcast %add3A_747 : i32 to vector<16xi32>
    %add3A_749 = arith.addi %mul3A_746, %add3A_748 : vector<16xi32>
    %add3A_750 = vector.broadcast %mul3A_32 : i32 to vector<16xi32>
    %add3A_751 = arith.addi %add3A_750, %add3A_749 : vector<16xi32>
    %gt3A_752 = arith.cmpf ogt, %gather3A_742, %select_n3A_734 : vector<16xf32>
    %eq3A_753 = arith.cmpf oeq, %gather3A_742, %select_n3A_734 : vector<16xf32>
    %lt3A_754 = arith.cmpi slt, %add3A_751, %select_n3A_735 : vector<16xi32>
    %and3A_755 = arith.andi %eq3A_753, %lt3A_754 : vector<16xi1>
    %or3A_756 = arith.ori %gt3A_752, %and3A_755 : vector<16xi1>
    %select_n3A_757 = arith.select %or3A_756, %gather3A_742, %select_n3A_734 : vector<16xi1>, vector<16xf32>
    %select_n3A_758 = arith.select %or3A_756, %add3A_751, %select_n3A_735 : vector<16xi1>, vector<16xi32>
    %mul3A_759 = arith.constant 16 : i32
    %mul3A_760 = vector.broadcast %mul3A_759 : i32 to vector<16xi32>
    %mul3A_761 = arith.muli %add3A_436, %mul3A_760 : vector<16xi32>
    %add3A_762 = arith.constant 14 : i32
    %add3A_763 = vector.broadcast %add3A_762 : i32 to vector<16xi32>
    %add3A_764 = arith.addi %mul3A_761, %add3A_763 : vector<16xi32>
    %gather3A_765 = tpu.vector_load_idx %arg30[%add3A_764] : memref<1024xf32, #tpu.memory_space<vmem>>[vector<16xi32>], vector<16xf32>,
    %gather3A_766 = tpu.vector_load_idx %arg31[%add3A_764] : memref<1024xi32, #tpu.memory_space<vmem>>[vector<16xi32>], vector<16xi32>,
    %mul3A_767 = arith.constant 16 : i32
    %mul3A_768 = vector.broadcast %mul3A_767 : i32 to vector<16xi32>
    %mul3A_769 = arith.muli %gather3A_766, %mul3A_768 : vector<16xi32>
    %add3A_770 = arith.constant 14 : i32
    %add3A_771 = vector.broadcast %add3A_770 : i32 to vector<16xi32>
    %add3A_772 = arith.addi %mul3A_769, %add3A_771 : vector<16xi32>
    %add3A_773 = vector.broadcast %mul3A_32 : i32 to vector<16xi32>
    %add3A_774 = arith.addi %add3A_773, %add3A_772 : vector<16xi32>
    %gt3A_775 = arith.cmpf ogt, %gather3A_765, %select_n3A_757 : vector<16xf32>
    %eq3A_776 = arith.cmpf oeq, %gather3A_765, %select_n3A_757 : vector<16xf32>
    %lt3A_777 = arith.cmpi slt, %add3A_774, %select_n3A_758 : vector<16xi32>
    %and3A_778 = arith.andi %eq3A_776, %lt3A_777 : vector<16xi1>
    %or3A_779 = arith.ori %gt3A_775, %and3A_778 : vector<16xi1>
    %select_n3A_780 = arith.select %or3A_779, %gather3A_765, %select_n3A_757 : vector<16xi1>, vector<16xf32>
    %select_n3A_781 = arith.select %or3A_779, %add3A_774, %select_n3A_758 : vector<16xi1>, vector<16xi32>
    %mul3A_782 = arith.constant 16 : i32
    %mul3A_783 = vector.broadcast %mul3A_782 : i32 to vector<16xi32>
    %mul3A_784 = arith.muli %add3A_436, %mul3A_783 : vector<16xi32>
    %add3A_785 = arith.constant 15 : i32
    %add3A_786 = vector.broadcast %add3A_785 : i32 to vector<16xi32>
    %add3A_787 = arith.addi %mul3A_784, %add3A_786 : vector<16xi32>
    %gather3A_788 = tpu.vector_load_idx %arg30[%add3A_787] : memref<1024xf32, #tpu.memory_space<vmem>>[vector<16xi32>], vector<16xf32>,
    %gather3A_789 = tpu.vector_load_idx %arg31[%add3A_787] : memref<1024xi32, #tpu.memory_space<vmem>>[vector<16xi32>], vector<16xi32>,
    %mul3A_790 = arith.constant 16 : i32
    %mul3A_791 = vector.broadcast %mul3A_790 : i32 to vector<16xi32>
    %mul3A_792 = arith.muli %gather3A_789, %mul3A_791 : vector<16xi32>
    %add3A_793 = arith.constant 15 : i32
    %add3A_794 = vector.broadcast %add3A_793 : i32 to vector<16xi32>
    %add3A_795 = arith.addi %mul3A_792, %add3A_794 : vector<16xi32>
    %add3A_796 = vector.broadcast %mul3A_32 : i32 to vector<16xi32>
    %add3A_797 = arith.addi %add3A_796, %add3A_795 : vector<16xi32>
    %gt3A_798 = arith.cmpf ogt, %gather3A_788, %select_n3A_780 : vector<16xf32>
    %eq3A_799 = arith.cmpf oeq, %gather3A_788, %select_n3A_780 : vector<16xf32>
    %lt3A_800 = arith.cmpi slt, %add3A_797, %select_n3A_781 : vector<16xi32>
    %and3A_801 = arith.andi %eq3A_799, %lt3A_800 : vector<16xi1>
    %or3A_802 = arith.ori %gt3A_798, %and3A_801 : vector<16xi1>
    %select_n3A_803 = arith.select %or3A_802, %gather3A_788, %select_n3A_780 : vector<16xi1>, vector<16xf32>
    %select_n3A_804 = arith.select %or3A_802, %add3A_797, %select_n3A_781 : vector<16xi1>, vector<16xi32>
    %swap3A_805 = arith.constant 16 : index
    %swap3A_806 = tpu.vector_load %arg32[%swap3A_805] {strides = array<i32>} : memref<64xf32, #tpu.memory_space<vmem>>, vector<16xf32>,
    tpu.vector_store %arg32[%swap3A_805], %select_n3A_803 {strides = array<i32>} : memref<64xf32, #tpu.memory_space<vmem>>, vector<16xf32>,
    %swap3A_807 = arith.constant 16 : index
    %swap3A_808 = tpu.vector_load %arg33[%swap3A_807] {strides = array<i32>} : memref<64xi32, #tpu.memory_space<vmem>>, vector<16xi32>,
    tpu.vector_store %arg33[%swap3A_807], %select_n3A_804 {strides = array<i32>} : memref<64xi32, #tpu.memory_space<vmem>>, vector<16xi32>,
    %broadcast_in_dim3A_809 = arith.constant 32 : i32
    %broadcast_in_dim3A_810 = vector.broadcast %broadcast_in_dim3A_809 : i32 to vector<16xi32>
    %add3A_811 = arith.addi %broadcast_in_dim3A_810, %iota3A : vector<16xi32>
    %mul3A_812 = arith.constant 16 : i32
    %mul3A_813 = vector.broadcast %mul3A_812 : i32 to vector<16xi32>
    %mul3A_814 = arith.muli %add3A_811, %mul3A_813 : vector<16xi32>
    %add3A_815 = arith.constant 0 : i32
    %add3A_816 = vector.broadcast %add3A_815 : i32 to vector<16xi32>
    %add3A_817 = arith.addi %mul3A_814, %add3A_816 : vector<16xi32>
    %gather3A_818 = tpu.vector_load_idx %arg30[%add3A_817] : memref<1024xf32, #tpu.memory_space<vmem>>[vector<16xi32>], vector<16xf32>,
    %gather3A_819 = tpu.vector_load_idx %arg31[%add3A_817] : memref<1024xi32, #tpu.memory_space<vmem>>[vector<16xi32>], vector<16xi32>,
    %mul3A_820 = arith.constant 16 : i32
    %mul3A_821 = vector.broadcast %mul3A_820 : i32 to vector<16xi32>
    %mul3A_822 = arith.muli %gather3A_819, %mul3A_821 : vector<16xi32>
    %add3A_823 = arith.constant 0 : i32
    %add3A_824 = vector.broadcast %add3A_823 : i32 to vector<16xi32>
    %add3A_825 = arith.addi %mul3A_822, %add3A_824 : vector<16xi32>
    %add3A_826 = vector.broadcast %mul3A_32 : i32 to vector<16xi32>
    %add3A_827 = arith.addi %add3A_826, %add3A_825 : vector<16xi32>
    %gt3A_828 = arith.cmpf ogt, %gather3A_818, %broadcast_in_dim3A_43 : vector<16xf32>
    %eq3A_829 = arith.cmpf oeq, %gather3A_818, %broadcast_in_dim3A_43 : vector<16xf32>
    %lt3A_830 = arith.cmpi slt, %add3A_827, %broadcast_in_dim3A_45 : vector<16xi32>
    %and3A_831 = arith.andi %eq3A_829, %lt3A_830 : vector<16xi1>
    %or3A_832 = arith.ori %gt3A_828, %and3A_831 : vector<16xi1>
    %select_n3A_833 = arith.select %or3A_832, %gather3A_818, %broadcast_in_dim3A_43 : vector<16xi1>, vector<16xf32>
    %select_n3A_834 = arith.select %or3A_832, %add3A_827, %broadcast_in_dim3A_45 : vector<16xi1>, vector<16xi32>
    %mul3A_835 = arith.constant 16 : i32
    %mul3A_836 = vector.broadcast %mul3A_835 : i32 to vector<16xi32>
    %mul3A_837 = arith.muli %add3A_811, %mul3A_836 : vector<16xi32>
    %add3A_838 = arith.constant 1 : i32
    %add3A_839 = vector.broadcast %add3A_838 : i32 to vector<16xi32>
    %add3A_840 = arith.addi %mul3A_837, %add3A_839 : vector<16xi32>
    %gather3A_841 = tpu.vector_load_idx %arg30[%add3A_840] : memref<1024xf32, #tpu.memory_space<vmem>>[vector<16xi32>], vector<16xf32>,
    %gather3A_842 = tpu.vector_load_idx %arg31[%add3A_840] : memref<1024xi32, #tpu.memory_space<vmem>>[vector<16xi32>], vector<16xi32>,
    %mul3A_843 = arith.constant 16 : i32
    %mul3A_844 = vector.broadcast %mul3A_843 : i32 to vector<16xi32>
    %mul3A_845 = arith.muli %gather3A_842, %mul3A_844 : vector<16xi32>
    %add3A_846 = arith.constant 1 : i32
    %add3A_847 = vector.broadcast %add3A_846 : i32 to vector<16xi32>
    %add3A_848 = arith.addi %mul3A_845, %add3A_847 : vector<16xi32>
    %add3A_849 = vector.broadcast %mul3A_32 : i32 to vector<16xi32>
    %add3A_850 = arith.addi %add3A_849, %add3A_848 : vector<16xi32>
    %gt3A_851 = arith.cmpf ogt, %gather3A_841, %select_n3A_833 : vector<16xf32>
    %eq3A_852 = arith.cmpf oeq, %gather3A_841, %select_n3A_833 : vector<16xf32>
    %lt3A_853 = arith.cmpi slt, %add3A_850, %select_n3A_834 : vector<16xi32>
    %and3A_854 = arith.andi %eq3A_852, %lt3A_853 : vector<16xi1>
    %or3A_855 = arith.ori %gt3A_851, %and3A_854 : vector<16xi1>
    %select_n3A_856 = arith.select %or3A_855, %gather3A_841, %select_n3A_833 : vector<16xi1>, vector<16xf32>
    %select_n3A_857 = arith.select %or3A_855, %add3A_850, %select_n3A_834 : vector<16xi1>, vector<16xi32>
    %mul3A_858 = arith.constant 16 : i32
    %mul3A_859 = vector.broadcast %mul3A_858 : i32 to vector<16xi32>
    %mul3A_860 = arith.muli %add3A_811, %mul3A_859 : vector<16xi32>
    %add3A_861 = arith.constant 2 : i32
    %add3A_862 = vector.broadcast %add3A_861 : i32 to vector<16xi32>
    %add3A_863 = arith.addi %mul3A_860, %add3A_862 : vector<16xi32>
    %gather3A_864 = tpu.vector_load_idx %arg30[%add3A_863] : memref<1024xf32, #tpu.memory_space<vmem>>[vector<16xi32>], vector<16xf32>,
    %gather3A_865 = tpu.vector_load_idx %arg31[%add3A_863] : memref<1024xi32, #tpu.memory_space<vmem>>[vector<16xi32>], vector<16xi32>,
    %mul3A_866 = arith.constant 16 : i32
    %mul3A_867 = vector.broadcast %mul3A_866 : i32 to vector<16xi32>
    %mul3A_868 = arith.muli %gather3A_865, %mul3A_867 : vector<16xi32>
    %add3A_869 = arith.constant 2 : i32
    %add3A_870 = vector.broadcast %add3A_869 : i32 to vector<16xi32>
    %add3A_871 = arith.addi %mul3A_868, %add3A_870 : vector<16xi32>
    %add3A_872 = vector.broadcast %mul3A_32 : i32 to vector<16xi32>
    %add3A_873 = arith.addi %add3A_872, %add3A_871 : vector<16xi32>
    %gt3A_874 = arith.cmpf ogt, %gather3A_864, %select_n3A_856 : vector<16xf32>
    %eq3A_875 = arith.cmpf oeq, %gather3A_864, %select_n3A_856 : vector<16xf32>
    %lt3A_876 = arith.cmpi slt, %add3A_873, %select_n3A_857 : vector<16xi32>
    %and3A_877 = arith.andi %eq3A_875, %lt3A_876 : vector<16xi1>
    %or3A_878 = arith.ori %gt3A_874, %and3A_877 : vector<16xi1>
    %select_n3A_879 = arith.select %or3A_878, %gather3A_864, %select_n3A_856 : vector<16xi1>, vector<16xf32>
    %select_n3A_880 = arith.select %or3A_878, %add3A_873, %select_n3A_857 : vector<16xi1>, vector<16xi32>
    %mul3A_881 = arith.constant 16 : i32
    %mul3A_882 = vector.broadcast %mul3A_881 : i32 to vector<16xi32>
    %mul3A_883 = arith.muli %add3A_811, %mul3A_882 : vector<16xi32>
    %add3A_884 = arith.constant 3 : i32
    %add3A_885 = vector.broadcast %add3A_884 : i32 to vector<16xi32>
    %add3A_886 = arith.addi %mul3A_883, %add3A_885 : vector<16xi32>
    %gather3A_887 = tpu.vector_load_idx %arg30[%add3A_886] : memref<1024xf32, #tpu.memory_space<vmem>>[vector<16xi32>], vector<16xf32>,
    %gather3A_888 = tpu.vector_load_idx %arg31[%add3A_886] : memref<1024xi32, #tpu.memory_space<vmem>>[vector<16xi32>], vector<16xi32>,
    %mul3A_889 = arith.constant 16 : i32
    %mul3A_890 = vector.broadcast %mul3A_889 : i32 to vector<16xi32>
    %mul3A_891 = arith.muli %gather3A_888, %mul3A_890 : vector<16xi32>
    %add3A_892 = arith.constant 3 : i32
    %add3A_893 = vector.broadcast %add3A_892 : i32 to vector<16xi32>
    %add3A_894 = arith.addi %mul3A_891, %add3A_893 : vector<16xi32>
    %add3A_895 = vector.broadcast %mul3A_32 : i32 to vector<16xi32>
    %add3A_896 = arith.addi %add3A_895, %add3A_894 : vector<16xi32>
    %gt3A_897 = arith.cmpf ogt, %gather3A_887, %select_n3A_879 : vector<16xf32>
    %eq3A_898 = arith.cmpf oeq, %gather3A_887, %select_n3A_879 : vector<16xf32>
    %lt3A_899 = arith.cmpi slt, %add3A_896, %select_n3A_880 : vector<16xi32>
    %and3A_900 = arith.andi %eq3A_898, %lt3A_899 : vector<16xi1>
    %or3A_901 = arith.ori %gt3A_897, %and3A_900 : vector<16xi1>
    %select_n3A_902 = arith.select %or3A_901, %gather3A_887, %select_n3A_879 : vector<16xi1>, vector<16xf32>
    %select_n3A_903 = arith.select %or3A_901, %add3A_896, %select_n3A_880 : vector<16xi1>, vector<16xi32>
    %mul3A_904 = arith.constant 16 : i32
    %mul3A_905 = vector.broadcast %mul3A_904 : i32 to vector<16xi32>
    %mul3A_906 = arith.muli %add3A_811, %mul3A_905 : vector<16xi32>
    %add3A_907 = arith.constant 4 : i32
    %add3A_908 = vector.broadcast %add3A_907 : i32 to vector<16xi32>
    %add3A_909 = arith.addi %mul3A_906, %add3A_908 : vector<16xi32>
    %gather3A_910 = tpu.vector_load_idx %arg30[%add3A_909] : memref<1024xf32, #tpu.memory_space<vmem>>[vector<16xi32>], vector<16xf32>,
    %gather3A_911 = tpu.vector_load_idx %arg31[%add3A_909] : memref<1024xi32, #tpu.memory_space<vmem>>[vector<16xi32>], vector<16xi32>,
    %mul3A_912 = arith.constant 16 : i32
    %mul3A_913 = vector.broadcast %mul3A_912 : i32 to vector<16xi32>
    %mul3A_914 = arith.muli %gather3A_911, %mul3A_913 : vector<16xi32>
    %add3A_915 = arith.constant 4 : i32
    %add3A_916 = vector.broadcast %add3A_915 : i32 to vector<16xi32>
    %add3A_917 = arith.addi %mul3A_914, %add3A_916 : vector<16xi32>
    %add3A_918 = vector.broadcast %mul3A_32 : i32 to vector<16xi32>
    %add3A_919 = arith.addi %add3A_918, %add3A_917 : vector<16xi32>
    %gt3A_920 = arith.cmpf ogt, %gather3A_910, %select_n3A_902 : vector<16xf32>
    %eq3A_921 = arith.cmpf oeq, %gather3A_910, %select_n3A_902 : vector<16xf32>
    %lt3A_922 = arith.cmpi slt, %add3A_919, %select_n3A_903 : vector<16xi32>
    %and3A_923 = arith.andi %eq3A_921, %lt3A_922 : vector<16xi1>
    %or3A_924 = arith.ori %gt3A_920, %and3A_923 : vector<16xi1>
    %select_n3A_925 = arith.select %or3A_924, %gather3A_910, %select_n3A_902 : vector<16xi1>, vector<16xf32>
    %select_n3A_926 = arith.select %or3A_924, %add3A_919, %select_n3A_903 : vector<16xi1>, vector<16xi32>
    %mul3A_927 = arith.constant 16 : i32
    %mul3A_928 = vector.broadcast %mul3A_927 : i32 to vector<16xi32>
    %mul3A_929 = arith.muli %add3A_811, %mul3A_928 : vector<16xi32>
    %add3A_930 = arith.constant 5 : i32
    %add3A_931 = vector.broadcast %add3A_930 : i32 to vector<16xi32>
    %add3A_932 = arith.addi %mul3A_929, %add3A_931 : vector<16xi32>
    %gather3A_933 = tpu.vector_load_idx %arg30[%add3A_932] : memref<1024xf32, #tpu.memory_space<vmem>>[vector<16xi32>], vector<16xf32>,
    %gather3A_934 = tpu.vector_load_idx %arg31[%add3A_932] : memref<1024xi32, #tpu.memory_space<vmem>>[vector<16xi32>], vector<16xi32>,
    %mul3A_935 = arith.constant 16 : i32
    %mul3A_936 = vector.broadcast %mul3A_935 : i32 to vector<16xi32>
    %mul3A_937 = arith.muli %gather3A_934, %mul3A_936 : vector<16xi32>
    %add3A_938 = arith.constant 5 : i32
    %add3A_939 = vector.broadcast %add3A_938 : i32 to vector<16xi32>
    %add3A_940 = arith.addi %mul3A_937, %add3A_939 : vector<16xi32>
    %add3A_941 = vector.broadcast %mul3A_32 : i32 to vector<16xi32>
    %add3A_942 = arith.addi %add3A_941, %add3A_940 : vector<16xi32>
    %gt3A_943 = arith.cmpf ogt, %gather3A_933, %select_n3A_925 : vector<16xf32>
    %eq3A_944 = arith.cmpf oeq, %gather3A_933, %select_n3A_925 : vector<16xf32>
    %lt3A_945 = arith.cmpi slt, %add3A_942, %select_n3A_926 : vector<16xi32>
    %and3A_946 = arith.andi %eq3A_944, %lt3A_945 : vector<16xi1>
    %or3A_947 = arith.ori %gt3A_943, %and3A_946 : vector<16xi1>
    %select_n3A_948 = arith.select %or3A_947, %gather3A_933, %select_n3A_925 : vector<16xi1>, vector<16xf32>
    %select_n3A_949 = arith.select %or3A_947, %add3A_942, %select_n3A_926 : vector<16xi1>, vector<16xi32>
    %mul3A_950 = arith.constant 16 : i32
    %mul3A_951 = vector.broadcast %mul3A_950 : i32 to vector<16xi32>
    %mul3A_952 = arith.muli %add3A_811, %mul3A_951 : vector<16xi32>
    %add3A_953 = arith.constant 6 : i32
    %add3A_954 = vector.broadcast %add3A_953 : i32 to vector<16xi32>
    %add3A_955 = arith.addi %mul3A_952, %add3A_954 : vector<16xi32>
    %gather3A_956 = tpu.vector_load_idx %arg30[%add3A_955] : memref<1024xf32, #tpu.memory_space<vmem>>[vector<16xi32>], vector<16xf32>,
    %gather3A_957 = tpu.vector_load_idx %arg31[%add3A_955] : memref<1024xi32, #tpu.memory_space<vmem>>[vector<16xi32>], vector<16xi32>,
    %mul3A_958 = arith.constant 16 : i32
    %mul3A_959 = vector.broadcast %mul3A_958 : i32 to vector<16xi32>
    %mul3A_960 = arith.muli %gather3A_957, %mul3A_959 : vector<16xi32>
    %add3A_961 = arith.constant 6 : i32
    %add3A_962 = vector.broadcast %add3A_961 : i32 to vector<16xi32>
    %add3A_963 = arith.addi %mul3A_960, %add3A_962 : vector<16xi32>
    %add3A_964 = vector.broadcast %mul3A_32 : i32 to vector<16xi32>
    %add3A_965 = arith.addi %add3A_964, %add3A_963 : vector<16xi32>
    %gt3A_966 = arith.cmpf ogt, %gather3A_956, %select_n3A_948 : vector<16xf32>
    %eq3A_967 = arith.cmpf oeq, %gather3A_956, %select_n3A_948 : vector<16xf32>
    %lt3A_968 = arith.cmpi slt, %add3A_965, %select_n3A_949 : vector<16xi32>
    %and3A_969 = arith.andi %eq3A_967, %lt3A_968 : vector<16xi1>
    %or3A_970 = arith.ori %gt3A_966, %and3A_969 : vector<16xi1>
    %select_n3A_971 = arith.select %or3A_970, %gather3A_956, %select_n3A_948 : vector<16xi1>, vector<16xf32>
    %select_n3A_972 = arith.select %or3A_970, %add3A_965, %select_n3A_949 : vector<16xi1>, vector<16xi32>
    %mul3A_973 = arith.constant 16 : i32
    %mul3A_974 = vector.broadcast %mul3A_973 : i32 to vector<16xi32>
    %mul3A_975 = arith.muli %add3A_811, %mul3A_974 : vector<16xi32>
    %add3A_976 = arith.constant 7 : i32
    %add3A_977 = vector.broadcast %add3A_976 : i32 to vector<16xi32>
    %add3A_978 = arith.addi %mul3A_975, %add3A_977 : vector<16xi32>
    %gather3A_979 = tpu.vector_load_idx %arg30[%add3A_978] : memref<1024xf32, #tpu.memory_space<vmem>>[vector<16xi32>], vector<16xf32>,
    %gather3A_980 = tpu.vector_load_idx %arg31[%add3A_978] : memref<1024xi32, #tpu.memory_space<vmem>>[vector<16xi32>], vector<16xi32>,
    %mul3A_981 = arith.constant 16 : i32
    %mul3A_982 = vector.broadcast %mul3A_981 : i32 to vector<16xi32>
    %mul3A_983 = arith.muli %gather3A_980, %mul3A_982 : vector<16xi32>
    %add3A_984 = arith.constant 7 : i32
    %add3A_985 = vector.broadcast %add3A_984 : i32 to vector<16xi32>
    %add3A_986 = arith.addi %mul3A_983, %add3A_985 : vector<16xi32>
    %add3A_987 = vector.broadcast %mul3A_32 : i32 to vector<16xi32>
    %add3A_988 = arith.addi %add3A_987, %add3A_986 : vector<16xi32>
    %gt3A_989 = arith.cmpf ogt, %gather3A_979, %select_n3A_971 : vector<16xf32>
    %eq3A_990 = arith.cmpf oeq, %gather3A_979, %select_n3A_971 : vector<16xf32>
    %lt3A_991 = arith.cmpi slt, %add3A_988, %select_n3A_972 : vector<16xi32>
    %and3A_992 = arith.andi %eq3A_990, %lt3A_991 : vector<16xi1>
    %or3A_993 = arith.ori %gt3A_989, %and3A_992 : vector<16xi1>
    %select_n3A_994 = arith.select %or3A_993, %gather3A_979, %select_n3A_971 : vector<16xi1>, vector<16xf32>
    %select_n3A_995 = arith.select %or3A_993, %add3A_988, %select_n3A_972 : vector<16xi1>, vector<16xi32>
    %mul3A_996 = arith.constant 16 : i32
    %mul3A_997 = vector.broadcast %mul3A_996 : i32 to vector<16xi32>
    %mul3A_998 = arith.muli %add3A_811, %mul3A_997 : vector<16xi32>
    %add3A_999 = arith.constant 8 : i32
    %add3A_1000 = vector.broadcast %add3A_999 : i32 to vector<16xi32>
    %add3A_1001 = arith.addi %mul3A_998, %add3A_1000 : vector<16xi32>
    %gather3A_1002 = tpu.vector_load_idx %arg30[%add3A_1001] : memref<1024xf32, #tpu.memory_space<vmem>>[vector<16xi32>], vector<16xf32>,
    %gather3A_1003 = tpu.vector_load_idx %arg31[%add3A_1001] : memref<1024xi32, #tpu.memory_space<vmem>>[vector<16xi32>], vector<16xi32>,
    %mul3A_1004 = arith.constant 16 : i32
    %mul3A_1005 = vector.broadcast %mul3A_1004 : i32 to vector<16xi32>
    %mul3A_1006 = arith.muli %gather3A_1003, %mul3A_1005 : vector<16xi32>
    %add3A_1007 = arith.constant 8 : i32
    %add3A_1008 = vector.broadcast %add3A_1007 : i32 to vector<16xi32>
    %add3A_1009 = arith.addi %mul3A_1006, %add3A_1008 : vector<16xi32>
    %add3A_1010 = vector.broadcast %mul3A_32 : i32 to vector<16xi32>
    %add3A_1011 = arith.addi %add3A_1010, %add3A_1009 : vector<16xi32>
    %gt3A_1012 = arith.cmpf ogt, %gather3A_1002, %select_n3A_994 : vector<16xf32>
    %eq3A_1013 = arith.cmpf oeq, %gather3A_1002, %select_n3A_994 : vector<16xf32>
    %lt3A_1014 = arith.cmpi slt, %add3A_1011, %select_n3A_995 : vector<16xi32>
    %and3A_1015 = arith.andi %eq3A_1013, %lt3A_1014 : vector<16xi1>
    %or3A_1016 = arith.ori %gt3A_1012, %and3A_1015 : vector<16xi1>
    %select_n3A_1017 = arith.select %or3A_1016, %gather3A_1002, %select_n3A_994 : vector<16xi1>, vector<16xf32>
    %select_n3A_1018 = arith.select %or3A_1016, %add3A_1011, %select_n3A_995 : vector<16xi1>, vector<16xi32>
    %mul3A_1019 = arith.constant 16 : i32
    %mul3A_1020 = vector.broadcast %mul3A_1019 : i32 to vector<16xi32>
    %mul3A_1021 = arith.muli %add3A_811, %mul3A_1020 : vector<16xi32>
    %add3A_1022 = arith.constant 9 : i32
    %add3A_1023 = vector.broadcast %add3A_1022 : i32 to vector<16xi32>
    %add3A_1024 = arith.addi %mul3A_1021, %add3A_1023 : vector<16xi32>
    %gather3A_1025 = tpu.vector_load_idx %arg30[%add3A_1024] : memref<1024xf32, #tpu.memory_space<vmem>>[vector<16xi32>], vector<16xf32>,
    %gather3A_1026 = tpu.vector_load_idx %arg31[%add3A_1024] : memref<1024xi32, #tpu.memory_space<vmem>>[vector<16xi32>], vector<16xi32>,
    %mul3A_1027 = arith.constant 16 : i32
    %mul3A_1028 = vector.broadcast %mul3A_1027 : i32 to vector<16xi32>
    %mul3A_1029 = arith.muli %gather3A_1026, %mul3A_1028 : vector<16xi32>
    %add3A_1030 = arith.constant 9 : i32
    %add3A_1031 = vector.broadcast %add3A_1030 : i32 to vector<16xi32>
    %add3A_1032 = arith.addi %mul3A_1029, %add3A_1031 : vector<16xi32>
    %add3A_1033 = vector.broadcast %mul3A_32 : i32 to vector<16xi32>
    %add3A_1034 = arith.addi %add3A_1033, %add3A_1032 : vector<16xi32>
    %gt3A_1035 = arith.cmpf ogt, %gather3A_1025, %select_n3A_1017 : vector<16xf32>
    %eq3A_1036 = arith.cmpf oeq, %gather3A_1025, %select_n3A_1017 : vector<16xf32>
    %lt3A_1037 = arith.cmpi slt, %add3A_1034, %select_n3A_1018 : vector<16xi32>
    %and3A_1038 = arith.andi %eq3A_1036, %lt3A_1037 : vector<16xi1>
    %or3A_1039 = arith.ori %gt3A_1035, %and3A_1038 : vector<16xi1>
    %select_n3A_1040 = arith.select %or3A_1039, %gather3A_1025, %select_n3A_1017 : vector<16xi1>, vector<16xf32>
    %select_n3A_1041 = arith.select %or3A_1039, %add3A_1034, %select_n3A_1018 : vector<16xi1>, vector<16xi32>
    %mul3A_1042 = arith.constant 16 : i32
    %mul3A_1043 = vector.broadcast %mul3A_1042 : i32 to vector<16xi32>
    %mul3A_1044 = arith.muli %add3A_811, %mul3A_1043 : vector<16xi32>
    %add3A_1045 = arith.constant 10 : i32
    %add3A_1046 = vector.broadcast %add3A_1045 : i32 to vector<16xi32>
    %add3A_1047 = arith.addi %mul3A_1044, %add3A_1046 : vector<16xi32>
    %gather3A_1048 = tpu.vector_load_idx %arg30[%add3A_1047] : memref<1024xf32, #tpu.memory_space<vmem>>[vector<16xi32>], vector<16xf32>,
    %gather3A_1049 = tpu.vector_load_idx %arg31[%add3A_1047] : memref<1024xi32, #tpu.memory_space<vmem>>[vector<16xi32>], vector<16xi32>,
    %mul3A_1050 = arith.constant 16 : i32
    %mul3A_1051 = vector.broadcast %mul3A_1050 : i32 to vector<16xi32>
    %mul3A_1052 = arith.muli %gather3A_1049, %mul3A_1051 : vector<16xi32>
    %add3A_1053 = arith.constant 10 : i32
    %add3A_1054 = vector.broadcast %add3A_1053 : i32 to vector<16xi32>
    %add3A_1055 = arith.addi %mul3A_1052, %add3A_1054 : vector<16xi32>
    %add3A_1056 = vector.broadcast %mul3A_32 : i32 to vector<16xi32>
    %add3A_1057 = arith.addi %add3A_1056, %add3A_1055 : vector<16xi32>
    %gt3A_1058 = arith.cmpf ogt, %gather3A_1048, %select_n3A_1040 : vector<16xf32>
    %eq3A_1059 = arith.cmpf oeq, %gather3A_1048, %select_n3A_1040 : vector<16xf32>
    %lt3A_1060 = arith.cmpi slt, %add3A_1057, %select_n3A_1041 : vector<16xi32>
    %and3A_1061 = arith.andi %eq3A_1059, %lt3A_1060 : vector<16xi1>
    %or3A_1062 = arith.ori %gt3A_1058, %and3A_1061 : vector<16xi1>
    %select_n3A_1063 = arith.select %or3A_1062, %gather3A_1048, %select_n3A_1040 : vector<16xi1>, vector<16xf32>
    %select_n3A_1064 = arith.select %or3A_1062, %add3A_1057, %select_n3A_1041 : vector<16xi1>, vector<16xi32>
    %mul3A_1065 = arith.constant 16 : i32
    %mul3A_1066 = vector.broadcast %mul3A_1065 : i32 to vector<16xi32>
    %mul3A_1067 = arith.muli %add3A_811, %mul3A_1066 : vector<16xi32>
    %add3A_1068 = arith.constant 11 : i32
    %add3A_1069 = vector.broadcast %add3A_1068 : i32 to vector<16xi32>
    %add3A_1070 = arith.addi %mul3A_1067, %add3A_1069 : vector<16xi32>
    %gather3A_1071 = tpu.vector_load_idx %arg30[%add3A_1070] : memref<1024xf32, #tpu.memory_space<vmem>>[vector<16xi32>], vector<16xf32>,
    %gather3A_1072 = tpu.vector_load_idx %arg31[%add3A_1070] : memref<1024xi32, #tpu.memory_space<vmem>>[vector<16xi32>], vector<16xi32>,
    %mul3A_1073 = arith.constant 16 : i32
    %mul3A_1074 = vector.broadcast %mul3A_1073 : i32 to vector<16xi32>
    %mul3A_1075 = arith.muli %gather3A_1072, %mul3A_1074 : vector<16xi32>
    %add3A_1076 = arith.constant 11 : i32
    %add3A_1077 = vector.broadcast %add3A_1076 : i32 to vector<16xi32>
    %add3A_1078 = arith.addi %mul3A_1075, %add3A_1077 : vector<16xi32>
    %add3A_1079 = vector.broadcast %mul3A_32 : i32 to vector<16xi32>
    %add3A_1080 = arith.addi %add3A_1079, %add3A_1078 : vector<16xi32>
    %gt3A_1081 = arith.cmpf ogt, %gather3A_1071, %select_n3A_1063 : vector<16xf32>
    %eq3A_1082 = arith.cmpf oeq, %gather3A_1071, %select_n3A_1063 : vector<16xf32>
    %lt3A_1083 = arith.cmpi slt, %add3A_1080, %select_n3A_1064 : vector<16xi32>
    %and3A_1084 = arith.andi %eq3A_1082, %lt3A_1083 : vector<16xi1>
    %or3A_1085 = arith.ori %gt3A_1081, %and3A_1084 : vector<16xi1>
    %select_n3A_1086 = arith.select %or3A_1085, %gather3A_1071, %select_n3A_1063 : vector<16xi1>, vector<16xf32>
    %select_n3A_1087 = arith.select %or3A_1085, %add3A_1080, %select_n3A_1064 : vector<16xi1>, vector<16xi32>
    %mul3A_1088 = arith.constant 16 : i32
    %mul3A_1089 = vector.broadcast %mul3A_1088 : i32 to vector<16xi32>
    %mul3A_1090 = arith.muli %add3A_811, %mul3A_1089 : vector<16xi32>
    %add3A_1091 = arith.constant 12 : i32
    %add3A_1092 = vector.broadcast %add3A_1091 : i32 to vector<16xi32>
    %add3A_1093 = arith.addi %mul3A_1090, %add3A_1092 : vector<16xi32>
    %gather3A_1094 = tpu.vector_load_idx %arg30[%add3A_1093] : memref<1024xf32, #tpu.memory_space<vmem>>[vector<16xi32>], vector<16xf32>,
    %gather3A_1095 = tpu.vector_load_idx %arg31[%add3A_1093] : memref<1024xi32, #tpu.memory_space<vmem>>[vector<16xi32>], vector<16xi32>,
    %mul3A_1096 = arith.constant 16 : i32
    %mul3A_1097 = vector.broadcast %mul3A_1096 : i32 to vector<16xi32>
    %mul3A_1098 = arith.muli %gather3A_1095, %mul3A_1097 : vector<16xi32>
    %add3A_1099 = arith.constant 12 : i32
    %add3A_1100 = vector.broadcast %add3A_1099 : i32 to vector<16xi32>
    %add3A_1101 = arith.addi %mul3A_1098, %add3A_1100 : vector<16xi32>
    %add3A_1102 = vector.broadcast %mul3A_32 : i32 to vector<16xi32>
    %add3A_1103 = arith.addi %add3A_1102, %add3A_1101 : vector<16xi32>
    %gt3A_1104 = arith.cmpf ogt, %gather3A_1094, %select_n3A_1086 : vector<16xf32>
    %eq3A_1105 = arith.cmpf oeq, %gather3A_1094, %select_n3A_1086 : vector<16xf32>
    %lt3A_1106 = arith.cmpi slt, %add3A_1103, %select_n3A_1087 : vector<16xi32>
    %and3A_1107 = arith.andi %eq3A_1105, %lt3A_1106 : vector<16xi1>
    %or3A_1108 = arith.ori %gt3A_1104, %and3A_1107 : vector<16xi1>
    %select_n3A_1109 = arith.select %or3A_1108, %gather3A_1094, %select_n3A_1086 : vector<16xi1>, vector<16xf32>
    %select_n3A_1110 = arith.select %or3A_1108, %add3A_1103, %select_n3A_1087 : vector<16xi1>, vector<16xi32>
    %mul3A_1111 = arith.constant 16 : i32
    %mul3A_1112 = vector.broadcast %mul3A_1111 : i32 to vector<16xi32>
    %mul3A_1113 = arith.muli %add3A_811, %mul3A_1112 : vector<16xi32>
    %add3A_1114 = arith.constant 13 : i32
    %add3A_1115 = vector.broadcast %add3A_1114 : i32 to vector<16xi32>
    %add3A_1116 = arith.addi %mul3A_1113, %add3A_1115 : vector<16xi32>
    %gather3A_1117 = tpu.vector_load_idx %arg30[%add3A_1116] : memref<1024xf32, #tpu.memory_space<vmem>>[vector<16xi32>], vector<16xf32>,
    %gather3A_1118 = tpu.vector_load_idx %arg31[%add3A_1116] : memref<1024xi32, #tpu.memory_space<vmem>>[vector<16xi32>], vector<16xi32>,
    %mul3A_1119 = arith.constant 16 : i32
    %mul3A_1120 = vector.broadcast %mul3A_1119 : i32 to vector<16xi32>
    %mul3A_1121 = arith.muli %gather3A_1118, %mul3A_1120 : vector<16xi32>
    %add3A_1122 = arith.constant 13 : i32
    %add3A_1123 = vector.broadcast %add3A_1122 : i32 to vector<16xi32>
    %add3A_1124 = arith.addi %mul3A_1121, %add3A_1123 : vector<16xi32>
    %add3A_1125 = vector.broadcast %mul3A_32 : i32 to vector<16xi32>
    %add3A_1126 = arith.addi %add3A_1125, %add3A_1124 : vector<16xi32>
    %gt3A_1127 = arith.cmpf ogt, %gather3A_1117, %select_n3A_1109 : vector<16xf32>
    %eq3A_1128 = arith.cmpf oeq, %gather3A_1117, %select_n3A_1109 : vector<16xf32>
    %lt3A_1129 = arith.cmpi slt, %add3A_1126, %select_n3A_1110 : vector<16xi32>
    %and3A_1130 = arith.andi %eq3A_1128, %lt3A_1129 : vector<16xi1>
    %or3A_1131 = arith.ori %gt3A_1127, %and3A_1130 : vector<16xi1>
    %select_n3A_1132 = arith.select %or3A_1131, %gather3A_1117, %select_n3A_1109 : vector<16xi1>, vector<16xf32>
    %select_n3A_1133 = arith.select %or3A_1131, %add3A_1126, %select_n3A_1110 : vector<16xi1>, vector<16xi32>
    %mul3A_1134 = arith.constant 16 : i32
    %mul3A_1135 = vector.broadcast %mul3A_1134 : i32 to vector<16xi32>
    %mul3A_1136 = arith.muli %add3A_811, %mul3A_1135 : vector<16xi32>
    %add3A_1137 = arith.constant 14 : i32
    %add3A_1138 = vector.broadcast %add3A_1137 : i32 to vector<16xi32>
    %add3A_1139 = arith.addi %mul3A_1136, %add3A_1138 : vector<16xi32>
    %gather3A_1140 = tpu.vector_load_idx %arg30[%add3A_1139] : memref<1024xf32, #tpu.memory_space<vmem>>[vector<16xi32>], vector<16xf32>,
    %gather3A_1141 = tpu.vector_load_idx %arg31[%add3A_1139] : memref<1024xi32, #tpu.memory_space<vmem>>[vector<16xi32>], vector<16xi32>,
    %mul3A_1142 = arith.constant 16 : i32
    %mul3A_1143 = vector.broadcast %mul3A_1142 : i32 to vector<16xi32>
    %mul3A_1144 = arith.muli %gather3A_1141, %mul3A_1143 : vector<16xi32>
    %add3A_1145 = arith.constant 14 : i32
    %add3A_1146 = vector.broadcast %add3A_1145 : i32 to vector<16xi32>
    %add3A_1147 = arith.addi %mul3A_1144, %add3A_1146 : vector<16xi32>
    %add3A_1148 = vector.broadcast %mul3A_32 : i32 to vector<16xi32>
    %add3A_1149 = arith.addi %add3A_1148, %add3A_1147 : vector<16xi32>
    %gt3A_1150 = arith.cmpf ogt, %gather3A_1140, %select_n3A_1132 : vector<16xf32>
    %eq3A_1151 = arith.cmpf oeq, %gather3A_1140, %select_n3A_1132 : vector<16xf32>
    %lt3A_1152 = arith.cmpi slt, %add3A_1149, %select_n3A_1133 : vector<16xi32>
    %and3A_1153 = arith.andi %eq3A_1151, %lt3A_1152 : vector<16xi1>
    %or3A_1154 = arith.ori %gt3A_1150, %and3A_1153 : vector<16xi1>
    %select_n3A_1155 = arith.select %or3A_1154, %gather3A_1140, %select_n3A_1132 : vector<16xi1>, vector<16xf32>
    %select_n3A_1156 = arith.select %or3A_1154, %add3A_1149, %select_n3A_1133 : vector<16xi1>, vector<16xi32>
    %mul3A_1157 = arith.constant 16 : i32
    %mul3A_1158 = vector.broadcast %mul3A_1157 : i32 to vector<16xi32>
    %mul3A_1159 = arith.muli %add3A_811, %mul3A_1158 : vector<16xi32>
    %add3A_1160 = arith.constant 15 : i32
    %add3A_1161 = vector.broadcast %add3A_1160 : i32 to vector<16xi32>
    %add3A_1162 = arith.addi %mul3A_1159, %add3A_1161 : vector<16xi32>
    %gather3A_1163 = tpu.vector_load_idx %arg30[%add3A_1162] : memref<1024xf32, #tpu.memory_space<vmem>>[vector<16xi32>], vector<16xf32>,
    %gather3A_1164 = tpu.vector_load_idx %arg31[%add3A_1162] : memref<1024xi32, #tpu.memory_space<vmem>>[vector<16xi32>], vector<16xi32>,
    %mul3A_1165 = arith.constant 16 : i32
    %mul3A_1166 = vector.broadcast %mul3A_1165 : i32 to vector<16xi32>
    %mul3A_1167 = arith.muli %gather3A_1164, %mul3A_1166 : vector<16xi32>
    %add3A_1168 = arith.constant 15 : i32
    %add3A_1169 = vector.broadcast %add3A_1168 : i32 to vector<16xi32>
    %add3A_1170 = arith.addi %mul3A_1167, %add3A_1169 : vector<16xi32>
    %add3A_1171 = vector.broadcast %mul3A_32 : i32 to vector<16xi32>
    %add3A_1172 = arith.addi %add3A_1171, %add3A_1170 : vector<16xi32>
    %gt3A_1173 = arith.cmpf ogt, %gather3A_1163, %select_n3A_1155 : vector<16xf32>
    %eq3A_1174 = arith.cmpf oeq, %gather3A_1163, %select_n3A_1155 : vector<16xf32>
    %lt3A_1175 = arith.cmpi slt, %add3A_1172, %select_n3A_1156 : vector<16xi32>
    %and3A_1176 = arith.andi %eq3A_1174, %lt3A_1175 : vector<16xi1>
    %or3A_1177 = arith.ori %gt3A_1173, %and3A_1176 : vector<16xi1>
    %select_n3A_1178 = arith.select %or3A_1177, %gather3A_1163, %select_n3A_1155 : vector<16xi1>, vector<16xf32>
    %select_n3A_1179 = arith.select %or3A_1177, %add3A_1172, %select_n3A_1156 : vector<16xi1>, vector<16xi32>
    %swap3A_1180 = arith.constant 32 : index
    %swap3A_1181 = tpu.vector_load %arg32[%swap3A_1180] {strides = array<i32>} : memref<64xf32, #tpu.memory_space<vmem>>, vector<16xf32>,
    tpu.vector_store %arg32[%swap3A_1180], %select_n3A_1178 {strides = array<i32>} : memref<64xf32, #tpu.memory_space<vmem>>, vector<16xf32>,
    %swap3A_1182 = arith.constant 32 : index
    %swap3A_1183 = tpu.vector_load %arg33[%swap3A_1182] {strides = array<i32>} : memref<64xi32, #tpu.memory_space<vmem>>, vector<16xi32>,
    tpu.vector_store %arg33[%swap3A_1182], %select_n3A_1179 {strides = array<i32>} : memref<64xi32, #tpu.memory_space<vmem>>, vector<16xi32>,
    %broadcast_in_dim3A_1184 = arith.constant 48 : i32
    %broadcast_in_dim3A_1185 = vector.broadcast %broadcast_in_dim3A_1184 : i32 to vector<16xi32>
    %add3A_1186 = arith.addi %broadcast_in_dim3A_1185, %iota3A : vector<16xi32>
    %mul3A_1187 = arith.constant 16 : i32
    %mul3A_1188 = vector.broadcast %mul3A_1187 : i32 to vector<16xi32>
    %mul3A_1189 = arith.muli %add3A_1186, %mul3A_1188 : vector<16xi32>
    %add3A_1190 = arith.constant 0 : i32
    %add3A_1191 = vector.broadcast %add3A_1190 : i32 to vector<16xi32>
    %add3A_1192 = arith.addi %mul3A_1189, %add3A_1191 : vector<16xi32>
    %gather3A_1193 = tpu.vector_load_idx %arg30[%add3A_1192] : memref<1024xf32, #tpu.memory_space<vmem>>[vector<16xi32>], vector<16xf32>,
    %gather3A_1194 = tpu.vector_load_idx %arg31[%add3A_1192] : memref<1024xi32, #tpu.memory_space<vmem>>[vector<16xi32>], vector<16xi32>,
    %mul3A_1195 = arith.constant 16 : i32
    %mul3A_1196 = vector.broadcast %mul3A_1195 : i32 to vector<16xi32>
    %mul3A_1197 = arith.muli %gather3A_1194, %mul3A_1196 : vector<16xi32>
    %add3A_1198 = arith.constant 0 : i32
    %add3A_1199 = vector.broadcast %add3A_1198 : i32 to vector<16xi32>
    %add3A_1200 = arith.addi %mul3A_1197, %add3A_1199 : vector<16xi32>
    %add3A_1201 = vector.broadcast %mul3A_32 : i32 to vector<16xi32>
    %add3A_1202 = arith.addi %add3A_1201, %add3A_1200 : vector<16xi32>
    %gt3A_1203 = arith.cmpf ogt, %gather3A_1193, %broadcast_in_dim3A_43 : vector<16xf32>
    %eq3A_1204 = arith.cmpf oeq, %gather3A_1193, %broadcast_in_dim3A_43 : vector<16xf32>
    %lt3A_1205 = arith.cmpi slt, %add3A_1202, %broadcast_in_dim3A_45 : vector<16xi32>
    %and3A_1206 = arith.andi %eq3A_1204, %lt3A_1205 : vector<16xi1>
    %or3A_1207 = arith.ori %gt3A_1203, %and3A_1206 : vector<16xi1>
    %select_n3A_1208 = arith.select %or3A_1207, %gather3A_1193, %broadcast_in_dim3A_43 : vector<16xi1>, vector<16xf32>
    %select_n3A_1209 = arith.select %or3A_1207, %add3A_1202, %broadcast_in_dim3A_45 : vector<16xi1>, vector<16xi32>
    %mul3A_1210 = arith.constant 16 : i32
    %mul3A_1211 = vector.broadcast %mul3A_1210 : i32 to vector<16xi32>
    %mul3A_1212 = arith.muli %add3A_1186, %mul3A_1211 : vector<16xi32>
    %add3A_1213 = arith.constant 1 : i32
    %add3A_1214 = vector.broadcast %add3A_1213 : i32 to vector<16xi32>
    %add3A_1215 = arith.addi %mul3A_1212, %add3A_1214 : vector<16xi32>
    %gather3A_1216 = tpu.vector_load_idx %arg30[%add3A_1215] : memref<1024xf32, #tpu.memory_space<vmem>>[vector<16xi32>], vector<16xf32>,
    %gather3A_1217 = tpu.vector_load_idx %arg31[%add3A_1215] : memref<1024xi32, #tpu.memory_space<vmem>>[vector<16xi32>], vector<16xi32>,
    %mul3A_1218 = arith.constant 16 : i32
    %mul3A_1219 = vector.broadcast %mul3A_1218 : i32 to vector<16xi32>
    %mul3A_1220 = arith.muli %gather3A_1217, %mul3A_1219 : vector<16xi32>
    %add3A_1221 = arith.constant 1 : i32
    %add3A_1222 = vector.broadcast %add3A_1221 : i32 to vector<16xi32>
    %add3A_1223 = arith.addi %mul3A_1220, %add3A_1222 : vector<16xi32>
    %add3A_1224 = vector.broadcast %mul3A_32 : i32 to vector<16xi32>
    %add3A_1225 = arith.addi %add3A_1224, %add3A_1223 : vector<16xi32>
    %gt3A_1226 = arith.cmpf ogt, %gather3A_1216, %select_n3A_1208 : vector<16xf32>
    %eq3A_1227 = arith.cmpf oeq, %gather3A_1216, %select_n3A_1208 : vector<16xf32>
    %lt3A_1228 = arith.cmpi slt, %add3A_1225, %select_n3A_1209 : vector<16xi32>
    %and3A_1229 = arith.andi %eq3A_1227, %lt3A_1228 : vector<16xi1>
    %or3A_1230 = arith.ori %gt3A_1226, %and3A_1229 : vector<16xi1>
    %select_n3A_1231 = arith.select %or3A_1230, %gather3A_1216, %select_n3A_1208 : vector<16xi1>, vector<16xf32>
    %select_n3A_1232 = arith.select %or3A_1230, %add3A_1225, %select_n3A_1209 : vector<16xi1>, vector<16xi32>
    %mul3A_1233 = arith.constant 16 : i32
    %mul3A_1234 = vector.broadcast %mul3A_1233 : i32 to vector<16xi32>
    %mul3A_1235 = arith.muli %add3A_1186, %mul3A_1234 : vector<16xi32>
    %add3A_1236 = arith.constant 2 : i32
    %add3A_1237 = vector.broadcast %add3A_1236 : i32 to vector<16xi32>
    %add3A_1238 = arith.addi %mul3A_1235, %add3A_1237 : vector<16xi32>
    %gather3A_1239 = tpu.vector_load_idx %arg30[%add3A_1238] : memref<1024xf32, #tpu.memory_space<vmem>>[vector<16xi32>], vector<16xf32>,
    %gather3A_1240 = tpu.vector_load_idx %arg31[%add3A_1238] : memref<1024xi32, #tpu.memory_space<vmem>>[vector<16xi32>], vector<16xi32>,
    %mul3A_1241 = arith.constant 16 : i32
    %mul3A_1242 = vector.broadcast %mul3A_1241 : i32 to vector<16xi32>
    %mul3A_1243 = arith.muli %gather3A_1240, %mul3A_1242 : vector<16xi32>
    %add3A_1244 = arith.constant 2 : i32
    %add3A_1245 = vector.broadcast %add3A_1244 : i32 to vector<16xi32>
    %add3A_1246 = arith.addi %mul3A_1243, %add3A_1245 : vector<16xi32>
    %add3A_1247 = vector.broadcast %mul3A_32 : i32 to vector<16xi32>
    %add3A_1248 = arith.addi %add3A_1247, %add3A_1246 : vector<16xi32>
    %gt3A_1249 = arith.cmpf ogt, %gather3A_1239, %select_n3A_1231 : vector<16xf32>
    %eq3A_1250 = arith.cmpf oeq, %gather3A_1239, %select_n3A_1231 : vector<16xf32>
    %lt3A_1251 = arith.cmpi slt, %add3A_1248, %select_n3A_1232 : vector<16xi32>
    %and3A_1252 = arith.andi %eq3A_1250, %lt3A_1251 : vector<16xi1>
    %or3A_1253 = arith.ori %gt3A_1249, %and3A_1252 : vector<16xi1>
    %select_n3A_1254 = arith.select %or3A_1253, %gather3A_1239, %select_n3A_1231 : vector<16xi1>, vector<16xf32>
    %select_n3A_1255 = arith.select %or3A_1253, %add3A_1248, %select_n3A_1232 : vector<16xi1>, vector<16xi32>
    %mul3A_1256 = arith.constant 16 : i32
    %mul3A_1257 = vector.broadcast %mul3A_1256 : i32 to vector<16xi32>
    %mul3A_1258 = arith.muli %add3A_1186, %mul3A_1257 : vector<16xi32>
    %add3A_1259 = arith.constant 3 : i32
    %add3A_1260 = vector.broadcast %add3A_1259 : i32 to vector<16xi32>
    %add3A_1261 = arith.addi %mul3A_1258, %add3A_1260 : vector<16xi32>
    %gather3A_1262 = tpu.vector_load_idx %arg30[%add3A_1261] : memref<1024xf32, #tpu.memory_space<vmem>>[vector<16xi32>], vector<16xf32>,
    %gather3A_1263 = tpu.vector_load_idx %arg31[%add3A_1261] : memref<1024xi32, #tpu.memory_space<vmem>>[vector<16xi32>], vector<16xi32>,
    %mul3A_1264 = arith.constant 16 : i32
    %mul3A_1265 = vector.broadcast %mul3A_1264 : i32 to vector<16xi32>
    %mul3A_1266 = arith.muli %gather3A_1263, %mul3A_1265 : vector<16xi32>
    %add3A_1267 = arith.constant 3 : i32
    %add3A_1268 = vector.broadcast %add3A_1267 : i32 to vector<16xi32>
    %add3A_1269 = arith.addi %mul3A_1266, %add3A_1268 : vector<16xi32>
    %add3A_1270 = vector.broadcast %mul3A_32 : i32 to vector<16xi32>
    %add3A_1271 = arith.addi %add3A_1270, %add3A_1269 : vector<16xi32>
    %gt3A_1272 = arith.cmpf ogt, %gather3A_1262, %select_n3A_1254 : vector<16xf32>
    %eq3A_1273 = arith.cmpf oeq, %gather3A_1262, %select_n3A_1254 : vector<16xf32>
    %lt3A_1274 = arith.cmpi slt, %add3A_1271, %select_n3A_1255 : vector<16xi32>
    %and3A_1275 = arith.andi %eq3A_1273, %lt3A_1274 : vector<16xi1>
    %or3A_1276 = arith.ori %gt3A_1272, %and3A_1275 : vector<16xi1>
    %select_n3A_1277 = arith.select %or3A_1276, %gather3A_1262, %select_n3A_1254 : vector<16xi1>, vector<16xf32>
    %select_n3A_1278 = arith.select %or3A_1276, %add3A_1271, %select_n3A_1255 : vector<16xi1>, vector<16xi32>
    %mul3A_1279 = arith.constant 16 : i32
    %mul3A_1280 = vector.broadcast %mul3A_1279 : i32 to vector<16xi32>
    %mul3A_1281 = arith.muli %add3A_1186, %mul3A_1280 : vector<16xi32>
    %add3A_1282 = arith.constant 4 : i32
    %add3A_1283 = vector.broadcast %add3A_1282 : i32 to vector<16xi32>
    %add3A_1284 = arith.addi %mul3A_1281, %add3A_1283 : vector<16xi32>
    %gather3A_1285 = tpu.vector_load_idx %arg30[%add3A_1284] : memref<1024xf32, #tpu.memory_space<vmem>>[vector<16xi32>], vector<16xf32>,
    %gather3A_1286 = tpu.vector_load_idx %arg31[%add3A_1284] : memref<1024xi32, #tpu.memory_space<vmem>>[vector<16xi32>], vector<16xi32>,
    %mul3A_1287 = arith.constant 16 : i32
    %mul3A_1288 = vector.broadcast %mul3A_1287 : i32 to vector<16xi32>
    %mul3A_1289 = arith.muli %gather3A_1286, %mul3A_1288 : vector<16xi32>
    %add3A_1290 = arith.constant 4 : i32
    %add3A_1291 = vector.broadcast %add3A_1290 : i32 to vector<16xi32>
    %add3A_1292 = arith.addi %mul3A_1289, %add3A_1291 : vector<16xi32>
    %add3A_1293 = vector.broadcast %mul3A_32 : i32 to vector<16xi32>
    %add3A_1294 = arith.addi %add3A_1293, %add3A_1292 : vector<16xi32>
    %gt3A_1295 = arith.cmpf ogt, %gather3A_1285, %select_n3A_1277 : vector<16xf32>
    %eq3A_1296 = arith.cmpf oeq, %gather3A_1285, %select_n3A_1277 : vector<16xf32>
    %lt3A_1297 = arith.cmpi slt, %add3A_1294, %select_n3A_1278 : vector<16xi32>
    %and3A_1298 = arith.andi %eq3A_1296, %lt3A_1297 : vector<16xi1>
    %or3A_1299 = arith.ori %gt3A_1295, %and3A_1298 : vector<16xi1>
    %select_n3A_1300 = arith.select %or3A_1299, %gather3A_1285, %select_n3A_1277 : vector<16xi1>, vector<16xf32>
    %select_n3A_1301 = arith.select %or3A_1299, %add3A_1294, %select_n3A_1278 : vector<16xi1>, vector<16xi32>
    %mul3A_1302 = arith.constant 16 : i32
    %mul3A_1303 = vector.broadcast %mul3A_1302 : i32 to vector<16xi32>
    %mul3A_1304 = arith.muli %add3A_1186, %mul3A_1303 : vector<16xi32>
    %add3A_1305 = arith.constant 5 : i32
    %add3A_1306 = vector.broadcast %add3A_1305 : i32 to vector<16xi32>
    %add3A_1307 = arith.addi %mul3A_1304, %add3A_1306 : vector<16xi32>
    %gather3A_1308 = tpu.vector_load_idx %arg30[%add3A_1307] : memref<1024xf32, #tpu.memory_space<vmem>>[vector<16xi32>], vector<16xf32>,
    %gather3A_1309 = tpu.vector_load_idx %arg31[%add3A_1307] : memref<1024xi32, #tpu.memory_space<vmem>>[vector<16xi32>], vector<16xi32>,
    %mul3A_1310 = arith.constant 16 : i32
    %mul3A_1311 = vector.broadcast %mul3A_1310 : i32 to vector<16xi32>
    %mul3A_1312 = arith.muli %gather3A_1309, %mul3A_1311 : vector<16xi32>
    %add3A_1313 = arith.constant 5 : i32
    %add3A_1314 = vector.broadcast %add3A_1313 : i32 to vector<16xi32>
    %add3A_1315 = arith.addi %mul3A_1312, %add3A_1314 : vector<16xi32>
    %add3A_1316 = vector.broadcast %mul3A_32 : i32 to vector<16xi32>
    %add3A_1317 = arith.addi %add3A_1316, %add3A_1315 : vector<16xi32>
    %gt3A_1318 = arith.cmpf ogt, %gather3A_1308, %select_n3A_1300 : vector<16xf32>
    %eq3A_1319 = arith.cmpf oeq, %gather3A_1308, %select_n3A_1300 : vector<16xf32>
    %lt3A_1320 = arith.cmpi slt, %add3A_1317, %select_n3A_1301 : vector<16xi32>
    %and3A_1321 = arith.andi %eq3A_1319, %lt3A_1320 : vector<16xi1>
    %or3A_1322 = arith.ori %gt3A_1318, %and3A_1321 : vector<16xi1>
    %select_n3A_1323 = arith.select %or3A_1322, %gather3A_1308, %select_n3A_1300 : vector<16xi1>, vector<16xf32>
    %select_n3A_1324 = arith.select %or3A_1322, %add3A_1317, %select_n3A_1301 : vector<16xi1>, vector<16xi32>
    %mul3A_1325 = arith.constant 16 : i32
    %mul3A_1326 = vector.broadcast %mul3A_1325 : i32 to vector<16xi32>
    %mul3A_1327 = arith.muli %add3A_1186, %mul3A_1326 : vector<16xi32>
    %add3A_1328 = arith.constant 6 : i32
    %add3A_1329 = vector.broadcast %add3A_1328 : i32 to vector<16xi32>
    %add3A_1330 = arith.addi %mul3A_1327, %add3A_1329 : vector<16xi32>
    %gather3A_1331 = tpu.vector_load_idx %arg30[%add3A_1330] : memref<1024xf32, #tpu.memory_space<vmem>>[vector<16xi32>], vector<16xf32>,
    %gather3A_1332 = tpu.vector_load_idx %arg31[%add3A_1330] : memref<1024xi32, #tpu.memory_space<vmem>>[vector<16xi32>], vector<16xi32>,
    %mul3A_1333 = arith.constant 16 : i32
    %mul3A_1334 = vector.broadcast %mul3A_1333 : i32 to vector<16xi32>
    %mul3A_1335 = arith.muli %gather3A_1332, %mul3A_1334 : vector<16xi32>
    %add3A_1336 = arith.constant 6 : i32
    %add3A_1337 = vector.broadcast %add3A_1336 : i32 to vector<16xi32>
    %add3A_1338 = arith.addi %mul3A_1335, %add3A_1337 : vector<16xi32>
    %add3A_1339 = vector.broadcast %mul3A_32 : i32 to vector<16xi32>
    %add3A_1340 = arith.addi %add3A_1339, %add3A_1338 : vector<16xi32>
    %gt3A_1341 = arith.cmpf ogt, %gather3A_1331, %select_n3A_1323 : vector<16xf32>
    %eq3A_1342 = arith.cmpf oeq, %gather3A_1331, %select_n3A_1323 : vector<16xf32>
    %lt3A_1343 = arith.cmpi slt, %add3A_1340, %select_n3A_1324 : vector<16xi32>
    %and3A_1344 = arith.andi %eq3A_1342, %lt3A_1343 : vector<16xi1>
    %or3A_1345 = arith.ori %gt3A_1341, %and3A_1344 : vector<16xi1>
    %select_n3A_1346 = arith.select %or3A_1345, %gather3A_1331, %select_n3A_1323 : vector<16xi1>, vector<16xf32>
    %select_n3A_1347 = arith.select %or3A_1345, %add3A_1340, %select_n3A_1324 : vector<16xi1>, vector<16xi32>
    %mul3A_1348 = arith.constant 16 : i32
    %mul3A_1349 = vector.broadcast %mul3A_1348 : i32 to vector<16xi32>
    %mul3A_1350 = arith.muli %add3A_1186, %mul3A_1349 : vector<16xi32>
    %add3A_1351 = arith.constant 7 : i32
    %add3A_1352 = vector.broadcast %add3A_1351 : i32 to vector<16xi32>
    %add3A_1353 = arith.addi %mul3A_1350, %add3A_1352 : vector<16xi32>
    %gather3A_1354 = tpu.vector_load_idx %arg30[%add3A_1353] : memref<1024xf32, #tpu.memory_space<vmem>>[vector<16xi32>], vector<16xf32>,
    %gather3A_1355 = tpu.vector_load_idx %arg31[%add3A_1353] : memref<1024xi32, #tpu.memory_space<vmem>>[vector<16xi32>], vector<16xi32>,
    %mul3A_1356 = arith.constant 16 : i32
    %mul3A_1357 = vector.broadcast %mul3A_1356 : i32 to vector<16xi32>
    %mul3A_1358 = arith.muli %gather3A_1355, %mul3A_1357 : vector<16xi32>
    %add3A_1359 = arith.constant 7 : i32
    %add3A_1360 = vector.broadcast %add3A_1359 : i32 to vector<16xi32>
    %add3A_1361 = arith.addi %mul3A_1358, %add3A_1360 : vector<16xi32>
    %add3A_1362 = vector.broadcast %mul3A_32 : i32 to vector<16xi32>
    %add3A_1363 = arith.addi %add3A_1362, %add3A_1361 : vector<16xi32>
    %gt3A_1364 = arith.cmpf ogt, %gather3A_1354, %select_n3A_1346 : vector<16xf32>
    %eq3A_1365 = arith.cmpf oeq, %gather3A_1354, %select_n3A_1346 : vector<16xf32>
    %lt3A_1366 = arith.cmpi slt, %add3A_1363, %select_n3A_1347 : vector<16xi32>
    %and3A_1367 = arith.andi %eq3A_1365, %lt3A_1366 : vector<16xi1>
    %or3A_1368 = arith.ori %gt3A_1364, %and3A_1367 : vector<16xi1>
    %select_n3A_1369 = arith.select %or3A_1368, %gather3A_1354, %select_n3A_1346 : vector<16xi1>, vector<16xf32>
    %select_n3A_1370 = arith.select %or3A_1368, %add3A_1363, %select_n3A_1347 : vector<16xi1>, vector<16xi32>
    %mul3A_1371 = arith.constant 16 : i32
    %mul3A_1372 = vector.broadcast %mul3A_1371 : i32 to vector<16xi32>
    %mul3A_1373 = arith.muli %add3A_1186, %mul3A_1372 : vector<16xi32>
    %add3A_1374 = arith.constant 8 : i32
    %add3A_1375 = vector.broadcast %add3A_1374 : i32 to vector<16xi32>
    %add3A_1376 = arith.addi %mul3A_1373, %add3A_1375 : vector<16xi32>
    %gather3A_1377 = tpu.vector_load_idx %arg30[%add3A_1376] : memref<1024xf32, #tpu.memory_space<vmem>>[vector<16xi32>], vector<16xf32>,
    %gather3A_1378 = tpu.vector_load_idx %arg31[%add3A_1376] : memref<1024xi32, #tpu.memory_space<vmem>>[vector<16xi32>], vector<16xi32>,
    %mul3A_1379 = arith.constant 16 : i32
    %mul3A_1380 = vector.broadcast %mul3A_1379 : i32 to vector<16xi32>
    %mul3A_1381 = arith.muli %gather3A_1378, %mul3A_1380 : vector<16xi32>
    %add3A_1382 = arith.constant 8 : i32
    %add3A_1383 = vector.broadcast %add3A_1382 : i32 to vector<16xi32>
    %add3A_1384 = arith.addi %mul3A_1381, %add3A_1383 : vector<16xi32>
    %add3A_1385 = vector.broadcast %mul3A_32 : i32 to vector<16xi32>
    %add3A_1386 = arith.addi %add3A_1385, %add3A_1384 : vector<16xi32>
    %gt3A_1387 = arith.cmpf ogt, %gather3A_1377, %select_n3A_1369 : vector<16xf32>
    %eq3A_1388 = arith.cmpf oeq, %gather3A_1377, %select_n3A_1369 : vector<16xf32>
    %lt3A_1389 = arith.cmpi slt, %add3A_1386, %select_n3A_1370 : vector<16xi32>
    %and3A_1390 = arith.andi %eq3A_1388, %lt3A_1389 : vector<16xi1>
    %or3A_1391 = arith.ori %gt3A_1387, %and3A_1390 : vector<16xi1>
    %select_n3A_1392 = arith.select %or3A_1391, %gather3A_1377, %select_n3A_1369 : vector<16xi1>, vector<16xf32>
    %select_n3A_1393 = arith.select %or3A_1391, %add3A_1386, %select_n3A_1370 : vector<16xi1>, vector<16xi32>
    %mul3A_1394 = arith.constant 16 : i32
    %mul3A_1395 = vector.broadcast %mul3A_1394 : i32 to vector<16xi32>
    %mul3A_1396 = arith.muli %add3A_1186, %mul3A_1395 : vector<16xi32>
    %add3A_1397 = arith.constant 9 : i32
    %add3A_1398 = vector.broadcast %add3A_1397 : i32 to vector<16xi32>
    %add3A_1399 = arith.addi %mul3A_1396, %add3A_1398 : vector<16xi32>
    %gather3A_1400 = tpu.vector_load_idx %arg30[%add3A_1399] : memref<1024xf32, #tpu.memory_space<vmem>>[vector<16xi32>], vector<16xf32>,
    %gather3A_1401 = tpu.vector_load_idx %arg31[%add3A_1399] : memref<1024xi32, #tpu.memory_space<vmem>>[vector<16xi32>], vector<16xi32>,
    %mul3A_1402 = arith.constant 16 : i32
    %mul3A_1403 = vector.broadcast %mul3A_1402 : i32 to vector<16xi32>
    %mul3A_1404 = arith.muli %gather3A_1401, %mul3A_1403 : vector<16xi32>
    %add3A_1405 = arith.constant 9 : i32
    %add3A_1406 = vector.broadcast %add3A_1405 : i32 to vector<16xi32>
    %add3A_1407 = arith.addi %mul3A_1404, %add3A_1406 : vector<16xi32>
    %add3A_1408 = vector.broadcast %mul3A_32 : i32 to vector<16xi32>
    %add3A_1409 = arith.addi %add3A_1408, %add3A_1407 : vector<16xi32>
    %gt3A_1410 = arith.cmpf ogt, %gather3A_1400, %select_n3A_1392 : vector<16xf32>
    %eq3A_1411 = arith.cmpf oeq, %gather3A_1400, %select_n3A_1392 : vector<16xf32>
    %lt3A_1412 = arith.cmpi slt, %add3A_1409, %select_n3A_1393 : vector<16xi32>
    %and3A_1413 = arith.andi %eq3A_1411, %lt3A_1412 : vector<16xi1>
    %or3A_1414 = arith.ori %gt3A_1410, %and3A_1413 : vector<16xi1>
    %select_n3A_1415 = arith.select %or3A_1414, %gather3A_1400, %select_n3A_1392 : vector<16xi1>, vector<16xf32>
    %select_n3A_1416 = arith.select %or3A_1414, %add3A_1409, %select_n3A_1393 : vector<16xi1>, vector<16xi32>
    %mul3A_1417 = arith.constant 16 : i32
    %mul3A_1418 = vector.broadcast %mul3A_1417 : i32 to vector<16xi32>
    %mul3A_1419 = arith.muli %add3A_1186, %mul3A_1418 : vector<16xi32>
    %add3A_1420 = arith.constant 10 : i32
    %add3A_1421 = vector.broadcast %add3A_1420 : i32 to vector<16xi32>
    %add3A_1422 = arith.addi %mul3A_1419, %add3A_1421 : vector<16xi32>
    %gather3A_1423 = tpu.vector_load_idx %arg30[%add3A_1422] : memref<1024xf32, #tpu.memory_space<vmem>>[vector<16xi32>], vector<16xf32>,
    %gather3A_1424 = tpu.vector_load_idx %arg31[%add3A_1422] : memref<1024xi32, #tpu.memory_space<vmem>>[vector<16xi32>], vector<16xi32>,
    %mul3A_1425 = arith.constant 16 : i32
    %mul3A_1426 = vector.broadcast %mul3A_1425 : i32 to vector<16xi32>
    %mul3A_1427 = arith.muli %gather3A_1424, %mul3A_1426 : vector<16xi32>
    %add3A_1428 = arith.constant 10 : i32
    %add3A_1429 = vector.broadcast %add3A_1428 : i32 to vector<16xi32>
    %add3A_1430 = arith.addi %mul3A_1427, %add3A_1429 : vector<16xi32>
    %add3A_1431 = vector.broadcast %mul3A_32 : i32 to vector<16xi32>
    %add3A_1432 = arith.addi %add3A_1431, %add3A_1430 : vector<16xi32>
    %gt3A_1433 = arith.cmpf ogt, %gather3A_1423, %select_n3A_1415 : vector<16xf32>
    %eq3A_1434 = arith.cmpf oeq, %gather3A_1423, %select_n3A_1415 : vector<16xf32>
    %lt3A_1435 = arith.cmpi slt, %add3A_1432, %select_n3A_1416 : vector<16xi32>
    %and3A_1436 = arith.andi %eq3A_1434, %lt3A_1435 : vector<16xi1>
    %or3A_1437 = arith.ori %gt3A_1433, %and3A_1436 : vector<16xi1>
    %select_n3A_1438 = arith.select %or3A_1437, %gather3A_1423, %select_n3A_1415 : vector<16xi1>, vector<16xf32>
    %select_n3A_1439 = arith.select %or3A_1437, %add3A_1432, %select_n3A_1416 : vector<16xi1>, vector<16xi32>
    %mul3A_1440 = arith.constant 16 : i32
    %mul3A_1441 = vector.broadcast %mul3A_1440 : i32 to vector<16xi32>
    %mul3A_1442 = arith.muli %add3A_1186, %mul3A_1441 : vector<16xi32>
    %add3A_1443 = arith.constant 11 : i32
    %add3A_1444 = vector.broadcast %add3A_1443 : i32 to vector<16xi32>
    %add3A_1445 = arith.addi %mul3A_1442, %add3A_1444 : vector<16xi32>
    %gather3A_1446 = tpu.vector_load_idx %arg30[%add3A_1445] : memref<1024xf32, #tpu.memory_space<vmem>>[vector<16xi32>], vector<16xf32>,
    %gather3A_1447 = tpu.vector_load_idx %arg31[%add3A_1445] : memref<1024xi32, #tpu.memory_space<vmem>>[vector<16xi32>], vector<16xi32>,
    %mul3A_1448 = arith.constant 16 : i32
    %mul3A_1449 = vector.broadcast %mul3A_1448 : i32 to vector<16xi32>
    %mul3A_1450 = arith.muli %gather3A_1447, %mul3A_1449 : vector<16xi32>
    %add3A_1451 = arith.constant 11 : i32
    %add3A_1452 = vector.broadcast %add3A_1451 : i32 to vector<16xi32>
    %add3A_1453 = arith.addi %mul3A_1450, %add3A_1452 : vector<16xi32>
    %add3A_1454 = vector.broadcast %mul3A_32 : i32 to vector<16xi32>
    %add3A_1455 = arith.addi %add3A_1454, %add3A_1453 : vector<16xi32>
    %gt3A_1456 = arith.cmpf ogt, %gather3A_1446, %select_n3A_1438 : vector<16xf32>
    %eq3A_1457 = arith.cmpf oeq, %gather3A_1446, %select_n3A_1438 : vector<16xf32>
    %lt3A_1458 = arith.cmpi slt, %add3A_1455, %select_n3A_1439 : vector<16xi32>
    %and3A_1459 = arith.andi %eq3A_1457, %lt3A_1458 : vector<16xi1>
    %or3A_1460 = arith.ori %gt3A_1456, %and3A_1459 : vector<16xi1>
    %select_n3A_1461 = arith.select %or3A_1460, %gather3A_1446, %select_n3A_1438 : vector<16xi1>, vector<16xf32>
    %select_n3A_1462 = arith.select %or3A_1460, %add3A_1455, %select_n3A_1439 : vector<16xi1>, vector<16xi32>
    %mul3A_1463 = arith.constant 16 : i32
    %mul3A_1464 = vector.broadcast %mul3A_1463 : i32 to vector<16xi32>
    %mul3A_1465 = arith.muli %add3A_1186, %mul3A_1464 : vector<16xi32>
    %add3A_1466 = arith.constant 12 : i32
    %add3A_1467 = vector.broadcast %add3A_1466 : i32 to vector<16xi32>
    %add3A_1468 = arith.addi %mul3A_1465, %add3A_1467 : vector<16xi32>
    %gather3A_1469 = tpu.vector_load_idx %arg30[%add3A_1468] : memref<1024xf32, #tpu.memory_space<vmem>>[vector<16xi32>], vector<16xf32>,
    %gather3A_1470 = tpu.vector_load_idx %arg31[%add3A_1468] : memref<1024xi32, #tpu.memory_space<vmem>>[vector<16xi32>], vector<16xi32>,
    %mul3A_1471 = arith.constant 16 : i32
    %mul3A_1472 = vector.broadcast %mul3A_1471 : i32 to vector<16xi32>
    %mul3A_1473 = arith.muli %gather3A_1470, %mul3A_1472 : vector<16xi32>
    %add3A_1474 = arith.constant 12 : i32
    %add3A_1475 = vector.broadcast %add3A_1474 : i32 to vector<16xi32>
    %add3A_1476 = arith.addi %mul3A_1473, %add3A_1475 : vector<16xi32>
    %add3A_1477 = vector.broadcast %mul3A_32 : i32 to vector<16xi32>
    %add3A_1478 = arith.addi %add3A_1477, %add3A_1476 : vector<16xi32>
    %gt3A_1479 = arith.cmpf ogt, %gather3A_1469, %select_n3A_1461 : vector<16xf32>
    %eq3A_1480 = arith.cmpf oeq, %gather3A_1469, %select_n3A_1461 : vector<16xf32>
    %lt3A_1481 = arith.cmpi slt, %add3A_1478, %select_n3A_1462 : vector<16xi32>
    %and3A_1482 = arith.andi %eq3A_1480, %lt3A_1481 : vector<16xi1>
    %or3A_1483 = arith.ori %gt3A_1479, %and3A_1482 : vector<16xi1>
    %select_n3A_1484 = arith.select %or3A_1483, %gather3A_1469, %select_n3A_1461 : vector<16xi1>, vector<16xf32>
    %select_n3A_1485 = arith.select %or3A_1483, %add3A_1478, %select_n3A_1462 : vector<16xi1>, vector<16xi32>
    %mul3A_1486 = arith.constant 16 : i32
    %mul3A_1487 = vector.broadcast %mul3A_1486 : i32 to vector<16xi32>
    %mul3A_1488 = arith.muli %add3A_1186, %mul3A_1487 : vector<16xi32>
    %add3A_1489 = arith.constant 13 : i32
    %add3A_1490 = vector.broadcast %add3A_1489 : i32 to vector<16xi32>
    %add3A_1491 = arith.addi %mul3A_1488, %add3A_1490 : vector<16xi32>
    %gather3A_1492 = tpu.vector_load_idx %arg30[%add3A_1491] : memref<1024xf32, #tpu.memory_space<vmem>>[vector<16xi32>], vector<16xf32>,
    %gather3A_1493 = tpu.vector_load_idx %arg31[%add3A_1491] : memref<1024xi32, #tpu.memory_space<vmem>>[vector<16xi32>], vector<16xi32>,
    %mul3A_1494 = arith.constant 16 : i32
    %mul3A_1495 = vector.broadcast %mul3A_1494 : i32 to vector<16xi32>
    %mul3A_1496 = arith.muli %gather3A_1493, %mul3A_1495 : vector<16xi32>
    %add3A_1497 = arith.constant 13 : i32
    %add3A_1498 = vector.broadcast %add3A_1497 : i32 to vector<16xi32>
    %add3A_1499 = arith.addi %mul3A_1496, %add3A_1498 : vector<16xi32>
    %add3A_1500 = vector.broadcast %mul3A_32 : i32 to vector<16xi32>
    %add3A_1501 = arith.addi %add3A_1500, %add3A_1499 : vector<16xi32>
    %gt3A_1502 = arith.cmpf ogt, %gather3A_1492, %select_n3A_1484 : vector<16xf32>
    %eq3A_1503 = arith.cmpf oeq, %gather3A_1492, %select_n3A_1484 : vector<16xf32>
    %lt3A_1504 = arith.cmpi slt, %add3A_1501, %select_n3A_1485 : vector<16xi32>
    %and3A_1505 = arith.andi %eq3A_1503, %lt3A_1504 : vector<16xi1>
    %or3A_1506 = arith.ori %gt3A_1502, %and3A_1505 : vector<16xi1>
    %select_n3A_1507 = arith.select %or3A_1506, %gather3A_1492, %select_n3A_1484 : vector<16xi1>, vector<16xf32>
    %select_n3A_1508 = arith.select %or3A_1506, %add3A_1501, %select_n3A_1485 : vector<16xi1>, vector<16xi32>
    %mul3A_1509 = arith.constant 16 : i32
    %mul3A_1510 = vector.broadcast %mul3A_1509 : i32 to vector<16xi32>
    %mul3A_1511 = arith.muli %add3A_1186, %mul3A_1510 : vector<16xi32>
    %add3A_1512 = arith.constant 14 : i32
    %add3A_1513 = vector.broadcast %add3A_1512 : i32 to vector<16xi32>
    %add3A_1514 = arith.addi %mul3A_1511, %add3A_1513 : vector<16xi32>
    %gather3A_1515 = tpu.vector_load_idx %arg30[%add3A_1514] : memref<1024xf32, #tpu.memory_space<vmem>>[vector<16xi32>], vector<16xf32>,
    %gather3A_1516 = tpu.vector_load_idx %arg31[%add3A_1514] : memref<1024xi32, #tpu.memory_space<vmem>>[vector<16xi32>], vector<16xi32>,
    %mul3A_1517 = arith.constant 16 : i32
    %mul3A_1518 = vector.broadcast %mul3A_1517 : i32 to vector<16xi32>
    %mul3A_1519 = arith.muli %gather3A_1516, %mul3A_1518 : vector<16xi32>
    %add3A_1520 = arith.constant 14 : i32
    %add3A_1521 = vector.broadcast %add3A_1520 : i32 to vector<16xi32>
    %add3A_1522 = arith.addi %mul3A_1519, %add3A_1521 : vector<16xi32>
    %add3A_1523 = vector.broadcast %mul3A_32 : i32 to vector<16xi32>
    %add3A_1524 = arith.addi %add3A_1523, %add3A_1522 : vector<16xi32>
    %gt3A_1525 = arith.cmpf ogt, %gather3A_1515, %select_n3A_1507 : vector<16xf32>
    %eq3A_1526 = arith.cmpf oeq, %gather3A_1515, %select_n3A_1507 : vector<16xf32>
    %lt3A_1527 = arith.cmpi slt, %add3A_1524, %select_n3A_1508 : vector<16xi32>
    %and3A_1528 = arith.andi %eq3A_1526, %lt3A_1527 : vector<16xi1>
    %or3A_1529 = arith.ori %gt3A_1525, %and3A_1528 : vector<16xi1>
    %select_n3A_1530 = arith.select %or3A_1529, %gather3A_1515, %select_n3A_1507 : vector<16xi1>, vector<16xf32>
    %select_n3A_1531 = arith.select %or3A_1529, %add3A_1524, %select_n3A_1508 : vector<16xi1>, vector<16xi32>
    %mul3A_1532 = arith.constant 16 : i32
    %mul3A_1533 = vector.broadcast %mul3A_1532 : i32 to vector<16xi32>
    %mul3A_1534 = arith.muli %add3A_1186, %mul3A_1533 : vector<16xi32>
    %add3A_1535 = arith.constant 15 : i32
    %add3A_1536 = vector.broadcast %add3A_1535 : i32 to vector<16xi32>
    %add3A_1537 = arith.addi %mul3A_1534, %add3A_1536 : vector<16xi32>
    %gather3A_1538 = tpu.vector_load_idx %arg30[%add3A_1537] : memref<1024xf32, #tpu.memory_space<vmem>>[vector<16xi32>], vector<16xf32>,
    %gather3A_1539 = tpu.vector_load_idx %arg31[%add3A_1537] : memref<1024xi32, #tpu.memory_space<vmem>>[vector<16xi32>], vector<16xi32>,
    %mul3A_1540 = arith.constant 16 : i32
    %mul3A_1541 = vector.broadcast %mul3A_1540 : i32 to vector<16xi32>
    %mul3A_1542 = arith.muli %gather3A_1539, %mul3A_1541 : vector<16xi32>
    %add3A_1543 = arith.constant 15 : i32
    %add3A_1544 = vector.broadcast %add3A_1543 : i32 to vector<16xi32>
    %add3A_1545 = arith.addi %mul3A_1542, %add3A_1544 : vector<16xi32>
    %add3A_1546 = vector.broadcast %mul3A_32 : i32 to vector<16xi32>
    %add3A_1547 = arith.addi %add3A_1546, %add3A_1545 : vector<16xi32>
    %gt3A_1548 = arith.cmpf ogt, %gather3A_1538, %select_n3A_1530 : vector<16xf32>
    %eq3A_1549 = arith.cmpf oeq, %gather3A_1538, %select_n3A_1530 : vector<16xf32>
    %lt3A_1550 = arith.cmpi slt, %add3A_1547, %select_n3A_1531 : vector<16xi32>
    %and3A_1551 = arith.andi %eq3A_1549, %lt3A_1550 : vector<16xi1>
    %or3A_1552 = arith.ori %gt3A_1548, %and3A_1551 : vector<16xi1>
    %select_n3A_1553 = arith.select %or3A_1552, %gather3A_1538, %select_n3A_1530 : vector<16xi1>, vector<16xf32>
    %select_n3A_1554 = arith.select %or3A_1552, %add3A_1547, %select_n3A_1531 : vector<16xi1>, vector<16xi32>
    %swap3A_1555 = arith.constant 48 : index
    %swap3A_1556 = tpu.vector_load %arg32[%swap3A_1555] {strides = array<i32>} : memref<64xf32, #tpu.memory_space<vmem>>, vector<16xf32>,
    tpu.vector_store %arg32[%swap3A_1555], %select_n3A_1553 {strides = array<i32>} : memref<64xf32, #tpu.memory_space<vmem>>, vector<16xf32>,
    %swap3A_1557 = arith.constant 48 : index
    %swap3A_1558 = tpu.vector_load %arg33[%swap3A_1557] {strides = array<i32>} : memref<64xi32, #tpu.memory_space<vmem>>, vector<16xi32>,
    tpu.vector_store %arg33[%swap3A_1557], %select_n3A_1554 {strides = array<i32>} : memref<64xi32, #tpu.memory_space<vmem>>, vector<16xi32>,
    %mul3A_1559 = arith.constant 64 : i32
    %mul3A_1560 = arith.muli %arg1, %mul3A_1559 : i32
    "tpu.region"() ({
      %run_scoped3A = tpu.sem_alloc : memref<!tpu.dma_semaphore, #tpu.memory_space<semaphore_mem>>
      %dma_start3A = tpu.memref_slice %arg42[%mul3A_1560] : memref<1024xf32, #tpu.memory_space<vmem_shared>> -> memref<64xf32, #tpu.memory_space<vmem_shared>>
      %dma_start3A_1820 = tpu.memref_slice %arg42[%mul3A_1560] : memref<1024xf32, #tpu.memory_space<vmem_shared>> -> memref<64xf32, #tpu.memory_space<vmem_shared>>
      tpu.enqueue_dma source(%arg32 : memref<64xf32, #tpu.memory_space<vmem>>) target(%dma_start3A_1820 : memref<64xf32, #tpu.memory_space<vmem_shared>>) target_semaphore(%run_scoped3A : memref<!tpu.dma_semaphore, #tpu.memory_space<semaphore_mem>>)
      %dma_wait3A = tpu.memref_slice %arg42[%mul3A_1560] : memref<1024xf32, #tpu.memory_space<vmem_shared>> -> memref<64xf32, #tpu.memory_space<vmem_shared>>
      %dma_wait3A_1821 = tpu.memref_slice %arg42[%mul3A_1560] : memref<1024xf32, #tpu.memory_space<vmem_shared>> -> memref<64xf32, #tpu.memory_space<vmem_shared>>
      tpu.wait_dma2 semaphore(%run_scoped3A : memref<!tpu.dma_semaphore, #tpu.memory_space<semaphore_mem>>) src(%arg32 : memref<64xf32, #tpu.memory_space<vmem>>) dst(%dma_wait3A_1821 : memref<64xf32, #tpu.memory_space<vmem_shared>>)
      tpu.yield
    }) : () -> ()
    %mul3A_1561 = arith.constant 64 : i32
    %mul3A_1562 = arith.muli %arg1, %mul3A_1561 : i32
    "tpu.region"() ({
      %run_scoped3A = tpu.sem_alloc : memref<!tpu.dma_semaphore, #tpu.memory_space<semaphore_mem>>
      %dma_start3A = tpu.memref_slice %arg43[%mul3A_1562] : memref<1024xi32, #tpu.memory_space<vmem_shared>> -> memref<64xi32, #tpu.memory_space<vmem_shared>>
      %dma_start3A_1820 = tpu.memref_slice %arg43[%mul3A_1562] : memref<1024xi32, #tpu.memory_space<vmem_shared>> -> memref<64xi32, #tpu.memory_space<vmem_shared>>
      tpu.enqueue_dma source(%arg33 : memref<64xi32, #tpu.memory_space<vmem>>) target(%dma_start3A_1820 : memref<64xi32, #tpu.memory_space<vmem_shared>>) target_semaphore(%run_scoped3A : memref<!tpu.dma_semaphore, #tpu.memory_space<semaphore_mem>>)
      %dma_wait3A = tpu.memref_slice %arg43[%mul3A_1562] : memref<1024xi32, #tpu.memory_space<vmem_shared>> -> memref<64xi32, #tpu.memory_space<vmem_shared>>
      %dma_wait3A_1821 = tpu.memref_slice %arg43[%mul3A_1562] : memref<1024xi32, #tpu.memory_space<vmem_shared>> -> memref<64xi32, #tpu.memory_space<vmem_shared>>
      tpu.wait_dma2 semaphore(%run_scoped3A : memref<!tpu.dma_semaphore, #tpu.memory_space<semaphore_mem>>) src(%arg33 : memref<64xi32, #tpu.memory_space<vmem>>) dst(%dma_wait3A_1821 : memref<64xi32, #tpu.memory_space<vmem_shared>>)
      tpu.yield
    }) : () -> ()
    %barrier3A = arith.constant 0 : index
    tpu.barrier barrier_id(%barrier3A)
    %jit3A_1563 = arith.constant 4 : i32
    %div3A_1564 = arith.divsi %arg1, %jit3A_1563 : i32
    %sign3A_1565 = arith.constant 0 : i32
    %sign3A_1566 = arith.cmpi sgt, %arg1, %sign3A_1565 : i32
    %sign3A_1567 = arith.extui %sign3A_1566 : i1 to i32
    %sign3A_1568 = arith.constant 0 : i32
    %sign3A_1569 = arith.cmpi slt, %arg1, %sign3A_1568 : i32
    %sign3A_1570 = arith.extui %sign3A_1569 : i1 to i32
    %sign3A_1571 = arith.subi %sign3A_1567, %sign3A_1570 : i32
    %sign3A_1572 = arith.constant 0 : i32
    %sign3A_1573 = arith.cmpi sgt, %jit3A_1563, %sign3A_1572 : i32
    %sign3A_1574 = arith.extui %sign3A_1573 : i1 to i32
    %sign3A_1575 = arith.constant 0 : i32
    %sign3A_1576 = arith.cmpi slt, %jit3A_1563, %sign3A_1575 : i32
    %sign3A_1577 = arith.extui %sign3A_1576 : i1 to i32
    %sign3A_1578 = arith.subi %sign3A_1574, %sign3A_1577 : i32
    %ne3A_1579 = arith.cmpi ne, %sign3A_1571, %sign3A_1578 : i32
    %rem3A_1580 = arith.remsi %arg1, %jit3A_1563 : i32
    %ne3A_1581 = arith.constant 0 : i32
    %ne3A_1582 = arith.cmpi ne, %rem3A_1580, %ne3A_1581 : i32
    %and3A_1583 = arith.andi %ne3A_1579, %ne3A_1582 : i1
    %sub3A_1584 = arith.constant 1 : i32
    %sub3A_1585 = arith.subi %div3A_1564, %sub3A_1584 : i32
    %select_n3A_1586 = arith.select %and3A_1583, %sub3A_1585, %div3A_1564 : i32
    %mul3A_1587 = arith.constant 4 : i32
    %mul3A_1588 = arith.muli %select_n3A_1586, %mul3A_1587 : i32
    %mul3A_1589 = arith.constant 64 : i32
    %mul3A_1590 = arith.muli %mul3A_1588, %mul3A_1589 : i32
    "tpu.region"() ({
      %run_scoped3A = tpu.sem_alloc : memref<!tpu.dma_semaphore, #tpu.memory_space<semaphore_mem>>
      %dma_start3A = tpu.memref_slice %arg42[%mul3A_1590] : memref<1024xf32, #tpu.memory_space<vmem_shared>> -> memref<256xf32, #tpu.memory_space<vmem_shared>>
      %dma_start3A_1820 = tpu.memref_slice %arg42[%mul3A_1590] : memref<1024xf32, #tpu.memory_space<vmem_shared>> -> memref<256xf32, #tpu.memory_space<vmem_shared>>
      tpu.enqueue_dma source(%dma_start3A_1820 : memref<256xf32, #tpu.memory_space<vmem_shared>>) target(%arg34 : memref<256xf32, #tpu.memory_space<vmem>>) target_semaphore(%run_scoped3A : memref<!tpu.dma_semaphore, #tpu.memory_space<semaphore_mem>>)
      %dma_wait3A = tpu.memref_slice %arg42[%mul3A_1590] : memref<1024xf32, #tpu.memory_space<vmem_shared>> -> memref<256xf32, #tpu.memory_space<vmem_shared>>
      %dma_wait3A_1821 = tpu.memref_slice %arg42[%mul3A_1590] : memref<1024xf32, #tpu.memory_space<vmem_shared>> -> memref<256xf32, #tpu.memory_space<vmem_shared>>
      tpu.wait_dma2 semaphore(%run_scoped3A : memref<!tpu.dma_semaphore, #tpu.memory_space<semaphore_mem>>) src(%dma_wait3A_1821 : memref<256xf32, #tpu.memory_space<vmem_shared>>) dst(%arg34 : memref<256xf32, #tpu.memory_space<vmem>>)
      tpu.yield
    }) : () -> ()
    %mul3A_1591 = arith.constant 64 : i32
    %mul3A_1592 = arith.muli %mul3A_1588, %mul3A_1591 : i32
    "tpu.region"() ({
      %run_scoped3A = tpu.sem_alloc : memref<!tpu.dma_semaphore, #tpu.memory_space<semaphore_mem>>
      %dma_start3A = tpu.memref_slice %arg43[%mul3A_1592] : memref<1024xi32, #tpu.memory_space<vmem_shared>> -> memref<256xi32, #tpu.memory_space<vmem_shared>>
      %dma_start3A_1820 = tpu.memref_slice %arg43[%mul3A_1592] : memref<1024xi32, #tpu.memory_space<vmem_shared>> -> memref<256xi32, #tpu.memory_space<vmem_shared>>
      tpu.enqueue_dma source(%dma_start3A_1820 : memref<256xi32, #tpu.memory_space<vmem_shared>>) target(%arg35 : memref<256xi32, #tpu.memory_space<vmem>>) target_semaphore(%run_scoped3A : memref<!tpu.dma_semaphore, #tpu.memory_space<semaphore_mem>>)
      %dma_wait3A = tpu.memref_slice %arg43[%mul3A_1592] : memref<1024xi32, #tpu.memory_space<vmem_shared>> -> memref<256xi32, #tpu.memory_space<vmem_shared>>
      %dma_wait3A_1821 = tpu.memref_slice %arg43[%mul3A_1592] : memref<1024xi32, #tpu.memory_space<vmem_shared>> -> memref<256xi32, #tpu.memory_space<vmem_shared>>
      tpu.wait_dma2 semaphore(%run_scoped3A : memref<!tpu.dma_semaphore, #tpu.memory_space<semaphore_mem>>) src(%dma_wait3A_1821 : memref<256xi32, #tpu.memory_space<vmem_shared>>) dst(%arg35 : memref<256xi32, #tpu.memory_space<vmem>>)
      tpu.yield
    }) : () -> ()
    %get3A = arith.constant 0 : index
    %get3A_1593 = tpu.vector_load %arg34[%get3A] {strides = array<i32>} : memref<256xf32, #tpu.memory_space<vmem>>, vector<16xf32>,
    %get3A_1594 = arith.constant 0 : index
    %get3A_1595 = tpu.vector_load %arg35[%get3A_1594] {strides = array<i32>} : memref<256xi32, #tpu.memory_space<vmem>>, vector<16xi32>,
    %gt3A_1596 = arith.cmpf ogt, %get3A_1593, %broadcast_in_dim3A_43 : vector<16xf32>
    %eq3A_1597 = arith.cmpf oeq, %get3A_1593, %broadcast_in_dim3A_43 : vector<16xf32>
    %lt3A_1598 = arith.cmpi slt, %get3A_1595, %broadcast_in_dim3A_45 : vector<16xi32>
    %and3A_1599 = arith.andi %eq3A_1597, %lt3A_1598 : vector<16xi1>
    %or3A_1600 = arith.ori %gt3A_1596, %and3A_1599 : vector<16xi1>
    %select_n3A_1601 = arith.select %or3A_1600, %get3A_1593, %broadcast_in_dim3A_43 : vector<16xi1>, vector<16xf32>
    %select_n3A_1602 = arith.select %or3A_1600, %get3A_1595, %broadcast_in_dim3A_45 : vector<16xi1>, vector<16xi32>
    %get3A_1603 = arith.constant 64 : index
    %get3A_1604 = tpu.vector_load %arg34[%get3A_1603] {strides = array<i32>} : memref<256xf32, #tpu.memory_space<vmem>>, vector<16xf32>,
    %get3A_1605 = arith.constant 64 : index
    %get3A_1606 = tpu.vector_load %arg35[%get3A_1605] {strides = array<i32>} : memref<256xi32, #tpu.memory_space<vmem>>, vector<16xi32>,
    %gt3A_1607 = arith.cmpf ogt, %get3A_1604, %select_n3A_1601 : vector<16xf32>
    %eq3A_1608 = arith.cmpf oeq, %get3A_1604, %select_n3A_1601 : vector<16xf32>
    %lt3A_1609 = arith.cmpi slt, %get3A_1606, %select_n3A_1602 : vector<16xi32>
    %and3A_1610 = arith.andi %eq3A_1608, %lt3A_1609 : vector<16xi1>
    %or3A_1611 = arith.ori %gt3A_1607, %and3A_1610 : vector<16xi1>
    %select_n3A_1612 = arith.select %or3A_1611, %get3A_1604, %select_n3A_1601 : vector<16xi1>, vector<16xf32>
    %select_n3A_1613 = arith.select %or3A_1611, %get3A_1606, %select_n3A_1602 : vector<16xi1>, vector<16xi32>
    %get3A_1614 = arith.constant 128 : index
    %get3A_1615 = tpu.vector_load %arg34[%get3A_1614] {strides = array<i32>} : memref<256xf32, #tpu.memory_space<vmem>>, vector<16xf32>,
    %get3A_1616 = arith.constant 128 : index
    %get3A_1617 = tpu.vector_load %arg35[%get3A_1616] {strides = array<i32>} : memref<256xi32, #tpu.memory_space<vmem>>, vector<16xi32>,
    %gt3A_1618 = arith.cmpf ogt, %get3A_1615, %select_n3A_1612 : vector<16xf32>
    %eq3A_1619 = arith.cmpf oeq, %get3A_1615, %select_n3A_1612 : vector<16xf32>
    %lt3A_1620 = arith.cmpi slt, %get3A_1617, %select_n3A_1613 : vector<16xi32>
    %and3A_1621 = arith.andi %eq3A_1619, %lt3A_1620 : vector<16xi1>
    %or3A_1622 = arith.ori %gt3A_1618, %and3A_1621 : vector<16xi1>
    %select_n3A_1623 = arith.select %or3A_1622, %get3A_1615, %select_n3A_1612 : vector<16xi1>, vector<16xf32>
    %select_n3A_1624 = arith.select %or3A_1622, %get3A_1617, %select_n3A_1613 : vector<16xi1>, vector<16xi32>
    %get3A_1625 = arith.constant 192 : index
    %get3A_1626 = tpu.vector_load %arg34[%get3A_1625] {strides = array<i32>} : memref<256xf32, #tpu.memory_space<vmem>>, vector<16xf32>,
    %get3A_1627 = arith.constant 192 : index
    %get3A_1628 = tpu.vector_load %arg35[%get3A_1627] {strides = array<i32>} : memref<256xi32, #tpu.memory_space<vmem>>, vector<16xi32>,
    %gt3A_1629 = arith.cmpf ogt, %get3A_1626, %select_n3A_1623 : vector<16xf32>
    %eq3A_1630 = arith.cmpf oeq, %get3A_1626, %select_n3A_1623 : vector<16xf32>
    %lt3A_1631 = arith.cmpi slt, %get3A_1628, %select_n3A_1624 : vector<16xi32>
    %and3A_1632 = arith.andi %eq3A_1630, %lt3A_1631 : vector<16xi1>
    %or3A_1633 = arith.ori %gt3A_1629, %and3A_1632 : vector<16xi1>
    %select_n3A_1634 = arith.select %or3A_1633, %get3A_1626, %select_n3A_1623 : vector<16xi1>, vector<16xf32>
    %select_n3A_1635 = arith.select %or3A_1633, %get3A_1628, %select_n3A_1624 : vector<16xi1>, vector<16xi32>
    %swap3A_1636 = arith.constant 0 : index
    %swap3A_1637 = tpu.vector_load %arg36[%swap3A_1636] {strides = array<i32>} : memref<80xi32, #tpu.memory_space<vmem>>, vector<16xi32>,
    tpu.vector_store %arg36[%swap3A_1636], %select_n3A_1635 {strides = array<i32>} : memref<80xi32, #tpu.memory_space<vmem>>, vector<16xi32>,
    %get3A_1638 = arith.constant 16 : index
    %get3A_1639 = tpu.vector_load %arg34[%get3A_1638] {strides = array<i32>} : memref<256xf32, #tpu.memory_space<vmem>>, vector<16xf32>,
    %get3A_1640 = arith.constant 16 : index
    %get3A_1641 = tpu.vector_load %arg35[%get3A_1640] {strides = array<i32>} : memref<256xi32, #tpu.memory_space<vmem>>, vector<16xi32>,
    %gt3A_1642 = arith.cmpf ogt, %get3A_1639, %broadcast_in_dim3A_43 : vector<16xf32>
    %eq3A_1643 = arith.cmpf oeq, %get3A_1639, %broadcast_in_dim3A_43 : vector<16xf32>
    %lt3A_1644 = arith.cmpi slt, %get3A_1641, %broadcast_in_dim3A_45 : vector<16xi32>
    %and3A_1645 = arith.andi %eq3A_1643, %lt3A_1644 : vector<16xi1>
    %or3A_1646 = arith.ori %gt3A_1642, %and3A_1645 : vector<16xi1>
    %select_n3A_1647 = arith.select %or3A_1646, %get3A_1639, %broadcast_in_dim3A_43 : vector<16xi1>, vector<16xf32>
    %select_n3A_1648 = arith.select %or3A_1646, %get3A_1641, %broadcast_in_dim3A_45 : vector<16xi1>, vector<16xi32>
    %get3A_1649 = arith.constant 80 : index
    %get3A_1650 = tpu.vector_load %arg34[%get3A_1649] {strides = array<i32>} : memref<256xf32, #tpu.memory_space<vmem>>, vector<16xf32>,
    %get3A_1651 = arith.constant 80 : index
    %get3A_1652 = tpu.vector_load %arg35[%get3A_1651] {strides = array<i32>} : memref<256xi32, #tpu.memory_space<vmem>>, vector<16xi32>,
    %gt3A_1653 = arith.cmpf ogt, %get3A_1650, %select_n3A_1647 : vector<16xf32>
    %eq3A_1654 = arith.cmpf oeq, %get3A_1650, %select_n3A_1647 : vector<16xf32>
    %lt3A_1655 = arith.cmpi slt, %get3A_1652, %select_n3A_1648 : vector<16xi32>
    %and3A_1656 = arith.andi %eq3A_1654, %lt3A_1655 : vector<16xi1>
    %or3A_1657 = arith.ori %gt3A_1653, %and3A_1656 : vector<16xi1>
    %select_n3A_1658 = arith.select %or3A_1657, %get3A_1650, %select_n3A_1647 : vector<16xi1>, vector<16xf32>
    %select_n3A_1659 = arith.select %or3A_1657, %get3A_1652, %select_n3A_1648 : vector<16xi1>, vector<16xi32>
    %get3A_1660 = arith.constant 144 : index
    %get3A_1661 = tpu.vector_load %arg34[%get3A_1660] {strides = array<i32>} : memref<256xf32, #tpu.memory_space<vmem>>, vector<16xf32>,
    %get3A_1662 = arith.constant 144 : index
    %get3A_1663 = tpu.vector_load %arg35[%get3A_1662] {strides = array<i32>} : memref<256xi32, #tpu.memory_space<vmem>>, vector<16xi32>,
    %gt3A_1664 = arith.cmpf ogt, %get3A_1661, %select_n3A_1658 : vector<16xf32>
    %eq3A_1665 = arith.cmpf oeq, %get3A_1661, %select_n3A_1658 : vector<16xf32>
    %lt3A_1666 = arith.cmpi slt, %get3A_1663, %select_n3A_1659 : vector<16xi32>
    %and3A_1667 = arith.andi %eq3A_1665, %lt3A_1666 : vector<16xi1>
    %or3A_1668 = arith.ori %gt3A_1664, %and3A_1667 : vector<16xi1>
    %select_n3A_1669 = arith.select %or3A_1668, %get3A_1661, %select_n3A_1658 : vector<16xi1>, vector<16xf32>
    %select_n3A_1670 = arith.select %or3A_1668, %get3A_1663, %select_n3A_1659 : vector<16xi1>, vector<16xi32>
    %get3A_1671 = arith.constant 208 : index
    %get3A_1672 = tpu.vector_load %arg34[%get3A_1671] {strides = array<i32>} : memref<256xf32, #tpu.memory_space<vmem>>, vector<16xf32>,
    %get3A_1673 = arith.constant 208 : index
    %get3A_1674 = tpu.vector_load %arg35[%get3A_1673] {strides = array<i32>} : memref<256xi32, #tpu.memory_space<vmem>>, vector<16xi32>,
    %gt3A_1675 = arith.cmpf ogt, %get3A_1672, %select_n3A_1669 : vector<16xf32>
    %eq3A_1676 = arith.cmpf oeq, %get3A_1672, %select_n3A_1669 : vector<16xf32>
    %lt3A_1677 = arith.cmpi slt, %get3A_1674, %select_n3A_1670 : vector<16xi32>
    %and3A_1678 = arith.andi %eq3A_1676, %lt3A_1677 : vector<16xi1>
    %or3A_1679 = arith.ori %gt3A_1675, %and3A_1678 : vector<16xi1>
    %select_n3A_1680 = arith.select %or3A_1679, %get3A_1672, %select_n3A_1669 : vector<16xi1>, vector<16xf32>
    %select_n3A_1681 = arith.select %or3A_1679, %get3A_1674, %select_n3A_1670 : vector<16xi1>, vector<16xi32>
    %swap3A_1682 = arith.constant 16 : index
    %swap3A_1683 = tpu.vector_load %arg36[%swap3A_1682] {strides = array<i32>} : memref<80xi32, #tpu.memory_space<vmem>>, vector<16xi32>,
    tpu.vector_store %arg36[%swap3A_1682], %select_n3A_1681 {strides = array<i32>} : memref<80xi32, #tpu.memory_space<vmem>>, vector<16xi32>,
    %get3A_1684 = arith.constant 32 : index
    %get3A_1685 = tpu.vector_load %arg34[%get3A_1684] {strides = array<i32>} : memref<256xf32, #tpu.memory_space<vmem>>, vector<16xf32>,
    %get3A_1686 = arith.constant 32 : index
    %get3A_1687 = tpu.vector_load %arg35[%get3A_1686] {strides = array<i32>} : memref<256xi32, #tpu.memory_space<vmem>>, vector<16xi32>,
    %gt3A_1688 = arith.cmpf ogt, %get3A_1685, %broadcast_in_dim3A_43 : vector<16xf32>
    %eq3A_1689 = arith.cmpf oeq, %get3A_1685, %broadcast_in_dim3A_43 : vector<16xf32>
    %lt3A_1690 = arith.cmpi slt, %get3A_1687, %broadcast_in_dim3A_45 : vector<16xi32>
    %and3A_1691 = arith.andi %eq3A_1689, %lt3A_1690 : vector<16xi1>
    %or3A_1692 = arith.ori %gt3A_1688, %and3A_1691 : vector<16xi1>
    %select_n3A_1693 = arith.select %or3A_1692, %get3A_1685, %broadcast_in_dim3A_43 : vector<16xi1>, vector<16xf32>
    %select_n3A_1694 = arith.select %or3A_1692, %get3A_1687, %broadcast_in_dim3A_45 : vector<16xi1>, vector<16xi32>
    %get3A_1695 = arith.constant 96 : index
    %get3A_1696 = tpu.vector_load %arg34[%get3A_1695] {strides = array<i32>} : memref<256xf32, #tpu.memory_space<vmem>>, vector<16xf32>,
    %get3A_1697 = arith.constant 96 : index
    %get3A_1698 = tpu.vector_load %arg35[%get3A_1697] {strides = array<i32>} : memref<256xi32, #tpu.memory_space<vmem>>, vector<16xi32>,
    %gt3A_1699 = arith.cmpf ogt, %get3A_1696, %select_n3A_1693 : vector<16xf32>
    %eq3A_1700 = arith.cmpf oeq, %get3A_1696, %select_n3A_1693 : vector<16xf32>
    %lt3A_1701 = arith.cmpi slt, %get3A_1698, %select_n3A_1694 : vector<16xi32>
    %and3A_1702 = arith.andi %eq3A_1700, %lt3A_1701 : vector<16xi1>
    %or3A_1703 = arith.ori %gt3A_1699, %and3A_1702 : vector<16xi1>
    %select_n3A_1704 = arith.select %or3A_1703, %get3A_1696, %select_n3A_1693 : vector<16xi1>, vector<16xf32>
    %select_n3A_1705 = arith.select %or3A_1703, %get3A_1698, %select_n3A_1694 : vector<16xi1>, vector<16xi32>
    %get3A_1706 = arith.constant 160 : index
    %get3A_1707 = tpu.vector_load %arg34[%get3A_1706] {strides = array<i32>} : memref<256xf32, #tpu.memory_space<vmem>>, vector<16xf32>,
    %get3A_1708 = arith.constant 160 : index
    %get3A_1709 = tpu.vector_load %arg35[%get3A_1708] {strides = array<i32>} : memref<256xi32, #tpu.memory_space<vmem>>, vector<16xi32>,
    %gt3A_1710 = arith.cmpf ogt, %get3A_1707, %select_n3A_1704 : vector<16xf32>
    %eq3A_1711 = arith.cmpf oeq, %get3A_1707, %select_n3A_1704 : vector<16xf32>
    %lt3A_1712 = arith.cmpi slt, %get3A_1709, %select_n3A_1705 : vector<16xi32>
    %and3A_1713 = arith.andi %eq3A_1711, %lt3A_1712 : vector<16xi1>
    %or3A_1714 = arith.ori %gt3A_1710, %and3A_1713 : vector<16xi1>
    %select_n3A_1715 = arith.select %or3A_1714, %get3A_1707, %select_n3A_1704 : vector<16xi1>, vector<16xf32>
    %select_n3A_1716 = arith.select %or3A_1714, %get3A_1709, %select_n3A_1705 : vector<16xi1>, vector<16xi32>
    %get3A_1717 = arith.constant 224 : index
    %get3A_1718 = tpu.vector_load %arg34[%get3A_1717] {strides = array<i32>} : memref<256xf32, #tpu.memory_space<vmem>>, vector<16xf32>,
    %get3A_1719 = arith.constant 224 : index
    %get3A_1720 = tpu.vector_load %arg35[%get3A_1719] {strides = array<i32>} : memref<256xi32, #tpu.memory_space<vmem>>, vector<16xi32>,
    %gt3A_1721 = arith.cmpf ogt, %get3A_1718, %select_n3A_1715 : vector<16xf32>
    %eq3A_1722 = arith.cmpf oeq, %get3A_1718, %select_n3A_1715 : vector<16xf32>
    %lt3A_1723 = arith.cmpi slt, %get3A_1720, %select_n3A_1716 : vector<16xi32>
    %and3A_1724 = arith.andi %eq3A_1722, %lt3A_1723 : vector<16xi1>
    %or3A_1725 = arith.ori %gt3A_1721, %and3A_1724 : vector<16xi1>
    %select_n3A_1726 = arith.select %or3A_1725, %get3A_1718, %select_n3A_1715 : vector<16xi1>, vector<16xf32>
    %select_n3A_1727 = arith.select %or3A_1725, %get3A_1720, %select_n3A_1716 : vector<16xi1>, vector<16xi32>
    %swap3A_1728 = arith.constant 32 : index
    %swap3A_1729 = tpu.vector_load %arg36[%swap3A_1728] {strides = array<i32>} : memref<80xi32, #tpu.memory_space<vmem>>, vector<16xi32>,
    tpu.vector_store %arg36[%swap3A_1728], %select_n3A_1727 {strides = array<i32>} : memref<80xi32, #tpu.memory_space<vmem>>, vector<16xi32>,
    %get3A_1730 = arith.constant 48 : index
    %get3A_1731 = tpu.vector_load %arg34[%get3A_1730] {strides = array<i32>} : memref<256xf32, #tpu.memory_space<vmem>>, vector<16xf32>,
    %get3A_1732 = arith.constant 48 : index
    %get3A_1733 = tpu.vector_load %arg35[%get3A_1732] {strides = array<i32>} : memref<256xi32, #tpu.memory_space<vmem>>, vector<16xi32>,
    %gt3A_1734 = arith.cmpf ogt, %get3A_1731, %broadcast_in_dim3A_43 : vector<16xf32>
    %eq3A_1735 = arith.cmpf oeq, %get3A_1731, %broadcast_in_dim3A_43 : vector<16xf32>
    %lt3A_1736 = arith.cmpi slt, %get3A_1733, %broadcast_in_dim3A_45 : vector<16xi32>
    %and3A_1737 = arith.andi %eq3A_1735, %lt3A_1736 : vector<16xi1>
    %or3A_1738 = arith.ori %gt3A_1734, %and3A_1737 : vector<16xi1>
    %select_n3A_1739 = arith.select %or3A_1738, %get3A_1731, %broadcast_in_dim3A_43 : vector<16xi1>, vector<16xf32>
    %select_n3A_1740 = arith.select %or3A_1738, %get3A_1733, %broadcast_in_dim3A_45 : vector<16xi1>, vector<16xi32>
    %get3A_1741 = arith.constant 112 : index
    %get3A_1742 = tpu.vector_load %arg34[%get3A_1741] {strides = array<i32>} : memref<256xf32, #tpu.memory_space<vmem>>, vector<16xf32>,
    %get3A_1743 = arith.constant 112 : index
    %get3A_1744 = tpu.vector_load %arg35[%get3A_1743] {strides = array<i32>} : memref<256xi32, #tpu.memory_space<vmem>>, vector<16xi32>,
    %gt3A_1745 = arith.cmpf ogt, %get3A_1742, %select_n3A_1739 : vector<16xf32>
    %eq3A_1746 = arith.cmpf oeq, %get3A_1742, %select_n3A_1739 : vector<16xf32>
    %lt3A_1747 = arith.cmpi slt, %get3A_1744, %select_n3A_1740 : vector<16xi32>
    %and3A_1748 = arith.andi %eq3A_1746, %lt3A_1747 : vector<16xi1>
    %or3A_1749 = arith.ori %gt3A_1745, %and3A_1748 : vector<16xi1>
    %select_n3A_1750 = arith.select %or3A_1749, %get3A_1742, %select_n3A_1739 : vector<16xi1>, vector<16xf32>
    %select_n3A_1751 = arith.select %or3A_1749, %get3A_1744, %select_n3A_1740 : vector<16xi1>, vector<16xi32>
    %get3A_1752 = arith.constant 176 : index
    %get3A_1753 = tpu.vector_load %arg34[%get3A_1752] {strides = array<i32>} : memref<256xf32, #tpu.memory_space<vmem>>, vector<16xf32>,
    %get3A_1754 = arith.constant 176 : index
    %get3A_1755 = tpu.vector_load %arg35[%get3A_1754] {strides = array<i32>} : memref<256xi32, #tpu.memory_space<vmem>>, vector<16xi32>,
    %gt3A_1756 = arith.cmpf ogt, %get3A_1753, %select_n3A_1750 : vector<16xf32>
    %eq3A_1757 = arith.cmpf oeq, %get3A_1753, %select_n3A_1750 : vector<16xf32>
    %lt3A_1758 = arith.cmpi slt, %get3A_1755, %select_n3A_1751 : vector<16xi32>
    %and3A_1759 = arith.andi %eq3A_1757, %lt3A_1758 : vector<16xi1>
    %or3A_1760 = arith.ori %gt3A_1756, %and3A_1759 : vector<16xi1>
    %select_n3A_1761 = arith.select %or3A_1760, %get3A_1753, %select_n3A_1750 : vector<16xi1>, vector<16xf32>
    %select_n3A_1762 = arith.select %or3A_1760, %get3A_1755, %select_n3A_1751 : vector<16xi1>, vector<16xi32>
    %get3A_1763 = arith.constant 240 : index
    %get3A_1764 = tpu.vector_load %arg34[%get3A_1763] {strides = array<i32>} : memref<256xf32, #tpu.memory_space<vmem>>, vector<16xf32>,
    %get3A_1765 = arith.constant 240 : index
    %get3A_1766 = tpu.vector_load %arg35[%get3A_1765] {strides = array<i32>} : memref<256xi32, #tpu.memory_space<vmem>>, vector<16xi32>,
    %gt3A_1767 = arith.cmpf ogt, %get3A_1764, %select_n3A_1761 : vector<16xf32>
    %eq3A_1768 = arith.cmpf oeq, %get3A_1764, %select_n3A_1761 : vector<16xf32>
    %lt3A_1769 = arith.cmpi slt, %get3A_1766, %select_n3A_1762 : vector<16xi32>
    %and3A_1770 = arith.andi %eq3A_1768, %lt3A_1769 : vector<16xi1>
    %or3A_1771 = arith.ori %gt3A_1767, %and3A_1770 : vector<16xi1>
    %select_n3A_1772 = arith.select %or3A_1771, %get3A_1764, %select_n3A_1761 : vector<16xi1>, vector<16xf32>
    %select_n3A_1773 = arith.select %or3A_1771, %get3A_1766, %select_n3A_1762 : vector<16xi1>, vector<16xi32>
    %swap3A_1774 = arith.constant 48 : index
    %swap3A_1775 = tpu.vector_load %arg36[%swap3A_1774] {strides = array<i32>} : memref<80xi32, #tpu.memory_space<vmem>>, vector<16xi32>,
    tpu.vector_store %arg36[%swap3A_1774], %select_n3A_1773 {strides = array<i32>} : memref<80xi32, #tpu.memory_space<vmem>>, vector<16xi32>,
    %eq3A_1776 = arith.constant 0 : i32
    %eq3A_1777 = vector.broadcast %eq3A_1776 : i32 to vector<16xi32>
    %eq3A_1778 = arith.cmpi eq, %iota3A, %eq3A_1777 : vector<16xi32>
    %scan3A_1779 = arith.constant 0 : i32
    %scan3A_1780 = arith.constant 0 : i32
    %scan3A_1781 = arith.constant 64 : i32
    %scan3A_1782 = arith.addi %scan3A_1780, %scan3A_1781 : i32
    %scan3A_1783 = arith.constant 1 : i32
    %scan3A_1784 = scf.for %scan3A_1820 = %scan3A_1780 to %scan3A_1782 step %scan3A_1783 iter_args(%scan3A_1821 = %scan3A_1779) -> (i32)  : i32 {
      %get3A_1822 = arith.index_cast %scan3A_1820 : i32 to index
      %get3A_1823 = tpu.vector_load %arg36[%get3A_1822] {strides = array<i32>} : memref<80xi32, #tpu.memory_space<vmem>>, vector<16xi32>,
      %slice3A = vector.extract_strided_slice %get3A_1823 {offsets = [0], sizes = [1], strides = [1]} : vector<16xi32> to vector<1xi32>
      %squeeze3A = vector.extract %slice3A[0] : i32 from vector<1xi32>
      %sub3A_1824 = arith.subi %squeeze3A, %mul3A_32 : i32
      %ge3A = arith.constant 0 : i32
      %ge3A_1825 = arith.cmpi sge, %sub3A_1824, %ge3A : i32
      %lt3A_1826 = arith.constant 5120 : i32
      %lt3A_1827 = arith.cmpi slt, %sub3A_1824, %lt3A_1826 : i32
      %and3A_1828 = arith.andi %ge3A_1825, %lt3A_1827 : i1
      %convert_element_type3A = arith.extui %and3A_1828 : i1 to i32
      %cond3A = arith.constant 0 : i32
      %cond3A_1829 = arith.cmpi ne, %convert_element_type3A, %cond3A : i32
      scf.if %cond3A_1829 {
        %broadcast_in_dim3A_1831 = vector.broadcast %sub3A_1824 : i32 to vector<16xi32>
        %broadcast_in_dim3A_1832 = vector.broadcast %scan3A_1820 : i32 to vector<16xi32>
        tpu.vector_store_idx %arg29[%broadcast_in_dim3A_1831], %broadcast_in_dim3A_1832 masked %eq3A_1778 : memref<5120xi32, #tpu.memory_space<vmem>>[vector<16xi32>], vector<16xi32>, vector<16xi1>
        %broadcast_in_dim3A_1833 = arith.constant 2.000000e+00 : f32
        %broadcast_in_dim3A_1834 = vector.broadcast %broadcast_in_dim3A_1833 : f32 to vector<16xf32>
        tpu.vector_store_idx %arg28[%broadcast_in_dim3A_1831], %broadcast_in_dim3A_1834 masked %eq3A_1778 : memref<5120xf32, #tpu.memory_space<vmem>>[vector<16xi32>], vector<16xf32>, vector<16xi1>
      } else {
      }
      %scan3A_1830 = arith.constant 0 : i32
      scf.yield %scan3A_1830 : i32
    }
    %scan3A_1785 = arith.constant 64 : i32
    %parallel_loop3A_1786 = arith.constant 0 : i32
    %parallel_loop3A_1787 = arith.constant 320 : i32
    %parallel_loop3A_1788 = arith.constant 1 : i32
    scf.for %parallel_loop3A_1820 = %parallel_loop3A_1786 to %parallel_loop3A_1787 step %parallel_loop3A_1788  : i32 {
      %parallel_loop3A_1821 = arith.constant 16 : i32
      %parallel_loop3A_1822 = arith.muli %parallel_loop3A_1820, %parallel_loop3A_1821 : i32
      %parallel_loop3A_1823 = arith.index_cast %parallel_loop3A_1822 : i32 to index
      %parallel_loop3A_1824 = tpu.vector_load %arg29[%parallel_loop3A_1823] {strides = array<i32>} : memref<5120xi32, #tpu.memory_space<vmem>>, vector<16xi32>,
      %parallel_loop3A_1825 = arith.index_cast %parallel_loop3A_1822 : i32 to index
      %parallel_loop3A_1826 = tpu.vector_load %arg28[%parallel_loop3A_1825] {strides = array<i32>} : memref<5120xf32, #tpu.memory_space<vmem>>, vector<16xf32>,
      %parallel_loop3A_1827 = tpu.vector_load_idx %arg27[%parallel_loop3A_1824] : memref<64xi32, #tpu.memory_space<vmem>>[vector<16xi32>], vector<16xi32>,
      %parallel_loop3A_1828 = arith.constant 5.000000e-01 : f32
      %parallel_loop3A_1829 = vector.broadcast %parallel_loop3A_1828 : f32 to vector<16xf32>
      %parallel_loop3A_1830 = arith.cmpf olt, %parallel_loop3A_1826, %parallel_loop3A_1829 : vector<16xf32>
      %parallel_loop3A_1831 = arith.constant 0 : i32
      %parallel_loop3A_1832 = vector.broadcast %parallel_loop3A_1831 : i32 to vector<16xi32>
      %parallel_loop3A_1833 = arith.select %parallel_loop3A_1830, %parallel_loop3A_1832, %parallel_loop3A_1827 : vector<16xi1>, vector<16xi32>
      %parallel_loop3A_1834 = arith.index_cast %parallel_loop3A_1822 : i32 to index
      %parallel_loop3A_1835 = tpu.vector_load %arg41[%parallel_loop3A_1834] {strides = array<i32>} : memref<5120xi32, #tpu.memory_space<vmem>>, vector<16xi32>,
      tpu.vector_store %arg41[%parallel_loop3A_1834], %parallel_loop3A_1833 {strides = array<i32>} : memref<5120xi32, #tpu.memory_space<vmem>>, vector<16xi32>,
      %parallel_loop3A_1836 = tpu.vector_load_idx %arg22[%parallel_loop3A_1824] : memref<80xf32, #tpu.memory_space<vmem>>[vector<16xi32>], vector<16xf32>,
      %parallel_loop3A_1837 = tpu.vector_load_idx %arg23[%parallel_loop3A_1824] : memref<80xf32, #tpu.memory_space<vmem>>[vector<16xi32>], vector<16xf32>,
      %parallel_loop3A_1838 = tpu.vector_load_idx %arg24[%parallel_loop3A_1824] : memref<80xf32, #tpu.memory_space<vmem>>[vector<16xi32>], vector<16xf32>,
      %parallel_loop3A_1839 = tpu.vector_load_idx %arg25[%parallel_loop3A_1824] : memref<80xf32, #tpu.memory_space<vmem>>[vector<16xi32>], vector<16xf32>,
      %parallel_loop3A_1840 = arith.index_cast %parallel_loop3A_1822 : i32 to index
      %parallel_loop3A_1841 = tpu.vector_load %arg13[%parallel_loop3A_1840] {strides = array<i32>} : memref<5120xf32, #tpu.memory_space<vmem>>, vector<16xf32>,
      %parallel_loop3A_1842 = arith.index_cast %parallel_loop3A_1822 : i32 to index
      %parallel_loop3A_1843 = tpu.vector_load %arg14[%parallel_loop3A_1842] {strides = array<i32>} : memref<5120xf32, #tpu.memory_space<vmem>>, vector<16xf32>,
      %parallel_loop3A_1844 = arith.index_cast %parallel_loop3A_1822 : i32 to index
      %parallel_loop3A_1845 = tpu.vector_load %arg15[%parallel_loop3A_1844] {strides = array<i32>} : memref<5120xf32, #tpu.memory_space<vmem>>, vector<16xf32>,
      %parallel_loop3A_1846 = arith.index_cast %parallel_loop3A_1822 : i32 to index
      %parallel_loop3A_1847 = tpu.vector_load %arg16[%parallel_loop3A_1846] {strides = array<i32>} : memref<5120xf32, #tpu.memory_space<vmem>>, vector<16xf32>,
      %parallel_loop3A_1848 = arith.addf %parallel_loop3A_1836, %parallel_loop3A_1838 : vector<16xf32>
      %parallel_loop3A_1849 = arith.constant 2.000000e+00 : f32
      %parallel_loop3A_1850 = vector.broadcast %parallel_loop3A_1849 : f32 to vector<16xf32>
      %parallel_loop3A_1851 = arith.divf %parallel_loop3A_1848, %parallel_loop3A_1850 : vector<16xf32>
      %parallel_loop3A_1852 = arith.subf %parallel_loop3A_1851, %parallel_loop3A_1841 : vector<16xf32>
      %parallel_loop3A_1853 = arith.constant 1.000000e-01 : f32
      %parallel_loop3A_1854 = vector.broadcast %parallel_loop3A_1853 : f32 to vector<16xf32>
      %parallel_loop3A_1855 = arith.mulf %parallel_loop3A_1854, %parallel_loop3A_1845 : vector<16xf32>
      %parallel_loop3A_1856 = arith.divf %parallel_loop3A_1852, %parallel_loop3A_1855 : vector<16xf32>
      %parallel_loop3A_1857 = arith.addf %parallel_loop3A_1837, %parallel_loop3A_1839 : vector<16xf32>
      %parallel_loop3A_1858 = arith.constant 2.000000e+00 : f32
      %parallel_loop3A_1859 = vector.broadcast %parallel_loop3A_1858 : f32 to vector<16xf32>
      %parallel_loop3A_1860 = arith.divf %parallel_loop3A_1857, %parallel_loop3A_1859 : vector<16xf32>
      %parallel_loop3A_1861 = arith.subf %parallel_loop3A_1860, %parallel_loop3A_1843 : vector<16xf32>
      %parallel_loop3A_1862 = arith.constant 1.000000e-01 : f32
      %parallel_loop3A_1863 = vector.broadcast %parallel_loop3A_1862 : f32 to vector<16xf32>
      %parallel_loop3A_1864 = arith.mulf %parallel_loop3A_1863, %parallel_loop3A_1847 : vector<16xf32>
      %parallel_loop3A_1865 = arith.divf %parallel_loop3A_1861, %parallel_loop3A_1864 : vector<16xf32>
      %parallel_loop3A_1866 = arith.subf %parallel_loop3A_1838, %parallel_loop3A_1836 : vector<16xf32>
      %parallel_loop3A_1867 = arith.divf %parallel_loop3A_1866, %parallel_loop3A_1845 : vector<16xf32>
      %parallel_loop3A_1868 = arith.constant 9.99999993E-9 : f32
      %parallel_loop3A_1869 = vector.broadcast %parallel_loop3A_1868 : f32 to vector<16xf32>
      %parallel_loop3A_1870 = arith.maximumf %parallel_loop3A_1867, %parallel_loop3A_1869 : vector<16xf32>
      %parallel_loop3A_1871 = vector.bitcast %parallel_loop3A_1870 : vector<16xf32> to vector<16xi32>
      %parallel_loop3A_1872 = arith.constant 23 : i32
      %parallel_loop3A_1873 = vector.broadcast %parallel_loop3A_1872 : i32 to vector<16xi32>
      %parallel_loop3A_1874 = arith.shrsi %parallel_loop3A_1871, %parallel_loop3A_1873 : vector<16xi32>
      %parallel_loop3A_1875 = arith.constant 127 : i32
      %parallel_loop3A_1876 = vector.broadcast %parallel_loop3A_1875 : i32 to vector<16xi32>
      %parallel_loop3A_1877 = arith.subi %parallel_loop3A_1874, %parallel_loop3A_1876 : vector<16xi32>
      %parallel_loop3A_1878 = arith.constant 8388607 : i32
      %parallel_loop3A_1879 = vector.broadcast %parallel_loop3A_1878 : i32 to vector<16xi32>
      %parallel_loop3A_1880 = arith.andi %parallel_loop3A_1871, %parallel_loop3A_1879 : vector<16xi32>
      %parallel_loop3A_1881 = arith.constant 1065353216 : i32
      %parallel_loop3A_1882 = vector.broadcast %parallel_loop3A_1881 : i32 to vector<16xi32>
      %parallel_loop3A_1883 = arith.ori %parallel_loop3A_1880, %parallel_loop3A_1882 : vector<16xi32>
      %parallel_loop3A_1884 = vector.bitcast %parallel_loop3A_1883 : vector<16xi32> to vector<16xf32>
      %parallel_loop3A_1885 = arith.constant 1.41421354 : f32
      %parallel_loop3A_1886 = vector.broadcast %parallel_loop3A_1885 : f32 to vector<16xf32>
      %parallel_loop3A_1887 = arith.cmpf ogt, %parallel_loop3A_1884, %parallel_loop3A_1886 : vector<16xf32>
      %parallel_loop3A_1888 = arith.constant 5.000000e-01 : f32
      %parallel_loop3A_1889 = vector.broadcast %parallel_loop3A_1888 : f32 to vector<16xf32>
      %parallel_loop3A_1890 = arith.mulf %parallel_loop3A_1884, %parallel_loop3A_1889 : vector<16xf32>
      %parallel_loop3A_1891 = arith.select %parallel_loop3A_1887, %parallel_loop3A_1890, %parallel_loop3A_1884 : vector<16xi1>, vector<16xf32>
      %parallel_loop3A_1892 = arith.constant 1 : i32
      %parallel_loop3A_1893 = vector.broadcast %parallel_loop3A_1892 : i32 to vector<16xi32>
      %parallel_loop3A_1894 = arith.addi %parallel_loop3A_1877, %parallel_loop3A_1893 : vector<16xi32>
      %parallel_loop3A_1895 = arith.select %parallel_loop3A_1887, %parallel_loop3A_1894, %parallel_loop3A_1877 : vector<16xi1>, vector<16xi32>
      %parallel_loop3A_1896 = arith.constant 1.000000e+00 : f32
      %parallel_loop3A_1897 = vector.broadcast %parallel_loop3A_1896 : f32 to vector<16xf32>
      %parallel_loop3A_1898 = arith.subf %parallel_loop3A_1891, %parallel_loop3A_1897 : vector<16xf32>
      %parallel_loop3A_1899 = arith.constant 1.000000e+00 : f32
      %parallel_loop3A_1900 = vector.broadcast %parallel_loop3A_1899 : f32 to vector<16xf32>
      %parallel_loop3A_1901 = arith.addf %parallel_loop3A_1891, %parallel_loop3A_1900 : vector<16xf32>
      %parallel_loop3A_1902 = arith.divf %parallel_loop3A_1898, %parallel_loop3A_1901 : vector<16xf32>
      %parallel_loop3A_1903 = arith.mulf %parallel_loop3A_1902, %parallel_loop3A_1902 : vector<16xf32>
      %parallel_loop3A_1904 = arith.constant 0.285714298 : f32
      %parallel_loop3A_1905 = vector.broadcast %parallel_loop3A_1904 : f32 to vector<16xf32>
      %parallel_loop3A_1906 = arith.mulf %parallel_loop3A_1903, %parallel_loop3A_1905 : vector<16xf32>
      %parallel_loop3A_1907 = arith.constant 4.000000e-01 : f32
      %parallel_loop3A_1908 = vector.broadcast %parallel_loop3A_1907 : f32 to vector<16xf32>
      %parallel_loop3A_1909 = arith.addf %parallel_loop3A_1908, %parallel_loop3A_1906 : vector<16xf32>
      %parallel_loop3A_1910 = arith.mulf %parallel_loop3A_1903, %parallel_loop3A_1909 : vector<16xf32>
      %parallel_loop3A_1911 = arith.constant 0.666666686 : f32
      %parallel_loop3A_1912 = vector.broadcast %parallel_loop3A_1911 : f32 to vector<16xf32>
      %parallel_loop3A_1913 = arith.addf %parallel_loop3A_1912, %parallel_loop3A_1910 : vector<16xf32>
      %parallel_loop3A_1914 = arith.mulf %parallel_loop3A_1903, %parallel_loop3A_1913 : vector<16xf32>
      %parallel_loop3A_1915 = arith.constant 2.000000e+00 : f32
      %parallel_loop3A_1916 = vector.broadcast %parallel_loop3A_1915 : f32 to vector<16xf32>
      %parallel_loop3A_1917 = arith.addf %parallel_loop3A_1916, %parallel_loop3A_1914 : vector<16xf32>
      %parallel_loop3A_1918 = arith.mulf %parallel_loop3A_1902, %parallel_loop3A_1917 : vector<16xf32>
      %parallel_loop3A_1919 = arith.sitofp %parallel_loop3A_1895 : vector<16xi32> to vector<16xf32>
      %parallel_loop3A_1920 = arith.constant 0.693147182 : f32
      %parallel_loop3A_1921 = vector.broadcast %parallel_loop3A_1920 : f32 to vector<16xf32>
      %parallel_loop3A_1922 = arith.mulf %parallel_loop3A_1919, %parallel_loop3A_1921 : vector<16xf32>
      %parallel_loop3A_1923 = arith.addf %parallel_loop3A_1922, %parallel_loop3A_1918 : vector<16xf32>
      %parallel_loop3A_1924 = arith.constant 2.000000e-01 : f32
      %parallel_loop3A_1925 = vector.broadcast %parallel_loop3A_1924 : f32 to vector<16xf32>
      %parallel_loop3A_1926 = arith.divf %parallel_loop3A_1923, %parallel_loop3A_1925 : vector<16xf32>
      %parallel_loop3A_1927 = arith.subf %parallel_loop3A_1839, %parallel_loop3A_1837 : vector<16xf32>
      %parallel_loop3A_1928 = arith.divf %parallel_loop3A_1927, %parallel_loop3A_1847 : vector<16xf32>
      %parallel_loop3A_1929 = arith.constant 9.99999993E-9 : f32
      %parallel_loop3A_1930 = vector.broadcast %parallel_loop3A_1929 : f32 to vector<16xf32>
      %parallel_loop3A_1931 = arith.maximumf %parallel_loop3A_1928, %parallel_loop3A_1930 : vector<16xf32>
      %parallel_loop3A_1932 = vector.bitcast %parallel_loop3A_1931 : vector<16xf32> to vector<16xi32>
      %parallel_loop3A_1933 = arith.constant 23 : i32
      %parallel_loop3A_1934 = vector.broadcast %parallel_loop3A_1933 : i32 to vector<16xi32>
      %parallel_loop3A_1935 = arith.shrsi %parallel_loop3A_1932, %parallel_loop3A_1934 : vector<16xi32>
      %parallel_loop3A_1936 = arith.constant 127 : i32
      %parallel_loop3A_1937 = vector.broadcast %parallel_loop3A_1936 : i32 to vector<16xi32>
      %parallel_loop3A_1938 = arith.subi %parallel_loop3A_1935, %parallel_loop3A_1937 : vector<16xi32>
      %parallel_loop3A_1939 = arith.constant 8388607 : i32
      %parallel_loop3A_1940 = vector.broadcast %parallel_loop3A_1939 : i32 to vector<16xi32>
      %parallel_loop3A_1941 = arith.andi %parallel_loop3A_1932, %parallel_loop3A_1940 : vector<16xi32>
      %parallel_loop3A_1942 = arith.constant 1065353216 : i32
      %parallel_loop3A_1943 = vector.broadcast %parallel_loop3A_1942 : i32 to vector<16xi32>
      %parallel_loop3A_1944 = arith.ori %parallel_loop3A_1941, %parallel_loop3A_1943 : vector<16xi32>
      %parallel_loop3A_1945 = vector.bitcast %parallel_loop3A_1944 : vector<16xi32> to vector<16xf32>
      %parallel_loop3A_1946 = arith.constant 1.41421354 : f32
      %parallel_loop3A_1947 = vector.broadcast %parallel_loop3A_1946 : f32 to vector<16xf32>
      %parallel_loop3A_1948 = arith.cmpf ogt, %parallel_loop3A_1945, %parallel_loop3A_1947 : vector<16xf32>
      %parallel_loop3A_1949 = arith.constant 5.000000e-01 : f32
      %parallel_loop3A_1950 = vector.broadcast %parallel_loop3A_1949 : f32 to vector<16xf32>
      %parallel_loop3A_1951 = arith.mulf %parallel_loop3A_1945, %parallel_loop3A_1950 : vector<16xf32>
      %parallel_loop3A_1952 = arith.select %parallel_loop3A_1948, %parallel_loop3A_1951, %parallel_loop3A_1945 : vector<16xi1>, vector<16xf32>
      %parallel_loop3A_1953 = arith.constant 1 : i32
      %parallel_loop3A_1954 = vector.broadcast %parallel_loop3A_1953 : i32 to vector<16xi32>
      %parallel_loop3A_1955 = arith.addi %parallel_loop3A_1938, %parallel_loop3A_1954 : vector<16xi32>
      %parallel_loop3A_1956 = arith.select %parallel_loop3A_1948, %parallel_loop3A_1955, %parallel_loop3A_1938 : vector<16xi1>, vector<16xi32>
      %parallel_loop3A_1957 = arith.constant 1.000000e+00 : f32
      %parallel_loop3A_1958 = vector.broadcast %parallel_loop3A_1957 : f32 to vector<16xf32>
      %parallel_loop3A_1959 = arith.subf %parallel_loop3A_1952, %parallel_loop3A_1958 : vector<16xf32>
      %parallel_loop3A_1960 = arith.constant 1.000000e+00 : f32
      %parallel_loop3A_1961 = vector.broadcast %parallel_loop3A_1960 : f32 to vector<16xf32>
      %parallel_loop3A_1962 = arith.addf %parallel_loop3A_1952, %parallel_loop3A_1961 : vector<16xf32>
      %parallel_loop3A_1963 = arith.divf %parallel_loop3A_1959, %parallel_loop3A_1962 : vector<16xf32>
      %parallel_loop3A_1964 = arith.mulf %parallel_loop3A_1963, %parallel_loop3A_1963 : vector<16xf32>
      %parallel_loop3A_1965 = arith.constant 0.285714298 : f32
      %parallel_loop3A_1966 = vector.broadcast %parallel_loop3A_1965 : f32 to vector<16xf32>
      %parallel_loop3A_1967 = arith.mulf %parallel_loop3A_1964, %parallel_loop3A_1966 : vector<16xf32>
      %parallel_loop3A_1968 = arith.constant 4.000000e-01 : f32
      %parallel_loop3A_1969 = vector.broadcast %parallel_loop3A_1968 : f32 to vector<16xf32>
      %parallel_loop3A_1970 = arith.addf %parallel_loop3A_1969, %parallel_loop3A_1967 : vector<16xf32>
      %parallel_loop3A_1971 = arith.mulf %parallel_loop3A_1964, %parallel_loop3A_1970 : vector<16xf32>
      %parallel_loop3A_1972 = arith.constant 0.666666686 : f32
      %parallel_loop3A_1973 = vector.broadcast %parallel_loop3A_1972 : f32 to vector<16xf32>
      %parallel_loop3A_1974 = arith.addf %parallel_loop3A_1973, %parallel_loop3A_1971 : vector<16xf32>
      %parallel_loop3A_1975 = arith.mulf %parallel_loop3A_1964, %parallel_loop3A_1974 : vector<16xf32>
      %parallel_loop3A_1976 = arith.constant 2.000000e+00 : f32
      %parallel_loop3A_1977 = vector.broadcast %parallel_loop3A_1976 : f32 to vector<16xf32>
      %parallel_loop3A_1978 = arith.addf %parallel_loop3A_1977, %parallel_loop3A_1975 : vector<16xf32>
      %parallel_loop3A_1979 = arith.mulf %parallel_loop3A_1963, %parallel_loop3A_1978 : vector<16xf32>
      %parallel_loop3A_1980 = arith.sitofp %parallel_loop3A_1956 : vector<16xi32> to vector<16xf32>
      %parallel_loop3A_1981 = arith.constant 0.693147182 : f32
      %parallel_loop3A_1982 = vector.broadcast %parallel_loop3A_1981 : f32 to vector<16xf32>
      %parallel_loop3A_1983 = arith.mulf %parallel_loop3A_1980, %parallel_loop3A_1982 : vector<16xf32>
      %parallel_loop3A_1984 = arith.addf %parallel_loop3A_1983, %parallel_loop3A_1979 : vector<16xf32>
      %parallel_loop3A_1985 = arith.constant 2.000000e-01 : f32
      %parallel_loop3A_1986 = vector.broadcast %parallel_loop3A_1985 : f32 to vector<16xf32>
      %parallel_loop3A_1987 = arith.divf %parallel_loop3A_1984, %parallel_loop3A_1986 : vector<16xf32>
      %parallel_loop3A_1988 = arith.index_cast %parallel_loop3A_1822 : i32 to index
      %parallel_loop3A_1989 = tpu.vector_load %arg37[%parallel_loop3A_1988] {strides = array<i32>} : memref<5120xf32, #tpu.memory_space<vmem>>, vector<16xf32>,
      tpu.vector_store %arg37[%parallel_loop3A_1988], %parallel_loop3A_1856 {strides = array<i32>} : memref<5120xf32, #tpu.memory_space<vmem>>, vector<16xf32>,
      %parallel_loop3A_1990 = arith.index_cast %parallel_loop3A_1822 : i32 to index
      %parallel_loop3A_1991 = tpu.vector_load %arg38[%parallel_loop3A_1990] {strides = array<i32>} : memref<5120xf32, #tpu.memory_space<vmem>>, vector<16xf32>,
      tpu.vector_store %arg38[%parallel_loop3A_1990], %parallel_loop3A_1865 {strides = array<i32>} : memref<5120xf32, #tpu.memory_space<vmem>>, vector<16xf32>,
      %parallel_loop3A_1992 = arith.index_cast %parallel_loop3A_1822 : i32 to index
      %parallel_loop3A_1993 = tpu.vector_load %arg39[%parallel_loop3A_1992] {strides = array<i32>} : memref<5120xf32, #tpu.memory_space<vmem>>, vector<16xf32>,
      tpu.vector_store %arg39[%parallel_loop3A_1992], %parallel_loop3A_1926 {strides = array<i32>} : memref<5120xf32, #tpu.memory_space<vmem>>, vector<16xf32>,
      %parallel_loop3A_1994 = arith.index_cast %parallel_loop3A_1822 : i32 to index
      %parallel_loop3A_1995 = tpu.vector_load %arg40[%parallel_loop3A_1994] {strides = array<i32>} : memref<5120xf32, #tpu.memory_space<vmem>>, vector<16xf32>,
      tpu.vector_store %arg40[%parallel_loop3A_1994], %parallel_loop3A_1987 {strides = array<i32>} : memref<5120xf32, #tpu.memory_space<vmem>>, vector<16xf32>,
    } {sc.loop_unroll_factor = 4 : i64, sc.parallel_access}
    %mul3A_1789 = arith.constant 4 : i32
    %mul3A_1790 = arith.muli %add3A, %mul3A_1789 : i32
    %add3A_1791 = arith.constant 0 : i32
    %add3A_1792 = arith.addi %mul3A_1790, %add3A_1791 : i32
    %mul3A_1793 = arith.constant 20000 : i32
    %mul3A_1794 = arith.muli %add3A_1792, %mul3A_1793 : i32
    %add3A_1795 = arith.addi %mul3A_1794, %mul3A_32 : i32
    "tpu.region"() ({
      %run_scoped3A = tpu.sem_alloc : memref<!tpu.dma_semaphore, #tpu.memory_space<semaphore_mem>>
      %dma_start3A = tpu.memref_slice %arg11[%add3A_1795] : memref<640000xf32, #tpu.memory_space<hbm>> -> memref<5120xf32, #tpu.memory_space<hbm>>
      %dma_start3A_1820 = tpu.memref_slice %arg11[%add3A_1795] : memref<640000xf32, #tpu.memory_space<hbm>> -> memref<5120xf32, #tpu.memory_space<hbm>>
      tpu.enqueue_dma source(%arg37 : memref<5120xf32, #tpu.memory_space<vmem>>) target(%dma_start3A_1820 : memref<5120xf32, #tpu.memory_space<hbm>>) target_semaphore(%run_scoped3A : memref<!tpu.dma_semaphore, #tpu.memory_space<semaphore_mem>>)
      %dma_wait3A = tpu.memref_slice %arg11[%add3A_1795] : memref<640000xf32, #tpu.memory_space<hbm>> -> memref<5120xf32, #tpu.memory_space<hbm>>
      %dma_wait3A_1821 = tpu.memref_slice %arg11[%add3A_1795] : memref<640000xf32, #tpu.memory_space<hbm>> -> memref<5120xf32, #tpu.memory_space<hbm>>
      tpu.wait_dma2 semaphore(%run_scoped3A : memref<!tpu.dma_semaphore, #tpu.memory_space<semaphore_mem>>) src(%arg37 : memref<5120xf32, #tpu.memory_space<vmem>>) dst(%dma_wait3A_1821 : memref<5120xf32, #tpu.memory_space<hbm>>)
      tpu.yield
    }) : () -> ()
    %mul3A_1796 = arith.constant 4 : i32
    %mul3A_1797 = arith.muli %add3A, %mul3A_1796 : i32
    %add3A_1798 = arith.constant 1 : i32
    %add3A_1799 = arith.addi %mul3A_1797, %add3A_1798 : i32
    %mul3A_1800 = arith.constant 20000 : i32
    %mul3A_1801 = arith.muli %add3A_1799, %mul3A_1800 : i32
    %add3A_1802 = arith.addi %mul3A_1801, %mul3A_32 : i32
    "tpu.region"() ({
      %run_scoped3A = tpu.sem_alloc : memref<!tpu.dma_semaphore, #tpu.memory_space<semaphore_mem>>
      %dma_start3A = tpu.memref_slice %arg11[%add3A_1802] : memref<640000xf32, #tpu.memory_space<hbm>> -> memref<5120xf32, #tpu.memory_space<hbm>>
      %dma_start3A_1820 = tpu.memref_slice %arg11[%add3A_1802] : memref<640000xf32, #tpu.memory_space<hbm>> -> memref<5120xf32, #tpu.memory_space<hbm>>
      tpu.enqueue_dma source(%arg38 : memref<5120xf32, #tpu.memory_space<vmem>>) target(%dma_start3A_1820 : memref<5120xf32, #tpu.memory_space<hbm>>) target_semaphore(%run_scoped3A : memref<!tpu.dma_semaphore, #tpu.memory_space<semaphore_mem>>)
      %dma_wait3A = tpu.memref_slice %arg11[%add3A_1802] : memref<640000xf32, #tpu.memory_space<hbm>> -> memref<5120xf32, #tpu.memory_space<hbm>>
      %dma_wait3A_1821 = tpu.memref_slice %arg11[%add3A_1802] : memref<640000xf32, #tpu.memory_space<hbm>> -> memref<5120xf32, #tpu.memory_space<hbm>>
      tpu.wait_dma2 semaphore(%run_scoped3A : memref<!tpu.dma_semaphore, #tpu.memory_space<semaphore_mem>>) src(%arg38 : memref<5120xf32, #tpu.memory_space<vmem>>) dst(%dma_wait3A_1821 : memref<5120xf32, #tpu.memory_space<hbm>>)
      tpu.yield
    }) : () -> ()
    %mul3A_1803 = arith.constant 4 : i32
    %mul3A_1804 = arith.muli %add3A, %mul3A_1803 : i32
    %add3A_1805 = arith.constant 2 : i32
    %add3A_1806 = arith.addi %mul3A_1804, %add3A_1805 : i32
    %mul3A_1807 = arith.constant 20000 : i32
    %mul3A_1808 = arith.muli %add3A_1806, %mul3A_1807 : i32
    %add3A_1809 = arith.addi %mul3A_1808, %mul3A_32 : i32
    "tpu.region"() ({
      %run_scoped3A = tpu.sem_alloc : memref<!tpu.dma_semaphore, #tpu.memory_space<semaphore_mem>>
      %dma_start3A = tpu.memref_slice %arg11[%add3A_1809] : memref<640000xf32, #tpu.memory_space<hbm>> -> memref<5120xf32, #tpu.memory_space<hbm>>
      %dma_start3A_1820 = tpu.memref_slice %arg11[%add3A_1809] : memref<640000xf32, #tpu.memory_space<hbm>> -> memref<5120xf32, #tpu.memory_space<hbm>>
      tpu.enqueue_dma source(%arg39 : memref<5120xf32, #tpu.memory_space<vmem>>) target(%dma_start3A_1820 : memref<5120xf32, #tpu.memory_space<hbm>>) target_semaphore(%run_scoped3A : memref<!tpu.dma_semaphore, #tpu.memory_space<semaphore_mem>>)
      %dma_wait3A = tpu.memref_slice %arg11[%add3A_1809] : memref<640000xf32, #tpu.memory_space<hbm>> -> memref<5120xf32, #tpu.memory_space<hbm>>
      %dma_wait3A_1821 = tpu.memref_slice %arg11[%add3A_1809] : memref<640000xf32, #tpu.memory_space<hbm>> -> memref<5120xf32, #tpu.memory_space<hbm>>
      tpu.wait_dma2 semaphore(%run_scoped3A : memref<!tpu.dma_semaphore, #tpu.memory_space<semaphore_mem>>) src(%arg39 : memref<5120xf32, #tpu.memory_space<vmem>>) dst(%dma_wait3A_1821 : memref<5120xf32, #tpu.memory_space<hbm>>)
      tpu.yield
    }) : () -> ()
    %mul3A_1810 = arith.constant 4 : i32
    %mul3A_1811 = arith.muli %add3A, %mul3A_1810 : i32
    %add3A_1812 = arith.constant 3 : i32
    %add3A_1813 = arith.addi %mul3A_1811, %add3A_1812 : i32
    %mul3A_1814 = arith.constant 20000 : i32
    %mul3A_1815 = arith.muli %add3A_1813, %mul3A_1814 : i32
    %add3A_1816 = arith.addi %mul3A_1815, %mul3A_32 : i32
    "tpu.region"() ({
      %run_scoped3A = tpu.sem_alloc : memref<!tpu.dma_semaphore, #tpu.memory_space<semaphore_mem>>
      %dma_start3A = tpu.memref_slice %arg11[%add3A_1816] : memref<640000xf32, #tpu.memory_space<hbm>> -> memref<5120xf32, #tpu.memory_space<hbm>>
      %dma_start3A_1820 = tpu.memref_slice %arg11[%add3A_1816] : memref<640000xf32, #tpu.memory_space<hbm>> -> memref<5120xf32, #tpu.memory_space<hbm>>
      tpu.enqueue_dma source(%arg40 : memref<5120xf32, #tpu.memory_space<vmem>>) target(%dma_start3A_1820 : memref<5120xf32, #tpu.memory_space<hbm>>) target_semaphore(%run_scoped3A : memref<!tpu.dma_semaphore, #tpu.memory_space<semaphore_mem>>)
      %dma_wait3A = tpu.memref_slice %arg11[%add3A_1816] : memref<640000xf32, #tpu.memory_space<hbm>> -> memref<5120xf32, #tpu.memory_space<hbm>>
      %dma_wait3A_1821 = tpu.memref_slice %arg11[%add3A_1816] : memref<640000xf32, #tpu.memory_space<hbm>> -> memref<5120xf32, #tpu.memory_space<hbm>>
      tpu.wait_dma2 semaphore(%run_scoped3A : memref<!tpu.dma_semaphore, #tpu.memory_space<semaphore_mem>>) src(%arg40 : memref<5120xf32, #tpu.memory_space<vmem>>) dst(%dma_wait3A_1821 : memref<5120xf32, #tpu.memory_space<hbm>>)
      tpu.yield
    }) : () -> ()
    %mul3A_1817 = arith.constant 20000 : i32
    %mul3A_1818 = arith.muli %add3A, %mul3A_1817 : i32
    %add3A_1819 = arith.addi %mul3A_1818, %mul3A_32 : i32
    "tpu.region"() ({
      %run_scoped3A = tpu.sem_alloc : memref<!tpu.dma_semaphore, #tpu.memory_space<semaphore_mem>>
      %dma_start3A = tpu.memref_slice %arg12[%add3A_1819] : memref<160000xi32, #tpu.memory_space<hbm>> -> memref<5120xi32, #tpu.memory_space<hbm>>
      %dma_start3A_1820 = tpu.memref_slice %arg12[%add3A_1819] : memref<160000xi32, #tpu.memory_space<hbm>> -> memref<5120xi32, #tpu.memory_space<hbm>>
      tpu.enqueue_dma source(%arg41 : memref<5120xi32, #tpu.memory_space<vmem>>) target(%dma_start3A_1820 : memref<5120xi32, #tpu.memory_space<hbm>>) target_semaphore(%run_scoped3A : memref<!tpu.dma_semaphore, #tpu.memory_space<semaphore_mem>>)
      %dma_wait3A = tpu.memref_slice %arg12[%add3A_1819] : memref<160000xi32, #tpu.memory_space<hbm>> -> memref<5120xi32, #tpu.memory_space<hbm>>
      %dma_wait3A_1821 = tpu.memref_slice %arg12[%add3A_1819] : memref<160000xi32, #tpu.memory_space<hbm>> -> memref<5120xi32, #tpu.memory_space<hbm>>
      tpu.wait_dma2 semaphore(%run_scoped3A : memref<!tpu.dma_semaphore, #tpu.memory_space<semaphore_mem>>) src(%arg41 : memref<5120xi32, #tpu.memory_space<vmem>>) dst(%dma_wait3A_1821 : memref<5120xi32, #tpu.memory_space<hbm>>)
      tpu.yield
    }) : () -> ()
    return
  }
}

</mosaic_0001>

<sc_bundles>
// kernel: kernel.3.cloned.1.call-start
scs
__scs_entry_jumppad:
0x0: {  	(pc) =	sbr.rel $0x88, $3  }
0x1: {  	(tag) =	ssettag $0x0;
	lr =	simm.s32 $0x1  }
0x2: {  	[smem:$0x3F9E] =	sst lr;
	_ =	strace $0xD0000000  }
0x3: {  	_ = 	snop  }
0x4: {  	_ = 	snop  }
0x5: {  	_ = 	snop  }
0x6: {  	_ = 	snop  }
0x7: {  	_ = 	snop  }
__scs_overlays_trampoline_lowered:
0x8: {  	[smem:$0x3FAD] =	sst s0  }
0x9: {  	[smem:$0x3FAE] =	sst s1  }
0xa: {  	[smem:$0x3FAF] =	sst s2  }
0xb: {  	[smem:$0x3FB0] =	sst s3  }
0xc: {  	[smem:$0x3FB1] =	sst s4  }
0xd: {  	[smem:$0x3FB2] =	sst s5  }
0xe: {  	[smem:$0x3FB3] =	sst s6  }
0xf: {  	[smem:$0x3FB4] =	sst s7  }
0x10: {  	[smem:$0x3FB5] =	sst s8  }
0x11: {  	[smem:$0x3FB6] =	sst s9;
	s0 =	simm.s32 @!p0 $0x0  }
0x12: {  	s1 =	sld [smem:$0x3F9C];
	s0 =	simm.s32 @p0 $0x1  }
0x13: {  	[smem:$0x3FB7] =	sst s0;
	s0 =	simm.s32 @!p1 $0x0  }
0x14: {  	s2 =	sld [smem:$0x3F9B];
	s0 =	simm.s32 @p1 $0x1  }
0x15: {  	[smem:$0x3FB8] =	sst s0;
	s0 =	simm.s32 @!p2 $0x0  }
0x16: {  	s3 =	sld [smem:$0x3FDB];
	s0 =	simm.s32 @p2 $0x1  }
0x17: {  	s4 =	simm.s32 $0x1BF5;
	[smem:$0x3FBA] =	sst s0  }
0x18: {  	s0 =	sld [smem:$0x3F9D];
	_ =	swait.ge [sflag:s4], $0x0  }
0x19: {  	s7 =	sld [smem:$0x3F9E]  }
0x1a: {  	s8 =	sadd.s32 $0xFFFFE003, lr  }
0x1b: {  	s9 =	sadd.s32 $0xFFFFFEF7, lr;
	s5 =	simm.s32 $0xFFFFFFFF;
	p2 =	slt.u32 s8, $0xFFFFF086  }
0x1c: {  	p1 =	slt.u32 s9, $0xF7A;
	s5 =	simm.s32 @!p2 $0x0  }
0x1d: {  	s5 =	simm.s32 @p1 $0x1;
	p0 =	seq.s32 s7, s2  }
0x1e: {  	s7 =	smul.u32 @!p0 $0xF7A, s2;
	p2 =	seq.s32 @!p0 s5, $0x0  }
0x1f: {  	s9 =	smul.u32 $0xF7A, s1;
	s8 =	simm.s32 @!p0 $0x1BF5;
	p2 =	por !p2, p0  }
0x20: {  	[sflag:s8] =	ssyncset.s32 @!p0 $0xFFFFF086;
	s6 =	sadd.s32 @!p0 s3, s7;
	s7 =	simm.s32 @!p0 $0x108  }
0x21: {  	s3 =	sadd.s32 s3, s9;
	s6 =	sadd.s32 @!p0 $0x88, s6;
	s7 =	simm.s32 @p2 $0x1082  }
0x22: {  	[simem:s7], [sflag:s8] =	dma.local @!p0 [hbm:s6], $0xF7A  }
0x23: {  	s9 =	sor.u32 $0xD0000000, s2;
	s6 =	simm.s32 $0x108;
	_ =	swait.ge @!p0 [sflag:s8], $0x0  }
0x24: {  	s3 =	sadd.s32 $0x88, s3;
	s6 =	simm.s32 @!p1 $0x1082;
	[sflag:s4] =	ssyncset.s32 $0xFFFFF086  }
0x25: {  	[simem:s6], [sflag:s4] =	dma.local [hbm:s3], $0xF7A  }
0x26: {  	[smem:$0x3F9E] =	sst s1;
	(tag) =	ssettag s2;
	_ =	strace s9  }
0x27: {  	s1 =	sld [smem:$0x3FAE]  }
0x28: {  	s2 =	sld [smem:$0x3FAF]  }
0x29: {  	s4 =	sld [smem:$0x3FB1]  }
0x2a: {  	p0 =	seq.s32 s5, $0x0;
	s5 =	sld [smem:$0x3FB2]  }
0x2b: {  	s6 =	sld [smem:$0x3FB3]  }
0x2c: {  	s7 =	sld [smem:$0x3FB4]  }
0x2d: {  	s3 =	simm.s32 $0x108;
	s8 =	sld [smem:$0x3FB5]  }
0x2e: {  	s3 =	simm.s32 @!p0 $0x1082;
	s9 =	sld [smem:$0x3FB6]  }
0x2f: {  	lr =	sadd.s32 s0, s3;
	s0 =	sld [smem:$0x3FAD]  }
0x30: {  	s3 =	sld [smem:$0x3FB0]  }
0x31: {  	[smem:$0x3FB9] =	sst s10  }
0x32: {  	s10 =	sld [smem:$0x3FB7];
	_ =	sdelay $0x3  }
0x33: {  	p0 =	seq.s32 s10, $0x1;
	s10 =	sld [smem:$0x3FB9];
	_ =	sdelay $0x3  }
0x34: {  	[smem:$0x3FB9] =	sst s10  }
0x35: {  	s10 =	sld [smem:$0x3FB8];
	_ =	sdelay $0x3  }
0x36: {  	p1 =	seq.s32 s10, $0x1;
	s10 =	sld [smem:$0x3FB9];
	_ =	sdelay $0x3  }
0x37: {  	[smem:$0x3FB9] =	sst s10  }
0x38: {  	s10 =	sld [smem:$0x3FBA]  }
0x39: {  	_ = 	snop;
	(pc) =	sbr.ind lr, $3  }
0x3a: {  	_ = 	snop  }
0x3b: {  	_ = 	snop  }
0x3c: {  	p2 =	seq.s32 s10, $0x1;
	s10 =	sld [smem:$0x3FB9]  }
0x3d: {  	_ =	shalt  }
0x3e: {  	_ =	shalt  }
0x3f: {  	_ =	shalt  }
0x40: {  	_ =	shalt  }
0x41: {  	_ =	shalt  }
0x42: {  	_ =	shalt  }
0x43: {  	_ =	shalt  }
0x44: {  	_ =	shalt  }
0x45: {  	_ =	shalt  }
0x46: {  	_ =	shalt  }
0x47: {  	_ =	shalt  }
0x48: {  	_ =	shalt  }
0x49: {  	_ =	shalt  }
0x4a: {  	_ =	shalt  }
0x4b: {  	_ =	shalt  }
0x4c: {  	_ =	shalt  }
0x4d: {  	_ =	shalt  }
0x4e: {  	_ =	shalt  }
0x4f: {  	_ =	shalt  }
0x50: {  	_ =	shalt  }
0x51: {  	_ =	shalt  }
0x52: {  	_ =	shalt  }
0x53: {  	_ =	shalt  }
0x54: {  	_ =	shalt  }
0x55: {  	_ =	shalt  }
0x56: {  	_ =	shalt  }
0x57: {  	_ =	shalt  }
0x58: {  	_ =	shalt  }
0x59: {  	_ =	shalt  }
0x5a: {  	_ =	shalt  }
0x5b: {  	_ =	shalt  }
0x5c: {  	_ =	shalt  }
0x5d: {  	_ =	shalt  }
0x5e: {  	_ =	shalt  }
0x5f: {  	_ =	shalt  }
0x60: {  	_ =	shalt  }
0x61: {  	_ =	shalt  }
0x62: {  	_ =	shalt  }
0x63: {  	_ =	shalt  }
0x64: {  	_ =	shalt  }
0x65: {  	_ =	shalt  }
0x66: {  	_ =	shalt  }
0x67: {  	_ =	shalt  }
0x68: {  	_ =	shalt  }
0x69: {  	_ =	shalt  }
0x6a: {  	_ =	shalt  }
0x6b: {  	_ =	shalt  }
0x6c: {  	_ =	shalt  }
0x6d: {  	_ =	shalt  }
0x6e: {  	_ =	shalt  }
0x6f: {  	_ =	shalt  }
0x70: {  	_ =	shalt  }
0x71: {  	_ =	shalt  }
0x72: {  	_ =	shalt  }
0x73: {  	_ =	shalt  }
0x74: {  	_ =	shalt  }
0x75: {  	_ =	shalt  }
0x76: {  	_ =	shalt  }
0x77: {  	_ =	shalt  }
0x78: {  	_ =	shalt  }
0x79: {  	_ =	shalt  }
0x7a: {  	_ =	shalt  }
0x7b: {  	_ =	shalt  }
0x7c: {  	_ =	shalt  }
0x7d: {  	_ =	shalt  }
0x7e: {  	_ =	shalt  }
0x7f: {  	_ =	shalt  }
0x80: {  	_ =	shalt  }
0x81: {  	_ =	shalt  }
0x82: {  	_ =	shalt  }
0x83: {  	_ =	shalt  }
0x84: {  	_ =	shalt  }
0x85: {  	_ =	shalt  }
0x86: {  	_ =	shalt  }
0x87: {  	_ =	shalt  }
.Lfunc_end0:
.L_simem_size_0:
called_computation_lowered:
.L_overlay_start_0:
0x88: {  	s2 =	sld [smem:$0x3FD9]  }
0x89: {  	s3 =	sld [smem:$0x3FFE];
	_ =	sdelay $0x1  }
0x8a: {  	s1 =	srdreg.scid  }
0x8b: {  	s0 =	sand.u32 $0x1, s1  }
0x8c: {  	s14 =	sshll.u32 s0, $0xA;
	s2 =	sadd.s32 s3, s2  }
0x8d: {  	s2 =	sadd.s32 s2, s14  }
0x8e: {  	[smem:$0x3FC5] =	sst s2  }
0x8f: {  	_ = 	snop  }
0x90: {  	s2 =	sld [smem:$0x3FD0];
	_ =	sdelay $0x2  }
0x91: {  	s15 =	simm.s32 $0xA;
	s4 =	simm.s32 $0x10  }
0x92: {  	[smem:s4], [sflag:s15] =	dma.local [hbm:s2], $0x1  }
0x93: {  	_ =	swait.eq [sflag:s15], $0x1  }
0x94: {  	[sflag:s15] =	ssyncset.done $0x0  }
0x95: {  	s16 =	sld [smem:$0x10];
	[sflag:s15] =	ssyncadd.s32 $0xFFFFFFFF  }
0x96: {  	s17 =	sld [smem:$0x11];
	(tm) =	ssettm $0x1  }
0x97: {  	s18 =	sld [smem:$0x3FFB];
	_ =	sdelay $0x3  }
0x98: {  	_ =	strace s18  }
0x99: {  	s4 =	sld [smem:$0x3FFC];
	_ =	sdelay $0x3  }
0x9a: {  	_ =	strace s4  }
0x9b: {  	s4 =	sld [smem:$0x3FFD];
	_ =	sdelay $0x3  }
0x9c: {  	_ =	strace s4  }
0x9d: {  	_ =	strace $0x8FFFFFFF  }
0x9e: {  	s19 =	sld [smem:$0x3FDB];
	_ =	sdelay $0x1  }
0x9f: {  	s5 =	simm.s32 $_scs_section_size  }
0xa0: {  	s6 =	simm.s32 $_size__tile_overlayer_lowered;
	s7 =	simm.s32 $_tile_overlayer_lowered  }
0xa1: {  	s22 =	simm.s32 $0x1BFF;
	s21 =	sshll.u32 s7, $0x1;
	s4 =	sadd.s32 s5, s19  }
0xa2: {  	s8 =	simm.s32 $0x0;
	s20 =	sshll.u32 s6, $0x1;
	s6 =	sadd.s32 s21, s4  }
0xa3: {  	[timem:s8], [sflag:s22] =	dma.local [hbm:s6], s20  }
0xa4: {  	_ =	swait.ge [sflag:s22], s20  }
0xa5: {  	s5 =	ssub.s32 $0x0, s20;
	[sflag:s22] =	ssyncset.done $0x0  }
0xa6: {  	[sflag:s22] =	ssyncadd.s32 s5;
	_ =	sdelay $0x1  }
0xa7: {  	s23 =	simm.s32 $0x1B8B  }
0xa8: {  	_ =	swait.ge [sflag:s23], $0x1  }
0xa9: {  	[sflag:s23] =	ssyncset.done $0x0  }
0xaa: {  	s25 =	simm.s32 $0x1B8E;
	s24 =	sld [smem:$0x3FFE];
	[sflag:s23] =	ssyncadd.s32 $0xFFFFFFFF  }
0xab: {  	s26 =	simm.s32 $execute0_lowered;
	[smem:$0x3FD2] =	sst s25  }
0xac: {  	s6 =	sshll.u32 s26, $0x1;
	_ =	strace $0x80000046;
	[dreg:$0x1] =	wrdreg $0xFFFFFFFF  }
0xad: {  	s28 =	simm.s32 $_size_execute0_lowered;
	s4 =	sadd.s32 s4, s6;
	[dreg:$0x0] =	wrdreg $0x0  }
0xae: {  	s6 =	sshll.u32 s28, $0x1;
	[dreg:$0x2] =	wrdreg s4  }
0xaf: {  	[dreg:$0x3] =	wrdreg s6  }
0xb0: {  	[dreg:$0x4] =	wrdreg $0xC0  }
0xb1: {  	_ =	task [dreg:s8], $0x5FFFF  }
0xb2: {  	[dreg:$0x1] =	wrdreg $0xFFFFFFFF  }
0xb3: {  	[dreg:$0x0] =	wrdreg $0x60  }
0xb4: {  	[dreg:$0x2] =	wrdreg s24  }
0xb5: {  	[dreg:$0x3] =	wrdreg s16  }
0xb6: {  	[dreg:$0x4] =	wrdreg s17  }
0xb7: {  	[dreg:$0x5] =	wrdreg $0x14E800  }
0xb8: {  	[dreg:$0x6] =	wrdreg $0x14EC00  }
0xb9: {  	[dreg:$0x7] =	wrdreg $0x9  }
0xba: {  	_ =	task.clear_ibuf [dreg:s8], $0x8FFFF;
	_ =	strace $0x90000046  }
0xbb: {  	s29 =	simm.s32 $0x9;
	_ =	strace $0x80000048  }
0xbc: {  	_ =	swait.ge [sflag:s29], $0x1  }
0xbd: {  	[sflag:s29] =	ssyncadd.s32 $0xFFFFFFFF  }
0xbe: {  	_ =	strace $0x90000048  }
0xbf: {  	_ =	sfence  }
0xc0: {  	s30 =	sld [smem:$0x0];
	_ =	sdelay $0x2  }
0xc1: {  	s31 =	sshll.u32 s1, $0xD;
	s1 =	sshrl.u32 s1, $0x2  }
0xc2: {  	s3 =	sand.u32 $0x4000, s31;
	s1 =	sadd.s32 s1, s30  }
0xc3: {  	s0 =	sor.u32 s3, s0;
	s1 =	sshll.u32 s1, $0x11  }
0xc4: {  	s0 =	sor.u32 s1, s0  }
0xc5: {  	s0 =	sadd.s32 $0x8F2B, s0  }
0xc6: {  	[sflag:s0] =	ssyncadd.remote.s32 $0x1  }
0xc7: {  	_ =	sfence.sel $0xFFFF  }
0xc8: {  	[dreg:$0x0] =	wrdreg $0xFFFFFFFF;
	(pc) =	sbr.abs _section_cstart, $3  }
0xc9: {  	[dreg:$0x1] =	wrdreg $0xFFFFFFFF  }
0xca: {  	_ =	task.clear_ibuf [dreg:s8], $0x2FFFF;
	_ =	strace $0x9FFFFFFF  }
0xcb: {  	(tm) =	ssettm $0x7FFFFFFF  }
tec
execute0_lowered:
.L_overlay_start_1:
0x0: {  	(tag) =	ssettag $0x1  }
0x1: {  	s0 =	rddreg [dreg:$0x0]  }
0x2: {  	s1 =	rddreg [dreg:$0x1]  }
0x3: {  	s4 =	rddreg [dreg:$0x2]  }
0x4: {  	s5 =	rddreg [dreg:$0x3];
	s2 =	srdreg.scid  }
0x5: {  	s14 =	stileid.u32;
	s6 =	sand.u32 $0x1, s2;
	s2 =	simm.s32 $0x0  }
0x6: {  	s3 =	sand.u32 $0x3, s14;
	[smem:$0x7FF] =	sst s2  }
0x7: {  	s7 =	rddreg [dreg:$0x4];
	v0 =	vimm.f32 $2.000000000e+00;
	s3 =	smul.u32 $0x1360, s3;
	_ =	strace $0x80000047  }
0x8: {  	(erf) = vrcp.f32 v0;
	v0 =	vimm.f32 $2.000000030e-01  }
0x9: {  	s28 =	simm.s32 $0xB400;
	s29 =	simm.s32 $0xB480;
	s30 =	simm.s32 $0xB500;
	(erf) = vrcp.f32 v0;
	v0 =	vmov s3  }
0xa: {  	s31 =	simm.s32 $0xB580;
	s9 =	sshrl.u32 s14, $0x2;
	s19 =	sshll.u32 s14, $0x6;
	v1 =	vor.u32 $0x1, v0;
	[tilespmem:$0x1FFB0] =	vst v0  }
0xb: {  	s8 =	sshll.u32 s6, $0x2;
	s6 =	ssub.s32 $0x2, s6;
	s20 =	sshll.u32 s9, $0x8;
	[tilespmem:$0x1FED0] =	vst v1;
	v1 =	vor.u32 $0x2, v0  }
0xc: {  	s21 =	sadd.s32 s19, s5;
	s8 =	sor.u32 s9, s8;
	s13 =	sshrl.u32 s6, $0x1;
	[tilespmem:$0x1FEE0] =	vst v1;
	v1 =	vor.u32 $0x3, v0  }
0xd: {  	[dreg:$0xe] =	wrdreg s21;
	s22 =	sadd.s32 s20, s5;
	s23 =	sadd.s32 s20, s7;
	[tilespmem:$0x1FEF0] =	vst v1;
	v1 =	vor.u32 $0x4, v0  }
0xe: {  	s10 =	smul.u32 $0x13880, s8;
	s11 =	sshrl.u32 s3, $0x3;
	s13 =	ssub.s32 s6, s13;
	[tilespmem:$0x1FF00] =	vst v1;
	v1 =	vor.u32 $0x5, v0  }
0xf: {  	s24 =	sshll.u32 s8, $0x3;
	[dreg:$0x10] =	wrdreg s22;
	s12 =	sadd.s32 s11, s0;
	[tilespmem:$0x1FF10] =	vst v1;
	v1 =	vor.u32 $0x6, v0  }
0x10: {  	s8 =	smul.u32 $0x4E20, s8;
	[dreg:$0x11] =	wrdreg s23;
	s15 =	sadd.s32 $0x1E00, s12;
	[tilespmem:$0x1FF20] =	vst v1;
	v1 =	vor.u32 $0x7, v0  }
0x11: {  	s23 =	simm.s32 $0x1;
	s25 =	sadd.s32 $0x1400, s12;
	[dreg:$0x6] =	wrdreg s15;
	[tilespmem:$0x1FF30] =	vst v1;
	v1 =	vor.u32 $0x8, v0  }
0x12: {  	s6 =	sadd.s32 s0, s24;
	s26 =	sadd.s32 $0xA00, s12;
	[dreg:$0x7] =	wrdreg s25;
	v58 =	vpop (erf);
	[tilespmem:$0x1FF40] =	vst v1  }
0x13: {  	s22 =	smax.u32 s13, $0x1;
	s12 =	sadd.s32 s1, s11;
	[dreg:$0x8] =	wrdreg s26;
	v1 =	vor.u32 $0x9, v0;
	[tilespmem:$0x1FFE0] =	vst v58  }
0x14: {  	s10 =	sadd.s32 s3, s10;
	s16 =	sadd.s32 $0x600, s6;
	[dreg:$0x9] =	wrdreg s12;
	[tilespmem:$0x1FF50] =	vst v1;
	v1 =	vor.u32 $0xA, v0  }
0x15: {  	s17 =	sadd.s32 $0x400, s6;
	s18 =	sadd.s32 $0x200, s6;
	[dreg:$0xb] =	wrdreg s16;
	[tilespmem:$0x1FF60] =	vst v1;
	v1 =	vor.u32 $0xB, v0  }
0x16: {  	s1 =	simm.s32 $0xDF00;
	s10 =	sshrl.u32 s10, $0x3;
	[dreg:$0xc] =	wrdreg s17;
	[tilespmem:$0x1FF70] =	vst v1;
	v1 =	vor.u32 $0xC, v0  }
0x17: {  	s15 =	sadd.s32 $0x800, s6;
	[dreg:$0xd] =	wrdreg s18;
	s25 =	sadd.s32 s3, s8;
	[tilespmem:$0x1FF80] =	vst v1;
	v1 =	vor.u32 $0xD, v0  }
0x18: {  	s10 =	sadd.s32 s10, s0;
	[dreg:$0xa] =	wrdreg s15;
	s0 =	sadd.s32 s19, s7;
	[tilespmem:$0x1FF90] =	vst v1;
	v1 =	vor.u32 $0xE, v0  }
0x19: {  	[dreg:$0xf] =	wrdreg s0;
	s24 =	sadd.s32 $0x2800, s10;
	s26 =	sadd.s32 $0x31C4, s10;
	v59 =	vpop (erf);
	[tilespmem:$0x1FFA0] =	vst v1;
	v1 =	vlaneseq.u32  }
0x1a: {  	s19 =	sadd.s32 $0x3B88, s10;
	s0 =	sshrl.u32 s25, $0x3;
	[dreg:$0x12] =	wrdreg s24;
	[tilespmem:$0x1FFF0] =	vst v59;
	v0 =	vor.u32 $0xF, v0;
	v1 =	vmul.u32 $0x10, v1  }
0x1b: {  	s20 =	sadd.s32 $0x454C, s10;
	[dreg:$0x13] =	wrdreg s26;
	s21 =	sadd.s32 s4, s0;
	[tilespmem:$0x1FFC0] =	vst v0  }
0x1c: {  	v9 =	vimm.s32 $0x0;
	s0 =	simm.s32 $0xB680;
	s24 =	simm.s32 $0xE300;
	s26 =	simm.s32 $0x0;
	v0 =	vimm.f32 $-1.000000000e+00;
	[tilespmem:$0x1FFD0] =	vst v1  }
.LBB2_1:
0x1d: {  	s4 =	rddreg [dreg:$0x6]  }
0x1e: {  	[tilespmem:s2], [sflag:$0x1] =	stream.linear.gather [hbm4b:s4+s2], $0x1400, $0x38;
	[tilespmem:$0x14F00] =	vst v63  }
0x1f: {  	_ =	swait.ge [sflag:s23], $0x1400  }
0x20: {  	[sflag:s23] =	ssyncset.done $0x0  }
0x21: {  	s5 =	simm.s32 $0x1400;
	s10 =	rddreg [dreg:$0x7];
	[sflag:s23] =	ssyncadd.s32 $0xFFFFEC00  }
0x22: {  	[tilespmem:s5], [sflag:$0x1] =	stream.linear.gather [hbm4b:s10+s2], $0x1400, $0x38;
	[tilespmem:$0x14F00] =	vst v63  }
0x23: {  	_ =	swait.ge [sflag:s23], $0x1400  }
0x24: {  	[sflag:s23] =	ssyncset.done $0x0  }
0x25: {  	s12 =	simm.s32 $0x2800;
	s11 =	rddreg [dreg:$0x8];
	[sflag:s23] =	ssyncadd.s32 $0xFFFFEC00  }
0x26: {  	[tilespmem:s12], [sflag:$0x1] =	stream.linear.gather [hbm4b:s11+s2], $0x1400, $0x38;
	[tilespmem:$0x14F00] =	vst v63  }
0x27: {  	_ =	swait.ge [sflag:s23], $0x1400  }
0x28: {  	[sflag:s23] =	ssyncset.done $0x0  }
0x29: {  	s14 =	simm.s32 $0x3C00;
	s13 =	rddreg [dreg:$0x9];
	[sflag:s23] =	ssyncadd.s32 $0xFFFFEC00  }
0x2a: {  	[tilespmem:s14], [sflag:$0x1] =	stream.linear.gather [hbm4b:s13+s2], $0x1400, $0x38;
	[tilespmem:$0x14F00] =	vst v63  }
0x2b: {  	_ =	swait.ge [sflag:s23], $0x1400  }
0x2c: {  	[sflag:s23] =	ssyncset.done $0x0  }
0x2d: {  	s15 =	rddreg [dreg:$0xa];
	[sflag:s23] =	ssyncadd.s32 $0xFFFFEC00  }
0x2e: {  	[tilespmem:s28], [sflag:$0x1] =	stream.linear.gather [hbm4b:s15+s2], $0x40, $0x38;
	[tilespmem:$0x14F00] =	vst v63  }
0x2f: {  	_ =	swait.ge [sflag:s23], $0x40  }
0x30: {  	[sflag:s23] =	ssyncset.done $0x0  }
0x31: {  	s16 =	rddreg [dreg:$0xb];
	[sflag:s23] =	ssyncadd.s32 $0xFFFFFFC0  }
0x32: {  	[tilespmem:s29], [sflag:$0x1] =	stream.linear.gather [hbm4b:s16+s2], $0x40, $0x38;
	[tilespmem:$0x14F00] =	vst v63  }
0x33: {  	_ =	swait.ge [sflag:s23], $0x40  }
0x34: {  	[sflag:s23] =	ssyncset.done $0x0  }
0x35: {  	s17 =	rddreg [dreg:$0xc];
	[sflag:s23] =	ssyncadd.s32 $0xFFFFFFC0  }
0x36: {  	[tilespmem:s30], [sflag:$0x1] =	stream.linear.gather [hbm4b:s17+s2], $0x40, $0x38;
	[tilespmem:$0x14F00] =	vst v63  }
0x37: {  	_ =	swait.ge [sflag:s23], $0x40  }
0x38: {  	[sflag:s23] =	ssyncset.done $0x0  }
0x39: {  	s18 =	rddreg [dreg:$0xd];
	[sflag:s23] =	ssyncadd.s32 $0xFFFFFFC0  }
0x3a: {  	[tilespmem:s31], [sflag:$0x1] =	stream.linear.gather [hbm4b:s18+s2], $0x40, $0x38;
	[tilespmem:$0x14F00] =	vst v63  }
0x3b: {  	_ =	swait.ge [sflag:s23], $0x40  }
0x3c: {  	[sflag:s23] =	ssyncset.done $0x0  }
0x3d: {  	[sflag:s23] =	ssyncadd.s32 $0xFFFFFFC0  }
0x3e: {  	[tilespmem:s0], [sflag:$0x1] =	stream.linear.gather [hbm4b:s6+s2], $0x40, $0x38;
	[tilespmem:$0x14F00] =	vst v63  }
0x3f: {  	_ =	swait.ge [sflag:s23], $0x40  }
0x40: {  	[sflag:s23] =	ssyncset.done $0x0  }
0x41: {  	s11 =	simm.s32 $0x2820;
	[sflag:s23] =	ssyncadd.s32 $0xFFFFFFC0  }
0x42: {  	s12 =	simm.s32 $0x1420;
	v1 =	vld [tilespmem:s11+$0xFFFFFFE0]  }
0x43: {  	v2 =	vld [tilespmem:s12+$0xFFFFFFF0]  }
0x44: {  	s25 =	simm.s32 $0x3C20;
	v3 =	vld [tilespmem:s12+$0xFFFFFFE0]  }
0x45: {  	v4 =	vld [tilespmem:s25+$0xFFFFFFF0]  }
0x46: {  	v5 =	vld [tilespmem:s25+$0xFFFFFFE0]  }
0x47: {  	s18 =	simm.s32 $0x20;
	v6 =	vld [tilespmem:s11+$0xFFFFFFF0]  }
0x48: {  	v7 =	vld [tilespmem:s18+$0xFFFFFFE0]  }
0x49: {  	v8 =	vld [tilespmem:s18+$0xFFFFFFF0]  }
0x4a: {  	v25 =	vld [tilespmem:s11+$0x10]  }
0x4b: {  	v27 =	vld [tilespmem:s25+$0x0];
	v4 =	vmul.f32 v4, v58  }
0x4c: {  	v29 =	vld [tilespmem:s25+$0x10];
	v1 =	vmul.f32 v1, v58;
	v5 =	vmul.f32 v5, v58  }
0x4d: {  	v31 =	vld [tilespmem:s18+$0x10];
	v6 =	vmul.f32 v6, v58;
	v28 =	vsub.f32 v2, v4  }
0x4e: {  	v24 =	vld [tilespmem:s12+$0x10];
	v26 =	vsub.f32 v3, v5;
	v30 =	vsub.f32 v7, v1  }
0x4f: {  	s4 =	simm.s32 $0x5020;
	v23 =	vadd.f32 v1, v7;
	v1 =	vsub.f32 v8, v6  }
0x50: {  	s8 =	simm.s32 $0xA020;
	s9 =	simm.s32 $0x8C20;
	v33 =	vld [tilespmem:s11+$0x0];
	v62 =	vmul.f32 v25, v58;
	v22 =	vadd.f32 v5, v3;
	v3 =	vadd.f32 v6, v8;
	[tilespmem:s4+$0xFFFFFFE0] =	vst v30  }
0x51: {  	s7 =	simm.s32 $0x6420;
	s5 =	simm.s32 $0x7820;
	s10 =	simm.s32 $0x0;
	v34 =	vld [tilespmem:s12+$0x0];
	v29 =	vmul.f32 v29, v58;
	v2 =	vadd.f32 v4, v2;
	v61 =	vsub.f32 v23, v30;
	[tilespmem:s4+$0xFFFFFFF0] =	vst v1  }
0x52: {  	s13 =	simm.s32 $0x60;
	s14 =	simm.s32 $0x6460;
	s15 =	simm.s32 $0x5060;
	v63 =	vsub.f32 v22, v26;
	v25 =	vsub.f32 v3, v1;
	v1 =	vld [tilespmem:s18+$0x0];
	[tilespmem:s7+$0xFFFFFFF0] =	vst v28  }
0x53: {  	s16 =	simm.s32 $0x1460;
	s17 =	simm.s32 $0x3C60;
	s25 =	simm.s32 $0x7860;
	v35 =	vmul.f32 v27, v58;
	v32 =	vsub.f32 v24, v29;
	v30 =	vsub.f32 v31, v62;
	[tilespmem:s5+$0xFFFFFFF0] =	vst v3  }
0x54: {  	s11 =	simm.s32 $0x8C20;
	s12 =	simm.s32 $0xA020;
	v31 =	vadd.f32 v62, v31;
	s18 =	simm.s32 $0x2860;
	v28 =	vsub.f32 v2, v28;
	v27 =	vmul.f32 v63, v61;
	[tilespmem:s9+$0xFFFFFFF0] =	vst v2  }
.LBB2_2:
0x55: {  	v2 =	vld [tilespmem:s18+$0xFFFFFFE0];
	s10 =	sadd.s32 $0x4, s10;
	v3 =	vmul.f32 v33, v58;
	[tilespmem:s4+$0x10] =	vst v30;
	s8 =	sadd.s32 $0x40, s8;
	s9 =	sadd.s32 $0x40, s9  }
0x56: {  	v4 =	vld [tilespmem:s13+$0xFFFFFFF0];
	p0 =	slt.u32 s10, $0x13C;
	v5 =	vsub.f32 v34, v35;
	v6 =	vadd.f32 v35, v34;
	[tilespmem:s7+$0x10] =	vst v32  }
0x57: {  	v7 =	vld [tilespmem:s16+$0xFFFFFFF0];
	v8 =	vsub.f32 v1, v3;
	v1 =	vadd.f32 v3, v1;
	[tilespmem:s5+$0x10] =	vst v31  }
0x58: {  	v3 =	vld [tilespmem:s16+$0xFFFFFFE0];
	[tilespmem:s7+$0xFFFFFFE0] =	vst v26;
	v26 =	vsub.f32 v6, v5  }
0x59: {  	v33 =	vld [tilespmem:s17+$0xFFFFFFF0];
	[tilespmem:s4+$0x0] =	vst v8;
	v8 =	vsub.f32 v1, v8;
	s4 =	smov.u32 s15  }
0x5a: {  	v34 =	vld [tilespmem:s17+$0xFFFFFFE0];
	v2 =	vmul.f32 v2, v58;
	[tilespmem:s7+$0x0] =	vst v5;
	s7 =	smov.u32 s14  }
0x5b: {  	v5 =	vld [tilespmem:s18+$0x10];
	[tilespmem:s5+$0x0] =	vst v1;
	v1 =	vmul.f32 v26, v8  }
0x5c: {  	v8 =	vld [tilespmem:s18+$0xFFFFFFF0];
	[tilespmem:s11+$0x0] =	vst v6;
	v6 =	vadd.f32 v29, v24  }
0x5d: {  	v24 =	vld [tilespmem:s13+$0xFFFFFFE0];
	[tilespmem:s12+$0x0] =	vst v1  }
0x5e: {  	v1 =	vmul.f32 v33, v58;
	[tilespmem:s5+$0xFFFFFFE0] =	vst v23;
	v23 =	vsub.f32 v31, v30;
	v26 =	vsub.f32 v6, v32;
	s5 =	smov.u32 s25  }
0x5f: {  	v25 =	vmul.f32 v28, v25;
	v29 =	vmul.f32 v34, v58;
	[tilespmem:s11+$0xFFFFFFE0] =	vst v22  }
0x60: {  	v28 =	vsub.f32 v7, v1;
	v7 =	vadd.f32 v1, v7;
	v1 =	vld [tilespmem:s17+$0x0];
	[tilespmem:s12+$0xFFFFFFE0] =	vst v27;
	v27 =	vmul.f32 v26, v23  }
0x61: {  	v26 =	vsub.f32 v3, v29;
	v22 =	vadd.f32 v29, v3;
	v3 =	vmul.f32 v8, v58;
	v8 =	vld [tilespmem:s17+$0x10];
	[tilespmem:s12+$0xFFFFFFF0] =	vst v25  }
0x62: {  	v25 =	vsub.f32 v24, v2;
	v23 =	vadd.f32 v2, v24;
	v2 =	vld [tilespmem:s13+$0x10];
	[tilespmem:s11+$0x10] =	vst v6;
	s11 =	smov.u32 s9  }
0x63: {  	v6 =	vsub.f32 v4, v3;
	v3 =	vadd.f32 v3, v4;
	v24 =	vld [tilespmem:s16+$0x10];
	[tilespmem:s12+$0x10] =	vst v27;
	s12 =	smov.u32 s8  }
.Ltmp0:
0x64: {  	v27 =	vsub.f32 v22, v26;
	[tilespmem:s15+$0xFFFFFFE0] =	vst v25;
	v4 =	vsub.f32 v23, v25;
	v33 =	vld [tilespmem:s18+$0x0];
	(pc) =	sbr.rel @p0 .LBB2_2-.Ltmp0, $4  }
0x65: {  	v5 =	vmul.f32 v5, v58;
	[tilespmem:s15+$0xFFFFFFF0] =	vst v6;
	v25 =	vsub.f32 v3, v6;
	v34 =	vld [tilespmem:s16+$0x0];
	v35 =	vmul.f32 v1, v58  }
0x66: {  	v27 =	vmul.f32 v27, v4;
	[tilespmem:s14+$0xFFFFFFF0] =	vst v28;
	v28 =	vsub.f32 v7, v28;
	v1 =	vld [tilespmem:s13+$0x0];
	v29 =	vmul.f32 v8, v58;
	s13 =	sadd.s32 $0x40, s13  }
0x67: {  	s15 =	sadd.s32 $0x40, s15;
	s16 =	sadd.s32 $0x40, s16;
	s14 =	sadd.s32 $0x40, s14;
	[tilespmem:s25+$0xFFFFFFF0] =	vst v3;
	v30 =	vsub.f32 v2, v5;
	v31 =	vadd.f32 v5, v2  }
0x68: {  	s17 =	sadd.s32 $0x40, s17;
	s18 =	sadd.s32 $0x40, s18;
	s25 =	sadd.s32 $0x40, s25;
	[tilespmem:s9+$0xFFFFFFF0] =	vst v7;
	v32 =	vsub.f32 v24, v29  }
0x69: {  	[tilespmem:s4+$0x10] =	vst v30  }
0x6a: {  	[tilespmem:s7+$0xFFFFFFE0] =	vst v26  }
0x6b: {  	v2 =	vmul.f32 v33, v58;
	[tilespmem:s7+$0x10] =	vst v32  }
0x6c: {  	v3 =	vsub.f32 v34, v35;
	v4 =	vadd.f32 v35, v34;
	[tilespmem:s5+$0xFFFFFFE0] =	vst v23  }
0x6d: {  	v5 =	vsub.f32 v1, v2;
	v1 =	vadd.f32 v2, v1;
	[tilespmem:s5+$0x10] =	vst v31  }
0x6e: {  	[tilespmem:s11+$0xFFFFFFE0] =	vst v22  }
0x6f: {  	v2 =	vsub.f32 v4, v3;
	[tilespmem:s4+$0x0] =	vst v5;
	v5 =	vsub.f32 v1, v5  }
0x70: {  	[tilespmem:s7+$0x0] =	vst v3  }
0x71: {  	[tilespmem:s5+$0x0] =	vst v1;
	v1 =	vmul.f32 v2, v5;
	v2 =	vadd.f32 v29, v24  }
0x72: {  	v54 =	vmul.f32 v28, v25;
	[tilespmem:s11+$0x0] =	vst v4  }
0x73: {  	[tilespmem:s12+$0x0] =	vst v1;
	v1 =	vsub.f32 v31, v30;
	v3 =	vsub.f32 v2, v32  }
0x74: {  	[tilespmem:s12+$0xFFFFFFF0] =	vst v54  }
0x75: {  	[tilespmem:s12+$0xFFFFFFE0] =	vst v27;
	v1 =	vmul.f32 v3, v1  }
0x76: {  	[tilespmem:s11+$0x10] =	vst v2  }
0x77: {  	[tilespmem:s12+$0x10] =	vst v1  }
0x78: {  	v1 =	vld [tilespmem:$0xB400]  }
0x79: {  	v2 =	vld [tilespmem:$0xB480]  }
0x7a: {  	v3 =	vld [tilespmem:$0xB500]  }
0x7b: {  	v4 =	vld [tilespmem:$0xB580]  }
0x7c: {  	v55 =	vld [tilespmem:$0xB410]  }
0x7d: {  	v6 =	vld [tilespmem:$0xB490]  }
0x7e: {  	v7 =	vld [tilespmem:$0xB510]  }
0x7f: {  	v8 =	vld [tilespmem:$0xB590]  }
0x80: {  	v22 =	vld [tilespmem:$0xB420]  }
0x81: {  	v23 =	vld [tilespmem:$0xB4A0]  }
0x82: {  	v56 =	vld [tilespmem:$0xB520]  }
0x83: {  	v57 =	vld [tilespmem:$0xB5A0]  }
0x84: {  	v26 =	vld [tilespmem:$0xB430]  }
0x85: {  	v27 =	vld [tilespmem:$0xB4B0]  }
0x86: {  	v58 =	vld [tilespmem:$0xB530]  }
0x87: {  	v59 =	vld [tilespmem:$0xB5B0];
	_ =	sdelay $0x1  }
0x88: {  	v1 =	vsub.f32 v3, v1;
	v2 =	vsub.f32 v4, v2  }
0x89: {  	v3 =	vsub.f32 v7, v55;
	v60 =	vsub.f32 v8, v6  }
0x8a: {  	v61 =	vsub.f32 v57, v23;
	v1 =	vmul.f32 v2, v1;
	v2 =	vsub.f32 v56, v22  }
0x8b: {  	v62 =	vsub.f32 v58, v26;
	v63 =	vsub.f32 v59, v27;
	v3 =	vmul.f32 v60, v3  }
0x8c: {  	[tilespmem:$0xB600] =	vst v1;
	v1 =	vmul.f32 v61, v2  }
0x8d: {  	[tilespmem:$0xB610] =	vst v3;
	v2 =	vmul.f32 v63, v62  }
0x8e: {  	[tilespmem:$0xB620] =	vst v1  }
0x8f: {  	s4 =	simm.s32 $0x0;
	[tilespmem:$0xB630] =	vst v2  }
.LBB2_4:
0x90: {  	p0 =	sne.s32 s4, $0xFC0  }
.Ltmp1:
0x91: {  	_ = 	snop;
	(pc) =	sbr.rel @p0 .LBB2_4-.Ltmp1, $4  }
0x92: {  	_ = 	snop  }
0x93: {  	s5 =	sshra.s32 s4, $0x2  }
0x94: {  	[tilespmem:s5+$0xDF00] =	vst v0  }
0x95: {  	s4 =	sadd.s32 $0x40, s4;
	[tilespmem:s5+$0xE300] =	vst v9  }
0x96: {  	s5 =	simm.s32 $0xB720  }
0x97: {  	[tilespmem:s5+$0xFFFFFFF0] =	vst v0  }
0x98: {  	[tilespmem:s5+$0x0] =	vst v0  }
0x99: {  	[tilespmem:s5+$0x10] =	vst v0  }
0x9a: {  	s4 =	simm.s32 $0xCB20;
	[tilespmem:s5+$0xFFFFFFE0] =	vst v0  }
0x9b: {  	[tilespmem:s4+$0xFFFFFFF0] =	vst v9  }
0x9c: {  	[tilespmem:s4+$0x0] =	vst v9  }
0x9d: {  	[tilespmem:s4+$0x10] =	vst v9  }
0x9e: {  	s7 =	simm.s32 $0xB760;
	s5 =	simm.s32 $0x0;
	[tilespmem:s4+$0xFFFFFFE0] =	vst v9  }
.LBB2_6:
0x9f: {  	[tilespmem:s7+$0xFFFFFFF0] =	vst v0;
	s4 =	sadd.s32 $0x40, s4  }
0xa0: {  	s5 =	sadd.s32 $0x4, s5;
	[tilespmem:s4+$0xFFFFFFF0] =	vst v9  }
0xa1: {  	p0 =	slt.u32 s5, $0x13C;
	[tilespmem:s7+$0x0] =	vst v0  }
.Ltmp2:
0xa2: {  	[tilespmem:s4+$0x0] =	vst v9;
	(pc) =	sbr.rel @p0 .LBB2_6-.Ltmp2, $4  }
0xa3: {  	[tilespmem:s7+$0x10] =	vst v0  }
0xa4: {  	[tilespmem:s4+$0x10] =	vst v9  }
0xa5: {  	[tilespmem:s7+$0xFFFFFFE0] =	vst v0  }
0xa6: {  	s25 =	simm.s32 $0x0;
	s7 =	sadd.s32 $0x40, s7;
	[tilespmem:s4+$0xFFFFFFE0] =	vst v9  }
0xa7: {  	s4 =	simm.s32 $0x0  }
.LBB2_8:
0xa8: {  	s7 =	sshll.u32 s4, $0x1  }
0xa9: {  	v18 =	vld.msk [tilespmem:s7+$0xB400 ss:$0x0], $0xffff  }
0xaa: {  	v24 =	vld.msk [tilespmem:s7+$0xB480 ss:$0x0], $0xffff  }
0xab: {  	v25 =	vld.msk [tilespmem:s7+$0xB500 ss:$0x0], $0xffff  }
0xac: {  	v27 =	vld.msk [tilespmem:s7+$0xB580 ss:$0x0], $0xffff  }
0xad: {  	v28 =	vld.msk [tilespmem:s7+$0xB600 ss:$0x0], $0xffff  }
0xae: {  	v29 =	vld.msk [tilespmem:s7+$0xB401 ss:$0x0], $0xffff  }
0xaf: {  	v30 =	vld.msk [tilespmem:s7+$0xB481 ss:$0x0], $0xffff  }
0xb0: {  	v31 =	vld.msk [tilespmem:s7+$0xB501 ss:$0x0], $0xffff  }
0xb1: {  	v32 =	vld.msk [tilespmem:s7+$0xB581 ss:$0x0], $0xffff  }
0xb2: {  	s5 =	simm.s32 $0xA020;
	v33 =	vld.msk [tilespmem:s7+$0xB601 ss:$0x0], $0xffff  }
0xb3: {  	v1 =	vld [tilespmem:s5+$0x10]  }
0xb4: {  	v2 =	vld [tilespmem:s5+$0x0]  }
0xb5: {  	v3 =	vld [tilespmem:s5+$0xFFFFFFF0]  }
0xb6: {  	s8 =	simm.s32 $0x5020;
	v4 =	vld [tilespmem:s5+$0xFFFFFFE0]  }
0xb7: {  	s16 =	simm.s32 $0x7820;
	v5 =	vld [tilespmem:s8+$0x0]  }
0xb8: {  	v6 =	vld [tilespmem:s16+$0x0]  }
0xb9: {  	v7 =	vld [tilespmem:s8+$0x10]  }
0xba: {  	s9 =	simm.s32 $0x8C20;
	v8 =	vld [tilespmem:s16+$0x10]  }
0xbb: {  	s10 =	simm.s32 $0x6420;
	v22 =	vld [tilespmem:s9+$0x10]  }
0xbc: {  	v23 =	vld [tilespmem:s10+$0x10]  }
0xbd: {  	v36 =	vld [tilespmem:s9+$0x0]  }
0xbe: {  	v37 =	vld [tilespmem:s10+$0x0];
	v34 =	vadd.f32 v1, v33;
	v35 =	vadd.f32 v2, v33  }
0xbf: {  	v38 =	vld [tilespmem:s8+$0xFFFFFFF0];
	v2 =	vadd.f32 v2, v28;
	v1 =	vadd.f32 v1, v28  }
0xc0: {  	v40 =	vld [tilespmem:s16+$0xFFFFFFF0];
	v39 =	vadd.f32 v3, v28;
	v3 =	vadd.f32 v3, v33;
	v41 =	vmin.f32 v8, v31  }
0xc1: {  	v45 =	vld [tilespmem:s9+$0xFFFFFFF0];
	v42 =	vmax.f32 v7, v29;
	v43 =	vmin.f32 v22, v32;
	v44 =	vadd.f32 v4, v28  }
0xc2: {  	v47 =	vld [tilespmem:s10+$0xFFFFFFF0];
	v4 =	vadd.f32 v4, v33;
	v46 =	vmax.f32 v23, v30;
	v48 =	vmin.f32 v6, v31  }
0xc3: {  	v51 =	vld [tilespmem:s16+$0xFFFFFFE0];
	v49 =	vmax.f32 v5, v29;
	v50 =	vmin.f32 v36, v32;
	v6 =	vmin.f32 v6, v25  }
0xc4: {  	v5 =	vmax.f32 v5, v18;
	v52 =	vmax.f32 v37, v30;
	v36 =	vmin.f32 v36, v27  }
0xc5: {  	v53 =	vld [tilespmem:s8+$0xFFFFFFE0];
	v37 =	vmax.f32 v37, v24;
	v8 =	vmin.f32 v8, v25;
	v7 =	vmax.f32 v7, v18  }
0xc6: {  	v54 =	vld [tilespmem:s9+$0xFFFFFFE0];
	v22 =	vmin.f32 v22, v27;
	v23 =	vmax.f32 v23, v24;
	v56 =	vmin.f32 v40, v25  }
0xc7: {  	v55 =	vld [tilespmem:s10+$0xFFFFFFE0];
	v57 =	vmax.f32 v38, v18;
	v58 =	vmin.f32 v45, v27;
	v59 =	vmax.f32 v47, v24  }
0xc8: {  	v40 =	vmin.f32 v40, v31;
	v38 =	vmax.f32 v38, v29;
	v60 =	vmin.f32 v51, v25  }
0xc9: {  	v45 =	vmin.f32 v45, v32;
	v47 =	vmax.f32 v47, v30;
	v41 =	vsub.f32 v41, v42  }
0xca: {  	v61 =	vmax.f32 v53, v18;
	v42 =	vsub.f32 v43, v46;
	v63 =	vsub.f32 v48, v49  }
0xcb: {  	v62 =	vmin.f32 v54, v27;
	v12 =	vsub.f32 v50, v52;
	v5 =	vsub.f32 v6, v5  }
0xcc: {  	v13 =	vmax.f32 v55, v24;
	v6 =	vsub.f32 v36, v37;
	v7 =	vsub.f32 v8, v7  }
0xcd: {  	v14 =	vmin.f32 v51, v31;
	v8 =	vsub.f32 v22, v23;
	v16 =	vsub.f32 v56, v57  }
0xce: {  	v15 =	vmax.f32 v53, v29;
	v17 =	vsub.f32 v58, v59;
	v38 =	vsub.f32 v40, v38  }
0xcf: {  	v19 =	vmin.f32 v54, v32;
	v51 =	vsub.f32 v45, v47;
	v52 =	vsub.f32 v60, v61  }
0xd0: {  	v53 =	vmax.f32 v55, v30;
	v43 =	vsub.f32 v62, v13;
	v22 =	vsub.f32 v14, v15  }
0xd1: {  	v54 =	vsub.f32 v19, v53;
	v46 =	vmax.f32 v63, $0.0e+00;
	v41 =	vmax.f32 v41, $0.0e+00  }
0xd2: {  	v42 =	vmax.f32 v42, $0.0e+00;
	v5 =	vmax.f32 v5, $0.0e+00;
	v6 =	vmax.f32 v6, $0.0e+00  }
0xd3: {  	v55 =	vmax.f32 v12, $0.0e+00;
	v23 =	vmax.f32 v16, $0.0e+00;
	v7 =	vmax.f32 v7, $0.0e+00  }
0xd4: {  	v8 =	vmax.f32 v8, $0.0e+00;
	v37 =	vmax.f32 v17, $0.0e+00;
	v38 =	vmax.f32 v38, $0.0e+00  }
0xd5: {  	v40 =	vmax.f32 v51, $0.0e+00;
	v45 =	vmax.f32 v52, $0.0e+00;
	v41 =	vmul.f32 v42, v41  }
0xd6: {  	v43 =	vmax.f32 v43, $0.0e+00;
	v22 =	vmax.f32 v22, $0.0e+00;
	v56 =	vmul.f32 v55, v46  }
0xd7: {  	v5 =	vmul.f32 v6, v5;
	v6 =	vmul.f32 v8, v7;
	v7 =	vsub.f32 v34, v41  }
0xd8: {  	v36 =	vmax.f32 v54, $0.0e+00;
	v8 =	vmul.f32 v37, v23;
	v58 =	vsub.f32 v35, v56  }
0xd9: {  	v59 =	vmul.f32 v43, v45;
	v2 =	vsub.f32 v2, v5;
	v7 =	vadd.f32 $9.999999960e-13, v7  }
0xda: {  	v36 =	vmul.f32 v36, v22;
	v1 =	vsub.f32 v1, v6;
	v60 =	vadd.f32 $9.999999960e-13, v58  }
0xdb: {  	v61 =	vsub.f32 v44, v59;
	v2 =	vadd.f32 $9.999999960e-13, v2;
	(erf) = vrcp.f32 v7  }
0xdc: {  	s10 =	simm.s32 $0x7860;
	v4 =	vsub.f32 v4, v36;
	v1 =	vadd.f32 $9.999999960e-13, v1;
	(erf) = vrcp.f32 v60  }
0xdd: {  	v14 =	vld [tilespmem:s10+$0x0];
	v57 =	vmul.f32 v40, v38;
	v7 =	vadd.f32 $9.999999960e-13, v61;
	(erf) = vrcp.f32 v2  }
0xde: {  	s13 =	simm.s32 $0x8C60;
	v49 =	vld [tilespmem:s10+$0x10];
	v62 =	vsub.f32 v39, v8;
	v2 =	vadd.f32 $9.999999960e-13, v4;
	(erf) = vrcp.f32 v1  }
0xdf: {  	s11 =	simm.s32 $0x6460;
	v19 =	vld [tilespmem:s13+$0x0];
	v3 =	vsub.f32 v3, v57;
	(erf) = vrcp.f32 v7  }
0xe0: {  	v17 =	vld [tilespmem:s11+$0x10];
	v1 =	vadd.f32 $9.999999960e-13, v62;
	(erf) = vrcp.f32 v2  }
0xe1: {  	s17 =	simm.s32 $0xA060;
	v3 =	vadd.f32 $9.999999960e-13, v3;
	v61 =	vld [tilespmem:s11+$0xFFFFFFF0]  }
0xe2: {  	s5 =	sshllo.u32 s4, $0x1;
	v4 =	vld [tilespmem:s17+$0x0];
	(erf) = vrcp.f32 v1  }
0xe3: {  	s18 =	simm.s32 $0x5060;
	v9 =	vmov s5;
	v2 =	vld [tilespmem:s17+$0x10];
	(erf) = vrcp.f32 v3  }
0xe4: {  	v15 =	vmov s7;
	v48 =	vld [tilespmem:s18+$0x10];
	v12 =	vimm.f32 $-1.000000000e+00;
	v55 =	vmin.f32 v49, v31;
	v1 =	vpop (erf)  }
0xe5: {  	v47 =	vmin.f32 v14, v25;
	v52 =	vmin.f32 v19, v27;
	v49 =	vmin.f32 v49, v25;
	v3 =	vpop (erf)  }
0xe6: {  	v51 =	vmax.f32 v17, v24;
	v60 =	vmax.f32 v17, v30;
	v62 =	vmin.f32 v14, v31;
	v7 =	vpop (erf)  }
0xe7: {  	v17 =	vmax.f32 v61, v24;
	v61 =	vmax.f32 v61, v30;
	v46 =	vadd.f32 v4, v33;
	v63 =	vpop (erf)  }
0xe8: {  	v50 =	vld [tilespmem:s13+$0x10];
	v4 =	vadd.f32 v4, v28;
	v34 =	vmul.f32 v1, v41;
	v45 =	vadd.f32 v2, v33;
	v1 =	vpop (erf)  }
0xe9: {  	v35 =	vmul.f32 v3, v56;
	v56 =	vmax.f32 v48, v29;
	v43 =	vmul.f32 v63, v6;
	v3 =	vpop (erf)  }
0xea: {  	v48 =	vmax.f32 v48, v18;
	v6 =	vld [tilespmem:s17+$0xFFFFFFE0];
	v42 =	vmul.f32 v1, v59;
	v36 =	vmul.f32 v3, v36  }
0xeb: {  	v38 =	vmul.f32 v7, v5;
	v5 =	vimm.s32 $0x0;
	v55 =	vsub.f32 v55, v56;
	v1 =	vpop (erf)  }
0xec: {  	v44 =	vmul.f32 v1, v8;
	v1 =	vpop (erf);
	vm0 =	vgt.f32 v42, v12;
	vm1 =	vgt.f32 v36, v12  }
0xed: {  	v59 =	vld [tilespmem:s13+$0xFFFFFFF0];
	v37 =	vmul.f32 v1, v57;
	v7 =	vsel vm0, v42, v12;
	v57 =	vmin.f32 v50, v32  }
0xee: {  	v3 =	vld [tilespmem:s17+$0xFFFFFFF0];
	v50 =	vmin.f32 v50, v27;
	v8 =	vsel vm1, v36, v12;
	v13 =	vsel vm1, s25, v5  }
0xef: {  	vm1 =	vgt.f32 v44, v7;
	v5 =	vsel vm0, s25, v5;
	v58 =	vadd.f32 v6, v28  }
0xf0: {  	s12 =	simm.s32 $0x1;
	v6 =	vadd.f32 v6, v33;
	v56 =	vsub.f32 v57, v60;
	v60 =	vmax.f32 v55, $0.0e+00  }
0xf1: {  	v1 =	vld [tilespmem:s18+$0x0];
	vm0 =	vgt.f32 v37, v8;
	v7 =	vsel vm1, v44, v7;
	v5 =	vsel vm1, s12, v5  }
0xf2: {  	v10 =	vld [tilespmem:s10+$0xFFFFFFE0];
	v20 =	vmin.f32 v59, v27;
	v59 =	vmin.f32 v59, v32;
	v8 =	vsel vm0, v37, v8  }
0xf3: {  	v39 =	vsel vm0, s12, v13;
	vm2 =	vgt.f32 v38, v7;
	v53 =	vadd.f32 v3, v28  }
0xf4: {  	s14 =	simm.s32 $0x2;
	v12 =	vld [tilespmem:s18+$0xFFFFFFE0];
	v3 =	vadd.f32 v3, v33;
	vm0 =	vgt.f32 v35, v8;
	v7 =	vsel vm2, v38, v7  }
0xf5: {  	v5 =	vsel vm2, s14, v5;
	v8 =	vsel vm0, v35, v8;
	v16 =	vsel vm0, s14, v39  }
0xf6: {  	vm0 =	vgt.f32 v43, v7;
	v39 =	vadd.f32 v2, v28;
	v63 =	vmax.f32 v1, v29  }
0xf7: {  	v54 =	vld [tilespmem:s10+$0xFFFFFFF0];
	v2 =	vmin.f32 v19, v32;
	v1 =	vmax.f32 v1, v18;
	v19 =	vmin.f32 v10, v25  }
0xf8: {  	v13 =	vld [tilespmem:s13+$0xFFFFFFE0];
	v10 =	vmin.f32 v10, v31;
	vm1 =	vgt.f32 v34, v8;
	v22 =	vsel vm0, v43, v7  }
0xf9: {  	v21 =	vmax.f32 v12, v18;
	v23 =	vsub.f32 v62, v63;
	v1 =	vsub.f32 v47, v1  }
0xfa: {  	s15 =	simm.s32 $0x3;
	v7 =	vld [tilespmem:s11+$0x0];
	v62 =	vsub.f32 v49, v48;
	v63 =	vsub.f32 v50, v51;
	v12 =	vmax.f32 v12, v29  }
0xfb: {  	v5 =	vsel vm0, s15, v5;
	v40 =	vsel vm1, v34, v8;
	v41 =	vsel vm1, s15, v16;
	v8 =	vld [tilespmem:s18+$0xFFFFFFF0]  }
0xfc: {  	v16 =	vmin.f32 v54, v25;
	v54 =	vmin.f32 v54, v31;
	v19 =	vsub.f32 v19, v21  }
0xfd: {  	v14 =	vld [tilespmem:s11+$0xFFFFFFE0];
	v10 =	vsub.f32 v10, v12;
	v57 =	vmin.f32 v13, v27;
	v13 =	vmin.f32 v13, v32  }
0xfe: {  	v1 =	vmax.f32 v1, $0.0e+00;
	v62 =	vmax.f32 v62, $0.0e+00;
	v63 =	vmax.f32 v63, $0.0e+00  }
0xff: {  	v19 =	vmax.f32 v19, $0.0e+00;
	v10 =	vmax.f32 v10, $0.0e+00;
	v11 =	vmax.f32 v7, v30  }
0x100: {  	v7 =	vmax.f32 v7, v24;
	v0 =	vmax.f32 v8, v18;
	v2 =	vsub.f32 v2, v11  }
0x101: {  	v8 =	vmax.f32 v8, v29;
	v7 =	vsub.f32 v52, v7;
	v52 =	vsub.f32 v20, v17  }
0x102: {  	v11 =	vmax.f32 v14, v24;
	v0 =	vsub.f32 v16, v0;
	v8 =	vsub.f32 v54, v8  }
0x103: {  	v14 =	vmax.f32 v14, v30;
	v54 =	vsub.f32 v59, v61;
	v11 =	vsub.f32 v57, v11  }
0x104: {  	v57 =	vsub.f32 v13, v14;
	v59 =	vmax.f32 v23, $0.0e+00;
	v61 =	vmax.f32 v56, $0.0e+00  }
0x105: {  	v7 =	vmax.f32 v7, $0.0e+00;
	v2 =	vmax.f32 v2, $0.0e+00;
	v16 =	vmax.f32 v52, $0.0e+00  }
0x106: {  	v14 =	vmul.f32 v61, v60;
	v0 =	vmax.f32 v0, $0.0e+00;
	v8 =	vmax.f32 v8, $0.0e+00  }
0x107: {  	v17 =	vmax.f32 v54, $0.0e+00;
	v11 =	vmax.f32 v11, $0.0e+00;
	v2 =	vmul.f32 v2, v59  }
0x108: {  	v12 =	vmax.f32 v57, $0.0e+00;
	v1 =	vmul.f32 v7, v1;
	v7 =	vmul.f32 v63, v62  }
0x109: {  	s9 =	simm.s32 $0xB720;
	v23 =	vsub.f32 v45, v14;
	v11 =	vmul.f32 v11, v19;
	v45 =	vsub.f32 v46, v2  }
0x10a: {  	v10 =	vmul.f32 v12, v10;
	v46 =	vld [tilespmem:s9+$0xFFFFFFE0];
	v4 =	vsub.f32 v4, v1;
	v49 =	vsub.f32 v39, v7  }
0x10b: {  	v0 =	vmul.f32 v16, v0;
	v13 =	vadd.f32 $9.999999960e-13, v23;
	v51 =	vsub.f32 v58, v11  }
0x10c: {  	v47 =	vld [tilespmem:s9+$0xFFFFFFF0];
	v8 =	vmul.f32 v17, v8;
	v6 =	vsub.f32 v6, v10;
	v48 =	vadd.f32 $9.999999960e-13, v45  }
0x10d: {  	s8 =	simm.s32 $0xCB20;
	v50 =	vld [tilespmem:s9+$0x0];
	v55 =	vsub.f32 v53, v0;
	v4 =	vadd.f32 $9.999999960e-13, v4;
	(erf) = vrcp.f32 v13  }
0x10e: {  	v56 =	vld [tilespmem:s8+$0xFFFFFFF0];
	v3 =	vsub.f32 v3, v8;
	v16 =	vadd.f32 $9.999999960e-13, v49;
	(erf) = vrcp.f32 v48  }
0x10f: {  	v54 =	vadd.f32 $9.999999960e-13, v51;
	(erf) = vrcp.f32 v4;
	v4 =	vld [tilespmem:s8+$0xFFFFFFE0];
	vm0 =	vgt.f32 v42, v46  }
0x110: {  	v52 =	vld [tilespmem:s9+$0x10];
	v6 =	vadd.f32 $9.999999960e-13, v6;
	(erf) = vrcp.f32 v16;
	v17 =	vsel vm0, v42, v46  }
0x111: {  	v57 =	vld [tilespmem:s8+$0x0];
	v21 =	vadd.f32 $9.999999960e-13, v55;
	(erf) = vrcp.f32 v54;
	vm4 =	vgt.f32 v36, v17  }
0x112: {  	s10 =	simm.s32 $0xA0A0;
	vm1 =	vgt.f32 v44, v47;
	(erf) = vrcp.f32 v6;
	v6 =	vld [tilespmem:s8+$0x10];
	v17 =	vsel vm4, v36, v17  }
0x113: {  	v19 =	vsel vm1, v44, v47;
	v3 =	vadd.f32 $9.999999960e-13, v3;
	(erf) = vrcp.f32 v21;
	v21 =	vld [tilespmem:s10+$0x10];
	[tilespmem:$0x1FE50] =	vst v17  }
0x114: {  	vm2 =	vgt.f32 v38, v50;
	vm5 =	vgt.f32 v37, v19;
	[tilespmem:$0x1FE20] =	vst v15;
	v4 =	vsel vm0, v15, v4  }
0x115: {  	(erf) = vrcp.f32 v3;
	v3 =	vsel vm2, v38, v50;
	v60 =	vld [tilespmem:s10+$0x0];
	[tilespmem:$0x1FE30] =	vst v9;
	v4 =	vsel vm4, v9, v4  }
0x116: {  	vm6 =	vgt.f32 v35, v3;
	[tilespmem:$0x1FE70] =	vst v4;
	v4 =	vsel vm5, v37, v19  }
0x117: {  	v16 =	vsel vm1, v15, v56;
	v58 =	vpop (erf);
	v3 =	vsel vm6, v35, v3;
	[tilespmem:$0x1FE80] =	vst v4  }
0x118: {  	vm3 =	vgt.f32 v43, v52;
	v59 =	vpop (erf);
	v4 =	vsel vm5, v9, v16;
	[tilespmem:$0x1FEB0] =	vst v3  }
0x119: {  	v13 =	vsel vm3, v43, v52;
	v61 =	vpop (erf);
	[tilespmem:$0x1FEA0] =	vst v4  }
0x11a: {  	s15 =	simm.s32 $0x64A0;
	v12 =	vsel vm2, v15, v57;
	vm0 =	vgt.f32 v34, v13;
	v35 =	vmul.f32 v59, v2;
	v62 =	vpop (erf);
	v2 =	vld [tilespmem:s10+$0xFFFFFFF0]  }
0x11b: {  	s14 =	simm.s32 $0x8CA0;
	v23 =	vsel vm0, v34, v13;
	v26 =	vsel vm6, v9, v12;
	v6 =	vsel vm3, v15, v6;
	v55 =	vld [tilespmem:s15+$0x10];
	v63 =	vpop (erf)  }
0x11c: {  	s12 =	simm.s32 $0x78A0;
	v34 =	vmul.f32 v58, v14;
	v47 =	vadd.f32 v21, v33;
	v37 =	vmul.f32 v61, v1;
	v19 =	vld [tilespmem:s14+$0x0];
	v1 =	vpop (erf)  }
0x11d: {  	v51 =	vadd.f32 v21, v28;
	v21 =	vld [tilespmem:s12+$0xFFFFFFF0];
	v43 =	vmul.f32 v63, v11;
	v36 =	vmul.f32 v1, v10;
	v1 =	vpop (erf)  }
0x11e: {  	s11 =	simm.s32 $0x50A0;
	v15 =	vsel vm0, v9, v6;
	v45 =	vmul.f32 v62, v7;
	v46 =	vmul.f32 v1, v0;
	v0 =	vpop (erf)  }
0x11f: {  	s13 =	simm.s32 $0x4;
	v11 =	vld [tilespmem:s11+$0x10];
	vm0 =	vgt.f32 v43, v22;
	vm1 =	vgt.f32 v36, v40;
	v38 =	vmul.f32 v0, v8  }
0x120: {  	v6 =	vsel vm0, v43, v22;
	v5 =	vsel vm0, s13, v5;
	v50 =	vadd.f32 v2, v28  }
0x121: {  	v10 =	vld [tilespmem:s12+$0x0];
	v49 =	vadd.f32 v2, v33;
	v4 =	vmax.f32 v55, v30;
	v61 =	vmin.f32 v19, v32  }
0x122: {  	v1 =	vld [tilespmem:s10+$0xFFFFFFE0];
	v16 =	vmin.f32 v19, v27;
	v19 =	vmin.f32 v21, v25;
	v7 =	vsel vm1, v36, v40  }
0x123: {  	s16 =	simm.s32 $0x5;
	s7 =	simm.s32 $0xB760;
	v0 =	vld [tilespmem:s11+$0x0];
	v8 =	vsel vm1, s13, v41;
	vm0 =	vgt.f32 v46, v6;
	vm1 =	vgt.f32 v38, v7  }
0x124: {  	v44 =	vld [tilespmem:s7+$0xFFFFFFE0];
	v6 =	vsel vm0, v46, v6;
	v5 =	vsel vm0, s16, v5;
	v12 =	vmax.f32 v11, v18  }
0x125: {  	v2 =	vld [tilespmem:s11+$0xFFFFFFF0];
	v7 =	vsel vm1, v38, v7;
	v8 =	vsel vm1, s16, v8;
	vm0 =	vgt.f32 v37, v6  }
0x126: {  	s17 =	simm.s32 $0x6;
	v20 =	vld [tilespmem:s14+$0x10];
	v58 =	vmin.f32 v10, v31;
	v10 =	vmin.f32 v10, v25;
	vm1 =	vgt.f32 v35, v7  }
0x127: {  	v14 =	vld [tilespmem:s12+$0x10];
	v54 =	vadd.f32 v1, v28;
	v7 =	vsel vm1, v35, v7;
	v8 =	vsel vm1, s17, v8  }
0x128: {  	v59 =	vld [tilespmem:s14+$0xFFFFFFF0];
	v56 =	vmax.f32 v0, v29;
	v3 =	vmax.f32 v0, v18;
	vm1 =	vgt.f32 v34, v7  }
0x129: {  	s18 =	simm.s32 $0x7;
	v9 =	vld [tilespmem:s12+$0xFFFFFFE0];
	v56 =	vsub.f32 v58, v56;
	v58 =	vsub.f32 v10, v3;
	v10 =	vmin.f32 v21, v31  }
0x12a: {  	v62 =	vld [tilespmem:s15+$0xFFFFFFF0];
	v21 =	vmax.f32 v2, v29;
	v39 =	vsel vm1, v34, v7;
	v40 =	vsel vm1, s18, v8  }
0x12b: {  	v7 =	vmax.f32 v11, v29;
	v8 =	vmin.f32 v20, v32;
	v11 =	vmax.f32 v2, v18;
	v2 =	vld [tilespmem:$0x1FE50]  }
0x12c: {  	v6 =	vsel vm0, v37, v6;
	v53 =	vadd.f32 v1, v33;
	v1 =	vld [tilespmem:s14+$0xFFFFFFE0];
	v4 =	vsub.f32 v8, v4  }
0x12d: {  	v5 =	vsel vm0, s17, v5;
	vm0 =	vgt.f32 v45, v6;
	v0 =	vld [tilespmem:s11+$0xFFFFFFE0]  }
0x12e: {  	v41 =	vsel vm0, v45, v6;
	v6 =	vld [tilespmem:s15+$0x0];
	v42 =	vsel vm0, s18, v5;
	v5 =	vmin.f32 v14, v31;
	[tilespmem:$0x1FEC0] =	vst v4  }
0x12f: {  	v22 =	vsub.f32 v5, v7;
	v5 =	vld [tilespmem:s15+$0xFFFFFFE0];
	[tilespmem:$0x1FE40] =	vst v25  }
0x130: {  	[tilespmem:s9+$0xFFFFFFE0] =	vst v2  }
0x131: {  	v2 =	vld [tilespmem:$0x1FE70];
	_ =	sdelay $0x3  }
0x132: {  	[tilespmem:$0x1FE60] =	vst v18  }
0x133: {  	[tilespmem:s8+$0xFFFFFFE0] =	vst v2  }
0x134: {  	v2 =	vld [tilespmem:$0x1FE80];
	_ =	sdelay $0x4  }
0x135: {  	[tilespmem:s9+$0xFFFFFFF0] =	vst v2  }
0x136: {  	v2 =	vld [tilespmem:$0x1FEA0];
	_ =	sdelay $0x3  }
0x137: {  	v17 =	vmin.f32 v14, v25;
	v14 =	vmax.f32 v55, v24;
	v63 =	vmax.f32 v6, v30;
	v55 =	vld [tilespmem:s7+$0xFFFFFFF0];
	[tilespmem:$0x1FE90] =	vst v24  }
0x138: {  	v7 =	vmax.f32 v62, v24;
	v57 =	vsub.f32 v61, v63;
	v63 =	vmin.f32 v59, v27;
	[tilespmem:s8+$0xFFFFFFF0] =	vst v2  }
0x139: {  	v3 =	vmax.f32 v62, v30;
	v62 =	vsub.f32 v63, v7;
	v7 =	vld [tilespmem:$0x1FEB0];
	_ =	sdelay $0x2  }
0x13a: {  	v20 =	vmin.f32 v20, v27;
	v8 =	vmin.f32 v9, v25;
	v9 =	vmin.f32 v9, v31;
	[tilespmem:s9+$0x10] =	vst v23  }
0x13b: {  	v4 =	vmin.f32 v59, v32;
	v13 =	vmax.f32 v6, v24;
	v6 =	vmax.f32 v0, v18;
	[tilespmem:s8+$0x10] =	vst v15  }
0x13c: {  	v0 =	vmax.f32 v0, v29;
	v61 =	vsub.f32 v20, v14;
	v18 =	vmin.f32 v1, v27;
	[tilespmem:s9+$0x0] =	vst v7  }
0x13d: {  	v20 =	vmax.f32 v5, v24;
	v7 =	vmin.f32 v1, v32;
	v1 =	vsub.f32 v4, v3;
	[tilespmem:s8+$0x0] =	vst v26  }
0x13e: {  	v3 =	vsub.f32 v8, v6;
	v6 =	vmax.f32 v5, v30;
	v5 =	vsub.f32 v9, v0;
	v0 =	vld [tilespmem:$0x1FEC0]  }
0x13f: {  	v48 =	vadd.f32 v60, v33  }
0x140: {  	v52 =	vadd.f32 v60, v28;
	vm0 =	vgt.f32 v43, v44;
	v60 =	vsub.f32 v16, v13  }
0x141: {  	v56 =	vmax.f32 v56, $0.0e+00;
	v59 =	vsub.f32 v17, v12;
	v63 =	vsub.f32 v10, v21  }
0x142: {  	vm1 =	vgt.f32 v46, v55;
	v2 =	vsub.f32 v19, v11;
	v4 =	vsub.f32 v18, v20  }
0x143: {  	s13 =	simm.s32 $0xB760;
	s16 =	simm.s32 $0xC;
	s9 =	simm.s32 $0x8;
	v6 =	vsub.f32 v7, v6;
	v7 =	vmax.f32 v22, $0.0e+00;
	v8 =	vmax.f32 v0, $0.0e+00  }
.LBB2_9:
0x144: {  	v0 =	vmax.f32 v58, $0.0e+00;
	v10 =	vmax.f32 v57, $0.0e+00  }
0x145: {  	v11 =	vmax.f32 v59, $0.0e+00;
	v7 =	vmul.f32 v8, v7;
	v17 =	vsel vm1, v46, v55  }
0x146: {  	v9 =	vmax.f32 v60, $0.0e+00;
	v2 =	vmax.f32 v2, $0.0e+00;
	v12 =	vmax.f32 v61, $0.0e+00  }
0x147: {  	v13 =	vmax.f32 v62, $0.0e+00;
	v14 =	vmax.f32 v63, $0.0e+00;
	v1 =	vmax.f32 v1, $0.0e+00  }
0x148: {  	v3 =	vmax.f32 v3, $0.0e+00;
	v4 =	vmax.f32 v4, $0.0e+00;
	v5 =	vmax.f32 v5, $0.0e+00  }
0x149: {  	v6 =	vmax.f32 v6, $0.0e+00;
	v8 =	vmul.f32 v10, v56;
	v56 =	vsel vm0, v43, v44  }
0x14a: {  	v0 =	vmul.f32 v9, v0;
	v9 =	vmul.f32 v12, v11;
	v10 =	vsub.f32 v47, v7  }
0x14b: {  	v2 =	vmul.f32 v13, v2;
	v1 =	vmul.f32 v1, v14;
	v11 =	vsub.f32 v48, v8  }
0x14c: {  	v3 =	vmul.f32 v4, v3;
	v4 =	vsub.f32 v52, v0;
	v10 =	vadd.f32 $9.999999960e-13, v10  }
0x14d: {  	v15 =	vld [tilespmem:$0x1FE20];
	v5 =	vmul.f32 v6, v5;
	v6 =	vadd.f32 $9.999999960e-13, v11;
	v11 =	vsub.f32 v51, v9  }
0x14e: {  	v59 =	vld [tilespmem:$0x1FE30];
	v51 =	vsub.f32 v54, v3;
	v4 =	vadd.f32 $9.999999960e-13, v4;
	(erf) = vrcp.f32 v10  }
0x14f: {  	s8 =	sadd.s32 $0x40, s8;
	v52 =	vsub.f32 v53, v5;
	v10 =	vld [tilespmem:s7+$0x10];
	v11 =	vadd.f32 $9.999999960e-13, v11;
	(erf) = vrcp.f32 v6  }
0x150: {  	v53 =	vsub.f32 v50, v2;
	v6 =	vadd.f32 $9.999999960e-13, v51;
	(erf) = vrcp.f32 v4;
	v4 =	vld [tilespmem:s8+$0xFFFFFFE0]  }
0x151: {  	vm5 =	vgt.f32 v38, v17;
	v48 =	vld [tilespmem:s7+$0x0];
	v14 =	vadd.f32 $9.999999960e-13, v52;
	(erf) = vrcp.f32 v11  }
0x152: {  	v16 =	vsub.f32 v49, v1;
	v13 =	vadd.f32 $9.999999960e-13, v53;
	v11 =	vld [tilespmem:s8+$0xFFFFFFF0];
	(erf) = vrcp.f32 v6  }
0x153: {  	vm4 =	vgt.f32 v36, v56;
	v60 =	vsel vm5, v38, v17;
	v54 =	vld [tilespmem:s8+$0x10];
	(erf) = vrcp.f32 v14  }
0x154: {  	v16 =	vadd.f32 $9.999999960e-13, v16;
	vm3 =	vgt.f32 v45, v10;
	(erf) = vrcp.f32 v13  }
0x155: {  	[tilespmem:s7+$0xFFFFFFF0] =	vst v60;
	v6 =	vld [tilespmem:s8+$0x0];
	v10 =	vsel vm3, v45, v10;
	v13 =	vsel vm4, v36, v56;
	v4 =	vsel vm0, v15, v4  }
0x156: {  	s10 =	sadd.s32 $0x40, s10;
	vm2 =	vgt.f32 v37, v48;
	vm0 =	vgt.f32 v34, v10;
	[tilespmem:s7+$0xFFFFFFE0] =	vst v13;
	v4 =	vsel vm4, v59, v4  }
0x157: {  	v19 =	vld [tilespmem:s10+$0x10];
	v12 =	vsel vm2, v37, v48;
	v11 =	vsel vm1, v15, v11;
	v10 =	vsel vm0, v34, v10;
	[tilespmem:s8+$0xFFFFFFE0] =	vst v4  }
0x158: {  	v21 =	vld [tilespmem:s10+$0x0];
	v14 =	vsel vm3, v15, v54;
	(erf) = vrcp.f32 v16;
	v11 =	vsel vm5, v59, v11;
	[tilespmem:s13+$0x10] =	vst v10  }
0x159: {  	vm6 =	vgt.f32 v35, v12;
	v62 =	vsel vm0, v59, v14;
	v57 =	vpop (erf);
	[tilespmem:s8+$0xFFFFFFF0] =	vst v11  }
0x15a: {  	s14 =	sadd.s32 $0x40, s14;
	v24 =	vld [tilespmem:$0x1FE40];
	v6 =	vsel vm2, v15, v6;
	v4 =	vsel vm6, v35, v12;
	v20 =	vpop (erf);
	[tilespmem:s8+$0x10] =	vst v62  }
0x15b: {  	s15 =	sadd.s32 $0x40, s15;
	v6 =	vsel vm6, v59, v6;
	[tilespmem:s13+$0x0] =	vst v4;
	v58 =	vpop (erf);
	v10 =	vld [tilespmem:s14+$0x10]  }
0x15c: {  	s12 =	sadd.s32 $0x40, s12;
	[tilespmem:s8+$0x0] =	vst v6;
	v11 =	vld [tilespmem:s15+$0x10];
	v61 =	vpop (erf)  }
0x15d: {  	v47 =	vadd.f32 v19, v33;
	v52 =	vadd.f32 v21, v28;
	v34 =	vmul.f32 v57, v7;
	v6 =	vld [tilespmem:s12+$0x0];
	v7 =	vpop (erf)  }
0x15e: {  	v51 =	vadd.f32 v19, v28;
	v37 =	vmul.f32 v58, v0;
	v63 =	vld [tilespmem:s14+$0x0];
	v0 =	vpop (erf);
	v43 =	vmul.f32 v7, v3  }
0x15f: {  	v48 =	vadd.f32 v21, v33;
	v35 =	vmul.f32 v20, v8;
	v58 =	vld [tilespmem:$0x1FE90];
	v36 =	vmul.f32 v0, v5;
	v0 =	vpop (erf)  }
0x160: {  	v16 =	vld [tilespmem:s15+$0xFFFFFFF0];
	v45 =	vmul.f32 v61, v9;
	v46 =	vmul.f32 v0, v2;
	vm0 =	vgt.f32 v43, v41  }
0x161: {  	v0 =	vpop (erf);
	v13 =	vmin.f32 v10, v32;
	v14 =	vmax.f32 v11, v30;
	v10 =	vmin.f32 v10, v27  }
0x162: {  	vm1 =	vgt.f32 v36, v39;
	v38 =	vmul.f32 v0, v1;
	v1 =	vsel vm0, v43, v41  }
0x163: {  	v3 =	vld [tilespmem:s10+$0xFFFFFFF0];
	v7 =	vsel vm0, s9, v42;
	v17 =	vmin.f32 v6, v31;
	v20 =	vmin.f32 v63, v32  }
0x164: {  	v26 =	vld [tilespmem:$0x1FE60];
	s7 =	sadd.s32 $0x40, s7;
	v6 =	vmin.f32 v6, v24;
	v12 =	vmin.f32 v63, v27;
	v11 =	vmax.f32 v11, v58  }
0x165: {  	v44 =	vld [tilespmem:s7+$0xFFFFFFE0];
	v23 =	vmax.f32 v16, v58;
	v16 =	vmax.f32 v16, v30;
	v13 =	vsub.f32 v13, v14  }
0x166: {  	s11 =	sadd.s32 $0x40, s11;
	v2 =	vld [tilespmem:s10+$0xFFFFFFE0];
	v4 =	vsel vm1, v36, v39;
	v5 =	vsel vm1, s9, v40;
	vm0 =	vgt.f32 v46, v1  }
0x167: {  	s17 =	sadd.s32 $0x1, s9;
	v0 =	vld [tilespmem:s11+$0x0];
	v61 =	vsub.f32 v10, v11;
	vm1 =	vgt.f32 v38, v4;
	v1 =	vsel vm0, v46, v1  }
0x168: {  	v21 =	vld [tilespmem:s12+$0xFFFFFFE0];
	v7 =	vsel vm0, s17, v7;
	v50 =	vadd.f32 v3, v28;
	v49 =	vadd.f32 v3, v33  }
0x169: {  	s18 =	sadd.s32 $0x2, s9;
	v8 =	vld [tilespmem:s11+$0x10];
	v4 =	vsel vm1, v38, v4;
	v5 =	vsel vm1, s17, v5;
	vm0 =	vgt.f32 v37, v1  }
0x16a: {  	v18 =	vld [tilespmem:s15+$0xFFFFFFE0];
	vm1 =	vgt.f32 v35, v4;
	v1 =	vsel vm0, v37, v1;
	v7 =	vsel vm0, s18, v7  }
0x16b: {  	v9 =	vld [tilespmem:s12+$0x10];
	v54 =	vadd.f32 v2, v28;
	v53 =	vadd.f32 v2, v33;
	v4 =	vsel vm1, v35, v4  }
0x16c: {  	v3 =	vld [tilespmem:s12+$0xFFFFFFF0];
	v5 =	vsel vm1, s18, v5;
	vm0 =	vgt.f32 v45, v1;
	v19 =	vmax.f32 v0, v29  }
0x16d: {  	v63 =	vld [tilespmem:s14+$0xFFFFFFE0];
	s18 =	sadd.s32 $0x3, s9;
	v0 =	vmax.f32 v0, v26;
	vm1 =	vgt.f32 v34, v4;
	v41 =	vsel vm0, v45, v1  }
0x16e: {  	v2 =	vld [tilespmem:s14+$0xFFFFFFF0];
	v42 =	vsel vm0, s18, v7;
	vm0 =	vgt.f32 v43, v44;
	v7 =	vmax.f32 v8, v29  }
0x16f: {  	v1 =	vld [tilespmem:s15+$0x0];
	v8 =	vmax.f32 v8, v26;
	v14 =	vsub.f32 v17, v19;
	v39 =	vsel vm1, v34, v4  }
0x170: {  	v40 =	vsel vm1, s18, v5;
	v4 =	vld [tilespmem:s11+$0xFFFFFFF0];
	v5 =	vmin.f32 v9, v31;
	v9 =	vmin.f32 v9, v24  }
0x171: {  	v62 =	vmin.f32 v3, v24;
	v3 =	vmin.f32 v3, v31;
	v24 =	vmin.f32 v21, v24  }
0x172: {  	v56 =	vld [tilespmem:s11+$0xFFFFFFE0];
	v7 =	vsub.f32 v5, v7;
	v5 =	vmin.f32 v63, v27;
	v59 =	vsub.f32 v9, v8  }
0x173: {  	v8 =	vmin.f32 v63, v32;
	v9 =	vmax.f32 v18, v30;
	v22 =	vmin.f32 v2, v27  }
0x174: {  	v25 =	vmin.f32 v2, v32;
	v7 =	vmax.f32 v7, $0.0e+00;
	v55 =	vmax.f32 v1, v30  }
0x175: {  	v1 =	vmax.f32 v1, v58;
	v15 =	vmax.f32 v4, v26;
	v4 =	vmax.f32 v4, v29  }
0x176: {  	p0 =	slt.u32 s16, $0x13C;
	v57 =	vsub.f32 v20, v55;
	v20 =	vmax.f32 v18, v58;
	v58 =	vsub.f32 v6, v0;
	v55 =	vld [tilespmem:s7+$0xFFFFFFF0]  }
.Ltmp3:
0x177: {  	v26 =	vmax.f32 v56, v26;
	v60 =	vsub.f32 v12, v1;
	v1 =	vsub.f32 v25, v16;
	(pc) =	sbr.rel @p0 .LBB2_9-.Ltmp3, $4  }
0x178: {  	v0 =	vmin.f32 v21, v31;
	v2 =	vsub.f32 v62, v15;
	v62 =	vsub.f32 v22, v23  }
0x179: {  	v6 =	vmax.f32 v56, v29;
	v63 =	vsub.f32 v3, v4;
	v3 =	vsub.f32 v24, v26  }
0x17a: {  	v56 =	vmax.f32 v14, $0.0e+00;
	v4 =	vsub.f32 v5, v20;
	v5 =	vsub.f32 v0, v6  }
0x17b: {  	s13 =	smov.u32 s7;
	s9 =	smov.u32 s16;
	s16 =	sadd.s32 $0x4, s16;
	v6 =	vsub.f32 v8, v9;
	v8 =	vmax.f32 v13, $0.0e+00;
	vm1 =	vgt.f32 v46, v55  }
0x17c: {  	v0 =	vmax.f32 v58, $0.0e+00;
	v9 =	vmax.f32 v60, $0.0e+00;
	v10 =	vmax.f32 v57, $0.0e+00  }
0x17d: {  	v2 =	vmax.f32 v2, $0.0e+00;
	v11 =	vmax.f32 v59, $0.0e+00;
	v12 =	vmax.f32 v61, $0.0e+00  }
0x17e: {  	v13 =	vmax.f32 v62, $0.0e+00;
	v14 =	vmax.f32 v63, $0.0e+00;
	v1 =	vmax.f32 v1, $0.0e+00  }
0x17f: {  	v3 =	vmax.f32 v3, $0.0e+00;
	v4 =	vmax.f32 v4, $0.0e+00;
	v7 =	vmul.f32 v8, v7  }
0x180: {  	v5 =	vmax.f32 v5, $0.0e+00;
	v6 =	vmax.f32 v6, $0.0e+00;
	v62 =	vmul.f32 v10, v56  }
0x181: {  	v0 =	vmul.f32 v9, v0;
	v63 =	vmul.f32 v12, v11;
	v16 =	vsub.f32 v47, v7  }
0x182: {  	v2 =	vmul.f32 v13, v2;
	v1 =	vmul.f32 v1, v14;
	v17 =	vsub.f32 v48, v62  }
0x183: {  	v3 =	vmul.f32 v4, v3;
	v18 =	vsub.f32 v52, v0;
	v10 =	vadd.f32 $9.999999960e-13, v16  }
0x184: {  	v22 =	vld [tilespmem:s7+$0x0];
	v5 =	vmul.f32 v6, v5;
	v20 =	vsub.f32 v51, v63;
	v19 =	vadd.f32 $9.999999960e-13, v17  }
0x185: {  	v21 =	vsub.f32 v54, v3;
	v4 =	vadd.f32 $9.999999960e-13, v18;
	(erf) = vrcp.f32 v10  }
0x186: {  	v24 =	vld [tilespmem:s7+$0x10];
	s8 =	sadd.s32 $0x40, s8;
	v23 =	vsub.f32 v53, v5;
	v11 =	vadd.f32 $9.999999960e-13, v20;
	(erf) = vrcp.f32 v19  }
0x187: {  	v26 =	vld [tilespmem:s8+$0xFFFFFFE0];
	v25 =	vsub.f32 v50, v2;
	v12 =	vadd.f32 $9.999999960e-13, v21;
	(erf) = vrcp.f32 v4  }
0x188: {  	v27 =	vld [tilespmem:s8+$0xFFFFFFF0];
	v15 =	vsub.f32 v49, v1;
	v13 =	vadd.f32 $9.999999960e-13, v23;
	(erf) = vrcp.f32 v11  }
0x189: {  	v28 =	vld [tilespmem:s8+$0x0];
	v14 =	vadd.f32 $9.999999960e-13, v25;
	vm2 =	vgt.f32 v37, v22;
	(erf) = vrcp.f32 v12  }
0x18a: {  	v30 =	vsel vm0, v43, v44;
	v10 =	vsel vm2, v37, v22;
	v22 =	vld [tilespmem:$0x1FE20];
	(erf) = vrcp.f32 v13  }
0x18b: {  	v29 =	vld [tilespmem:s8+$0x10];
	v15 =	vadd.f32 $9.999999960e-13, v15;
	vm3 =	vgt.f32 v45, v24;
	(erf) = vrcp.f32 v14  }
0x18c: {  	v31 =	vsel vm1, v46, v55;
	vm4 =	vgt.f32 v36, v30;
	v21 =	vld [tilespmem:$0x1FE30];
	v6 =	vsel vm3, v45, v24  }
0x18d: {  	s10 =	sadd.s32 $0x40, s7;
	vm6 =	vgt.f32 v35, v10;
	vm8 =	vgt.f32 v34, v6;
	(erf) = vrcp.f32 v15  }
0x18e: {  	vm5 =	vgt.f32 v38, v31;
	v20 =	vld [tilespmem:s10+$0x10];
	v10 =	vsel vm6, v35, v10;
	v6 =	vsel vm8, v34, v6;
	v16 =	vpop (erf)  }
0x18f: {  	s14 =	sadd.s32 $0x40, s8;
	v4 =	vsel vm0, v22, v26;
	v11 =	vsel vm1, v22, v27;
	v15 =	vsel vm5, v38, v31;
	v38 =	vld [tilespmem:s10+$0x0];
	v17 =	vpop (erf)  }
0x190: {  	v48 =	vld [tilespmem:s14+$0x0];
	v12 =	vsel vm2, v22, v28;
	v13 =	vsel vm3, v22, v29;
	v14 =	vsel vm4, v36, v30;
	v18 =	vpop (erf)  }
0x191: {  	v34 =	vld [tilespmem:s10+$0xFFFFFFE0];
	v4 =	vsel vm4, v21, v4;
	v11 =	vsel vm5, v21, v11;
	v7 =	vmul.f32 v16, v7;
	v19 =	vpop (erf)  }
0x192: {  	v50 =	vld [tilespmem:s14+$0x10];
	v12 =	vsel vm6, v21, v12;
	v0 =	vmul.f32 v18, v0;
	v32 =	vpop (erf);
	v9 =	vmul.f32 v19, v63  }
0x193: {  	[tilespmem:s13+$0x0] =	vst v10;
	v13 =	vsel vm8, v21, v13;
	v8 =	vmul.f32 v17, v62;
	v33 =	vpop (erf);
	v3 =	vmul.f32 v32, v3  }
0x194: {  	v43 =	vld [tilespmem:s14+$0xFFFFFFE0];
	[tilespmem:s13+$0x10] =	vst v6;
	vm13 =	vgt.f32 v0, v38;
	v5 =	vmul.f32 v33, v5;
	v35 =	vpop (erf);
	vm15 =	vgt.f32 v9, v20  }
0x195: {  	[tilespmem:s7+$0xFFFFFFE0] =	vst v14;
	v52 =	vsel vm13, v0, v38;
	v57 =	vsel vm13, v22, v48;
	v2 =	vmul.f32 v35, v2  }
0x196: {  	v36 =	vld [tilespmem:s10+$0xFFFFFFF0];
	[tilespmem:s8+$0x0] =	vst v12;
	v37 =	vpop (erf);
	vm9 =	vgt.f32 v3, v41;
	vm11 =	vgt.f32 v3, v34;
	v53 =	vsel vm15, v9, v20  }
0x197: {  	[tilespmem:s8+$0x10] =	vst v13;
	v58 =	vsel vm15, v22, v50;
	vm10 =	vgt.f32 v5, v39;
	v1 =	vmul.f32 v37, v1  }
0x198: {  	[tilespmem:s7+$0xFFFFFFF0] =	vst v15;
	v41 =	vsel vm9, v3, v41;
	v46 =	vsel vm9, s9, v42;
	v3 =	vsel vm11, v3, v34  }
0x199: {  	[tilespmem:s8+$0xFFFFFFE0] =	vst v4;
	v49 =	vsel vm11, v22, v43;
	v44 =	vsel vm10, v5, v39;
	vm14 =	vgt.f32 v5, v3  }
0x19a: {  	v47 =	vld [tilespmem:s14+$0xFFFFFFF0];
	[tilespmem:s8+$0xFFFFFFF0] =	vst v11;
	v45 =	vsel vm10, s9, v40;
	vm10 =	vgt.f32 v8, v52;
	v3 =	vsel vm14, v5, v3  }
0x19b: {  	vm1 =	vgt.f32 v2, v41;
	vm12 =	vgt.f32 v2, v36;
	v56 =	vsel vm10, v8, v52;
	[tilespmem:s10+$0xFFFFFFE0] =	vst v3  }
0x19c: {  	v10 =	vsel vm1, v2, v41;
	v2 =	vsel vm12, v2, v36;
	v51 =	vsel vm14, v21, v49;
	[tilespmem:s10+$0x0] =	vst v56  }
0x19d: {  	vm0 =	vgt.f32 v1, v44;
	vm9 =	vgt.f32 v1, v2;
	v3 =	vsel vm10, v21, v57;
	[tilespmem:s14+$0xFFFFFFE0] =	vst v51  }
0x19e: {  	vm11 =	vgt.f32 v7, v53;
	v6 =	vsel vm0, v1, v44;
	v1 =	vsel vm9, v1, v2;
	[tilespmem:s14+$0x0] =	vst v3  }
0x19f: {  	v4 =	vsel vm12, v22, v47;
	vm12 =	vgt.f32 v0, v10;
	v2 =	vsel vm11, v7, v53;
	[tilespmem:s10+$0xFFFFFFF0] =	vst v1  }
0x1a0: {  	s15 =	sadd.s32 $0x1, s9;
	s18 =	sshll.u32 s4, $0x5;
	s4 =	sadd.s32 $0x1, s4;
	v59 =	vsel vm11, v21, v58;
	v54 =	vsel vm9, v21, v4;
	v0 =	vsel vm12, v0, v10;
	[tilespmem:s10+$0x10] =	vst v2  }
0x1a1: {  	s16 =	sadd.s32 $0x2, s9;
	p0 =	sne.s32 s4, $0x20;
	v55 =	vsel vm1, s15, v46;
	vm13 =	vgt.f32 v8, v6;
	vm14 =	vgt.f32 v9, v0;
	[tilespmem:s14+$0xFFFFFFF0] =	vst v54  }
.Ltmp4:
0x1a2: {  	s17 =	sadd.s32 $0x3, s9;
	v60 =	vsel vm13, v8, v6;
	v1 =	vsel vm12, s16, v55;
	v0 =	vsel vm14, v9, v0;
	[tilespmem:s14+$0x10] =	vst v59;
	(pc) =	sbr.rel @p0 .LBB2_8-.Ltmp4, $4  }
0x1a3: {  	v61 =	vsel vm0, s15, v45;
	vm15 =	vgt.f32 v7, v60;
	v1 =	vsel vm14, s17, v1;
	[tilespmem:s18+$0xDF00] =	vst v0  }
0x1a4: {  	s5 =	sshll.u32 s5, $0x4;
	v62 =	vsel vm13, s16, v61;
	v63 =	vsel vm15, v7, v60;
	[tilespmem:s18+$0xE300] =	vst v1  }
0x1a5: {  	v0 =	vsel vm15, s17, v62;
	[tilespmem:s5+$0xDF00] =	vst v63  }
0x1a6: {  	[tilespmem:s5+$0xE300] =	vst v0  }
0x1a7: {  	v25 =	vld [tilespmem:$0x1FFD0];
	_ =	sdelay $0x6  }
0x1a8: {  	v0 =	vor.u32 $0x1, v25  }
0x1a9: {  	v1 =	vld.idx.msk [tilespmem:v25+s24+$0x0], $0xffff  }
0x1aa: {  	v9 =	vld [tilespmem:$0x1FFB0]  }
0x1ab: {  	v2 =	vld.idx.msk [tilespmem:v25+s1+$0x0], $0xffff  }
0x1ac: {  	v3 =	vor.u32 $0x2, v25  }
0x1ad: {  	v4 =	vld.idx.msk [tilespmem:v0+s24+$0x0], $0xffff  }
0x1ae: {  	v10 =	vld [tilespmem:$0x1FED0];
	v1 =	vshll.u32 v1, $0x4  }
0x1af: {  	v0 =	vld.idx.msk [tilespmem:v0+s1+$0x0], $0xffff;
	v1 =	vadd.s32 v9, v1  }
0x1b0: {  	v5 =	vor.u32 $0x3, v25;
	vm0 =	veq.f32 v2, $-1.000000000e+00;
	vm1 =	vlt.s32 v1, $0x0  }
0x1b1: {  	v6 =	vld.idx.msk [tilespmem:v3+s24+$0x0], $0xffff;
	vm2 =	vgt.f32 v2, $-1.000000000e+00;
	vm0 =	vmand vm0, vm1  }
0x1b2: {  	v11 =	vld [tilespmem:$0x1FEE0];
	v4 =	vshll.u32 v4, $0x4;
	vm0 =	vmor vm2, vm0  }
0x1b3: {  	v3 =	vld.idx.msk [tilespmem:v3+s1+$0x0], $0xffff;
	v4 =	vadd.s32 v4, v10;
	v2 =	vnsel vm0, $0xBF800000, v2;
	v1 =	vnsel vm0, $0x0, v1  }
0x1b4: {  	v7 =	vor.u32 $0x4, v25;
	vm15 =	veq.f32 v0, v2;
	vm4 =	vlt.s32 v4, v1  }
0x1b5: {  	v8 =	vld.idx.msk [tilespmem:v5+s24+$0x0], $0xffff;
	vm5 =	vgt.f32 v0, v2;
	vm0 =	vmand vm15, vm4  }
0x1b6: {  	v12 =	vld [tilespmem:$0x1FEF0];
	v6 =	vshll.u32 v6, $0x4;
	vm0 =	vmor vm5, vm0  }
0x1b7: {  	v38 =	vld.idx.msk [tilespmem:v5+s1+$0x0], $0xffff;
	v37 =	vadd.s32 v6, v11;
	v0 =	vsel vm0, v0, v2;
	v1 =	vsel vm0, v4, v1  }
0x1b8: {  	v39 =	vor.u32 $0x5, v25;
	vm6 =	veq.f32 v3, v0;
	vm7 =	vlt.s32 v37, v1  }
0x1b9: {  	v40 =	vld.idx.msk [tilespmem:v7+s24+$0x0], $0xffff;
	vm8 =	vgt.f32 v3, v0;
	vm0 =	vmand vm6, vm7  }
0x1ba: {  	v13 =	vld [tilespmem:$0x1FF00];
	v8 =	vshll.u32 v8, $0x4;
	vm0 =	vmor vm8, vm0  }
0x1bb: {  	v42 =	vld.idx.msk [tilespmem:v7+s1+$0x0], $0xffff;
	v41 =	vadd.s32 v8, v12;
	v0 =	vsel vm0, v3, v0;
	v1 =	vsel vm0, v37, v1  }
0x1bc: {  	v43 =	vor.u32 $0x6, v25;
	vm9 =	veq.f32 v38, v0;
	vm10 =	vlt.s32 v41, v1  }
0x1bd: {  	v44 =	vld.idx.msk [tilespmem:v39+s24+$0x0], $0xffff;
	vm11 =	vgt.f32 v38, v0;
	vm0 =	vmand vm9, vm10  }
0x1be: {  	v14 =	vld [tilespmem:$0x1FF10];
	v6 =	vshll.u32 v40, $0x4;
	vm0 =	vmor vm11, vm0  }
0x1bf: {  	v46 =	vld.idx.msk [tilespmem:v39+s1+$0x0], $0xffff;
	v45 =	vadd.s32 v6, v13;
	v0 =	vsel vm0, v38, v0;
	v1 =	vsel vm0, v41, v1  }
0x1c0: {  	v47 =	vor.u32 $0x7, v25;
	vm12 =	veq.f32 v42, v0;
	vm13 =	vlt.s32 v45, v1  }
0x1c1: {  	v48 =	vld.idx.msk [tilespmem:v43+s24+$0x0], $0xffff;
	vm14 =	vgt.f32 v42, v0;
	vm0 =	vmand vm12, vm13  }
0x1c2: {  	v15 =	vld [tilespmem:$0x1FF20];
	v8 =	vshll.u32 v44, $0x4;
	vm0 =	vmor vm14, vm0  }
0x1c3: {  	v50 =	vld.idx.msk [tilespmem:v43+s1+$0x0], $0xffff;
	v49 =	vadd.s32 v8, v14;
	v0 =	vsel vm0, v42, v0;
	v1 =	vsel vm0, v45, v1  }
0x1c4: {  	v51 =	vor.u32 $0x8, v25;
	vm15 =	veq.f32 v46, v0;
	vm4 =	vlt.s32 v49, v1  }
0x1c5: {  	v52 =	vld.idx.msk [tilespmem:v47+s24+$0x0], $0xffff;
	vm5 =	vgt.f32 v46, v0;
	vm0 =	vmand vm15, vm4  }
0x1c6: {  	v16 =	vld [tilespmem:$0x1FF30];
	v6 =	vshll.u32 v48, $0x4;
	vm0 =	vmor vm5, vm0  }
0x1c7: {  	v54 =	vld.idx.msk [tilespmem:v47+s1+$0x0], $0xffff;
	v53 =	vadd.s32 v6, v15;
	v0 =	vsel vm0, v46, v0;
	v1 =	vsel vm0, v49, v1  }
0x1c8: {  	v55 =	vor.u32 $0x9, v25;
	vm6 =	veq.f32 v50, v0;
	vm7 =	vlt.s32 v53, v1  }
0x1c9: {  	v56 =	vld.idx.msk [tilespmem:v51+s24+$0x0], $0xffff;
	vm8 =	vgt.f32 v50, v0;
	vm0 =	vmand vm6, vm7  }
0x1ca: {  	v17 =	vld [tilespmem:$0x1FF40];
	v8 =	vshll.u32 v52, $0x4;
	vm0 =	vmor vm8, vm0  }
0x1cb: {  	v58 =	vld.idx.msk [tilespmem:v51+s1+$0x0], $0xffff;
	v57 =	vadd.s32 v8, v16;
	v0 =	vsel vm0, v50, v0;
	v1 =	vsel vm0, v53, v1  }
0x1cc: {  	v59 =	vor.u32 $0xA, v25;
	vm9 =	veq.f32 v54, v0;
	vm10 =	vlt.s32 v57, v1  }
0x1cd: {  	v60 =	vld.idx.msk [tilespmem:v55+s24+$0x0], $0xffff;
	vm11 =	vgt.f32 v54, v0;
	vm0 =	vmand vm9, vm10  }
0x1ce: {  	v18 =	vld [tilespmem:$0x1FF50];
	v6 =	vshll.u32 v56, $0x4;
	vm0 =	vmor vm11, vm0  }
0x1cf: {  	v62 =	vld.idx.msk [tilespmem:v55+s1+$0x0], $0xffff;
	v61 =	vadd.s32 v6, v17;
	v0 =	vsel vm0, v54, v0;
	v1 =	vsel vm0, v57, v1  }
0x1d0: {  	v63 =	vor.u32 $0xB, v25;
	vm12 =	veq.f32 v58, v0;
	vm13 =	vlt.s32 v61, v1  }
0x1d1: {  	v21 =	vld.idx.msk [tilespmem:v59+s24+$0x0], $0xffff;
	vm14 =	vgt.f32 v58, v0;
	vm0 =	vmand vm12, vm13  }
0x1d2: {  	v19 =	vld [tilespmem:$0x1FF60];
	v8 =	vshll.u32 v60, $0x4;
	vm0 =	vmor vm14, vm0  }
0x1d3: {  	v23 =	vld.idx.msk [tilespmem:v59+s1+$0x0], $0xffff;
	v22 =	vadd.s32 v8, v18;
	v0 =	vsel vm0, v58, v0;
	v1 =	vsel vm0, v61, v1  }
0x1d4: {  	v24 =	vor.u32 $0xC, v25;
	vm15 =	veq.f32 v62, v0;
	vm4 =	vlt.s32 v22, v1  }
0x1d5: {  	v26 =	vld.idx.msk [tilespmem:v63+s24+$0x0], $0xffff;
	vm5 =	vgt.f32 v62, v0;
	vm0 =	vmand vm15, vm4  }
0x1d6: {  	v20 =	vld [tilespmem:$0x1FF70];
	v6 =	vshll.u32 v21, $0x4;
	vm0 =	vmor vm5, vm0  }
0x1d7: {  	v28 =	vld.idx.msk [tilespmem:v63+s1+$0x0], $0xffff;
	v27 =	vadd.s32 v6, v19;
	v0 =	vsel vm0, v62, v0;
	v1 =	vsel vm0, v22, v1  }
0x1d8: {  	v29 =	vor.u32 $0xD, v25;
	vm6 =	veq.f32 v23, v0;
	vm7 =	vlt.s32 v27, v1  }
0x1d9: {  	v30 =	vld.idx.msk [tilespmem:v24+s24+$0x0], $0xffff;
	vm8 =	vgt.f32 v23, v0;
	vm0 =	vmand vm6, vm7  }
0x1da: {  	v8 =	vshll.u32 v26, $0x4;
	v21 =	vld [tilespmem:$0x1FF80];
	vm0 =	vmor vm8, vm0  }
0x1db: {  	v32 =	vld.idx.msk [tilespmem:v24+s1+$0x0], $0xffff;
	v31 =	vadd.s32 v8, v20;
	v0 =	vsel vm0, v23, v0;
	v1 =	vsel vm0, v27, v1  }
0x1dc: {  	v33 =	vor.u32 $0xE, v25;
	vm9 =	veq.f32 v28, v0;
	vm10 =	vlt.s32 v31, v1  }
0x1dd: {  	v34 =	vld.idx.msk [tilespmem:v29+s24+$0x0], $0xffff;
	vm11 =	vgt.f32 v28, v0;
	vm0 =	vmand vm9, vm10  }
0x1de: {  	v6 =	vshll.u32 v30, $0x4;
	v22 =	vld [tilespmem:$0x1FF90];
	vm0 =	vmor vm11, vm0  }
0x1df: {  	v36 =	vld.idx.msk [tilespmem:v29+s1+$0x0], $0xffff;
	v35 =	vadd.s32 v6, v21;
	v0 =	vsel vm0, v28, v0;
	v1 =	vsel vm0, v31, v1  }
0x1e0: {  	v37 =	vor.u32 $0xF, v25;
	vm12 =	veq.f32 v32, v0;
	vm13 =	vlt.s32 v35, v1  }
0x1e1: {  	v38 =	vld.idx.msk [tilespmem:v33+s24+$0x0], $0xffff;
	vm14 =	vgt.f32 v32, v0;
	vm0 =	vmand vm12, vm13  }
0x1e2: {  	v8 =	vshll.u32 v34, $0x4;
	v23 =	vld [tilespmem:$0x1FFA0];
	vm0 =	vmor vm14, vm0  }
0x1e3: {  	v40 =	vld.idx.msk [tilespmem:v33+s1+$0x0], $0xffff;
	v39 =	vadd.s32 v8, v22;
	v0 =	vsel vm0, v32, v0;
	v1 =	vsel vm0, v35, v1  }
0x1e4: {  	vm15 =	veq.f32 v36, v0;
	vm4 =	vlt.s32 v39, v1  }
0x1e5: {  	v41 =	vld.idx.msk [tilespmem:v37+s24+$0x0], $0xffff;
	vm5 =	vgt.f32 v36, v0;
	vm0 =	vmand vm15, vm4  }
0x1e6: {  	v24 =	vld [tilespmem:$0x1FFC0];
	v6 =	vshll.u32 v38, $0x4;
	vm0 =	vmor vm5, vm0  }
0x1e7: {  	v43 =	vld.idx.msk [tilespmem:v37+s1+$0x0], $0xffff;
	v42 =	vadd.s32 v6, v23;
	v0 =	vsel vm0, v36, v0;
	v1 =	vsel vm0, v39, v1  }
0x1e8: {  	vm6 =	veq.f32 v40, v0;
	vm7 =	vlt.s32 v42, v1  }
0x1e9: {  	vm8 =	vgt.f32 v40, v0;
	vm0 =	vmand vm6, vm7  }
0x1ea: {  	v44 =	vshll.u32 v41, $0x4;
	vm0 =	vmor vm8, vm0  }
0x1eb: {  	v45 =	vadd.s32 v44, v24;
	v0 =	vsel vm0, v40, v0;
	v1 =	vsel vm0, v42, v1  }
0x1ec: {  	vm9 =	veq.f32 v43, v0;
	vm10 =	vlt.s32 v45, v1  }
0x1ed: {  	v46 =	vor.u32 $0x100, v25;
	vm11 =	vgt.f32 v43, v0;
	vm0 =	vmand vm9, vm10  }
0x1ee: {  	vm0 =	vmor vm11, vm0  }
0x1ef: {  	v0 =	vsel vm0, v43, v0  }
0x1f0: {  	v1 =	vsel vm0, v45, v1;
	[tilespmem:$0xE700] =	vst v0  }
0x1f1: {  	v47 =	vor.u32 $0x101, v25;
	[tilespmem:$0xE780] =	vst v1  }
0x1f2: {  	v1 =	vld.idx.msk [tilespmem:v46+s24+$0x0], $0xffff;
	_ =	sdelay $0x1  }
0x1f3: {  	v48 =	vld.idx.msk [tilespmem:v46+s1+$0x0], $0xffff  }
0x1f4: {  	v49 =	vor.u32 $0x102, v25  }
0x1f5: {  	v50 =	vld.idx.msk [tilespmem:v47+s24+$0x0], $0xffff  }
0x1f6: {  	v1 =	vshll.u32 v1, $0x4  }
0x1f7: {  	v0 =	vld.idx.msk [tilespmem:v47+s1+$0x0], $0xffff;
	v1 =	vadd.s32 v9, v1  }
0x1f8: {  	v51 =	vor.u32 $0x103, v25;
	vm12 =	veq.f32 v48, $-1.000000000e+00;
	vm13 =	vlt.s32 v1, $0x0  }
0x1f9: {  	v52 =	vld.idx.msk [tilespmem:v49+s24+$0x0], $0xffff;
	vm14 =	vgt.f32 v48, $-1.000000000e+00;
	vm0 =	vmand vm12, vm13  }
0x1fa: {  	v4 =	vshll.u32 v50, $0x4;
	vm0 =	vmor vm14, vm0  }
0x1fb: {  	v3 =	vld.idx.msk [tilespmem:v49+s1+$0x0], $0xffff;
	v4 =	vadd.s32 v4, v10;
	v2 =	vnsel vm0, $0xBF800000, v48;
	v1 =	vnsel vm0, $0x0, v1  }
0x1fc: {  	v53 =	vor.u32 $0x104, v25;
	vm15 =	veq.f32 v0, v2;
	vm4 =	vlt.s32 v4, v1  }
0x1fd: {  	v54 =	vld.idx.msk [tilespmem:v51+s24+$0x0], $0xffff;
	vm5 =	vgt.f32 v0, v2;
	vm0 =	vmand vm15, vm4  }
0x1fe: {  	v6 =	vshll.u32 v52, $0x4;
	vm0 =	vmor vm5, vm0  }
0x1ff: {  	v56 =	vld.idx.msk [tilespmem:v51+s1+$0x0], $0xffff;
	v55 =	vadd.s32 v6, v11;
	v0 =	vsel vm0, v0, v2;
	v1 =	vsel vm0, v4, v1  }
0x200: {  	v57 =	vor.u32 $0x105, v25;
	vm6 =	veq.f32 v3, v0;
	vm7 =	vlt.s32 v55, v1  }
0x201: {  	v58 =	vld.idx.msk [tilespmem:v53+s24+$0x0], $0xffff;
	vm8 =	vgt.f32 v3, v0;
	vm0 =	vmand vm6, vm7  }
0x202: {  	v8 =	vshll.u32 v54, $0x4;
	vm0 =	vmor vm8, vm0  }
0x203: {  	v60 =	vld.idx.msk [tilespmem:v53+s1+$0x0], $0xffff;
	v59 =	vadd.s32 v8, v12;
	v0 =	vsel vm0, v3, v0;
	v1 =	vsel vm0, v55, v1  }
0x204: {  	v61 =	vor.u32 $0x106, v25;
	vm9 =	veq.f32 v56, v0;
	vm10 =	vlt.s32 v59, v1  }
0x205: {  	v62 =	vld.idx.msk [tilespmem:v57+s24+$0x0], $0xffff;
	vm11 =	vgt.f32 v56, v0;
	vm0 =	vmand vm9, vm10  }
0x206: {  	v6 =	vshll.u32 v58, $0x4;
	vm0 =	vmor vm11, vm0  }
0x207: {  	v26 =	vld.idx.msk [tilespmem:v57+s1+$0x0], $0xffff;
	v63 =	vadd.s32 v6, v13;
	v0 =	vsel vm0, v56, v0;
	v1 =	vsel vm0, v59, v1  }
0x208: {  	v27 =	vor.u32 $0x107, v25;
	vm12 =	veq.f32 v60, v0;
	vm13 =	vlt.s32 v63, v1  }
0x209: {  	v28 =	vld.idx.msk [tilespmem:v61+s24+$0x0], $0xffff;
	vm14 =	vgt.f32 v60, v0;
	vm0 =	vmand vm12, vm13  }
0x20a: {  	v8 =	vshll.u32 v62, $0x4;
	vm0 =	vmor vm14, vm0  }
0x20b: {  	v30 =	vld.idx.msk [tilespmem:v61+s1+$0x0], $0xffff;
	v29 =	vadd.s32 v8, v14;
	v0 =	vsel vm0, v60, v0;
	v1 =	vsel vm0, v63, v1  }
0x20c: {  	v31 =	vor.u32 $0x108, v25;
	vm15 =	veq.f32 v26, v0;
	vm4 =	vlt.s32 v29, v1  }
0x20d: {  	v32 =	vld.idx.msk [tilespmem:v27+s24+$0x0], $0xffff;
	vm5 =	vgt.f32 v26, v0;
	vm0 =	vmand vm15, vm4  }
0x20e: {  	v6 =	vshll.u32 v28, $0x4;
	vm0 =	vmor vm5, vm0  }
0x20f: {  	v34 =	vld.idx.msk [tilespmem:v27+s1+$0x0], $0xffff;
	v33 =	vadd.s32 v6, v15;
	v0 =	vsel vm0, v26, v0;
	v1 =	vsel vm0, v29, v1  }
0x210: {  	v35 =	vor.u32 $0x109, v25;
	vm6 =	veq.f32 v30, v0;
	vm7 =	vlt.s32 v33, v1  }
0x211: {  	v36 =	vld.idx.msk [tilespmem:v31+s24+$0x0], $0xffff;
	vm8 =	vgt.f32 v30, v0;
	vm0 =	vmand vm6, vm7  }
0x212: {  	v8 =	vshll.u32 v32, $0x4;
	vm0 =	vmor vm8, vm0  }
0x213: {  	v38 =	vld.idx.msk [tilespmem:v31+s1+$0x0], $0xffff;
	v37 =	vadd.s32 v8, v16;
	v0 =	vsel vm0, v30, v0;
	v1 =	vsel vm0, v33, v1  }
0x214: {  	v39 =	vor.u32 $0x10A, v25;
	vm9 =	veq.f32 v34, v0;
	vm10 =	vlt.s32 v37, v1  }
0x215: {  	v40 =	vld.idx.msk [tilespmem:v35+s24+$0x0], $0xffff;
	vm11 =	vgt.f32 v34, v0;
	vm0 =	vmand vm9, vm10  }
0x216: {  	v6 =	vshll.u32 v36, $0x4;
	vm0 =	vmor vm11, vm0  }
0x217: {  	v42 =	vld.idx.msk [tilespmem:v35+s1+$0x0], $0xffff;
	v41 =	vadd.s32 v6, v17;
	v0 =	vsel vm0, v34, v0;
	v1 =	vsel vm0, v37, v1  }
0x218: {  	v43 =	vor.u32 $0x10B, v25;
	vm12 =	veq.f32 v38, v0;
	vm13 =	vlt.s32 v41, v1  }
0x219: {  	v44 =	vld.idx.msk [tilespmem:v39+s24+$0x0], $0xffff;
	vm14 =	vgt.f32 v38, v0;
	vm0 =	vmand vm12, vm13  }
0x21a: {  	v8 =	vshll.u32 v40, $0x4;
	vm0 =	vmor vm14, vm0  }
0x21b: {  	v46 =	vld.idx.msk [tilespmem:v39+s1+$0x0], $0xffff;
	v45 =	vadd.s32 v8, v18;
	v0 =	vsel vm0, v38, v0;
	v1 =	vsel vm0, v41, v1  }
0x21c: {  	v47 =	vor.u32 $0x10C, v25;
	vm15 =	veq.f32 v42, v0;
	vm4 =	vlt.s32 v45, v1  }
0x21d: {  	v48 =	vld.idx.msk [tilespmem:v43+s24+$0x0], $0xffff;
	vm5 =	vgt.f32 v42, v0;
	vm0 =	vmand vm15, vm4  }
0x21e: {  	v6 =	vshll.u32 v44, $0x4;
	vm0 =	vmor vm5, vm0  }
0x21f: {  	v50 =	vld.idx.msk [tilespmem:v43+s1+$0x0], $0xffff;
	v49 =	vadd.s32 v6, v19;
	v0 =	vsel vm0, v42, v0;
	v1 =	vsel vm0, v45, v1  }
0x220: {  	v51 =	vor.u32 $0x10D, v25;
	vm6 =	veq.f32 v46, v0;
	vm7 =	vlt.s32 v49, v1  }
0x221: {  	v52 =	vld.idx.msk [tilespmem:v47+s24+$0x0], $0xffff;
	vm8 =	vgt.f32 v46, v0;
	vm0 =	vmand vm6, vm7  }
0x222: {  	v8 =	vshll.u32 v48, $0x4;
	vm0 =	vmor vm8, vm0  }
0x223: {  	v54 =	vld.idx.msk [tilespmem:v47+s1+$0x0], $0xffff;
	v53 =	vadd.s32 v8, v20;
	v0 =	vsel vm0, v46, v0;
	v1 =	vsel vm0, v49, v1  }
0x224: {  	v55 =	vor.u32 $0x10E, v25;
	vm9 =	veq.f32 v50, v0;
	vm10 =	vlt.s32 v53, v1  }
0x225: {  	v56 =	vld.idx.msk [tilespmem:v51+s24+$0x0], $0xffff;
	vm11 =	vgt.f32 v50, v0;
	vm0 =	vmand vm9, vm10  }
0x226: {  	v6 =	vshll.u32 v52, $0x4;
	vm0 =	vmor vm11, vm0  }
0x227: {  	v58 =	vld.idx.msk [tilespmem:v51+s1+$0x0], $0xffff;
	v57 =	vadd.s32 v6, v21;
	v0 =	vsel vm0, v50, v0;
	v1 =	vsel vm0, v53, v1  }
0x228: {  	v59 =	vor.u32 $0x10F, v25;
	vm12 =	veq.f32 v54, v0;
	vm13 =	vlt.s32 v57, v1  }
0x229: {  	v60 =	vld.idx.msk [tilespmem:v55+s24+$0x0], $0xffff;
	vm14 =	vgt.f32 v54, v0;
	vm0 =	vmand vm12, vm13  }
0x22a: {  	v8 =	vshll.u32 v56, $0x4;
	vm0 =	vmor vm14, vm0  }
0x22b: {  	v62 =	vld.idx.msk [tilespmem:v55+s1+$0x0], $0xffff;
	v61 =	vadd.s32 v8, v22;
	v0 =	vsel vm0, v54, v0;
	v1 =	vsel vm0, v57, v1  }
0x22c: {  	vm15 =	veq.f32 v58, v0;
	vm4 =	vlt.s32 v61, v1  }
0x22d: {  	v63 =	vld.idx.msk [tilespmem:v59+s24+$0x0], $0xffff;
	vm5 =	vgt.f32 v58, v0;
	vm0 =	vmand vm15, vm4  }
0x22e: {  	v6 =	vshll.u32 v60, $0x4;
	vm0 =	vmor vm5, vm0  }
0x22f: {  	v27 =	vld.idx.msk [tilespmem:v59+s1+$0x0], $0xffff;
	v26 =	vadd.s32 v6, v23;
	v0 =	vsel vm0, v58, v0;
	v1 =	vsel vm0, v61, v1  }
0x230: {  	vm6 =	veq.f32 v62, v0;
	vm7 =	vlt.s32 v26, v1  }
0x231: {  	vm8 =	vgt.f32 v62, v0;
	vm0 =	vmand vm6, vm7  }
0x232: {  	v28 =	vshll.u32 v63, $0x4;
	vm0 =	vmor vm8, vm0  }
0x233: {  	v29 =	vadd.s32 v28, v24;
	v0 =	vsel vm0, v62, v0;
	v1 =	vsel vm0, v26, v1  }
0x234: {  	vm9 =	veq.f32 v27, v0;
	vm10 =	vlt.s32 v29, v1  }
0x235: {  	v30 =	vor.u32 $0x200, v25;
	vm11 =	vgt.f32 v27, v0;
	vm0 =	vmand vm9, vm10  }
0x236: {  	vm0 =	vmor vm11, vm0  }
0x237: {  	v0 =	vsel vm0, v27, v0  }
0x238: {  	v1 =	vsel vm0, v29, v1;
	[tilespmem:$0xE710] =	vst v0  }
0x239: {  	v31 =	vor.u32 $0x201, v25;
	[tilespmem:$0xE790] =	vst v1  }
0x23a: {  	v1 =	vld.idx.msk [tilespmem:v30+s24+$0x0], $0xffff;
	_ =	sdelay $0x1  }
0x23b: {  	v32 =	vld.idx.msk [tilespmem:v30+s1+$0x0], $0xffff  }
0x23c: {  	v33 =	vor.u32 $0x202, v25  }
0x23d: {  	v34 =	vld.idx.msk [tilespmem:v31+s24+$0x0], $0xffff  }
0x23e: {  	v1 =	vshll.u32 v1, $0x4  }
0x23f: {  	v0 =	vld.idx.msk [tilespmem:v31+s1+$0x0], $0xffff;
	v1 =	vadd.s32 v9, v1  }
0x240: {  	v35 =	vor.u32 $0x203, v25;
	vm12 =	veq.f32 v32, $-1.000000000e+00;
	vm13 =	vlt.s32 v1, $0x0  }
0x241: {  	v36 =	vld.idx.msk [tilespmem:v33+s24+$0x0], $0xffff;
	vm14 =	vgt.f32 v32, $-1.000000000e+00;
	vm0 =	vmand vm12, vm13  }
0x242: {  	v4 =	vshll.u32 v34, $0x4;
	vm0 =	vmor vm14, vm0  }
0x243: {  	v3 =	vld.idx.msk [tilespmem:v33+s1+$0x0], $0xffff;
	v4 =	vadd.s32 v4, v10;
	v2 =	vnsel vm0, $0xBF800000, v32;
	v1 =	vnsel vm0, $0x0, v1  }
0x244: {  	v37 =	vor.u32 $0x204, v25;
	vm15 =	veq.f32 v0, v2;
	vm4 =	vlt.s32 v4, v1  }
0x245: {  	v38 =	vld.idx.msk [tilespmem:v35+s24+$0x0], $0xffff;
	vm5 =	vgt.f32 v0, v2;
	vm0 =	vmand vm15, vm4  }
0x246: {  	v6 =	vshll.u32 v36, $0x4;
	vm0 =	vmor vm5, vm0  }
0x247: {  	v40 =	vld.idx.msk [tilespmem:v35+s1+$0x0], $0xffff;
	v39 =	vadd.s32 v6, v11;
	v0 =	vsel vm0, v0, v2;
	v1 =	vsel vm0, v4, v1  }
0x248: {  	v41 =	vor.u32 $0x205, v25;
	vm6 =	veq.f32 v3, v0;
	vm7 =	vlt.s32 v39, v1  }
0x249: {  	v42 =	vld.idx.msk [tilespmem:v37+s24+$0x0], $0xffff;
	vm8 =	vgt.f32 v3, v0;
	vm0 =	vmand vm6, vm7  }
0x24a: {  	v8 =	vshll.u32 v38, $0x4;
	vm0 =	vmor vm8, vm0  }
0x24b: {  	v44 =	vld.idx.msk [tilespmem:v37+s1+$0x0], $0xffff;
	v43 =	vadd.s32 v8, v12;
	v0 =	vsel vm0, v3, v0;
	v1 =	vsel vm0, v39, v1  }
0x24c: {  	v45 =	vor.u32 $0x206, v25;
	vm9 =	veq.f32 v40, v0;
	vm10 =	vlt.s32 v43, v1  }
0x24d: {  	v46 =	vld.idx.msk [tilespmem:v41+s24+$0x0], $0xffff;
	vm11 =	vgt.f32 v40, v0;
	vm0 =	vmand vm9, vm10  }
0x24e: {  	v6 =	vshll.u32 v42, $0x4;
	vm0 =	vmor vm11, vm0  }
0x24f: {  	v48 =	vld.idx.msk [tilespmem:v41+s1+$0x0], $0xffff;
	v47 =	vadd.s32 v6, v13;
	v0 =	vsel vm0, v40, v0;
	v1 =	vsel vm0, v43, v1  }
0x250: {  	v49 =	vor.u32 $0x207, v25;
	vm12 =	veq.f32 v44, v0;
	vm13 =	vlt.s32 v47, v1  }
0x251: {  	v50 =	vld.idx.msk [tilespmem:v45+s24+$0x0], $0xffff;
	vm14 =	vgt.f32 v44, v0;
	vm0 =	vmand vm12, vm13  }
0x252: {  	v8 =	vshll.u32 v46, $0x4;
	vm0 =	vmor vm14, vm0  }
0x253: {  	v52 =	vld.idx.msk [tilespmem:v45+s1+$0x0], $0xffff;
	v51 =	vadd.s32 v8, v14;
	v0 =	vsel vm0, v44, v0;
	v1 =	vsel vm0, v47, v1  }
0x254: {  	v53 =	vor.u32 $0x208, v25;
	vm15 =	veq.f32 v48, v0;
	vm4 =	vlt.s32 v51, v1  }
0x255: {  	v54 =	vld.idx.msk [tilespmem:v49+s24+$0x0], $0xffff;
	vm5 =	vgt.f32 v48, v0;
	vm0 =	vmand vm15, vm4  }
0x256: {  	v6 =	vshll.u32 v50, $0x4;
	vm0 =	vmor vm5, vm0  }
0x257: {  	v56 =	vld.idx.msk [tilespmem:v49+s1+$0x0], $0xffff;
	v55 =	vadd.s32 v6, v15;
	v0 =	vsel vm0, v48, v0;
	v1 =	vsel vm0, v51, v1  }
0x258: {  	v57 =	vor.u32 $0x209, v25;
	vm6 =	veq.f32 v52, v0;
	vm7 =	vlt.s32 v55, v1  }
0x259: {  	v58 =	vld.idx.msk [tilespmem:v53+s24+$0x0], $0xffff;
	vm8 =	vgt.f32 v52, v0;
	vm0 =	vmand vm6, vm7  }
0x25a: {  	v8 =	vshll.u32 v54, $0x4;
	vm0 =	vmor vm8, vm0  }
0x25b: {  	v60 =	vld.idx.msk [tilespmem:v53+s1+$0x0], $0xffff;
	v59 =	vadd.s32 v8, v16;
	v0 =	vsel vm0, v52, v0;
	v1 =	vsel vm0, v55, v1  }
0x25c: {  	v61 =	vor.u32 $0x20A, v25;
	vm9 =	veq.f32 v56, v0;
	vm10 =	vlt.s32 v59, v1  }
0x25d: {  	v62 =	vld.idx.msk [tilespmem:v57+s24+$0x0], $0xffff;
	vm11 =	vgt.f32 v56, v0;
	vm0 =	vmand vm9, vm10  }
0x25e: {  	v6 =	vshll.u32 v58, $0x4;
	vm0 =	vmor vm11, vm0  }
0x25f: {  	v26 =	vld.idx.msk [tilespmem:v57+s1+$0x0], $0xffff;
	v63 =	vadd.s32 v6, v17;
	v0 =	vsel vm0, v56, v0;
	v1 =	vsel vm0, v59, v1  }
0x260: {  	v27 =	vor.u32 $0x20B, v25;
	vm12 =	veq.f32 v60, v0;
	vm13 =	vlt.s32 v63, v1  }
0x261: {  	v28 =	vld.idx.msk [tilespmem:v61+s24+$0x0], $0xffff;
	vm14 =	vgt.f32 v60, v0;
	vm0 =	vmand vm12, vm13  }
0x262: {  	v8 =	vshll.u32 v62, $0x4;
	vm0 =	vmor vm14, vm0  }
0x263: {  	v30 =	vld.idx.msk [tilespmem:v61+s1+$0x0], $0xffff;
	v29 =	vadd.s32 v8, v18;
	v0 =	vsel vm0, v60, v0;
	v1 =	vsel vm0, v63, v1  }
0x264: {  	v31 =	vor.u32 $0x20C, v25;
	vm15 =	veq.f32 v26, v0;
	vm4 =	vlt.s32 v29, v1  }
0x265: {  	v32 =	vld.idx.msk [tilespmem:v27+s24+$0x0], $0xffff;
	vm5 =	vgt.f32 v26, v0;
	vm0 =	vmand vm15, vm4  }
0x266: {  	v6 =	vshll.u32 v28, $0x4;
	vm0 =	vmor vm5, vm0  }
0x267: {  	v34 =	vld.idx.msk [tilespmem:v27+s1+$0x0], $0xffff;
	v33 =	vadd.s32 v6, v19;
	v0 =	vsel vm0, v26, v0;
	v1 =	vsel vm0, v29, v1  }
0x268: {  	v35 =	vor.u32 $0x20D, v25;
	vm6 =	veq.f32 v30, v0;
	vm7 =	vlt.s32 v33, v1  }
0x269: {  	v36 =	vld.idx.msk [tilespmem:v31+s24+$0x0], $0xffff;
	vm8 =	vgt.f32 v30, v0;
	vm0 =	vmand vm6, vm7  }
0x26a: {  	v8 =	vshll.u32 v32, $0x4;
	vm0 =	vmor vm8, vm0  }
0x26b: {  	v38 =	vld.idx.msk [tilespmem:v31+s1+$0x0], $0xffff;
	v37 =	vadd.s32 v8, v20;
	v0 =	vsel vm0, v30, v0;
	v1 =	vsel vm0, v33, v1  }
0x26c: {  	v39 =	vor.u32 $0x20E, v25;
	vm9 =	veq.f32 v34, v0;
	vm10 =	vlt.s32 v37, v1  }
0x26d: {  	v40 =	vld.idx.msk [tilespmem:v35+s24+$0x0], $0xffff;
	vm11 =	vgt.f32 v34, v0;
	vm0 =	vmand vm9, vm10  }
0x26e: {  	v6 =	vshll.u32 v36, $0x4;
	vm0 =	vmor vm11, vm0  }
0x26f: {  	v42 =	vld.idx.msk [tilespmem:v35+s1+$0x0], $0xffff;
	v41 =	vadd.s32 v6, v21;
	v0 =	vsel vm0, v34, v0;
	v1 =	vsel vm0, v37, v1  }
0x270: {  	v43 =	vor.u32 $0x20F, v25;
	vm12 =	veq.f32 v38, v0;
	vm13 =	vlt.s32 v41, v1  }
0x271: {  	v44 =	vld.idx.msk [tilespmem:v39+s24+$0x0], $0xffff;
	vm14 =	vgt.f32 v38, v0;
	vm0 =	vmand vm12, vm13  }
0x272: {  	v8 =	vshll.u32 v40, $0x4;
	vm0 =	vmor vm14, vm0  }
0x273: {  	v46 =	vld.idx.msk [tilespmem:v39+s1+$0x0], $0xffff;
	v45 =	vadd.s32 v8, v22;
	v0 =	vsel vm0, v38, v0;
	v1 =	vsel vm0, v41, v1  }
0x274: {  	vm15 =	veq.f32 v42, v0;
	vm4 =	vlt.s32 v45, v1  }
0x275: {  	v47 =	vld.idx.msk [tilespmem:v43+s24+$0x0], $0xffff;
	vm5 =	vgt.f32 v42, v0;
	vm0 =	vmand vm15, vm4  }
0x276: {  	v6 =	vshll.u32 v44, $0x4;
	vm0 =	vmor vm5, vm0  }
0x277: {  	v49 =	vld.idx.msk [tilespmem:v43+s1+$0x0], $0xffff;
	v48 =	vadd.s32 v6, v23;
	v0 =	vsel vm0, v42, v0;
	v1 =	vsel vm0, v45, v1  }
0x278: {  	vm6 =	veq.f32 v46, v0;
	vm7 =	vlt.s32 v48, v1  }
0x279: {  	vm8 =	vgt.f32 v46, v0;
	vm0 =	vmand vm6, vm7  }
0x27a: {  	v50 =	vshll.u32 v47, $0x4;
	vm0 =	vmor vm8, vm0  }
0x27b: {  	v51 =	vadd.s32 v50, v24;
	v0 =	vsel vm0, v46, v0;
	v1 =	vsel vm0, v48, v1  }
0x27c: {  	vm9 =	veq.f32 v49, v0;
	vm10 =	vlt.s32 v51, v1  }
0x27d: {  	v52 =	vor.u32 $0x300, v25;
	vm11 =	vgt.f32 v49, v0;
	vm0 =	vmand vm9, vm10  }
0x27e: {  	vm0 =	vmor vm11, vm0  }
0x27f: {  	v0 =	vsel vm0, v49, v0  }
0x280: {  	v1 =	vsel vm0, v51, v1;
	[tilespmem:$0xE720] =	vst v0  }
0x281: {  	v53 =	vor.u32 $0x301, v25;
	[tilespmem:$0xE7A0] =	vst v1  }
0x282: {  	v1 =	vld.idx.msk [tilespmem:v52+s24+$0x0], $0xffff;
	_ =	sdelay $0x1  }
0x283: {  	v54 =	vld.idx.msk [tilespmem:v52+s1+$0x0], $0xffff  }
0x284: {  	v55 =	vor.u32 $0x302, v25  }
0x285: {  	v56 =	vld.idx.msk [tilespmem:v53+s24+$0x0], $0xffff  }
0x286: {  	v1 =	vshll.u32 v1, $0x4  }
0x287: {  	v0 =	vld.idx.msk [tilespmem:v53+s1+$0x0], $0xffff;
	v1 =	vadd.s32 v9, v1  }
0x288: {  	v57 =	vor.u32 $0x303, v25;
	vm12 =	veq.f32 v54, $-1.000000000e+00;
	vm13 =	vlt.s32 v1, $0x0  }
0x289: {  	v58 =	vld.idx.msk [tilespmem:v55+s24+$0x0], $0xffff;
	vm14 =	vgt.f32 v54, $-1.000000000e+00;
	vm0 =	vmand vm12, vm13  }
0x28a: {  	v4 =	vshll.u32 v56, $0x4;
	vm0 =	vmor vm14, vm0  }
0x28b: {  	v3 =	vld.idx.msk [tilespmem:v55+s1+$0x0], $0xffff;
	v4 =	vadd.s32 v4, v10;
	v2 =	vnsel vm0, $0xBF800000, v54;
	v1 =	vnsel vm0, $0x0, v1  }
0x28c: {  	v59 =	vor.u32 $0x304, v25;
	vm15 =	veq.f32 v0, v2;
	vm4 =	vlt.s32 v4, v1  }
0x28d: {  	v60 =	vld.idx.msk [tilespmem:v57+s24+$0x0], $0xffff;
	vm5 =	vgt.f32 v0, v2;
	vm0 =	vmand vm15, vm4  }
0x28e: {  	v6 =	vshll.u32 v58, $0x4;
	vm0 =	vmor vm5, vm0  }
0x28f: {  	v62 =	vld.idx.msk [tilespmem:v57+s1+$0x0], $0xffff;
	v61 =	vadd.s32 v6, v11;
	v0 =	vsel vm0, v0, v2;
	v1 =	vsel vm0, v4, v1  }
0x290: {  	v63 =	vor.u32 $0x305, v25;
	vm6 =	veq.f32 v3, v0;
	vm7 =	vlt.s32 v61, v1  }
0x291: {  	v26 =	vld.idx.msk [tilespmem:v59+s24+$0x0], $0xffff;
	vm8 =	vgt.f32 v3, v0;
	vm0 =	vmand vm6, vm7  }
0x292: {  	v8 =	vshll.u32 v60, $0x4;
	vm0 =	vmor vm8, vm0  }
0x293: {  	v28 =	vld.idx.msk [tilespmem:v59+s1+$0x0], $0xffff;
	v27 =	vadd.s32 v8, v12;
	v0 =	vsel vm0, v3, v0;
	v1 =	vsel vm0, v61, v1  }
0x294: {  	v29 =	vor.u32 $0x306, v25;
	vm9 =	veq.f32 v62, v0;
	vm10 =	vlt.s32 v27, v1  }
0x295: {  	v30 =	vld.idx.msk [tilespmem:v63+s24+$0x0], $0xffff;
	vm11 =	vgt.f32 v62, v0;
	vm0 =	vmand vm9, vm10  }
0x296: {  	v6 =	vshll.u32 v26, $0x4;
	vm0 =	vmor vm11, vm0  }
0x297: {  	v32 =	vld.idx.msk [tilespmem:v63+s1+$0x0], $0xffff;
	v31 =	vadd.s32 v6, v13;
	v0 =	vsel vm0, v62, v0;
	v1 =	vsel vm0, v27, v1  }
0x298: {  	v33 =	vor.u32 $0x307, v25;
	vm12 =	veq.f32 v28, v0;
	vm13 =	vlt.s32 v31, v1  }
0x299: {  	v34 =	vld.idx.msk [tilespmem:v29+s24+$0x0], $0xffff;
	vm14 =	vgt.f32 v28, v0;
	vm0 =	vmand vm12, vm13  }
0x29a: {  	v8 =	vshll.u32 v30, $0x4;
	vm0 =	vmor vm14, vm0  }
0x29b: {  	v36 =	vld.idx.msk [tilespmem:v29+s1+$0x0], $0xffff;
	v35 =	vadd.s32 v8, v14;
	v0 =	vsel vm0, v28, v0;
	v1 =	vsel vm0, v31, v1  }
0x29c: {  	v37 =	vor.u32 $0x308, v25;
	vm15 =	veq.f32 v32, v0;
	vm4 =	vlt.s32 v35, v1  }
0x29d: {  	v38 =	vld.idx.msk [tilespmem:v33+s24+$0x0], $0xffff;
	vm5 =	vgt.f32 v32, v0;
	vm0 =	vmand vm15, vm4  }
0x29e: {  	v6 =	vshll.u32 v34, $0x4;
	vm0 =	vmor vm5, vm0  }
0x29f: {  	v40 =	vld.idx.msk [tilespmem:v33+s1+$0x0], $0xffff;
	v39 =	vadd.s32 v6, v15;
	v0 =	vsel vm0, v32, v0;
	v1 =	vsel vm0, v35, v1  }
0x2a0: {  	v41 =	vor.u32 $0x309, v25;
	vm6 =	veq.f32 v36, v0;
	vm7 =	vlt.s32 v39, v1  }
0x2a1: {  	v42 =	vld.idx.msk [tilespmem:v37+s24+$0x0], $0xffff;
	vm8 =	vgt.f32 v36, v0;
	vm0 =	vmand vm6, vm7  }
0x2a2: {  	v8 =	vshll.u32 v38, $0x4;
	vm0 =	vmor vm8, vm0  }
0x2a3: {  	v44 =	vld.idx.msk [tilespmem:v37+s1+$0x0], $0xffff;
	v43 =	vadd.s32 v8, v16;
	v0 =	vsel vm0, v36, v0;
	v1 =	vsel vm0, v39, v1  }
0x2a4: {  	v45 =	vor.u32 $0x30A, v25;
	vm9 =	veq.f32 v40, v0;
	vm10 =	vlt.s32 v43, v1  }
0x2a5: {  	v46 =	vld.idx.msk [tilespmem:v41+s24+$0x0], $0xffff;
	vm11 =	vgt.f32 v40, v0;
	vm0 =	vmand vm9, vm10  }
0x2a6: {  	v6 =	vshll.u32 v42, $0x4;
	vm0 =	vmor vm11, vm0  }
0x2a7: {  	v48 =	vld.idx.msk [tilespmem:v41+s1+$0x0], $0xffff;
	v47 =	vadd.s32 v6, v17;
	v0 =	vsel vm0, v40, v0;
	v1 =	vsel vm0, v43, v1  }
0x2a8: {  	v49 =	vor.u32 $0x30B, v25;
	vm12 =	veq.f32 v44, v0;
	vm13 =	vlt.s32 v47, v1  }
0x2a9: {  	v50 =	vld.idx.msk [tilespmem:v45+s24+$0x0], $0xffff;
	vm14 =	vgt.f32 v44, v0;
	vm0 =	vmand vm12, vm13  }
0x2aa: {  	v8 =	vshll.u32 v46, $0x4;
	vm0 =	vmor vm14, vm0  }
0x2ab: {  	v52 =	vld.idx.msk [tilespmem:v45+s1+$0x0], $0xffff;
	v51 =	vadd.s32 v8, v18;
	v0 =	vsel vm0, v44, v0;
	v1 =	vsel vm0, v47, v1  }
0x2ac: {  	v53 =	vor.u32 $0x30C, v25;
	vm15 =	veq.f32 v48, v0;
	vm4 =	vlt.s32 v51, v1  }
0x2ad: {  	v54 =	vld.idx.msk [tilespmem:v49+s24+$0x0], $0xffff;
	vm5 =	vgt.f32 v48, v0;
	vm0 =	vmand vm15, vm4  }
0x2ae: {  	v6 =	vshll.u32 v50, $0x4;
	vm0 =	vmor vm5, vm0  }
0x2af: {  	v56 =	vld.idx.msk [tilespmem:v49+s1+$0x0], $0xffff;
	v55 =	vadd.s32 v6, v19;
	v0 =	vsel vm0, v48, v0;
	v1 =	vsel vm0, v51, v1  }
0x2b0: {  	v57 =	vor.u32 $0x30D, v25;
	vm6 =	veq.f32 v52, v0;
	vm7 =	vlt.s32 v55, v1  }
0x2b1: {  	v58 =	vld.idx.msk [tilespmem:v53+s24+$0x0], $0xffff;
	vm8 =	vgt.f32 v52, v0;
	vm0 =	vmand vm6, vm7  }
0x2b2: {  	v8 =	vshll.u32 v54, $0x4;
	vm0 =	vmor vm8, vm0  }
0x2b3: {  	v60 =	vld.idx.msk [tilespmem:v53+s1+$0x0], $0xffff;
	v59 =	vadd.s32 v8, v20;
	v0 =	vsel vm0, v52, v0;
	v1 =	vsel vm0, v55, v1  }
0x2b4: {  	v61 =	vor.u32 $0x30E, v25;
	vm9 =	veq.f32 v56, v0;
	vm10 =	vlt.s32 v59, v1  }
0x2b5: {  	v62 =	vld.idx.msk [tilespmem:v57+s24+$0x0], $0xffff;
	vm11 =	vgt.f32 v56, v0;
	vm0 =	vmand vm9, vm10  }
0x2b6: {  	v6 =	vshll.u32 v58, $0x4;
	vm0 =	vmor vm11, vm0  }
0x2b7: {  	v12 =	vld.idx.msk [tilespmem:v57+s1+$0x0], $0xffff;
	v63 =	vadd.s32 v6, v21;
	v0 =	vsel vm0, v56, v0;
	v1 =	vsel vm0, v59, v1  }
0x2b8: {  	v13 =	vor.u32 $0x30F, v25;
	vm12 =	veq.f32 v60, v0;
	vm13 =	vlt.s32 v63, v1  }
0x2b9: {  	v14 =	vld.idx.msk [tilespmem:v61+s24+$0x0], $0xffff;
	vm14 =	vgt.f32 v60, v0;
	vm0 =	vmand vm12, vm13  }
0x2ba: {  	v8 =	vshll.u32 v62, $0x4;
	vm0 =	vmor vm14, vm0  }
0x2bb: {  	v16 =	vld.idx.msk [tilespmem:v61+s1+$0x0], $0xffff;
	v15 =	vadd.s32 v8, v22;
	v0 =	vsel vm0, v60, v0;
	v1 =	vsel vm0, v63, v1  }
0x2bc: {  	vm15 =	veq.f32 v12, v0;
	vm4 =	vlt.s32 v15, v1  }
0x2bd: {  	v17 =	vld.idx.msk [tilespmem:v13+s24+$0x0], $0xffff;
	vm5 =	vgt.f32 v12, v0;
	vm0 =	vmand vm15, vm4  }
0x2be: {  	v6 =	vshll.u32 v14, $0x4;
	vm0 =	vmor vm5, vm0  }
0x2bf: {  	v19 =	vld.idx.msk [tilespmem:v13+s1+$0x0], $0xffff;
	v18 =	vadd.s32 v6, v23;
	v0 =	vsel vm0, v12, v0;
	v1 =	vsel vm0, v15, v1  }
0x2c0: {  	vm6 =	veq.f32 v16, v0;
	vm7 =	vlt.s32 v18, v1  }
0x2c1: {  	vm8 =	vgt.f32 v16, v0;
	vm0 =	vmand vm6, vm7  }
0x2c2: {  	v20 =	vshll.u32 v17, $0x4;
	vm0 =	vmor vm8, vm0  }
0x2c3: {  	v21 =	vadd.s32 v20, v24;
	v0 =	vsel vm0, v16, v0;
	v1 =	vsel vm0, v18, v1  }
0x2c4: {  	vm9 =	veq.f32 v19, v0;
	vm10 =	vlt.s32 v21, v1  }
0x2c5: {  	vm11 =	vgt.f32 v19, v0;
	vm0 =	vmand vm9, vm10  }
0x2c6: {  	vm0 =	vmor vm11, vm0  }
0x2c7: {  	v0 =	vsel vm0, v19, v0  }
0x2c8: {  	v1 =	vsel vm0, v21, v1;
	[tilespmem:$0xE730] =	vst v0  }
0x2c9: {  	s4 =	rddreg [dreg:$0xe];
	s5 =	simm.s32 $0xE700;
	[tilespmem:$0xE7B0] =	vst v1  }
0x2ca: {  	[spmem:s4] =	stream.linear.scatter [tilespmem:s5], [sflag:$0x1], $0x40, $0x38;
	[tilespmem:$0x14F00] =	vst v63  }
0x2cb: {  	_ =	swait.ge [sflag:s23], $0x40  }
0x2cc: {  	[sflag:s23] =	ssyncset.done $0x0  }
0x2cd: {  	s15 =	simm.s32 $0xE780;
	s14 =	rddreg [dreg:$0xf];
	[sflag:s23] =	ssyncadd.s32 $0xFFFFFFC0  }
0x2ce: {  	[spmem:s14] =	stream.linear.scatter [tilespmem:s15], [sflag:$0x1], $0x40, $0x38;
	[tilespmem:$0x14F00] =	vst v63  }
0x2cf: {  	_ =	swait.ge [sflag:s23], $0x40  }
0x2d0: {  	[sflag:s23] =	ssyncset.done $0x0  }
0x2d1: {  	[sflag:s23] =	ssyncadd.s32 $0xFFFFFFC0  }
0x2d2: {  	[bflag:$0x0] =	sbarrier.arrive $0xFFFF  }
0x2d3: {  	s17 =	simm.s32 $0xE800;
	s16 =	rddreg [dreg:$0x10]  }
0x2d4: {  	[tilespmem:s17], [sflag:$0x1] =	stream.linear.gather [spmem:s16], $0x100, $0x38;
	[tilespmem:$0x14F00] =	vst v63  }
0x2d5: {  	_ =	swait.ge [sflag:s23], $0x100  }
0x2d6: {  	[sflag:s23] =	ssyncset.done $0x0  }
0x2d7: {  	s25 =	simm.s32 $0xE900;
	s18 =	rddreg [dreg:$0x11];
	[sflag:s23] =	ssyncadd.s32 $0xFFFFFF00  }
0x2d8: {  	[tilespmem:s25], [sflag:$0x1] =	stream.linear.gather [spmem:s18], $0x100, $0x38;
	[tilespmem:$0x14F00] =	vst v63  }
0x2d9: {  	_ =	swait.ge [sflag:s23], $0x100  }
0x2da: {  	[sflag:s23] =	ssyncset.done $0x0  }
0x2db: {  	[sflag:s23] =	ssyncadd.s32 $0xFFFFFF00  }
0x2dc: {  	v22 =	vld [tilespmem:$0xE800]  }
0x2dd: {  	v23 =	vld [tilespmem:$0xE900];
	_ =	sdelay $0x2  }
0x2de: {  	v24 =	vld [tilespmem:$0xE840]  }
0x2df: {  	v25 =	vld [tilespmem:$0xE940]  }
0x2e0: {  	v26 =	vld [tilespmem:$0xE810];
	vm12 =	veq.f32 v22, $-1.000000000e+00;
	vm13 =	vlt.s32 v23, $0x0  }
0x2e1: {  	v27 =	vld [tilespmem:$0xE910];
	vm14 =	vgt.f32 v22, $-1.000000000e+00;
	vm0 =	vmand vm12, vm13  }
0x2e2: {  	v28 =	vld [tilespmem:$0xE880];
	vm0 =	vmor vm14, vm0  }
0x2e3: {  	v29 =	vld [tilespmem:$0xE980];
	v0 =	vnsel vm0, $0xBF800000, v22;
	v1 =	vnsel vm0, $0x0, v23  }
0x2e4: {  	v30 =	vld [tilespmem:$0xE850];
	vm15 =	veq.f32 v24, v0;
	vm4 =	vlt.s32 v25, v1  }
0x2e5: {  	v31 =	vld [tilespmem:$0xE950];
	vm6 =	veq.f32 v26, $-1.000000000e+00;
	vm5 =	vgt.f32 v24, v0;
	vm0 =	vmand vm15, vm4  }
0x2e6: {  	v32 =	vld [tilespmem:$0xE8C0];
	vm7 =	vlt.s32 v27, $0x0;
	vm3 =	vgt.f32 v26, $-1.000000000e+00;
	vm0 =	vmor vm5, vm0  }
0x2e7: {  	v33 =	vld [tilespmem:$0xE9C0];
	v0 =	vsel vm0, v24, v0;
	v1 =	vsel vm0, v25, v1;
	vm0 =	vmand vm6, vm7  }
0x2e8: {  	v34 =	vld [tilespmem:$0xE890];
	vm9 =	veq.f32 v28, v0;
	vm4 =	vlt.s32 v29, v1;
	vm0 =	vmor vm3, vm0  }
0x2e9: {  	v35 =	vld [tilespmem:$0xE990];
	vm8 =	vgt.f32 v28, v0;
	vm1 =	vmand vm9, vm4;
	v4 =	vnsel vm0, $0xBF800000, v26  }
0x2ea: {  	v39 =	vld [tilespmem:$0xE920];
	v5 =	vnsel vm0, $0x0, v27;
	vm10 =	vmor vm8, vm1;
	vm11 =	veq.f32 v30, v4  }
0x2eb: {  	v37 =	vld [tilespmem:$0xE820];
	vm12 =	vlt.s32 v31, v5;
	vm13 =	vgt.f32 v30, v4;
	v0 =	vsel vm10, v28, v0  }
0x2ec: {  	v43 =	vld [tilespmem:$0xE830];
	vm1 =	vmand vm11, vm12;
	v1 =	vsel vm10, v29, v1;
	vm14 =	vgt.f32 v32, v0  }
0x2ed: {  	v44 =	vld [tilespmem:$0xE930];
	vm1 =	vmor vm13, vm1;
	vm15 =	veq.f32 v32, v0;
	vm8 =	vlt.s32 v33, v1  }
0x2ee: {  	v38 =	vsel vm1, v30, v4;
	v2 =	vsel vm1, v31, v5;
	vm1 =	vmand vm15, vm8  }
0x2ef: {  	v36 =	vld [tilespmem:$0xE8D0];
	vm15 =	vlt.s32 v39, $0x0;
	vm9 =	veq.f32 v34, v38;
	vm10 =	vlt.s32 v35, v2  }
0x2f0: {  	v40 =	vld [tilespmem:$0xE9D0];
	vm11 =	vgt.f32 v34, v38;
	vm0 =	vmor vm14, vm1;
	vm14 =	veq.f32 v37, $-1.000000000e+00  }
0x2f1: {  	v41 =	vld [tilespmem:$0xE860];
	vm3 =	vmand vm9, vm10;
	v1 =	vsel vm0, v33, v1;
	vm9 =	vgt.f32 v37, $-1.000000000e+00  }
0x2f2: {  	v42 =	vld [tilespmem:$0xE960];
	vm1 =	vmand vm14, vm15;
	vm14 =	veq.f32 v43, $-1.000000000e+00;
	vm15 =	vlt.s32 v44, $0x0  }
0x2f3: {  	vm12 =	vmor vm11, vm3;
	vm1 =	vmor vm9, vm1;
	vm7 =	vmand vm14, vm15  }
0x2f4: {  	v45 =	vld [tilespmem:$0xE8A0];
	v0 =	vsel vm12, v34, v38;
	v2 =	vsel vm12, v35, v2;
	v46 =	vnsel vm1, $0xBF800000, v37  }
0x2f5: {  	v47 =	vld [tilespmem:$0xE870];
	v3 =	vnsel vm1, $0x0, v39;
	vm13 =	veq.f32 v36, v0;
	vm8 =	vlt.s32 v40, v2  }
0x2f6: {  	v48 =	vld [tilespmem:$0xE970];
	vm10 =	vgt.f32 v36, v0;
	vm11 =	vgt.f32 v41, v46;
	vm12 =	veq.f32 v41, v46  }
0x2f7: {  	v49 =	vld [tilespmem:$0xE9A0];
	vm0 =	vmand vm13, vm8;
	vm13 =	vlt.s32 v42, v3;
	vm8 =	vgt.f32 v43, $-1.000000000e+00  }
0x2f8: {  	vm0 =	vmor vm10, vm0;
	vm2 =	vmand vm12, vm13;
	vm9 =	vmor vm8, vm7  }
0x2f9: {  	v51 =	vld [tilespmem:$0xE8B0];
	vm1 =	vmor vm11, vm2;
	v2 =	vsel vm0, v40, v2;
	v52 =	vnsel vm9, $0xBF800000, v43  }
0x2fa: {  	v54 =	vld [tilespmem:$0xE9B0];
	v53 =	vnsel vm9, $0x0, v44;
	v50 =	vsel vm1, v41, v46;
	v3 =	vsel vm1, v42, v3  }
0x2fb: {  	v55 =	vld [tilespmem:$0xE8E0];
	vm11 =	veq.f32 v47, v52;
	vm12 =	vlt.s32 v48, v53;
	vm14 =	vgt.f32 v47, v52  }
0x2fc: {  	v56 =	vld [tilespmem:$0xE9E0];
	vm10 =	veq.f32 v45, v50;
	vm13 =	vlt.s32 v49, v3;
	vm1 =	vmand vm11, vm12  }
0x2fd: {  	v57 =	vld [tilespmem:$0xE8F0];
	vm15 =	vgt.f32 v45, v50;
	vm0 =	vmand vm10, vm13;
	vm1 =	vmor vm14, vm1  }
0x2fe: {  	v59 =	vld [tilespmem:$0xE9F0];
	v6 =	vsel vm1, v47, v52;
	vm0 =	vmor vm15, vm0;
	v58 =	vsel vm1, v48, v53  }
0x2ff: {  	v0 =	vsel vm0, v45, v50;
	vm6 =	veq.f32 v51, v6;
	vm7 =	vlt.s32 v54, v58  }
0x300: {  	v3 =	vsel vm0, v49, v3;
	vm8 =	vgt.f32 v51, v6;
	vm1 =	vmand vm6, vm7  }
0x301: {  	vm9 =	vgt.f32 v55, v0;
	vm10 =	veq.f32 v55, v0;
	vm0 =	vmor vm8, vm1  }
0x302: {  	vm11 =	vlt.s32 v56, v3;
	v60 =	vsel vm0, v51, v6;
	v61 =	vsel vm0, v54, v58  }
0x303: {  	vm0 =	vmand vm10, vm11;
	vm12 =	veq.f32 v57, v60;
	vm13 =	vlt.s32 v59, v61  }
0x304: {  	[tilespmem:$0xEA00] =	vst v1;
	vm0 =	vmor vm9, vm0;
	vm14 =	vgt.f32 v57, v60;
	vm1 =	vmand vm12, vm13  }
0x305: {  	[tilespmem:$0xEA10] =	vst v2;
	v62 =	vsel vm0, v56, v3;
	vm15 =	vmor vm14, vm1  }
0x306: {  	[tilespmem:$0xEA20] =	vst v62;
	v63 =	vsel vm15, v59, v61  }
0x307: {  	s4 =	simm.s32 $0x0;
	s5 =	simm.s32 $0xEA00;
	[tilespmem:$0xEA30] =	vst v63  }
.LBB2_12:
0x308: {  	v0 =	vld [tilespmem:s5+$0x0];
	_ =	sdelay $0x4  }
0x309: {  	(v2sf) =	vpush v0, $0x0;
	_ =	sdelay $0xe  }
0x30a: {  	s7 =	spop (v2sf)  }
0x30b: {  	s7 =	ssub.s32 s7, s3  }
0x30c: {  	p0 =	sgt.u32 s7, $0x13FF  }
0x30d: {  	v0 =	vmov @!p0 s7  }
0x30e: {  	v0 =	vand.u32 @!p0 $0x1FFF, v0  }
0x30f: {  	v0 =	vbroadcast @!p0 v0, $0x0  }
0x310: {  	v1 =	vmov @!p0 s4;
	s4 =	sadd.s32 $0x1, s4  }
0x311: {  	p1 =	sne.s32 s4, $0x40  }
.Ltmp5:
0x312: {  	_ = 	snop;
	(pc) =	sbr.rel @p1 .LBB2_12-.Ltmp5, $4  }
0x313: {  	_ = 	snop  }
0x314: {  	s7 =	simm.s32 @!p0 $0xCB00  }
0x315: {  	[tilespmem:v0+s7+$0x0] =	vst.idx.msk @!p0 $0x1, v1;
	v1 =	vimm.f32 @!p0 $2.000000000e+00;
	s7 =	simm.s32 @!p0 $0xB700  }
0x316: {  	s5 =	sadd.s32 $0x1, s5;
	[tilespmem:v0+s7+$0x0] =	vst.idx.msk @!p0 $0x1, v1  }
0x317: {  	s4 =	simm.s32 $0x0  }
0x318: {  	v33 =	vld [tilespmem:s4+$0xCB30]  }
0x319: {  	v0 =	vld [tilespmem:s4+$0xCB00]  }
0x31a: {  	v1 =	vld [tilespmem:s4+$0xCB10]  }
0x31b: {  	v2 =	vld [tilespmem:s4+$0xCB20]  }
0x31c: {  	v3 =	vld [tilespmem:s4+$0xB700]  }
0x31d: {  	v4 =	vld [tilespmem:s4+$0xB710]  }
0x31e: {  	v5 =	vld [tilespmem:s4+$0xB720]  }
0x31f: {  	v6 =	vld [tilespmem:s4+$0xB730]  }
0x320: {  	v8 =	vld [tilespmem:s4+$0x3C30]  }
0x321: {  	v12 =	vld [tilespmem:s4+$0x2800]  }
0x322: {  	v51 =	vld [tilespmem:s4+$0x2820]  }
0x323: {  	v52 =	vld [tilespmem:s4+$0x3C20]  }
0x324: {  	v7 =	vld.idx.msk [tilespmem:v33+s0+$0x0], $0xffff  }
0x325: {  	v53 =	vld [tilespmem:s4+$0x2830]  }
0x326: {  	v9 =	vld.idx.msk [tilespmem:v0+s0+$0x0], $0xffff  }
0x327: {  	vm0 =	vlt.f32 v6, $5.000000000e-01;
	v6 =	vld [tilespmem:s4+$0x3C00]  }
0x328: {  	v10 =	vld.idx.msk [tilespmem:v1+s0+$0x0], $0xffff  }
0x329: {  	vm11 =	vlt.f32 v4, $5.000000000e-01;
	v4 =	vld [tilespmem:s4+$0x2810];
	v7 =	vsel vm0, $0x0, v7  }
0x32a: {  	vm13 =	vlt.f32 v3, $5.000000000e-01;
	v11 =	vld.idx.msk [tilespmem:v2+s0+$0x0], $0xffff;
	[tilespmem:s4+$0x13AB0] =	vst v7  }
0x32b: {  	v9 =	vsel vm13, $0x0, v9;
	v49 =	vld.idx.msk [tilespmem:v33+s29+$0x0], $0xffff  }
0x32c: {  	vm12 =	vlt.f32 v5, $5.000000000e-01;
	[tilespmem:s4+$0x13A80] =	vst v9;
	v5 =	vld.idx.msk [tilespmem:v33+s31+$0x0], $0xffff  }
0x32d: {  	v10 =	vsel vm11, $0x0, v10;
	v54 =	vld.idx.msk [tilespmem:v0+s28+$0x0], $0xffff  }
0x32e: {  	(erf) = vrcp.f32 v8;
	[tilespmem:s4+$0x13A90] =	vst v10;
	v14 =	vld.idx.msk [tilespmem:v0+s29+$0x0], $0xffff  }
0x32f: {  	v50 =	vsel vm12, $0x0, v11;
	v7 =	vmul.f32 $1.000000010e-01, v8;
	v61 =	vld.idx.msk [tilespmem:v1+s28+$0x0], $0xffff  }
0x330: {  	[tilespmem:s4+$0x13AA0] =	vst v50;
	v63 =	vld.idx.msk [tilespmem:v1+s30+$0x0], $0xffff  }
0x331: {  	v3 =	vmul.f32 $1.000000010e-01, v12;
	v38 =	vld.idx.msk [tilespmem:v2+s28+$0x0], $0xffff;
	(erf) = vrcp.f32 v7  }
0x332: {  	v55 =	vmul.f32 $1.000000010e-01, v51;
	v7 =	vld [tilespmem:s4+$0x3C10];
	(erf) = vrcp.f32 v12  }
0x333: {  	v60 =	vmul.f32 $1.000000010e-01, v52;
	v40 =	vld.idx.msk [tilespmem:v2+s29+$0x0], $0xffff;
	(erf) = vrcp.f32 v6  }
0x334: {  	v41 =	vld.idx.msk [tilespmem:v2+s30+$0x0], $0xffff;
	v6 =	vmul.f32 $1.000000010e-01, v6;
	(erf) = vrcp.f32 v4  }
0x335: {  	v9 =	vmul.f32 $1.000000010e-01, v53;
	v42 =	vld.idx.msk [tilespmem:v2+s31+$0x0], $0xffff;
	(erf) = vrcp.f32 v3  }
0x336: {  	v58 =	vld [tilespmem:$0x1FFE0];
	v4 =	vmul.f32 $1.000000010e-01, v4;
	v3 =	vsub.f32 v5, v49;
	(erf) = vrcp.f32 v6  }
0x337: {  	v13 =	vpop (erf);
	v5 =	vadd.f32 v5, v49;
	v6 =	vmul.f32 $1.000000010e-01, v7;
	(erf) = vrcp.f32 v7;
	v7 =	vld.idx.msk [tilespmem:v0+s30+$0x0], $0xffff  }
0x338: {  	v2 =	vsub.f32 v63, v61;
	v3 =	vmul.f32 v13, v3;
	v0 =	vld.idx.msk [tilespmem:v0+s31+$0x0], $0xffff;
	(erf) = vrcp.f32 v51  }
0x339: {  	v36 =	vld.idx.msk [tilespmem:v1+s29+$0x0], $0xffff;
	v32 =	vadd.f32 v63, v61;
	v44 =	vsub.f32 v41, v38;
	(erf) = vrcp.f32 v52  }
0x33a: {  	v37 =	vld.idx.msk [tilespmem:v1+s31+$0x0], $0xffff;
	v46 =	vsub.f32 v42, v40;
	v3 =	vmax.f32 v3, $9.999999930e-09;
	(erf) = vrcp.f32 v53  }
0x33b: {  	v39 =	vmul.f32 v5, v58;
	v62 =	vand.u32 $0x7FFFFF, v3;
	v22 =	vpop (erf);
	(erf) = vrcp.f32 v4  }
0x33c: {  	v3 =	vshra.s32 v3, $0x17;
	v4 =	vor.u32 $0x3F800000, v62;
	v5 =	vpop (erf);
	(erf) = vrcp.f32 v6  }
0x33d: {  	v6 =	vmul.f32 $5.000000000e-01, v4;
	v1 =	vsub.f32 v7, v54;
	v19 =	vsub.f32 v0, v14  }
0x33e: {  	vm14 =	vgt.f32 v4, $1.414213540e+00;
	v31 =	vadd.f32 v7, v54;
	v30 =	vadd.f32 v0, v14  }
0x33f: {  	v15 =	vpop (erf);
	v7 =	vsub.f32 v37, v36;
	(erf) = vrcp.f32 v55;
	v4 =	vsel vm14, v6, v4  }
0x340: {  	v18 =	vpop (erf);
	(erf) = vrcp.f32 v60;
	v1 =	vmul.f32 v5, v1;
	v5 =	vadd.f32 $1.000000000e+00, v4  }
0x341: {  	v23 =	vpop (erf);
	v0 =	vmul.f32 v15, v19;
	v2 =	vmul.f32 v18, v2;
	v60 =	vimm.s32 $0xFFFFFF81  }
0x342: {  	(erf) = vrcp.f32 v9;
	v24 =	vpop (erf);
	v4 =	vadd.f32 $-1.000000000e+00, v4;
	v1 =	vmax.f32 v1, $9.999999930e-09  }
0x343: {  	v6 =	vpop (erf);
	v0 =	vmax.f32 v0, $9.999999930e-09;
	v2 =	vmax.f32 v2, $9.999999930e-09;
	(erf) = vrcp.f32 v5  }
0x344: {  	v35 =	vand.u32 $0x7FFFFF, v1;
	v43 =	vand.u32 $0x7FFFFF, v0;
	v6 =	vmul.f32 v6, v7;
	v5 =	vpop (erf)  }
0x345: {  	v45 =	vand.u32 $0x7FFFFF, v2;
	v1 =	vshra.s32 v1, $0x17;
	v0 =	vshra.s32 v0, $0x17;
	v34 =	vpop (erf)  }
0x346: {  	v2 =	vshra.s32 v2, $0x17;
	v9 =	vor.u32 $0x3F800000, v35;
	v10 =	vor.u32 $0x3F800000, v43;
	v11 =	vpop (erf)  }
0x347: {  	v13 =	vor.u32 $0x3F800000, v45;
	v7 =	vmul.f32 $5.000000000e-01, v9;
	v6 =	vmax.f32 v6, $9.999999930e-09;
	v26 =	vpop (erf)  }
0x348: {  	v48 =	vmul.f32 $5.000000000e-01, v10;
	v49 =	vmul.f32 $5.000000000e-01, v13;
	vm6 =	vgt.f32 v9, $1.414213540e+00;
	v29 =	vpop (erf)  }
0x349: {  	vm2 =	vgt.f32 v10, $1.414213540e+00;
	vm3 =	vgt.f32 v13, $1.414213540e+00;
	v47 =	vand.u32 $0x7FFFFF, v6;
	v28 =	vpop (erf)  }
0x34a: {  	v5 =	vmul.f32 v5, v44;
	v15 =	vor.u32 $0x3F800000, v47;
	v8 =	vmul.f32 v34, v46;
	v25 =	vpop (erf)  }
0x34b: {  	v7 =	vsel vm6, v7, v9;
	v51 =	vsel vm2, v48, v10;
	v53 =	vsel vm3, v49, v13;
	v27 =	vpop (erf)  }
0x34c: {  	v5 =	vmax.f32 v5, $9.999999930e-09;
	v16 =	vmul.f32 $5.000000000e-01, v15;
	vm4 =	vgt.f32 v15, $1.414213540e+00;
	v18 =	vpop (erf)  }
0x34d: {  	v54 =	vadd.f32 $1.000000000e+00, v7;
	v59 =	vadd.f32 $1.000000000e+00, v51;
	v4 =	vmul.f32 v18, v4  }
0x34e: {  	v47 =	vadd.f32 $1.000000000e+00, v53;
	v17 =	vand.u32 $0x7FFFFF, v5;
	v8 =	vmax.f32 v8, $9.999999930e-09  }
0x34f: {  	v17 =	vor.u32 $0x3F800000, v17;
	v19 =	vand.u32 $0x7FFFFF, v8;
	v20 =	vmul.f32 v4, v4  }
0x350: {  	v55 =	vsel vm4, v16, v15;
	v50 =	vmul.f32 $5.000000000e-01, v17;
	v19 =	vor.u32 $0x3F800000, v19  }
0x351: {  	vm1 =	vgt.f32 v17, $1.414213540e+00;
	v48 =	vadd.f32 $1.000000000e+00, v55;
	v52 =	vmul.f32 $2.857142980e-01, v20  }
0x352: {  	v21 =	vmul.f32 $5.000000000e-01, v19;
	vm5 =	vgt.f32 v19, $1.414213540e+00;
	(erf) = vrcp.f32 v54  }
0x353: {  	v56 =	vsel vm1, v50, v17;
	(erf) = vrcp.f32 v59;
	v10 =	vadd.f32 $4.000000060e-01, v52  }
0x354: {  	v57 =	vsel vm5, v21, v19;
	v21 =	vadd.f32 $1.000000000e+00, v56;
	(erf) = vrcp.f32 v47  }
0x355: {  	v63 =	vsel vm6, $0xFFFFFF82, v60;
	(erf) = vrcp.f32 v48;
	v10 =	vmul.f32 v10, v20  }
0x356: {  	v6 =	vshra.s32 v6, $0x17;
	v49 =	vadd.f32 $1.000000000e+00, v57;
	(erf) = vrcp.f32 v21  }
0x357: {  	v1 =	vadd.s32 v1, v63;
	v7 =	vadd.f32 $-1.000000000e+00, v7;
	v10 =	vadd.f32 $6.666666860e-01, v10  }
0x358: {  	v9 =	vadd.f32 $-1.000000000e+00, v51;
	v12 =	vadd.f32 $-1.000000000e+00, v53;
	(erf) = vrcp.f32 v49  }
0x359: {  	v51 =	vsel vm2, $0xFFFFFF82, v60;
	v50 =	vsel vm14, $0xFFFFFF82, v60;
	v10 =	vmul.f32 v10, v20  }
0x35a: {  	v5 =	vshra.s32 v5, $0x17;
	v0 =	vadd.s32 v0, v51;
	v3 =	vadd.s32 v3, v50  }
0x35b: {  	v8 =	vshra.s32 v8, $0x17;
	v3 =	vcvt.s32.f32 v3;
	v61 =	vpop (erf);
	v10 =	vadd.f32 $2.000000000e+00, v10  }
0x35c: {  	v0 =	vcvt.s32.f32 v0;
	v14 =	vadd.f32 $-1.000000000e+00, v55;
	v15 =	vadd.f32 $-1.000000000e+00, v56;
	v59 =	vld [tilespmem:$0x1FFF0];
	v21 =	vpop (erf)  }
0x35d: {  	v3 =	vmul.f32 $6.931471820e-01, v3;
	v52 =	vsel vm3, $0xFFFFFF82, v60;
	v34 =	vpop (erf);
	v4 =	vmul.f32 v10, v4  }
0x35e: {  	v2 =	vadd.s32 v2, v52;
	v9 =	vmul.f32 v21, v9;
	v12 =	vmul.f32 v34, v12;
	v21 =	vpop (erf)  }
0x35f: {  	v2 =	vcvt.s32.f32 v2;
	v7 =	vmul.f32 v61, v7;
	v54 =	vpop (erf);
	v3 =	vadd.f32 v4, v3  }
0x360: {  	v44 =	vld.idx.msk [tilespmem:v33+s30+$0x0], $0xffff;
	v16 =	vadd.f32 $-1.000000000e+00, v57;
	v35 =	vmul.f32 v12, v12;
	v13 =	vmul.f32 v54, v15  }
0x361: {  	v19 =	vsel vm4, $0xFFFFFF82, v60;
	v55 =	vpop (erf);
	v43 =	vmul.f32 v3, v59;
	v3 =	vmul.f32 v21, v14;
	v21 =	vld.idx.msk [tilespmem:v33+s28+$0x0], $0xffff  }
0x362: {  	v6 =	vadd.s32 v6, v19;
	v62 =	vmul.f32 v9, v9;
	v15 =	vmul.f32 v55, v16  }
0x363: {  	v20 =	vsel vm5, $0xFFFFFF82, v60;
	v57 =	vmul.f32 $2.857142980e-01, v35;
	v61 =	vmul.f32 v13, v13  }
0x364: {  	v2 =	vmul.f32 $6.931471820e-01, v2;
	v8 =	vadd.s32 v8, v20;
	v56 =	vmul.f32 $2.857142980e-01, v62  }
0x365: {  	v47 =	vmul.f32 v15, v15;
	v16 =	vadd.f32 $4.000000060e-01, v57;
	v48 =	vmul.f32 $2.857142980e-01, v61  }
0x366: {  	v10 =	vsel vm1, $0xFFFFFF82, v60;
	v4 =	vmul.f32 v7, v7;
	v49 =	vsub.f32 v44, v21  }
0x367: {  	v50 =	vmul.f32 $2.857142980e-01, v47;
	v16 =	vmul.f32 v16, v35;
	v63 =	vadd.f32 $4.000000060e-01, v48  }
0x368: {  	v5 =	vadd.s32 v5, v10;
	v53 =	vmul.f32 $2.857142980e-01, v4;
	v11 =	vmul.f32 v11, v49  }
0x369: {  	v33 =	vadd.f32 $4.000000060e-01, v56;
	v52 =	vadd.f32 $4.000000060e-01, v50;
	v18 =	vmul.f32 v63, v61  }
0x36a: {  	v16 =	vadd.f32 $6.666666860e-01, v16;
	v45 =	vmul.f32 v3, v3;
	v11 =	vmax.f32 v11, $9.999999930e-09  }
0x36b: {  	v34 =	vadd.f32 $4.000000060e-01, v53;
	v33 =	vmul.f32 v33, v62;
	v53 =	vand.u32 $0x7FFFFF, v11  }
0x36c: {  	v48 =	vmul.f32 v52, v47;
	v18 =	vadd.f32 $6.666666860e-01, v18;
	v49 =	vor.u32 $0x3F800000, v53  }
0x36d: {  	v16 =	vmul.f32 v16, v35;
	v33 =	vadd.f32 $6.666666860e-01, v33;
	v54 =	vmul.f32 $5.000000000e-01, v49  }
0x36e: {  	v46 =	vmul.f32 $2.857142980e-01, v45;
	v34 =	vmul.f32 v34, v4;
	vm15 =	vgt.f32 v49, $1.414213540e+00  }
0x36f: {  	v48 =	vadd.f32 $6.666666860e-01, v48;
	v14 =	vmul.f32 v33, v62;
	v62 =	vsel vm15, v54, v49  }
0x370: {  	v17 =	vmul.f32 v18, v61;
	v46 =	vadd.f32 $4.000000060e-01, v46;
	v49 =	vadd.f32 $1.000000000e+00, v62  }
0x371: {  	v16 =	vadd.f32 $2.000000000e+00, v16;
	v44 =	vadd.f32 v44, v21;
	v50 =	vmul.f32 v48, v47  }
0x372: {  	v34 =	vadd.f32 $6.666666860e-01, v34;
	v46 =	vmul.f32 v46, v45;
	(erf) = vrcp.f32 v49  }
0x373: {  	v52 =	vcvt.s32.f32 v6;
	v17 =	vadd.f32 $2.000000000e+00, v17;
	v14 =	vadd.f32 $2.000000000e+00, v14  }
0x374: {  	v4 =	vmul.f32 v34, v4;
	v6 =	vadd.f32 $2.000000000e+00, v50;
	v46 =	vadd.f32 $6.666666860e-01, v46  }
0x375: {  	v35 =	vld [tilespmem:s4+$0x10];
	v50 =	vcvt.s32.f32 v8;
	v51 =	vmul.f32 v17, v13;
	v11 =	vshra.s32 v11, $0x17  }
0x376: {  	v33 =	vld [tilespmem:s4+$0x0];
	v4 =	vadd.f32 $2.000000000e+00, v4;
	v56 =	vmul.f32 v14, v9;
	v55 =	vmul.f32 v46, v45  }
0x377: {  	v48 =	vmul.f32 v6, v15;
	v63 =	vsel vm15, $0xFFFFFF82, v60;
	v54 =	vcvt.s32.f32 v5;
	v5 =	vld [tilespmem:s4+$0x1430]  }
0x378: {  	v34 =	vld [tilespmem:s4+$0x1400];
	v46 =	vadd.f32 v41, v38;
	v61 =	vadd.s32 v11, v63;
	v63 =	vadd.f32 $2.000000000e+00, v55  }
0x379: {  	v38 =	vld [tilespmem:s4+$0x30];
	v55 =	vmul.f32 v16, v12;
	v57 =	vadd.f32 $-1.000000000e+00, v62;
	v62 =	vcvt.s32.f32 v1  }
0x37a: {  	v45 =	vadd.f32 v42, v40;
	v40 =	vld [tilespmem:s4+$0x1420];
	v1 =	vmul.f32 v4, v7;
	v53 =	vmul.f32 v63, v3  }
0x37b: {  	v3 =	vmul.f32 $6.931471820e-01, v0;
	v49 =	vadd.f32 v37, v36;
	v36 =	vld [tilespmem:s4+$0x1410];
	v4 =	vmul.f32 $6.931471820e-01, v62;
	v0 =	vpop (erf)  }
0x37c: {  	s5 =	simm.s32 $0x0;
	s7 =	simm.s32 $0x100;
	[tilespmem:s4+$0x126B0] =	vst v43;
	v47 =	vcvt.s32.f32 v61;
	v37 =	vld [tilespmem:s4+$0x20];
	v41 =	vsub.f32 v39, v5;
	v43 =	vmul.f32 v0, v57  }
.LBB2_14:
0x37d: {  	s8 =	sshra.s32 s7, $0x2;
	v0 =	vadd.f32 v1, v4;
	v1 =	vmul.f32 $6.931471820e-01, v52;
	v4 =	vmul.f32 $6.931471820e-01, v54  }
0x37e: {  	s5 =	sadd.s32 $0x4, s5;
	v3 =	vadd.f32 v56, v3;
	v5 =	vmul.f32 $6.931471820e-01, v50;
	v39 =	vld [tilespmem:s8+$0xCB30];
	v6 =	vmul.f32 v43, v43  }
0x37f: {  	v7 =	vmul.f32 v31, v58;
	v8 =	vmul.f32 $6.931471820e-01, v47;
	p0 =	slt.u32 s5, $0x13C;
	v2 =	vadd.f32 v55, v2;
	v42 =	vld [tilespmem:s8+$0xCB00]  }
0x380: {  	v9 =	vmul.f32 v30, v58;
	v1 =	vadd.f32 v53, v1;
	v31 =	vld [tilespmem:s8+$0xCB10];
	v10 =	vmul.f32 $2.857142980e-01, v6  }
0x381: {  	v11 =	vmul.f32 v32, v58;
	v12 =	vmul.f32 v49, v58;
	v4 =	vadd.f32 v51, v4;
	v47 =	vld [tilespmem:s8+$0xCB20]  }
0x382: {  	v14 =	vmul.f32 v46, v58;
	v15 =	vmul.f32 v45, v58;
	v13 =	vld [tilespmem:s8+$0xB700];
	v10 =	vadd.f32 $4.000000060e-01, v10  }
0x383: {  	v17 =	vmul.f32 v44, v58;
	v7 =	vsub.f32 v7, v33;
	v5 =	vadd.f32 v48, v5;
	v16 =	vld [tilespmem:s8+$0xB710]  }
0x384: {  	v9 =	vsub.f32 v9, v34;
	v11 =	vsub.f32 v11, v35;
	v18 =	vld [tilespmem:s8+$0xB720];
	v10 =	vmul.f32 v10, v6  }
0x385: {  	v0 =	vmul.f32 v0, v59;
	v12 =	vsub.f32 v12, v36;
	v14 =	vsub.f32 v14, v37;
	v19 =	vld [tilespmem:s8+$0xB730]  }
0x386: {  	v3 =	vmul.f32 v3, v59;
	v15 =	vsub.f32 v15, v40;
	v20 =	vld.idx.msk [tilespmem:v39+s0+$0x0], $0xffff;
	v10 =	vadd.f32 $6.666666860e-01, v10  }
0x387: {  	v21 =	vld.idx.msk [tilespmem:v42+s0+$0x0], $0xffff;
	vm2 =	vlt.f32 v13, $5.000000000e-01;
	[tilespmem:s4+$0x11280] =	vst v0;
	v0 =	vmul.f32 v2, v59;
	v2 =	vsub.f32 v17, v38  }
0x388: {  	v1 =	vmul.f32 v1, v59;
	vm1 =	vlt.f32 v16, $5.000000000e-01;
	v13 =	vld [tilespmem:s8+$0x3C30];
	[tilespmem:s4+$0x12680] =	vst v3;
	v3 =	vmul.f32 v10, v6  }
0x389: {  	v6 =	vld.idx.msk [tilespmem:v31+s0+$0x0], $0xffff;
	vm0 =	vlt.f32 v18, $5.000000000e-01;
	[tilespmem:s4+$0x11290] =	vst v0;
	v0 =	vmul.f32 v4, v59;
	v4 =	vmul.f32 v5, v59  }
0x38a: {  	v7 =	vmul.f32 v23, v7;
	v9 =	vmul.f32 v24, v9;
	v5 =	vld.idx.msk [tilespmem:v47+s0+$0x0], $0xffff;
	[tilespmem:s4+$0x12690] =	vst v1;
	v1 =	vadd.f32 $2.000000000e+00, v3  }
0x38b: {  	v10 =	vmul.f32 v26, v11;
	v11 =	vmul.f32 v29, v12;
	vm3 =	vlt.f32 v19, $5.000000000e-01;
	v3 =	vld [tilespmem:s8+$0x2800];
	[tilespmem:s4+$0x112A0] =	vst v0  }
0x38c: {  	v14 =	vmul.f32 v28, v14;
	v12 =	vsel vm3, $0x0, v20;
	v0 =	vld [tilespmem:s8+$0x3C00];
	[tilespmem:s4+$0x126A0] =	vst v4;
	v1 =	vmul.f32 v1, v43  }
0x38d: {  	v4 =	vsel vm2, $0x0, v21;
	v16 =	vld [tilespmem:s8+$0x2810];
	[tilespmem:s8+$0x13AB0] =	vst v12;
	v12 =	vmul.f32 $1.000000010e-01, v13;
	(erf) = vrcp.f32 v13  }
0x38e: {  	v13 =	vmul.f32 v25, v15;
	[tilespmem:s8+$0x13A80] =	vst v4;
	v4 =	vld.idx.msk [tilespmem:v39+s29+$0x0], $0xffff;
	v1 =	vadd.f32 v1, v8  }
0x38f: {  	v2 =	vmul.f32 v27, v2;
	v6 =	vsel vm1, $0x0, v6;
	v8 =	vld.idx.msk [tilespmem:v39+s31+$0x0], $0xffff;
	(erf) = vrcp.f32 v12;
	[tilespmem:s4+$0xEA80] =	vst v7  }
0x390: {  	v5 =	vsel vm0, $0x0, v5;
	v7 =	vmul.f32 $1.000000010e-01, v3;
	[tilespmem:s8+$0x13A90] =	vst v6;
	v6 =	vld [tilespmem:s8+$0x3C10];
	(erf) = vrcp.f32 v3  }
0x391: {  	v3 =	vmul.f32 $1.000000010e-01, v0;
	[tilespmem:s8+$0x13AA0] =	vst v5;
	v5 =	vld [tilespmem:s8+$0x2820];
	(erf) = vrcp.f32 v0  }
0x392: {  	v0 =	vmul.f32 $1.000000010e-01, v16;
	v12 =	vld [tilespmem:s8+$0x3C20];
	(erf) = vrcp.f32 v16;
	[tilespmem:s4+$0xFE80] =	vst v9  }
0x393: {  	v1 =	vmul.f32 v1, v59;
	v9 =	vld [tilespmem:s8+$0x2830];
	(erf) = vrcp.f32 v7;
	[tilespmem:s4+$0xEA90] =	vst v10  }
0x394: {  	v7 =	vld.idx.msk [tilespmem:v42+s28+$0x0], $0xffff;
	(erf) = vrcp.f32 v3;
	[tilespmem:s4+$0xFE90] =	vst v11;
	v3 =	vmul.f32 v22, v41  }
0x395: {  	v15 =	vsub.f32 v8, v4;
	v10 =	vld.idx.msk [tilespmem:v42+s29+$0x0], $0xffff;
	v11 =	vmul.f32 $1.000000010e-01, v6;
	(erf) = vrcp.f32 v6;
	[tilespmem:s4+$0x112B0] =	vst v1  }
0x396: {  	v4 =	vadd.f32 v8, v4;
	v1 =	vld.idx.msk [tilespmem:v42+s30+$0x0], $0xffff;
	v6 =	vmul.f32 $1.000000010e-01, v5;
	(erf) = vrcp.f32 v5;
	v5 =	vpop (erf);
	[tilespmem:s4+$0xEAA0] =	vst v14  }
0x397: {  	v8 =	vld.idx.msk [tilespmem:v42+s31+$0x0], $0xffff;
	v14 =	vmul.f32 v5, v15;
	(erf) = vrcp.f32 v12;
	[tilespmem:s4+$0xFEA0] =	vst v13  }
0x398: {  	v12 =	vmul.f32 $1.000000010e-01, v12;
	v13 =	vld.idx.msk [tilespmem:v31+s28+$0x0], $0xffff;
	v22 =	vpop (erf);
	(erf) = vrcp.f32 v9;
	[tilespmem:s4+$0xEAB0] =	vst v2  }
0x399: {  	v2 =	vmul.f32 $1.000000010e-01, v9;
	v42 =	vld.idx.msk [tilespmem:v31+s29+$0x0], $0xffff;
	v50 =	vmax.f32 v14, $9.999999930e-09;
	v5 =	vpop (erf);
	(erf) = vrcp.f32 v0;
	[tilespmem:s4+$0xFEB0] =	vst v3;
	s4 =	smov.u32 s8  }
0x39a: {  	v41 =	vmul.f32 v4, v58;
	v0 =	vld.idx.msk [tilespmem:v31+s30+$0x0], $0xffff;
	v3 =	vand.u32 $0x7FFFFF, v50;
	v4 =	vpop (erf);
	(erf) = vrcp.f32 v11  }
0x39b: {  	v43 =	vld.idx.msk [tilespmem:v31+s31+$0x0], $0xffff;
	v3 =	vor.u32 $0x3F800000, v3;
	v9 =	vpop (erf);
	(erf) = vrcp.f32 v6  }
0x39c: {  	v14 =	vsub.f32 v1, v7;
	v44 =	vld.idx.msk [tilespmem:v47+s28+$0x0], $0xffff;
	v11 =	vmul.f32 $5.000000000e-01, v3;
	v23 =	vpop (erf);
	(erf) = vrcp.f32 v12  }
0x39d: {  	v12 =	vsub.f32 v8, v10;
	vm0 =	vgt.f32 v3, $1.414213540e+00;
	v45 =	vld.idx.msk [tilespmem:v47+s29+$0x0], $0xffff;
	v24 =	vpop (erf);
	(erf) = vrcp.f32 v2  }
0x39e: {  	v31 =	vadd.f32 v1, v7;
	v1 =	vmul.f32 v5, v14;
	v46 =	vld.idx.msk [tilespmem:v47+s30+$0x0], $0xffff;
	v2 =	vsel vm0, v11, v3;
	v3 =	vpop (erf)  }
0x39f: {  	v30 =	vadd.f32 v8, v10;
	v4 =	vmul.f32 v4, v12;
	v47 =	vld.idx.msk [tilespmem:v47+s31+$0x0], $0xffff;
	v5 =	vadd.f32 $1.000000000e+00, v2;
	v6 =	vpop (erf)  }
0x3a0: {  	v1 =	vmax.f32 v1, $9.999999930e-09;
	v32 =	vadd.f32 v0, v13;
	v0 =	vsub.f32 v0, v13;
	v33 =	vld [tilespmem:s4+$0x0];
	v7 =	vpop (erf)  }
0x3a1: {  	v4 =	vmax.f32 v4, $9.999999930e-09;
	v8 =	vsub.f32 v43, v42;
	v34 =	vld [tilespmem:s4+$0x1400];
	v49 =	vpop (erf);
	(erf) = vrcp.f32 v5  }
0x3a2: {  	v5 =	vand.u32 $0x7FFFFF, v1;
	v10 =	vand.u32 $0x7FFFFF, v4;
	v0 =	vmul.f32 v9, v0;
	v35 =	vld [tilespmem:s4+$0x10];
	v26 =	vpop (erf)  }
0x3a3: {  	v5 =	vor.u32 $0x3F800000, v5;
	v9 =	vor.u32 $0x3F800000, v10;
	v3 =	vmul.f32 v3, v8;
	v36 =	vld [tilespmem:s4+$0x1410];
	v29 =	vpop (erf)  }
0x3a4: {  	v8 =	vmul.f32 $5.000000000e-01, v5;
	v0 =	vmax.f32 v0, $9.999999930e-09;
	v10 =	vsub.f32 v46, v44;
	v37 =	vld [tilespmem:s4+$0x20];
	v28 =	vpop (erf)  }
0x3a5: {  	v11 =	vand.u32 $0x7FFFFF, v0;
	v3 =	vmax.f32 v3, $9.999999930e-09;
	v12 =	vsub.f32 v47, v45;
	v40 =	vld [tilespmem:s4+$0x1420];
	v25 =	vpop (erf)  }
0x3a6: {  	v11 =	vor.u32 $0x3F800000, v11;
	v13 =	vand.u32 $0x7FFFFF, v3;
	v6 =	vmul.f32 v6, v10;
	v38 =	vld [tilespmem:s4+$0x30];
	v27 =	vpop (erf)  }
0x3a7: {  	v10 =	vmul.f32 $5.000000000e-01, v9;
	v13 =	vor.u32 $0x3F800000, v13;
	v7 =	vmul.f32 v7, v12;
	v48 =	vld [tilespmem:s4+$0x1430]  }
0x3a8: {  	v12 =	vmul.f32 $5.000000000e-01, v11;
	v14 =	vmul.f32 $5.000000000e-01, v13;
	v6 =	vmax.f32 v6, $9.999999930e-09  }
0x3a9: {  	v2 =	vadd.f32 $-1.000000000e+00, v2;
	v15 =	vand.u32 $0x7FFFFF, v6;
	v7 =	vmax.f32 v7, $9.999999930e-09  }
0x3aa: {  	vm6 =	vgt.f32 v5, $1.414213540e+00;
	v15 =	vor.u32 $0x3F800000, v15;
	v16 =	vand.u32 $0x7FFFFF, v7;
	v17 =	vpop (erf)  }
0x3ab: {  	v18 =	vmul.f32 $5.000000000e-01, v15;
	v16 =	vor.u32 $0x3F800000, v16;
	v2 =	vmul.f32 v17, v2  }
0x3ac: {  	vm2 =	vgt.f32 v9, $1.414213540e+00;
	vm3 =	vgt.f32 v11, $1.414213540e+00;
	v17 =	vmul.f32 $5.000000000e-01, v16  }
0x3ad: {  	vm5 =	vgt.f32 v13, $1.414213540e+00;
	vm4 =	vgt.f32 v15, $1.414213540e+00;
	v19 =	vmul.f32 v2, v2  }
0x3ae: {  	v5 =	vsel vm6, v8, v5;
	v8 =	vsel vm2, v10, v9;
	vm1 =	vgt.f32 v16, $1.414213540e+00  }
0x3af: {  	v9 =	vsel vm3, v12, v11;
	v10 =	vsel vm5, v14, v13;
	v11 =	vmul.f32 $2.857142980e-01, v19  }
0x3b0: {  	v12 =	vadd.f32 $1.000000000e+00, v5;
	v13 =	vsel vm4, v18, v15;
	v14 =	vsel vm1, v17, v16  }
0x3b1: {  	v15 =	vsel vm6, $0xFFFFFF82, v60;
	v16 =	vadd.f32 $1.000000000e+00, v8;
	v11 =	vadd.f32 $4.000000060e-01, v11  }
0x3b2: {  	v18 =	vadd.f32 $1.000000000e+00, v10;
	v17 =	vadd.f32 $1.000000000e+00, v9;
	(erf) = vrcp.f32 v12  }
0x3b3: {  	v20 =	vadd.f32 $1.000000000e+00, v14;
	v12 =	vadd.f32 $1.000000000e+00, v13;
	v11 =	vmul.f32 v11, v19  }
0x3b4: {  	v5 =	vadd.f32 $-1.000000000e+00, v5;
	v8 =	vadd.f32 $-1.000000000e+00, v8;
	(erf) = vrcp.f32 v16  }
0x3b5: {  	v9 =	vadd.f32 $-1.000000000e+00, v9;
	v11 =	vadd.f32 $6.666666860e-01, v11;
	(erf) = vrcp.f32 v17  }
0x3b6: {  	v10 =	vadd.f32 $-1.000000000e+00, v10;
	v13 =	vadd.f32 $-1.000000000e+00, v13;
	(erf) = vrcp.f32 v18  }
0x3b7: {  	v16 =	vshra.s32 v50, $0x17;
	v17 =	vsel vm0, $0xFFFFFF82, v60;
	v11 =	vmul.f32 v11, v19  }
0x3b8: {  	v14 =	vadd.f32 $-1.000000000e+00, v14;
	v16 =	vadd.s32 v16, v17;
	(erf) = vrcp.f32 v12  }
0x3b9: {  	v21 =	vcvt.s32.f32 v16;
	v11 =	vadd.f32 $2.000000000e+00, v11;
	(erf) = vrcp.f32 v20  }
0x3ba: {  	v17 =	vsel vm3, $0xFFFFFF82, v60;
	v18 =	vsel vm5, $0xFFFFFF82, v60;
	v16 =	vsel vm2, $0xFFFFFF82, v60  }
0x3bb: {  	v19 =	vsel vm4, $0xFFFFFF82, v60;
	v20 =	vmul.f32 $6.931471820e-01, v21;
	v2 =	vmul.f32 v11, v2;
	v12 =	vpop (erf)  }
0x3bc: {  	v1 =	vshra.s32 v1, $0x17;
	v5 =	vmul.f32 v12, v5;
	v12 =	vsel vm1, $0xFFFFFF82, v60  }
0x3bd: {  	v4 =	vshra.s32 v4, $0x17;
	v0 =	vshra.s32 v0, $0x17;
	v2 =	vadd.f32 v2, v20;
	v11 =	vpop (erf)  }
0x3be: {  	v3 =	vshra.s32 v3, $0x17;
	v20 =	vmul.f32 v5, v5;
	v8 =	vmul.f32 v11, v8;
	v11 =	vpop (erf)  }
0x3bf: {  	v6 =	vshra.s32 v6, $0x17;
	v9 =	vmul.f32 v11, v9;
	v51 =	vmul.f32 v2, v59;
	v11 =	vpop (erf)  }
0x3c0: {  	v7 =	vshra.s32 v7, $0x17;
	v21 =	vmul.f32 v8, v8;
	v10 =	vmul.f32 v11, v10;
	v11 =	vld.idx.msk [tilespmem:v39+s28+$0x0], $0xffff  }
0x3c1: {  	v1 =	vadd.s32 v1, v15;
	v15 =	vmul.f32 $2.857142980e-01, v20;
	v50 =	vmul.f32 v9, v9;
	v39 =	vld.idx.msk [tilespmem:v39+s30+$0x0], $0xffff;
	[tilespmem:s4+$0x126B0] =	vst v51;
	v2 =	vpop (erf)  }
0x3c2: {  	v4 =	vadd.s32 v4, v16;
	v16 =	vmul.f32 v10, v10;
	v2 =	vmul.f32 v2, v13;
	v13 =	vpop (erf)  }
0x3c3: {  	v15 =	vadd.f32 $4.000000060e-01, v15;
	v51 =	vmul.f32 $2.857142980e-01, v21;
	v13 =	vmul.f32 v13, v14  }
0x3c4: {  	v0 =	vadd.s32 v0, v17;
	v14 =	vmul.f32 $2.857142980e-01, v50;
	v17 =	vmul.f32 v2, v2  }
0x3c5: {  	v51 =	vadd.f32 $4.000000060e-01, v51;
	v52 =	vmul.f32 $2.857142980e-01, v16;
	v53 =	vmul.f32 v13, v13  }
0x3c6: {  	v15 =	vmul.f32 v15, v20;
	v14 =	vadd.f32 $4.000000060e-01, v14;
	v54 =	vmul.f32 $2.857142980e-01, v17  }
0x3c7: {  	v52 =	vadd.f32 $4.000000060e-01, v52;
	v56 =	vsub.f32 v39, v11;
	v55 =	vmul.f32 $2.857142980e-01, v53  }
0x3c8: {  	v51 =	vmul.f32 v51, v21;
	v14 =	vmul.f32 v14, v50;
	v54 =	vadd.f32 $4.000000060e-01, v54  }
0x3c9: {  	v52 =	vmul.f32 v52, v16;
	v49 =	vmul.f32 v49, v56;
	v55 =	vadd.f32 $4.000000060e-01, v55  }
0x3ca: {  	v15 =	vadd.f32 $6.666666860e-01, v15;
	v51 =	vadd.f32 $6.666666860e-01, v51;
	v54 =	vmul.f32 v54, v17  }
0x3cb: {  	v14 =	vadd.f32 $6.666666860e-01, v14;
	v49 =	vmax.f32 v49, $9.999999930e-09;
	v55 =	vmul.f32 v55, v53  }
0x3cc: {  	v52 =	vadd.f32 $6.666666860e-01, v52;
	v56 =	vand.u32 $0x7FFFFF, v49;
	v54 =	vadd.f32 $6.666666860e-01, v54  }
0x3cd: {  	v15 =	vmul.f32 v15, v20;
	v20 =	vadd.f32 $6.666666860e-01, v55;
	v55 =	vor.u32 $0x3F800000, v56  }
0x3ce: {  	v21 =	vmul.f32 v51, v21;
	vm0 =	vgt.f32 v55, $1.414213540e+00;
	v51 =	vmul.f32 $5.000000000e-01, v55  }
0x3cf: {  	v14 =	vmul.f32 v14, v50;
	v16 =	vmul.f32 v52, v16;
	v50 =	vsel vm0, $0xFFFFFF82, v60  }
0x3d0: {  	v17 =	vmul.f32 v54, v17;
	v20 =	vmul.f32 v20, v53;
	v51 =	vsel vm0, v51, v55  }
0x3d1: {  	v49 =	vshra.s32 v49, $0x17;
	v57 =	vadd.f32 $-1.000000000e+00, v51;
	v51 =	vadd.f32 $1.000000000e+00, v51  }
0x3d2: {  	v3 =	vadd.s32 v3, v18;
	v6 =	vadd.s32 v6, v19;
	v7 =	vadd.s32 v7, v12  }
0x3d3: {  	v12 =	vadd.f32 $2.000000000e+00, v15;
	v15 =	vadd.s32 v49, v50;
	(erf) = vrcp.f32 v51  }
0x3d4: {  	v18 =	vcvt.s32.f32 v1;
	v19 =	vadd.f32 $2.000000000e+00, v21;
	v14 =	vadd.f32 $2.000000000e+00, v14  }
0x3d5: {  	v21 =	vcvt.s32.f32 v4;
	v4 =	vadd.f32 $2.000000000e+00, v16;
	v16 =	vadd.f32 $2.000000000e+00, v17  }
0x3d6: {  	v0 =	vcvt.s32.f32 v0;
	v52 =	vcvt.s32.f32 v3;
	v3 =	vadd.f32 $2.000000000e+00, v20  }
0x3d7: {  	v54 =	vcvt.s32.f32 v6;
	v49 =	vadd.f32 v43, v42;
	v50 =	vcvt.s32.f32 v7  }
0x3d8: {  	v46 =	vadd.f32 v46, v44;
	v45 =	vadd.f32 v47, v45;
	v47 =	vcvt.s32.f32 v15  }
.Ltmp6:
0x3d9: {  	v44 =	vadd.f32 v39, v11;
	v1 =	vmul.f32 v12, v5;
	v56 =	vmul.f32 v19, v8;
	(pc) =	sbr.rel @p0 .LBB2_14-.Ltmp6, $4  }
0x3da: {  	v41 =	vsub.f32 v41, v48;
	v55 =	vmul.f32 v14, v9;
	v53 =	vmul.f32 v4, v10  }
0x3db: {  	v51 =	vmul.f32 v16, v2;
	v48 =	vmul.f32 v3, v13  }
0x3dc: {  	v4 =	vmul.f32 $6.931471820e-01, v18;
	v3 =	vmul.f32 $6.931471820e-01, v21;
	v5 =	vpop (erf)  }
0x3dd: {  	s7 =	sadd.s32 $0x100, s7;
	v2 =	vmul.f32 $6.931471820e-01, v0;
	v43 =	vmul.f32 v5, v57  }
0x3de: {  	_ = 	snop  }
0x3df: {  	v0 =	vmul.f32 v43, v43;
	_ =	sdelay $0x1  }
0x3e0: {  	v5 =	vmul.f32 $2.857142980e-01, v0  }
0x3e1: {  	v1 =	vadd.f32 v1, v4;
	v52 =	vmul.f32 $6.931471820e-01, v52  }
0x3e2: {  	v6 =	vmul.f32 $6.931471820e-01, v54;
	v7 =	vmul.f32 $6.931471820e-01, v50;
	v5 =	vadd.f32 $4.000000060e-01, v5  }
0x3e3: {  	v8 =	vmul.f32 v31, v58;
	v2 =	vadd.f32 v55, v2;
	v1 =	vmul.f32 v1, v59  }
0x3e4: {  	v3 =	vadd.f32 v56, v3;
	v10 =	vmul.f32 v30, v58;
	v5 =	vmul.f32 v5, v0  }
0x3e5: {  	v57 =	vmul.f32 v49, v58;
	v6 =	vadd.f32 v51, v6;
	[tilespmem:s4+$0x11280] =	vst v1;
	v1 =	vmul.f32 v2, v59  }
0x3e6: {  	v4 =	vadd.f32 v53, v52;
	v3 =	vmul.f32 v3, v59;
	v5 =	vadd.f32 $6.666666860e-01, v5  }
0x3e7: {  	v55 =	vadd.f32 v48, v7;
	v60 =	vsub.f32 v10, v34;
	[tilespmem:s4+$0x11290] =	vst v1;
	v1 =	vmul.f32 v6, v59  }
0x3e8: {  	v61 =	vsub.f32 v57, v36;
	[tilespmem:s4+$0x12680] =	vst v3;
	v3 =	vmul.f32 v4, v59;
	v0 =	vmul.f32 v5, v0  }
0x3e9: {  	v56 =	vsub.f32 v8, v33;
	v62 =	vmul.f32 v24, v60;
	[tilespmem:s4+$0x112A0] =	vst v1;
	v1 =	vmul.f32 v46, v58  }
0x3ea: {  	v2 =	vmul.f32 v32, v58;
	v4 =	vmul.f32 v29, v61;
	[tilespmem:s4+$0x12690] =	vst v3;
	v0 =	vadd.f32 $2.000000000e+00, v0  }
0x3eb: {  	v9 =	vmul.f32 $6.931471820e-01, v47;
	v3 =	vmul.f32 v23, v56;
	[tilespmem:s4+$0xFE80] =	vst v62;
	v1 =	vsub.f32 v1, v37  }
0x3ec: {  	v2 =	vsub.f32 v2, v35;
	[tilespmem:s4+$0xFE90] =	vst v4;
	v5 =	vmul.f32 v55, v59;
	v0 =	vmul.f32 v0, v43  }
0x3ed: {  	v63 =	vmul.f32 v45, v58;
	[tilespmem:s4+$0xEA80] =	vst v3;
	v1 =	vmul.f32 v28, v1  }
0x3ee: {  	v2 =	vmul.f32 v26, v2;
	v3 =	vmul.f32 v44, v58;
	[tilespmem:s4+$0x126A0] =	vst v5;
	v0 =	vadd.f32 v0, v9  }
0x3ef: {  	v5 =	vsub.f32 v63, v40;
	[tilespmem:s4+$0xEAA0] =	vst v1;
	v1 =	vmul.f32 v22, v41  }
0x3f0: {  	[tilespmem:s4+$0xEA90] =	vst v2;
	v2 =	vsub.f32 v3, v38;
	v0 =	vmul.f32 v0, v59  }
0x3f1: {  	v3 =	vmul.f32 v25, v5;
	[tilespmem:s4+$0xFEB0] =	vst v1  }
0x3f2: {  	[tilespmem:s4+$0x112B0] =	vst v0;
	v0 =	vmul.f32 v27, v2  }
0x3f3: {  	[tilespmem:s4+$0xFEA0] =	vst v3  }
0x3f4: {  	[tilespmem:s4+$0xEAB0] =	vst v0  }
0x3f5: {  	s5 =	simm.s32 $0xEA80;
	s4 =	rddreg [dreg:$0x12]  }
0x3f6: {  	[hbm4b:s4+s2] =	stream.linear.scatter [tilespmem:s5], [sflag:$0x1], $0x1400, $0x38;
	[tilespmem:$0x14F00] =	vst v63  }
0x3f7: {  	_ =	swait.ge [sflag:s23], $0x1400  }
0x3f8: {  	[sflag:s23] =	ssyncset.done $0x0  }
0x3f9: {  	s16 =	simm.s32 $0xFE80;
	s15 =	rddreg [dreg:$0x13];
	[sflag:s23] =	ssyncadd.s32 $0xFFFFEC00  }
0x3fa: {  	[hbm4b:s15+s2] =	stream.linear.scatter [tilespmem:s16], [sflag:$0x1], $0x1400, $0x38;
	[tilespmem:$0x14F00] =	vst v63  }
0x3fb: {  	_ =	swait.ge [sflag:s23], $0x1400  }
0x3fc: {  	[sflag:s23] =	ssyncset.done $0x0  }
0x3fd: {  	s17 =	simm.s32 $0x11280;
	[sflag:s23] =	ssyncadd.s32 $0xFFFFEC00  }
0x3fe: {  	[hbm4b:s19+s2] =	stream.linear.scatter [tilespmem:s17], [sflag:$0x1], $0x1400, $0x38;
	[tilespmem:$0x14F00] =	vst v63  }
0x3ff: {  	_ =	swait.ge [sflag:s23], $0x1400  }
0x400: {  	[sflag:s23] =	ssyncset.done $0x0  }
0x401: {  	s18 =	simm.s32 $0x12680;
	[sflag:s23] =	ssyncadd.s32 $0xFFFFEC00  }
0x402: {  	[hbm4b:s20+s2] =	stream.linear.scatter [tilespmem:s18], [sflag:$0x1], $0x1400, $0x38;
	[tilespmem:$0x14F00] =	vst v63  }
0x403: {  	s26 =	sadd.s32 $0x1, s26;
	_ =	swait.ge [sflag:s23], $0x1400  }
0x404: {  	p0 =	sne.s32 s26, s22;
	[sflag:s23] =	ssyncset.done $0x0  }
.Ltmp7:
0x405: {  	s25 =	simm.s32 $0x13A80;
	[sflag:s23] =	ssyncadd.s32 $0xFFFFEC00;
	(pc) =	sbr.rel @p0 .LBB2_1-.Ltmp7, $4  }
0x406: {  	[hbm4b:s21+s2] =	stream.linear.scatter [tilespmem:s25], [sflag:$0x1], $0x1400, $0x38;
	[tilespmem:$0x14F00] =	vst v63  }
0x407: {  	_ =	swait.ge [sflag:s23], $0x1400  }
0x408: {  	[sflag:s23] =	ssyncset.done $0x0  }
0x409: {  	v9 =	vimm.s32 $0x0;
	v0 =	vimm.f32 $-1.000000000e+00;
	[sflag:s23] =	ssyncadd.s32 $0xFFFFEC00  }
0x40a: {  	_ =	sfence.sel $0x180000  }
0x40b: {  	[bflag:$0x0] =	sbarrier.arrive $0xFFFF  }
0x40c: {  	_ =	strace $0x90000047  }
0x40d: {  	s0 =	stileid.u32;
	[bflag:$0x2] =	sbarrier.arrive $0xFFFF  }
0x40e: {  	p0 =	sne.s32 s0, $0x0;
	s0 =	rddreg [dreg:$0x5]  }
0x40f: {  	s0 =	sadd.s32 @!p0 $0x100000, s0  }
0x410: {  	[sflag:s0] =	ssyncadd.tile.s32 @!p0 $0x1;
	_ =	shalt  }
.Lfunc_end2:
_tile_overlayer_lowered:
.L_overlay_start_2:
0x411: {  	(tag) =	ssettag $0x2  }
0x412: {  	s0 =	rddreg [dreg:$0x0];
	s2 =	stileid.u32  }
0x413: {  	s1 =	rddreg [dreg:$0x1];
	p0 =	sne.s32 s2, $0x0  }
0x414: {  	s3 =	rddreg [dreg:$0x2];
	[bflag:$0x3] =	sbarrier.arrive $0xFFFF;
	s2 =	simm.s32 @!p0 $0x1C01  }
0x415: {  	[timem:s3], [sflag:s2] =	dma.local @!p0 [hbm:s0], s1  }
0x416: {  	s0 =	simm.s32 @!p0 $0x1  }
0x417: {  	_ =	swait.ge @!p0 [sflag:s0], s1  }
0x418: {  	s1 =	ssub.s32 @!p0 $0x0, s1;
	[sflag:s0] =	ssyncset.done @!p0 $0x0  }
0x419: {  	[sflag:s0] =	ssyncadd.s32 @!p0 s1  }
0x41a: {  	[bflag:$0x3] =	sbarrier.arrive $0xFFFF  }
0x41b: {  	_ =	shalt  }

</sc_bundles>
